<compile_context>
chip_gen: v7x
topology: tpu7x:2x2x1
jax: 0.10.2.dev20260603
libtpu: 0.0.44.dev20260713+nightly
codegen_flags: <defaults>
</compile_context>

<pallas_src>
import jax
import jax.numpy as jnp
from jax import lax
from jax.experimental import pallas as pl
from jax.experimental.pallas import tpu as pltpu
from jax.experimental.pallas import tpu_sc as plsc

N = 6_400_000
NCH = 100_000
NC = 2
NS = 16
NW = NC * NS
B = 8_000
NT = N // B
NTP = 896
CP = 100_352
CPW = CP // NW
PTN = 512
ELN = PTN * 16 + 16


def _sc_body(x_hbm, t_hbm, ids_hbm, sums_o, cnts_o, cht_o,
             idp_a, idp_b, x_a, x_b, t_a, t_b, el_v, pt_v, p_v,
             acc_s, acc_c, acc_t, buf_v, idx_v, sem):
    w = lax.axis_index("c") * NS + lax.axis_index("s")
    iota16 = lax.iota(jnp.int32, 16)
    z16 = jnp.zeros((16,), jnp.float32)

    for j in range(NTP // 128):
        for l in range(8):
            t0 = j * 128 + l * 16
            gi = jnp.minimum((t0 + iota16 + 1) * B - 1, N - 1)
            idx_v[j, pl.ds(l * 16, 16)] = gi
    for j in range(NTP // 128):
        pltpu.async_copy(ids_hbm.at[idx_v.at[j]],
                         buf_v.at[pl.ds(j * 128, 128)], sem).wait()

    lo_ch = w * CPW
    hi_ch = lo_ch + CPW

    def _bsearch(target):
        def it(_, lohi):
            lo, hi = lohi
            mid = (lo + hi) // 2
            go = buf_v[pl.ds(mid, 16)][0] < target
            lo2 = jnp.where(go, mid + 1, lo)
            hi2 = jnp.where(go, hi, mid)
            done = lo >= hi
            return (jnp.where(done, lo, lo2), jnp.where(done, hi, hi2))
        lo, _ = lax.fori_loop(0, 10, it, (jnp.int32(0), jnp.int32(NT)))
        return lo

    t_lo = _bsearch(lo_ch)
    t_hi = _bsearch(hi_ch)
    nb = jnp.maximum(jnp.minimum(t_hi + 1, NT) - t_lo, 0)

    def zr(i, _):
        acc_s[pl.ds(i * 16, 16)] = z16
        acc_c[pl.ds(i * 16, 16)] = z16
        acc_t[pl.ds(i * 16, 16)] = z16
        return 0
    lax.fori_loop(0, CPW // 16, zr, 0)

    def _issue(g, idp, xv, tv_):
        base = (t_lo + g) * B
        pltpu.async_copy(ids_hbm.at[pl.ds(base, B)], idp.at[pl.ds(16, B)],
                         sem)
        pltpu.async_copy(x_hbm.at[pl.ds(base, B)], xv, sem)
        pltpu.async_copy(t_hbm.at[pl.ds(base, B)], tv_, sem)

    def _drain(g, idp, xv, tv_):
        base = (t_lo + g) * B
        pltpu.make_async_copy(ids_hbm.at[pl.ds(base, B)],
                              idp.at[pl.ds(16, B)], sem).wait()
        pltpu.make_async_copy(x_hbm.at[pl.ds(base, B)], xv, sem).wait()
        pltpu.make_async_copy(t_hbm.at[pl.ds(base, B)], tv_, sem).wait()

    def _proc(g, idp, xv, tv_):
        t = t_lo + g
        prev_id = jnp.where(t > 0, buf_v[pl.ds(jnp.maximum(t - 1, 0), 16)][0],
                            -1)
        tb0 = idp[pl.ds(16, 16)][0] != prev_id
        idp[pl.ds(0, 16)] = jnp.full((16,), -1, jnp.int32)

        def pa(o, off):
            x = xv[pl.ds(o, 16)]
            el_v[pl.ds(o, 16)] = plsc.cumsum(x)
            cur = idp[pl.ds(o + 16, 16)]
            prv = idp[pl.ds(o + 15, 16)]
            m = cur != prv
            plsc.store_compressed(p_v.at[pl.ds(off, 16)], o + iota16, mask=m)
            return off + plsc.all_reduce_population_count(m)[0]
        K = plsc.parallel_loop(0, B, step=16, unroll=8,
                               carry=jnp.int32(0))(pa)
        p_v[pl.ds(K, 16)] = jnp.full((16,), B, jnp.int32)

        def pa2(jo, cvs):
            ks = jo + iota16
            tk = plsc.load_gather(el_v, [ks * 16 + 15])
            s2 = plsc.cumsum(tk)
            pt_v[pl.ds(jo, 16)] = s2 - tk + cvs
            return cvs + s2[15]
        plsc.parallel_loop(0, PTN, step=16, carry=jnp.float32(0.0))(pa2)

        def eat(pos):
            base = plsc.load_gather(pt_v, [lax.shift_right_logical(pos, 4)])
            frac = plsc.load_gather(el_v, [jnp.maximum(pos - 1, 0)])
            return base + jnp.where((pos & 15) == 0, 0.0, frac)

        def pb(ko):
            p0 = p_v[pl.ds(ko, 16)]
            p1 = p_v[pl.ds(ko + 1, 16)]
            seg = eat(p1) - eat(p0)
            cnt = (p1 - p0).astype(jnp.float32)
            cid = plsc.load_gather(idp, [jnp.minimum(p0 + 16, B + 15)])
            tv = plsc.load_gather(tv_, [jnp.minimum(p0, B - 1)])
            kvec = ko + iota16
            valid = (cid >= lo_ch) & (cid < hi_ch) & (kvec < K)
            li = jnp.clip(cid - lo_ch, 0, CPW - 1)
            plsc.addupdate_scatter(acc_s, [li], seg, mask=valid)
            plsc.addupdate_scatter(acc_c, [li], cnt, mask=valid)
            tmask = valid & ((kvec != 0) | tb0)
            plsc.addupdate_scatter(acc_t, [li], tv, mask=tmask)
        plsc.parallel_loop(0, ((K + 15) // 16) * 16, step=16)(pb)

    for o in range(B, ELN, 16):
        el_v[pl.ds(o, 16)] = z16

    pl.when(nb > 0)(lambda: _issue(0, idp_a, x_a, t_a))

    def pairblk(q, _):
        g0 = 2 * q

        def do0():
            _drain(g0, idp_a, x_a, t_a)
            pl.when(g0 + 1 < nb)(lambda: _issue(g0 + 1, idp_b, x_b, t_b))
            _proc(g0, idp_a, x_a, t_a)
        do0()

        def do1():
            g1 = g0 + 1
            _drain(g1, idp_b, x_b, t_b)
            pl.when(g1 + 1 < nb)(lambda: _issue(g1 + 1, idp_a, x_a, t_a))
            _proc(g1, idp_b, x_b, t_b)
        pl.when(g0 + 1 < nb)(do1)
        return 0
    lax.fori_loop(0, (nb + 1) // 2, pairblk, 0)

    cbase = w * CPW
    pltpu.sync_copy(acc_s, sums_o.at[pl.ds(cbase, CPW)])
    pltpu.sync_copy(acc_c, cnts_o.at[pl.ds(cbase, CPW)])
    pltpu.sync_copy(acc_t, cht_o.at[pl.ds(cbase, CPW)])


_sc_call = pl.kernel(
    _sc_body,
    out_type=(jax.ShapeDtypeStruct((CP,), jnp.float32),) * 3,
    mesh=plsc.VectorSubcoreMesh(core_axis_name="c", subcore_axis_name="s",
                                num_cores=NC, num_subcores=NS),
    compiler_params=pltpu.CompilerParams(needs_layout_passes=False),
    scratch_types=[
        pltpu.VMEM((B + 16,), jnp.int32),
        pltpu.VMEM((B + 16,), jnp.int32),
        pltpu.VMEM((B,), jnp.float32),
        pltpu.VMEM((B,), jnp.float32),
        pltpu.VMEM((B,), jnp.float32),
        pltpu.VMEM((B,), jnp.float32),
        pltpu.VMEM((ELN,), jnp.float32),
        pltpu.VMEM((PTN,), jnp.float32),
        pltpu.VMEM((B + 32,), jnp.int32),
        pltpu.VMEM((CPW,), jnp.float32),
        pltpu.VMEM((CPW,), jnp.float32),
        pltpu.VMEM((CPW,), jnp.float32),
        pltpu.VMEM((NTP,), jnp.int32),
        pltpu.VMEM((NTP // 128, 128), jnp.int32),
        pltpu.SemaphoreType.DMA,
    ],
)


def _sig_body(x_ref, o_ref):
    x = x_ref[...]
    o_ref[...] = 1.0 / (1.0 + jnp.exp(-x))


def _fin_body(s_ref, c_ref, t_ref, o_ref):
    s = s_ref[...]
    c = c_ref[...]
    t = t_ref[...]
    present = c > 0.0
    mean = s / jnp.maximum(c, 1.0)
    lp = jnp.maximum(jnp.log(mean), -100.0)
    l1 = jnp.maximum(jnp.log(1.0 - mean), -100.0)
    per = -(t * lp + (1.0 - t) * l1)
    per = jnp.where(present, per, 0.0)
    num = jnp.sum(per)
    den = jnp.maximum(jnp.sum(present.astype(jnp.float32)), 1.0)
    o_ref[...] = (num / den).reshape(1, 1)


def kernel(output, target, ch_ids):
    ids32 = ch_ids.astype(jnp.int32)
    probs = pl.pallas_call(
        _sig_body,
        out_shape=jax.ShapeDtypeStruct((N // 128, 128), jnp.float32),
        grid=(10,),
        in_specs=[pl.BlockSpec((N // 128 // 10, 128), lambda i: (i, 0))],
        out_specs=pl.BlockSpec((N // 128 // 10, 128), lambda i: (i, 0)),
    )(output.reshape(N // 128, 128)).reshape(N)
    sums, cnts, cht = _sc_call(probs, target, ids32)
    out = pl.pallas_call(
        _fin_body,
        out_shape=jax.ShapeDtypeStruct((1, 1), jnp.float32),
    )(sums.reshape(CP // 128, 128),
      cnts.reshape(CP // 128, 128),
      cht.reshape(CP // 128, 128))
    return out[0, 0]

# --- scband reference (transcript-rebuilt; emitter-appended) ---
"""Pipeline reference for scband-channel-loss-48661979464272 (READ-ONLY COPY).

The authoritative reference and input builder live on the scoring server;
editing this copy changes nothing except your own understanding.
"""

import jax, jax.numpy as jnp
import numpy as np

N = 6400000
NUM_CH = 100000

def setup_inputs(seed: int = 0) -> dict:
    key = jax.random.key(seed)
    k1, k2, k3 = jax.random.split(key, 3)
    output = jax.random.normal(k1, (N,), dtype=jnp.float32)
    target = jax.random.randint(k2, (N,), 0, 2).astype(jnp.float32)
    ch_ids = jnp.sort(jax.random.randint(k3, (N,), 0, NUM_CH)).astype(jnp.int64)
    return {"output": output, "target": target, "ch_ids": ch_ids}

def reference(output, target, ch_ids):
    # ChannelLoss with loss_type='BCE', u_weight=False.
    # Per-channel mean of window sigmoid probabilities, then BCE against the
    # first target value observed in each channel, averaged over present channels.
    probs = jax.nn.sigmoid(output)
    ones = jnp.ones_like(output)
    counts = jax.ops.segment_sum(ones, ch_ids, num_segments=NUM_CH)
    sums = jax.ops.segment_sum(probs, ch_ids, num_segments=NUM_CH)
    present = counts > 0
    mean_p = sums / jnp.maximum(counts, 1.0)
    # first occurrence index per channel (ch_ids sorted, but scatter-min is general)
    idx = jnp.arange(N, dtype=jnp.int32)
    first_idx = jnp.full((NUM_CH,), N, dtype=jnp.int32).at[ch_ids].min(idx)
    safe_idx = jnp.where(present, first_idx, 0)
    ch_t = target[safe_idx]
    # torch BCELoss clamps log terms at -100
    log_p = jnp.maximum(jnp.log(mean_p), -100.0)
    log_1mp = jnp.maximum(jnp.log(1.0 - mean_p), -100.0)
    per_ch = -(ch_t * log_p + (1.0 - ch_t) * log_1mp)
    per_ch = jnp.where(present, per_ch, 0.0)
    n_present = jnp.maximum(jnp.sum(present.astype(jnp.float32)), 1.0)
    loss = jnp.sum(per_ch) / n_present
    return loss

if __name__ == "__main__":
    import jax
    _d = setup_inputs()
    print(jax.jit(kernel)(*tuple(_d.values())))

</pallas_src>

<mosaic_0001>
#map = affine_map<(d0, d1) -> (0)>
module attributes {stable_mosaic.version = 14 : i64} {
  func.func @_sc_body(%arg0: i32, %arg1: i32, %arg2: memref<6400000xf32, #tpu.memory_space<hbm>>, %arg3: memref<6400000xf32, #tpu.memory_space<hbm>>, %arg4: memref<6400000xi32, #tpu.memory_space<hbm>>, %arg5: memref<100352xf32, #tpu.memory_space<hbm>>, %arg6: memref<100352xf32, #tpu.memory_space<hbm>>, %arg7: memref<100352xf32, #tpu.memory_space<hbm>>, %arg8: memref<8016xi32, #tpu.memory_space<vmem>>, %arg9: memref<8016xi32, #tpu.memory_space<vmem>>, %arg10: memref<8000xf32, #tpu.memory_space<vmem>>, %arg11: memref<8000xf32, #tpu.memory_space<vmem>>, %arg12: memref<8000xf32, #tpu.memory_space<vmem>>, %arg13: memref<8000xf32, #tpu.memory_space<vmem>>, %arg14: memref<8208xf32, #tpu.memory_space<vmem>>, %arg15: memref<512xf32, #tpu.memory_space<vmem>>, %arg16: memref<8032xi32, #tpu.memory_space<vmem>>, %arg17: memref<3136xf32, #tpu.memory_space<vmem>>, %arg18: memref<3136xf32, #tpu.memory_space<vmem>>, %arg19: memref<3136xf32, #tpu.memory_space<vmem>>, %arg20: memref<896xi32, #tpu.memory_space<vmem>>, %arg21: memref<7x128xi32, #tpu.memory_space<vmem>>, %arg22: memref<!tpu.dma_semaphore, #tpu.memory_space<semaphore_mem>>) attributes {dimension_semantics = [#tpu.dimension_semantics<core_parallel>, #tpu.dimension_semantics<subcore_parallel>], iteration_bounds = array<i64: 2, 16>, scalar_prefetch = 0 : i64, scratch_operands = 15 : i64, tpu.core_type = #tpu.core_type<sc_vector_subcore>, window_params = [{transform_indices = #map}, {transform_indices = #map}, {transform_indices = #map}, {transform_indices = #map}, {transform_indices = #map}, {transform_indices = #map}]} {
    %mul3A = arith.constant 16 : i32
    %mul3A_0 = arith.muli %arg0, %mul3A : i32
    %add3A = arith.addi %mul3A_0, %arg1 : i32
    %iota3A = tpu.iota {dimensions = array<i32: 0>} : vector<16xi32>
    %broadcast_in_dim3A = arith.constant 0.000000e+00 : f32
    %broadcast_in_dim3A_1 = vector.broadcast %broadcast_in_dim3A : f32 to vector<16xf32>
    %add3A_2 = arith.constant 0 : i32
    %add3A_3 = vector.broadcast %add3A_2 : i32 to vector<16xi32>
    %add3A_4 = arith.addi %add3A_3, %iota3A : vector<16xi32>
    %add3A_5 = arith.constant 1 : i32
    %add3A_6 = vector.broadcast %add3A_5 : i32 to vector<16xi32>
    %add3A_7 = arith.addi %add3A_4, %add3A_6 : vector<16xi32>
    %mul3A_8 = arith.constant 8000 : i32
    %mul3A_9 = vector.broadcast %mul3A_8 : i32 to vector<16xi32>
    %mul3A_10 = arith.muli %add3A_7, %mul3A_9 : vector<16xi32>
    %sub3A = arith.constant 1 : i32
    %sub3A_11 = vector.broadcast %sub3A : i32 to vector<16xi32>
    %sub3A_12 = arith.subi %mul3A_10, %sub3A_11 : vector<16xi32>
    %min3A = arith.constant 6399999 : i32
    %min3A_13 = vector.broadcast %min3A : i32 to vector<16xi32>
    %min3A_14 = arith.minsi %sub3A_12, %min3A_13 : vector<16xi32>
    %swap3A = arith.constant 0 : i32
    %swap3A_15 = arith.index_cast %swap3A : i32 to index
    %swap3A_16 = arith.constant 0 : index
    %swap3A_17 = tpu.vector_load %arg21[%swap3A_15, %swap3A_16] {strides = array<i32>} : memref<7x128xi32, #tpu.memory_space<vmem>>, vector<16xi32>,
    tpu.vector_store %arg21[%swap3A_15, %swap3A_16], %min3A_14 {strides = array<i32>} : memref<7x128xi32, #tpu.memory_space<vmem>>, vector<16xi32>,
    %add3A_18 = arith.constant 16 : i32
    %add3A_19 = vector.broadcast %add3A_18 : i32 to vector<16xi32>
    %add3A_20 = arith.addi %add3A_19, %iota3A : vector<16xi32>
    %add3A_21 = arith.constant 1 : i32
    %add3A_22 = vector.broadcast %add3A_21 : i32 to vector<16xi32>
    %add3A_23 = arith.addi %add3A_20, %add3A_22 : vector<16xi32>
    %mul3A_24 = arith.constant 8000 : i32
    %mul3A_25 = vector.broadcast %mul3A_24 : i32 to vector<16xi32>
    %mul3A_26 = arith.muli %add3A_23, %mul3A_25 : vector<16xi32>
    %sub3A_27 = arith.constant 1 : i32
    %sub3A_28 = vector.broadcast %sub3A_27 : i32 to vector<16xi32>
    %sub3A_29 = arith.subi %mul3A_26, %sub3A_28 : vector<16xi32>
    %min3A_30 = arith.constant 6399999 : i32
    %min3A_31 = vector.broadcast %min3A_30 : i32 to vector<16xi32>
    %min3A_32 = arith.minsi %sub3A_29, %min3A_31 : vector<16xi32>
    %swap3A_33 = arith.constant 0 : i32
    %swap3A_34 = arith.index_cast %swap3A_33 : i32 to index
    %swap3A_35 = arith.constant 16 : index
    %swap3A_36 = tpu.vector_load %arg21[%swap3A_34, %swap3A_35] {strides = array<i32>} : memref<7x128xi32, #tpu.memory_space<vmem>>, vector<16xi32>,
    tpu.vector_store %arg21[%swap3A_34, %swap3A_35], %min3A_32 {strides = array<i32>} : memref<7x128xi32, #tpu.memory_space<vmem>>, vector<16xi32>,
    %add3A_37 = arith.constant 32 : i32
    %add3A_38 = vector.broadcast %add3A_37 : i32 to vector<16xi32>
    %add3A_39 = arith.addi %add3A_38, %iota3A : vector<16xi32>
    %add3A_40 = arith.constant 1 : i32
    %add3A_41 = vector.broadcast %add3A_40 : i32 to vector<16xi32>
    %add3A_42 = arith.addi %add3A_39, %add3A_41 : vector<16xi32>
    %mul3A_43 = arith.constant 8000 : i32
    %mul3A_44 = vector.broadcast %mul3A_43 : i32 to vector<16xi32>
    %mul3A_45 = arith.muli %add3A_42, %mul3A_44 : vector<16xi32>
    %sub3A_46 = arith.constant 1 : i32
    %sub3A_47 = vector.broadcast %sub3A_46 : i32 to vector<16xi32>
    %sub3A_48 = arith.subi %mul3A_45, %sub3A_47 : vector<16xi32>
    %min3A_49 = arith.constant 6399999 : i32
    %min3A_50 = vector.broadcast %min3A_49 : i32 to vector<16xi32>
    %min3A_51 = arith.minsi %sub3A_48, %min3A_50 : vector<16xi32>
    %swap3A_52 = arith.constant 0 : i32
    %swap3A_53 = arith.index_cast %swap3A_52 : i32 to index
    %swap3A_54 = arith.constant 32 : index
    %swap3A_55 = tpu.vector_load %arg21[%swap3A_53, %swap3A_54] {strides = array<i32>} : memref<7x128xi32, #tpu.memory_space<vmem>>, vector<16xi32>,
    tpu.vector_store %arg21[%swap3A_53, %swap3A_54], %min3A_51 {strides = array<i32>} : memref<7x128xi32, #tpu.memory_space<vmem>>, vector<16xi32>,
    %add3A_56 = arith.constant 48 : i32
    %add3A_57 = vector.broadcast %add3A_56 : i32 to vector<16xi32>
    %add3A_58 = arith.addi %add3A_57, %iota3A : vector<16xi32>
    %add3A_59 = arith.constant 1 : i32
    %add3A_60 = vector.broadcast %add3A_59 : i32 to vector<16xi32>
    %add3A_61 = arith.addi %add3A_58, %add3A_60 : vector<16xi32>
    %mul3A_62 = arith.constant 8000 : i32
    %mul3A_63 = vector.broadcast %mul3A_62 : i32 to vector<16xi32>
    %mul3A_64 = arith.muli %add3A_61, %mul3A_63 : vector<16xi32>
    %sub3A_65 = arith.constant 1 : i32
    %sub3A_66 = vector.broadcast %sub3A_65 : i32 to vector<16xi32>
    %sub3A_67 = arith.subi %mul3A_64, %sub3A_66 : vector<16xi32>
    %min3A_68 = arith.constant 6399999 : i32
    %min3A_69 = vector.broadcast %min3A_68 : i32 to vector<16xi32>
    %min3A_70 = arith.minsi %sub3A_67, %min3A_69 : vector<16xi32>
    %swap3A_71 = arith.constant 0 : i32
    %swap3A_72 = arith.index_cast %swap3A_71 : i32 to index
    %swap3A_73 = arith.constant 48 : index
    %swap3A_74 = tpu.vector_load %arg21[%swap3A_72, %swap3A_73] {strides = array<i32>} : memref<7x128xi32, #tpu.memory_space<vmem>>, vector<16xi32>,
    tpu.vector_store %arg21[%swap3A_72, %swap3A_73], %min3A_70 {strides = array<i32>} : memref<7x128xi32, #tpu.memory_space<vmem>>, vector<16xi32>,
    %add3A_75 = arith.constant 64 : i32
    %add3A_76 = vector.broadcast %add3A_75 : i32 to vector<16xi32>
    %add3A_77 = arith.addi %add3A_76, %iota3A : vector<16xi32>
    %add3A_78 = arith.constant 1 : i32
    %add3A_79 = vector.broadcast %add3A_78 : i32 to vector<16xi32>
    %add3A_80 = arith.addi %add3A_77, %add3A_79 : vector<16xi32>
    %mul3A_81 = arith.constant 8000 : i32
    %mul3A_82 = vector.broadcast %mul3A_81 : i32 to vector<16xi32>
    %mul3A_83 = arith.muli %add3A_80, %mul3A_82 : vector<16xi32>
    %sub3A_84 = arith.constant 1 : i32
    %sub3A_85 = vector.broadcast %sub3A_84 : i32 to vector<16xi32>
    %sub3A_86 = arith.subi %mul3A_83, %sub3A_85 : vector<16xi32>
    %min3A_87 = arith.constant 6399999 : i32
    %min3A_88 = vector.broadcast %min3A_87 : i32 to vector<16xi32>
    %min3A_89 = arith.minsi %sub3A_86, %min3A_88 : vector<16xi32>
    %swap3A_90 = arith.constant 0 : i32
    %swap3A_91 = arith.index_cast %swap3A_90 : i32 to index
    %swap3A_92 = arith.constant 64 : index
    %swap3A_93 = tpu.vector_load %arg21[%swap3A_91, %swap3A_92] {strides = array<i32>} : memref<7x128xi32, #tpu.memory_space<vmem>>, vector<16xi32>,
    tpu.vector_store %arg21[%swap3A_91, %swap3A_92], %min3A_89 {strides = array<i32>} : memref<7x128xi32, #tpu.memory_space<vmem>>, vector<16xi32>,
    %add3A_94 = arith.constant 80 : i32
    %add3A_95 = vector.broadcast %add3A_94 : i32 to vector<16xi32>
    %add3A_96 = arith.addi %add3A_95, %iota3A : vector<16xi32>
    %add3A_97 = arith.constant 1 : i32
    %add3A_98 = vector.broadcast %add3A_97 : i32 to vector<16xi32>
    %add3A_99 = arith.addi %add3A_96, %add3A_98 : vector<16xi32>
    %mul3A_100 = arith.constant 8000 : i32
    %mul3A_101 = vector.broadcast %mul3A_100 : i32 to vector<16xi32>
    %mul3A_102 = arith.muli %add3A_99, %mul3A_101 : vector<16xi32>
    %sub3A_103 = arith.constant 1 : i32
    %sub3A_104 = vector.broadcast %sub3A_103 : i32 to vector<16xi32>
    %sub3A_105 = arith.subi %mul3A_102, %sub3A_104 : vector<16xi32>
    %min3A_106 = arith.constant 6399999 : i32
    %min3A_107 = vector.broadcast %min3A_106 : i32 to vector<16xi32>
    %min3A_108 = arith.minsi %sub3A_105, %min3A_107 : vector<16xi32>
    %swap3A_109 = arith.constant 0 : i32
    %swap3A_110 = arith.index_cast %swap3A_109 : i32 to index
    %swap3A_111 = arith.constant 80 : index
    %swap3A_112 = tpu.vector_load %arg21[%swap3A_110, %swap3A_111] {strides = array<i32>} : memref<7x128xi32, #tpu.memory_space<vmem>>, vector<16xi32>,
    tpu.vector_store %arg21[%swap3A_110, %swap3A_111], %min3A_108 {strides = array<i32>} : memref<7x128xi32, #tpu.memory_space<vmem>>, vector<16xi32>,
    %add3A_113 = arith.constant 96 : i32
    %add3A_114 = vector.broadcast %add3A_113 : i32 to vector<16xi32>
    %add3A_115 = arith.addi %add3A_114, %iota3A : vector<16xi32>
    %add3A_116 = arith.constant 1 : i32
    %add3A_117 = vector.broadcast %add3A_116 : i32 to vector<16xi32>
    %add3A_118 = arith.addi %add3A_115, %add3A_117 : vector<16xi32>
    %mul3A_119 = arith.constant 8000 : i32
    %mul3A_120 = vector.broadcast %mul3A_119 : i32 to vector<16xi32>
    %mul3A_121 = arith.muli %add3A_118, %mul3A_120 : vector<16xi32>
    %sub3A_122 = arith.constant 1 : i32
    %sub3A_123 = vector.broadcast %sub3A_122 : i32 to vector<16xi32>
    %sub3A_124 = arith.subi %mul3A_121, %sub3A_123 : vector<16xi32>
    %min3A_125 = arith.constant 6399999 : i32
    %min3A_126 = vector.broadcast %min3A_125 : i32 to vector<16xi32>
    %min3A_127 = arith.minsi %sub3A_124, %min3A_126 : vector<16xi32>
    %swap3A_128 = arith.constant 0 : i32
    %swap3A_129 = arith.index_cast %swap3A_128 : i32 to index
    %swap3A_130 = arith.constant 96 : index
    %swap3A_131 = tpu.vector_load %arg21[%swap3A_129, %swap3A_130] {strides = array<i32>} : memref<7x128xi32, #tpu.memory_space<vmem>>, vector<16xi32>,
    tpu.vector_store %arg21[%swap3A_129, %swap3A_130], %min3A_127 {strides = array<i32>} : memref<7x128xi32, #tpu.memory_space<vmem>>, vector<16xi32>,
    %add3A_132 = arith.constant 112 : i32
    %add3A_133 = vector.broadcast %add3A_132 : i32 to vector<16xi32>
    %add3A_134 = arith.addi %add3A_133, %iota3A : vector<16xi32>
    %add3A_135 = arith.constant 1 : i32
    %add3A_136 = vector.broadcast %add3A_135 : i32 to vector<16xi32>
    %add3A_137 = arith.addi %add3A_134, %add3A_136 : vector<16xi32>
    %mul3A_138 = arith.constant 8000 : i32
    %mul3A_139 = vector.broadcast %mul3A_138 : i32 to vector<16xi32>
    %mul3A_140 = arith.muli %add3A_137, %mul3A_139 : vector<16xi32>
    %sub3A_141 = arith.constant 1 : i32
    %sub3A_142 = vector.broadcast %sub3A_141 : i32 to vector<16xi32>
    %sub3A_143 = arith.subi %mul3A_140, %sub3A_142 : vector<16xi32>
    %min3A_144 = arith.constant 6399999 : i32
    %min3A_145 = vector.broadcast %min3A_144 : i32 to vector<16xi32>
    %min3A_146 = arith.minsi %sub3A_143, %min3A_145 : vector<16xi32>
    %swap3A_147 = arith.constant 0 : i32
    %swap3A_148 = arith.index_cast %swap3A_147 : i32 to index
    %swap3A_149 = arith.constant 112 : index
    %swap3A_150 = tpu.vector_load %arg21[%swap3A_148, %swap3A_149] {strides = array<i32>} : memref<7x128xi32, #tpu.memory_space<vmem>>, vector<16xi32>,
    tpu.vector_store %arg21[%swap3A_148, %swap3A_149], %min3A_146 {strides = array<i32>} : memref<7x128xi32, #tpu.memory_space<vmem>>, vector<16xi32>,
    %add3A_151 = arith.constant 128 : i32
    %add3A_152 = vector.broadcast %add3A_151 : i32 to vector<16xi32>
    %add3A_153 = arith.addi %add3A_152, %iota3A : vector<16xi32>
    %add3A_154 = arith.constant 1 : i32
    %add3A_155 = vector.broadcast %add3A_154 : i32 to vector<16xi32>
    %add3A_156 = arith.addi %add3A_153, %add3A_155 : vector<16xi32>
    %mul3A_157 = arith.constant 8000 : i32
    %mul3A_158 = vector.broadcast %mul3A_157 : i32 to vector<16xi32>
    %mul3A_159 = arith.muli %add3A_156, %mul3A_158 : vector<16xi32>
    %sub3A_160 = arith.constant 1 : i32
    %sub3A_161 = vector.broadcast %sub3A_160 : i32 to vector<16xi32>
    %sub3A_162 = arith.subi %mul3A_159, %sub3A_161 : vector<16xi32>
    %min3A_163 = arith.constant 6399999 : i32
    %min3A_164 = vector.broadcast %min3A_163 : i32 to vector<16xi32>
    %min3A_165 = arith.minsi %sub3A_162, %min3A_164 : vector<16xi32>
    %swap3A_166 = arith.constant 1 : i32
    %swap3A_167 = arith.index_cast %swap3A_166 : i32 to index
    %swap3A_168 = arith.constant 0 : index
    %swap3A_169 = tpu.vector_load %arg21[%swap3A_167, %swap3A_168] {strides = array<i32>} : memref<7x128xi32, #tpu.memory_space<vmem>>, vector<16xi32>,
    tpu.vector_store %arg21[%swap3A_167, %swap3A_168], %min3A_165 {strides = array<i32>} : memref<7x128xi32, #tpu.memory_space<vmem>>, vector<16xi32>,
    %add3A_170 = arith.constant 144 : i32
    %add3A_171 = vector.broadcast %add3A_170 : i32 to vector<16xi32>
    %add3A_172 = arith.addi %add3A_171, %iota3A : vector<16xi32>
    %add3A_173 = arith.constant 1 : i32
    %add3A_174 = vector.broadcast %add3A_173 : i32 to vector<16xi32>
    %add3A_175 = arith.addi %add3A_172, %add3A_174 : vector<16xi32>
    %mul3A_176 = arith.constant 8000 : i32
    %mul3A_177 = vector.broadcast %mul3A_176 : i32 to vector<16xi32>
    %mul3A_178 = arith.muli %add3A_175, %mul3A_177 : vector<16xi32>
    %sub3A_179 = arith.constant 1 : i32
    %sub3A_180 = vector.broadcast %sub3A_179 : i32 to vector<16xi32>
    %sub3A_181 = arith.subi %mul3A_178, %sub3A_180 : vector<16xi32>
    %min3A_182 = arith.constant 6399999 : i32
    %min3A_183 = vector.broadcast %min3A_182 : i32 to vector<16xi32>
    %min3A_184 = arith.minsi %sub3A_181, %min3A_183 : vector<16xi32>
    %swap3A_185 = arith.constant 1 : i32
    %swap3A_186 = arith.index_cast %swap3A_185 : i32 to index
    %swap3A_187 = arith.constant 16 : index
    %swap3A_188 = tpu.vector_load %arg21[%swap3A_186, %swap3A_187] {strides = array<i32>} : memref<7x128xi32, #tpu.memory_space<vmem>>, vector<16xi32>,
    tpu.vector_store %arg21[%swap3A_186, %swap3A_187], %min3A_184 {strides = array<i32>} : memref<7x128xi32, #tpu.memory_space<vmem>>, vector<16xi32>,
    %add3A_189 = arith.constant 160 : i32
    %add3A_190 = vector.broadcast %add3A_189 : i32 to vector<16xi32>
    %add3A_191 = arith.addi %add3A_190, %iota3A : vector<16xi32>
    %add3A_192 = arith.constant 1 : i32
    %add3A_193 = vector.broadcast %add3A_192 : i32 to vector<16xi32>
    %add3A_194 = arith.addi %add3A_191, %add3A_193 : vector<16xi32>
    %mul3A_195 = arith.constant 8000 : i32
    %mul3A_196 = vector.broadcast %mul3A_195 : i32 to vector<16xi32>
    %mul3A_197 = arith.muli %add3A_194, %mul3A_196 : vector<16xi32>
    %sub3A_198 = arith.constant 1 : i32
    %sub3A_199 = vector.broadcast %sub3A_198 : i32 to vector<16xi32>
    %sub3A_200 = arith.subi %mul3A_197, %sub3A_199 : vector<16xi32>
    %min3A_201 = arith.constant 6399999 : i32
    %min3A_202 = vector.broadcast %min3A_201 : i32 to vector<16xi32>
    %min3A_203 = arith.minsi %sub3A_200, %min3A_202 : vector<16xi32>
    %swap3A_204 = arith.constant 1 : i32
    %swap3A_205 = arith.index_cast %swap3A_204 : i32 to index
    %swap3A_206 = arith.constant 32 : index
    %swap3A_207 = tpu.vector_load %arg21[%swap3A_205, %swap3A_206] {strides = array<i32>} : memref<7x128xi32, #tpu.memory_space<vmem>>, vector<16xi32>,
    tpu.vector_store %arg21[%swap3A_205, %swap3A_206], %min3A_203 {strides = array<i32>} : memref<7x128xi32, #tpu.memory_space<vmem>>, vector<16xi32>,
    %add3A_208 = arith.constant 176 : i32
    %add3A_209 = vector.broadcast %add3A_208 : i32 to vector<16xi32>
    %add3A_210 = arith.addi %add3A_209, %iota3A : vector<16xi32>
    %add3A_211 = arith.constant 1 : i32
    %add3A_212 = vector.broadcast %add3A_211 : i32 to vector<16xi32>
    %add3A_213 = arith.addi %add3A_210, %add3A_212 : vector<16xi32>
    %mul3A_214 = arith.constant 8000 : i32
    %mul3A_215 = vector.broadcast %mul3A_214 : i32 to vector<16xi32>
    %mul3A_216 = arith.muli %add3A_213, %mul3A_215 : vector<16xi32>
    %sub3A_217 = arith.constant 1 : i32
    %sub3A_218 = vector.broadcast %sub3A_217 : i32 to vector<16xi32>
    %sub3A_219 = arith.subi %mul3A_216, %sub3A_218 : vector<16xi32>
    %min3A_220 = arith.constant 6399999 : i32
    %min3A_221 = vector.broadcast %min3A_220 : i32 to vector<16xi32>
    %min3A_222 = arith.minsi %sub3A_219, %min3A_221 : vector<16xi32>
    %swap3A_223 = arith.constant 1 : i32
    %swap3A_224 = arith.index_cast %swap3A_223 : i32 to index
    %swap3A_225 = arith.constant 48 : index
    %swap3A_226 = tpu.vector_load %arg21[%swap3A_224, %swap3A_225] {strides = array<i32>} : memref<7x128xi32, #tpu.memory_space<vmem>>, vector<16xi32>,
    tpu.vector_store %arg21[%swap3A_224, %swap3A_225], %min3A_222 {strides = array<i32>} : memref<7x128xi32, #tpu.memory_space<vmem>>, vector<16xi32>,
    %add3A_227 = arith.constant 192 : i32
    %add3A_228 = vector.broadcast %add3A_227 : i32 to vector<16xi32>
    %add3A_229 = arith.addi %add3A_228, %iota3A : vector<16xi32>
    %add3A_230 = arith.constant 1 : i32
    %add3A_231 = vector.broadcast %add3A_230 : i32 to vector<16xi32>
    %add3A_232 = arith.addi %add3A_229, %add3A_231 : vector<16xi32>
    %mul3A_233 = arith.constant 8000 : i32
    %mul3A_234 = vector.broadcast %mul3A_233 : i32 to vector<16xi32>
    %mul3A_235 = arith.muli %add3A_232, %mul3A_234 : vector<16xi32>
    %sub3A_236 = arith.constant 1 : i32
    %sub3A_237 = vector.broadcast %sub3A_236 : i32 to vector<16xi32>
    %sub3A_238 = arith.subi %mul3A_235, %sub3A_237 : vector<16xi32>
    %min3A_239 = arith.constant 6399999 : i32
    %min3A_240 = vector.broadcast %min3A_239 : i32 to vector<16xi32>
    %min3A_241 = arith.minsi %sub3A_238, %min3A_240 : vector<16xi32>
    %swap3A_242 = arith.constant 1 : i32
    %swap3A_243 = arith.index_cast %swap3A_242 : i32 to index
    %swap3A_244 = arith.constant 64 : index
    %swap3A_245 = tpu.vector_load %arg21[%swap3A_243, %swap3A_244] {strides = array<i32>} : memref<7x128xi32, #tpu.memory_space<vmem>>, vector<16xi32>,
    tpu.vector_store %arg21[%swap3A_243, %swap3A_244], %min3A_241 {strides = array<i32>} : memref<7x128xi32, #tpu.memory_space<vmem>>, vector<16xi32>,
    %add3A_246 = arith.constant 208 : i32
    %add3A_247 = vector.broadcast %add3A_246 : i32 to vector<16xi32>
    %add3A_248 = arith.addi %add3A_247, %iota3A : vector<16xi32>
    %add3A_249 = arith.constant 1 : i32
    %add3A_250 = vector.broadcast %add3A_249 : i32 to vector<16xi32>
    %add3A_251 = arith.addi %add3A_248, %add3A_250 : vector<16xi32>
    %mul3A_252 = arith.constant 8000 : i32
    %mul3A_253 = vector.broadcast %mul3A_252 : i32 to vector<16xi32>
    %mul3A_254 = arith.muli %add3A_251, %mul3A_253 : vector<16xi32>
    %sub3A_255 = arith.constant 1 : i32
    %sub3A_256 = vector.broadcast %sub3A_255 : i32 to vector<16xi32>
    %sub3A_257 = arith.subi %mul3A_254, %sub3A_256 : vector<16xi32>
    %min3A_258 = arith.constant 6399999 : i32
    %min3A_259 = vector.broadcast %min3A_258 : i32 to vector<16xi32>
    %min3A_260 = arith.minsi %sub3A_257, %min3A_259 : vector<16xi32>
    %swap3A_261 = arith.constant 1 : i32
    %swap3A_262 = arith.index_cast %swap3A_261 : i32 to index
    %swap3A_263 = arith.constant 80 : index
    %swap3A_264 = tpu.vector_load %arg21[%swap3A_262, %swap3A_263] {strides = array<i32>} : memref<7x128xi32, #tpu.memory_space<vmem>>, vector<16xi32>,
    tpu.vector_store %arg21[%swap3A_262, %swap3A_263], %min3A_260 {strides = array<i32>} : memref<7x128xi32, #tpu.memory_space<vmem>>, vector<16xi32>,
    %add3A_265 = arith.constant 224 : i32
    %add3A_266 = vector.broadcast %add3A_265 : i32 to vector<16xi32>
    %add3A_267 = arith.addi %add3A_266, %iota3A : vector<16xi32>
    %add3A_268 = arith.constant 1 : i32
    %add3A_269 = vector.broadcast %add3A_268 : i32 to vector<16xi32>
    %add3A_270 = arith.addi %add3A_267, %add3A_269 : vector<16xi32>
    %mul3A_271 = arith.constant 8000 : i32
    %mul3A_272 = vector.broadcast %mul3A_271 : i32 to vector<16xi32>
    %mul3A_273 = arith.muli %add3A_270, %mul3A_272 : vector<16xi32>
    %sub3A_274 = arith.constant 1 : i32
    %sub3A_275 = vector.broadcast %sub3A_274 : i32 to vector<16xi32>
    %sub3A_276 = arith.subi %mul3A_273, %sub3A_275 : vector<16xi32>
    %min3A_277 = arith.constant 6399999 : i32
    %min3A_278 = vector.broadcast %min3A_277 : i32 to vector<16xi32>
    %min3A_279 = arith.minsi %sub3A_276, %min3A_278 : vector<16xi32>
    %swap3A_280 = arith.constant 1 : i32
    %swap3A_281 = arith.index_cast %swap3A_280 : i32 to index
    %swap3A_282 = arith.constant 96 : index
    %swap3A_283 = tpu.vector_load %arg21[%swap3A_281, %swap3A_282] {strides = array<i32>} : memref<7x128xi32, #tpu.memory_space<vmem>>, vector<16xi32>,
    tpu.vector_store %arg21[%swap3A_281, %swap3A_282], %min3A_279 {strides = array<i32>} : memref<7x128xi32, #tpu.memory_space<vmem>>, vector<16xi32>,
    %add3A_284 = arith.constant 240 : i32
    %add3A_285 = vector.broadcast %add3A_284 : i32 to vector<16xi32>
    %add3A_286 = arith.addi %add3A_285, %iota3A : vector<16xi32>
    %add3A_287 = arith.constant 1 : i32
    %add3A_288 = vector.broadcast %add3A_287 : i32 to vector<16xi32>
    %add3A_289 = arith.addi %add3A_286, %add3A_288 : vector<16xi32>
    %mul3A_290 = arith.constant 8000 : i32
    %mul3A_291 = vector.broadcast %mul3A_290 : i32 to vector<16xi32>
    %mul3A_292 = arith.muli %add3A_289, %mul3A_291 : vector<16xi32>
    %sub3A_293 = arith.constant 1 : i32
    %sub3A_294 = vector.broadcast %sub3A_293 : i32 to vector<16xi32>
    %sub3A_295 = arith.subi %mul3A_292, %sub3A_294 : vector<16xi32>
    %min3A_296 = arith.constant 6399999 : i32
    %min3A_297 = vector.broadcast %min3A_296 : i32 to vector<16xi32>
    %min3A_298 = arith.minsi %sub3A_295, %min3A_297 : vector<16xi32>
    %swap3A_299 = arith.constant 1 : i32
    %swap3A_300 = arith.index_cast %swap3A_299 : i32 to index
    %swap3A_301 = arith.constant 112 : index
    %swap3A_302 = tpu.vector_load %arg21[%swap3A_300, %swap3A_301] {strides = array<i32>} : memref<7x128xi32, #tpu.memory_space<vmem>>, vector<16xi32>,
    tpu.vector_store %arg21[%swap3A_300, %swap3A_301], %min3A_298 {strides = array<i32>} : memref<7x128xi32, #tpu.memory_space<vmem>>, vector<16xi32>,
    %add3A_303 = arith.constant 256 : i32
    %add3A_304 = vector.broadcast %add3A_303 : i32 to vector<16xi32>
    %add3A_305 = arith.addi %add3A_304, %iota3A : vector<16xi32>
    %add3A_306 = arith.constant 1 : i32
    %add3A_307 = vector.broadcast %add3A_306 : i32 to vector<16xi32>
    %add3A_308 = arith.addi %add3A_305, %add3A_307 : vector<16xi32>
    %mul3A_309 = arith.constant 8000 : i32
    %mul3A_310 = vector.broadcast %mul3A_309 : i32 to vector<16xi32>
    %mul3A_311 = arith.muli %add3A_308, %mul3A_310 : vector<16xi32>
    %sub3A_312 = arith.constant 1 : i32
    %sub3A_313 = vector.broadcast %sub3A_312 : i32 to vector<16xi32>
    %sub3A_314 = arith.subi %mul3A_311, %sub3A_313 : vector<16xi32>
    %min3A_315 = arith.constant 6399999 : i32
    %min3A_316 = vector.broadcast %min3A_315 : i32 to vector<16xi32>
    %min3A_317 = arith.minsi %sub3A_314, %min3A_316 : vector<16xi32>
    %swap3A_318 = arith.constant 2 : i32
    %swap3A_319 = arith.index_cast %swap3A_318 : i32 to index
    %swap3A_320 = arith.constant 0 : index
    %swap3A_321 = tpu.vector_load %arg21[%swap3A_319, %swap3A_320] {strides = array<i32>} : memref<7x128xi32, #tpu.memory_space<vmem>>, vector<16xi32>,
    tpu.vector_store %arg21[%swap3A_319, %swap3A_320], %min3A_317 {strides = array<i32>} : memref<7x128xi32, #tpu.memory_space<vmem>>, vector<16xi32>,
    %add3A_322 = arith.constant 272 : i32
    %add3A_323 = vector.broadcast %add3A_322 : i32 to vector<16xi32>
    %add3A_324 = arith.addi %add3A_323, %iota3A : vector<16xi32>
    %add3A_325 = arith.constant 1 : i32
    %add3A_326 = vector.broadcast %add3A_325 : i32 to vector<16xi32>
    %add3A_327 = arith.addi %add3A_324, %add3A_326 : vector<16xi32>
    %mul3A_328 = arith.constant 8000 : i32
    %mul3A_329 = vector.broadcast %mul3A_328 : i32 to vector<16xi32>
    %mul3A_330 = arith.muli %add3A_327, %mul3A_329 : vector<16xi32>
    %sub3A_331 = arith.constant 1 : i32
    %sub3A_332 = vector.broadcast %sub3A_331 : i32 to vector<16xi32>
    %sub3A_333 = arith.subi %mul3A_330, %sub3A_332 : vector<16xi32>
    %min3A_334 = arith.constant 6399999 : i32
    %min3A_335 = vector.broadcast %min3A_334 : i32 to vector<16xi32>
    %min3A_336 = arith.minsi %sub3A_333, %min3A_335 : vector<16xi32>
    %swap3A_337 = arith.constant 2 : i32
    %swap3A_338 = arith.index_cast %swap3A_337 : i32 to index
    %swap3A_339 = arith.constant 16 : index
    %swap3A_340 = tpu.vector_load %arg21[%swap3A_338, %swap3A_339] {strides = array<i32>} : memref<7x128xi32, #tpu.memory_space<vmem>>, vector<16xi32>,
    tpu.vector_store %arg21[%swap3A_338, %swap3A_339], %min3A_336 {strides = array<i32>} : memref<7x128xi32, #tpu.memory_space<vmem>>, vector<16xi32>,
    %add3A_341 = arith.constant 288 : i32
    %add3A_342 = vector.broadcast %add3A_341 : i32 to vector<16xi32>
    %add3A_343 = arith.addi %add3A_342, %iota3A : vector<16xi32>
    %add3A_344 = arith.constant 1 : i32
    %add3A_345 = vector.broadcast %add3A_344 : i32 to vector<16xi32>
    %add3A_346 = arith.addi %add3A_343, %add3A_345 : vector<16xi32>
    %mul3A_347 = arith.constant 8000 : i32
    %mul3A_348 = vector.broadcast %mul3A_347 : i32 to vector<16xi32>
    %mul3A_349 = arith.muli %add3A_346, %mul3A_348 : vector<16xi32>
    %sub3A_350 = arith.constant 1 : i32
    %sub3A_351 = vector.broadcast %sub3A_350 : i32 to vector<16xi32>
    %sub3A_352 = arith.subi %mul3A_349, %sub3A_351 : vector<16xi32>
    %min3A_353 = arith.constant 6399999 : i32
    %min3A_354 = vector.broadcast %min3A_353 : i32 to vector<16xi32>
    %min3A_355 = arith.minsi %sub3A_352, %min3A_354 : vector<16xi32>
    %swap3A_356 = arith.constant 2 : i32
    %swap3A_357 = arith.index_cast %swap3A_356 : i32 to index
    %swap3A_358 = arith.constant 32 : index
    %swap3A_359 = tpu.vector_load %arg21[%swap3A_357, %swap3A_358] {strides = array<i32>} : memref<7x128xi32, #tpu.memory_space<vmem>>, vector<16xi32>,
    tpu.vector_store %arg21[%swap3A_357, %swap3A_358], %min3A_355 {strides = array<i32>} : memref<7x128xi32, #tpu.memory_space<vmem>>, vector<16xi32>,
    %add3A_360 = arith.constant 304 : i32
    %add3A_361 = vector.broadcast %add3A_360 : i32 to vector<16xi32>
    %add3A_362 = arith.addi %add3A_361, %iota3A : vector<16xi32>
    %add3A_363 = arith.constant 1 : i32
    %add3A_364 = vector.broadcast %add3A_363 : i32 to vector<16xi32>
    %add3A_365 = arith.addi %add3A_362, %add3A_364 : vector<16xi32>
    %mul3A_366 = arith.constant 8000 : i32
    %mul3A_367 = vector.broadcast %mul3A_366 : i32 to vector<16xi32>
    %mul3A_368 = arith.muli %add3A_365, %mul3A_367 : vector<16xi32>
    %sub3A_369 = arith.constant 1 : i32
    %sub3A_370 = vector.broadcast %sub3A_369 : i32 to vector<16xi32>
    %sub3A_371 = arith.subi %mul3A_368, %sub3A_370 : vector<16xi32>
    %min3A_372 = arith.constant 6399999 : i32
    %min3A_373 = vector.broadcast %min3A_372 : i32 to vector<16xi32>
    %min3A_374 = arith.minsi %sub3A_371, %min3A_373 : vector<16xi32>
    %swap3A_375 = arith.constant 2 : i32
    %swap3A_376 = arith.index_cast %swap3A_375 : i32 to index
    %swap3A_377 = arith.constant 48 : index
    %swap3A_378 = tpu.vector_load %arg21[%swap3A_376, %swap3A_377] {strides = array<i32>} : memref<7x128xi32, #tpu.memory_space<vmem>>, vector<16xi32>,
    tpu.vector_store %arg21[%swap3A_376, %swap3A_377], %min3A_374 {strides = array<i32>} : memref<7x128xi32, #tpu.memory_space<vmem>>, vector<16xi32>,
    %add3A_379 = arith.constant 320 : i32
    %add3A_380 = vector.broadcast %add3A_379 : i32 to vector<16xi32>
    %add3A_381 = arith.addi %add3A_380, %iota3A : vector<16xi32>
    %add3A_382 = arith.constant 1 : i32
    %add3A_383 = vector.broadcast %add3A_382 : i32 to vector<16xi32>
    %add3A_384 = arith.addi %add3A_381, %add3A_383 : vector<16xi32>
    %mul3A_385 = arith.constant 8000 : i32
    %mul3A_386 = vector.broadcast %mul3A_385 : i32 to vector<16xi32>
    %mul3A_387 = arith.muli %add3A_384, %mul3A_386 : vector<16xi32>
    %sub3A_388 = arith.constant 1 : i32
    %sub3A_389 = vector.broadcast %sub3A_388 : i32 to vector<16xi32>
    %sub3A_390 = arith.subi %mul3A_387, %sub3A_389 : vector<16xi32>
    %min3A_391 = arith.constant 6399999 : i32
    %min3A_392 = vector.broadcast %min3A_391 : i32 to vector<16xi32>
    %min3A_393 = arith.minsi %sub3A_390, %min3A_392 : vector<16xi32>
    %swap3A_394 = arith.constant 2 : i32
    %swap3A_395 = arith.index_cast %swap3A_394 : i32 to index
    %swap3A_396 = arith.constant 64 : index
    %swap3A_397 = tpu.vector_load %arg21[%swap3A_395, %swap3A_396] {strides = array<i32>} : memref<7x128xi32, #tpu.memory_space<vmem>>, vector<16xi32>,
    tpu.vector_store %arg21[%swap3A_395, %swap3A_396], %min3A_393 {strides = array<i32>} : memref<7x128xi32, #tpu.memory_space<vmem>>, vector<16xi32>,
    %add3A_398 = arith.constant 336 : i32
    %add3A_399 = vector.broadcast %add3A_398 : i32 to vector<16xi32>
    %add3A_400 = arith.addi %add3A_399, %iota3A : vector<16xi32>
    %add3A_401 = arith.constant 1 : i32
    %add3A_402 = vector.broadcast %add3A_401 : i32 to vector<16xi32>
    %add3A_403 = arith.addi %add3A_400, %add3A_402 : vector<16xi32>
    %mul3A_404 = arith.constant 8000 : i32
    %mul3A_405 = vector.broadcast %mul3A_404 : i32 to vector<16xi32>
    %mul3A_406 = arith.muli %add3A_403, %mul3A_405 : vector<16xi32>
    %sub3A_407 = arith.constant 1 : i32
    %sub3A_408 = vector.broadcast %sub3A_407 : i32 to vector<16xi32>
    %sub3A_409 = arith.subi %mul3A_406, %sub3A_408 : vector<16xi32>
    %min3A_410 = arith.constant 6399999 : i32
    %min3A_411 = vector.broadcast %min3A_410 : i32 to vector<16xi32>
    %min3A_412 = arith.minsi %sub3A_409, %min3A_411 : vector<16xi32>
    %swap3A_413 = arith.constant 2 : i32
    %swap3A_414 = arith.index_cast %swap3A_413 : i32 to index
    %swap3A_415 = arith.constant 80 : index
    %swap3A_416 = tpu.vector_load %arg21[%swap3A_414, %swap3A_415] {strides = array<i32>} : memref<7x128xi32, #tpu.memory_space<vmem>>, vector<16xi32>,
    tpu.vector_store %arg21[%swap3A_414, %swap3A_415], %min3A_412 {strides = array<i32>} : memref<7x128xi32, #tpu.memory_space<vmem>>, vector<16xi32>,
    %add3A_417 = arith.constant 352 : i32
    %add3A_418 = vector.broadcast %add3A_417 : i32 to vector<16xi32>
    %add3A_419 = arith.addi %add3A_418, %iota3A : vector<16xi32>
    %add3A_420 = arith.constant 1 : i32
    %add3A_421 = vector.broadcast %add3A_420 : i32 to vector<16xi32>
    %add3A_422 = arith.addi %add3A_419, %add3A_421 : vector<16xi32>
    %mul3A_423 = arith.constant 8000 : i32
    %mul3A_424 = vector.broadcast %mul3A_423 : i32 to vector<16xi32>
    %mul3A_425 = arith.muli %add3A_422, %mul3A_424 : vector<16xi32>
    %sub3A_426 = arith.constant 1 : i32
    %sub3A_427 = vector.broadcast %sub3A_426 : i32 to vector<16xi32>
    %sub3A_428 = arith.subi %mul3A_425, %sub3A_427 : vector<16xi32>
    %min3A_429 = arith.constant 6399999 : i32
    %min3A_430 = vector.broadcast %min3A_429 : i32 to vector<16xi32>
    %min3A_431 = arith.minsi %sub3A_428, %min3A_430 : vector<16xi32>
    %swap3A_432 = arith.constant 2 : i32
    %swap3A_433 = arith.index_cast %swap3A_432 : i32 to index
    %swap3A_434 = arith.constant 96 : index
    %swap3A_435 = tpu.vector_load %arg21[%swap3A_433, %swap3A_434] {strides = array<i32>} : memref<7x128xi32, #tpu.memory_space<vmem>>, vector<16xi32>,
    tpu.vector_store %arg21[%swap3A_433, %swap3A_434], %min3A_431 {strides = array<i32>} : memref<7x128xi32, #tpu.memory_space<vmem>>, vector<16xi32>,
    %add3A_436 = arith.constant 368 : i32
    %add3A_437 = vector.broadcast %add3A_436 : i32 to vector<16xi32>
    %add3A_438 = arith.addi %add3A_437, %iota3A : vector<16xi32>
    %add3A_439 = arith.constant 1 : i32
    %add3A_440 = vector.broadcast %add3A_439 : i32 to vector<16xi32>
    %add3A_441 = arith.addi %add3A_438, %add3A_440 : vector<16xi32>
    %mul3A_442 = arith.constant 8000 : i32
    %mul3A_443 = vector.broadcast %mul3A_442 : i32 to vector<16xi32>
    %mul3A_444 = arith.muli %add3A_441, %mul3A_443 : vector<16xi32>
    %sub3A_445 = arith.constant 1 : i32
    %sub3A_446 = vector.broadcast %sub3A_445 : i32 to vector<16xi32>
    %sub3A_447 = arith.subi %mul3A_444, %sub3A_446 : vector<16xi32>
    %min3A_448 = arith.constant 6399999 : i32
    %min3A_449 = vector.broadcast %min3A_448 : i32 to vector<16xi32>
    %min3A_450 = arith.minsi %sub3A_447, %min3A_449 : vector<16xi32>
    %swap3A_451 = arith.constant 2 : i32
    %swap3A_452 = arith.index_cast %swap3A_451 : i32 to index
    %swap3A_453 = arith.constant 112 : index
    %swap3A_454 = tpu.vector_load %arg21[%swap3A_452, %swap3A_453] {strides = array<i32>} : memref<7x128xi32, #tpu.memory_space<vmem>>, vector<16xi32>,
    tpu.vector_store %arg21[%swap3A_452, %swap3A_453], %min3A_450 {strides = array<i32>} : memref<7x128xi32, #tpu.memory_space<vmem>>, vector<16xi32>,
    %add3A_455 = arith.constant 384 : i32
    %add3A_456 = vector.broadcast %add3A_455 : i32 to vector<16xi32>
    %add3A_457 = arith.addi %add3A_456, %iota3A : vector<16xi32>
    %add3A_458 = arith.constant 1 : i32
    %add3A_459 = vector.broadcast %add3A_458 : i32 to vector<16xi32>
    %add3A_460 = arith.addi %add3A_457, %add3A_459 : vector<16xi32>
    %mul3A_461 = arith.constant 8000 : i32
    %mul3A_462 = vector.broadcast %mul3A_461 : i32 to vector<16xi32>
    %mul3A_463 = arith.muli %add3A_460, %mul3A_462 : vector<16xi32>
    %sub3A_464 = arith.constant 1 : i32
    %sub3A_465 = vector.broadcast %sub3A_464 : i32 to vector<16xi32>
    %sub3A_466 = arith.subi %mul3A_463, %sub3A_465 : vector<16xi32>
    %min3A_467 = arith.constant 6399999 : i32
    %min3A_468 = vector.broadcast %min3A_467 : i32 to vector<16xi32>
    %min3A_469 = arith.minsi %sub3A_466, %min3A_468 : vector<16xi32>
    %swap3A_470 = arith.constant 3 : i32
    %swap3A_471 = arith.index_cast %swap3A_470 : i32 to index
    %swap3A_472 = arith.constant 0 : index
    %swap3A_473 = tpu.vector_load %arg21[%swap3A_471, %swap3A_472] {strides = array<i32>} : memref<7x128xi32, #tpu.memory_space<vmem>>, vector<16xi32>,
    tpu.vector_store %arg21[%swap3A_471, %swap3A_472], %min3A_469 {strides = array<i32>} : memref<7x128xi32, #tpu.memory_space<vmem>>, vector<16xi32>,
    %add3A_474 = arith.constant 400 : i32
    %add3A_475 = vector.broadcast %add3A_474 : i32 to vector<16xi32>
    %add3A_476 = arith.addi %add3A_475, %iota3A : vector<16xi32>
    %add3A_477 = arith.constant 1 : i32
    %add3A_478 = vector.broadcast %add3A_477 : i32 to vector<16xi32>
    %add3A_479 = arith.addi %add3A_476, %add3A_478 : vector<16xi32>
    %mul3A_480 = arith.constant 8000 : i32
    %mul3A_481 = vector.broadcast %mul3A_480 : i32 to vector<16xi32>
    %mul3A_482 = arith.muli %add3A_479, %mul3A_481 : vector<16xi32>
    %sub3A_483 = arith.constant 1 : i32
    %sub3A_484 = vector.broadcast %sub3A_483 : i32 to vector<16xi32>
    %sub3A_485 = arith.subi %mul3A_482, %sub3A_484 : vector<16xi32>
    %min3A_486 = arith.constant 6399999 : i32
    %min3A_487 = vector.broadcast %min3A_486 : i32 to vector<16xi32>
    %min3A_488 = arith.minsi %sub3A_485, %min3A_487 : vector<16xi32>
    %swap3A_489 = arith.constant 3 : i32
    %swap3A_490 = arith.index_cast %swap3A_489 : i32 to index
    %swap3A_491 = arith.constant 16 : index
    %swap3A_492 = tpu.vector_load %arg21[%swap3A_490, %swap3A_491] {strides = array<i32>} : memref<7x128xi32, #tpu.memory_space<vmem>>, vector<16xi32>,
    tpu.vector_store %arg21[%swap3A_490, %swap3A_491], %min3A_488 {strides = array<i32>} : memref<7x128xi32, #tpu.memory_space<vmem>>, vector<16xi32>,
    %add3A_493 = arith.constant 416 : i32
    %add3A_494 = vector.broadcast %add3A_493 : i32 to vector<16xi32>
    %add3A_495 = arith.addi %add3A_494, %iota3A : vector<16xi32>
    %add3A_496 = arith.constant 1 : i32
    %add3A_497 = vector.broadcast %add3A_496 : i32 to vector<16xi32>
    %add3A_498 = arith.addi %add3A_495, %add3A_497 : vector<16xi32>
    %mul3A_499 = arith.constant 8000 : i32
    %mul3A_500 = vector.broadcast %mul3A_499 : i32 to vector<16xi32>
    %mul3A_501 = arith.muli %add3A_498, %mul3A_500 : vector<16xi32>
    %sub3A_502 = arith.constant 1 : i32
    %sub3A_503 = vector.broadcast %sub3A_502 : i32 to vector<16xi32>
    %sub3A_504 = arith.subi %mul3A_501, %sub3A_503 : vector<16xi32>
    %min3A_505 = arith.constant 6399999 : i32
    %min3A_506 = vector.broadcast %min3A_505 : i32 to vector<16xi32>
    %min3A_507 = arith.minsi %sub3A_504, %min3A_506 : vector<16xi32>
    %swap3A_508 = arith.constant 3 : i32
    %swap3A_509 = arith.index_cast %swap3A_508 : i32 to index
    %swap3A_510 = arith.constant 32 : index
    %swap3A_511 = tpu.vector_load %arg21[%swap3A_509, %swap3A_510] {strides = array<i32>} : memref<7x128xi32, #tpu.memory_space<vmem>>, vector<16xi32>,
    tpu.vector_store %arg21[%swap3A_509, %swap3A_510], %min3A_507 {strides = array<i32>} : memref<7x128xi32, #tpu.memory_space<vmem>>, vector<16xi32>,
    %add3A_512 = arith.constant 432 : i32
    %add3A_513 = vector.broadcast %add3A_512 : i32 to vector<16xi32>
    %add3A_514 = arith.addi %add3A_513, %iota3A : vector<16xi32>
    %add3A_515 = arith.constant 1 : i32
    %add3A_516 = vector.broadcast %add3A_515 : i32 to vector<16xi32>
    %add3A_517 = arith.addi %add3A_514, %add3A_516 : vector<16xi32>
    %mul3A_518 = arith.constant 8000 : i32
    %mul3A_519 = vector.broadcast %mul3A_518 : i32 to vector<16xi32>
    %mul3A_520 = arith.muli %add3A_517, %mul3A_519 : vector<16xi32>
    %sub3A_521 = arith.constant 1 : i32
    %sub3A_522 = vector.broadcast %sub3A_521 : i32 to vector<16xi32>
    %sub3A_523 = arith.subi %mul3A_520, %sub3A_522 : vector<16xi32>
    %min3A_524 = arith.constant 6399999 : i32
    %min3A_525 = vector.broadcast %min3A_524 : i32 to vector<16xi32>
    %min3A_526 = arith.minsi %sub3A_523, %min3A_525 : vector<16xi32>
    %swap3A_527 = arith.constant 3 : i32
    %swap3A_528 = arith.index_cast %swap3A_527 : i32 to index
    %swap3A_529 = arith.constant 48 : index
    %swap3A_530 = tpu.vector_load %arg21[%swap3A_528, %swap3A_529] {strides = array<i32>} : memref<7x128xi32, #tpu.memory_space<vmem>>, vector<16xi32>,
    tpu.vector_store %arg21[%swap3A_528, %swap3A_529], %min3A_526 {strides = array<i32>} : memref<7x128xi32, #tpu.memory_space<vmem>>, vector<16xi32>,
    %add3A_531 = arith.constant 448 : i32
    %add3A_532 = vector.broadcast %add3A_531 : i32 to vector<16xi32>
    %add3A_533 = arith.addi %add3A_532, %iota3A : vector<16xi32>
    %add3A_534 = arith.constant 1 : i32
    %add3A_535 = vector.broadcast %add3A_534 : i32 to vector<16xi32>
    %add3A_536 = arith.addi %add3A_533, %add3A_535 : vector<16xi32>
    %mul3A_537 = arith.constant 8000 : i32
    %mul3A_538 = vector.broadcast %mul3A_537 : i32 to vector<16xi32>
    %mul3A_539 = arith.muli %add3A_536, %mul3A_538 : vector<16xi32>
    %sub3A_540 = arith.constant 1 : i32
    %sub3A_541 = vector.broadcast %sub3A_540 : i32 to vector<16xi32>
    %sub3A_542 = arith.subi %mul3A_539, %sub3A_541 : vector<16xi32>
    %min3A_543 = arith.constant 6399999 : i32
    %min3A_544 = vector.broadcast %min3A_543 : i32 to vector<16xi32>
    %min3A_545 = arith.minsi %sub3A_542, %min3A_544 : vector<16xi32>
    %swap3A_546 = arith.constant 3 : i32
    %swap3A_547 = arith.index_cast %swap3A_546 : i32 to index
    %swap3A_548 = arith.constant 64 : index
    %swap3A_549 = tpu.vector_load %arg21[%swap3A_547, %swap3A_548] {strides = array<i32>} : memref<7x128xi32, #tpu.memory_space<vmem>>, vector<16xi32>,
    tpu.vector_store %arg21[%swap3A_547, %swap3A_548], %min3A_545 {strides = array<i32>} : memref<7x128xi32, #tpu.memory_space<vmem>>, vector<16xi32>,
    %add3A_550 = arith.constant 464 : i32
    %add3A_551 = vector.broadcast %add3A_550 : i32 to vector<16xi32>
    %add3A_552 = arith.addi %add3A_551, %iota3A : vector<16xi32>
    %add3A_553 = arith.constant 1 : i32
    %add3A_554 = vector.broadcast %add3A_553 : i32 to vector<16xi32>
    %add3A_555 = arith.addi %add3A_552, %add3A_554 : vector<16xi32>
    %mul3A_556 = arith.constant 8000 : i32
    %mul3A_557 = vector.broadcast %mul3A_556 : i32 to vector<16xi32>
    %mul3A_558 = arith.muli %add3A_555, %mul3A_557 : vector<16xi32>
    %sub3A_559 = arith.constant 1 : i32
    %sub3A_560 = vector.broadcast %sub3A_559 : i32 to vector<16xi32>
    %sub3A_561 = arith.subi %mul3A_558, %sub3A_560 : vector<16xi32>
    %min3A_562 = arith.constant 6399999 : i32
    %min3A_563 = vector.broadcast %min3A_562 : i32 to vector<16xi32>
    %min3A_564 = arith.minsi %sub3A_561, %min3A_563 : vector<16xi32>
    %swap3A_565 = arith.constant 3 : i32
    %swap3A_566 = arith.index_cast %swap3A_565 : i32 to index
    %swap3A_567 = arith.constant 80 : index
    %swap3A_568 = tpu.vector_load %arg21[%swap3A_566, %swap3A_567] {strides = array<i32>} : memref<7x128xi32, #tpu.memory_space<vmem>>, vector<16xi32>,
    tpu.vector_store %arg21[%swap3A_566, %swap3A_567], %min3A_564 {strides = array<i32>} : memref<7x128xi32, #tpu.memory_space<vmem>>, vector<16xi32>,
    %add3A_569 = arith.constant 480 : i32
    %add3A_570 = vector.broadcast %add3A_569 : i32 to vector<16xi32>
    %add3A_571 = arith.addi %add3A_570, %iota3A : vector<16xi32>
    %add3A_572 = arith.constant 1 : i32
    %add3A_573 = vector.broadcast %add3A_572 : i32 to vector<16xi32>
    %add3A_574 = arith.addi %add3A_571, %add3A_573 : vector<16xi32>
    %mul3A_575 = arith.constant 8000 : i32
    %mul3A_576 = vector.broadcast %mul3A_575 : i32 to vector<16xi32>
    %mul3A_577 = arith.muli %add3A_574, %mul3A_576 : vector<16xi32>
    %sub3A_578 = arith.constant 1 : i32
    %sub3A_579 = vector.broadcast %sub3A_578 : i32 to vector<16xi32>
    %sub3A_580 = arith.subi %mul3A_577, %sub3A_579 : vector<16xi32>
    %min3A_581 = arith.constant 6399999 : i32
    %min3A_582 = vector.broadcast %min3A_581 : i32 to vector<16xi32>
    %min3A_583 = arith.minsi %sub3A_580, %min3A_582 : vector<16xi32>
    %swap3A_584 = arith.constant 3 : i32
    %swap3A_585 = arith.index_cast %swap3A_584 : i32 to index
    %swap3A_586 = arith.constant 96 : index
    %swap3A_587 = tpu.vector_load %arg21[%swap3A_585, %swap3A_586] {strides = array<i32>} : memref<7x128xi32, #tpu.memory_space<vmem>>, vector<16xi32>,
    tpu.vector_store %arg21[%swap3A_585, %swap3A_586], %min3A_583 {strides = array<i32>} : memref<7x128xi32, #tpu.memory_space<vmem>>, vector<16xi32>,
    %add3A_588 = arith.constant 496 : i32
    %add3A_589 = vector.broadcast %add3A_588 : i32 to vector<16xi32>
    %add3A_590 = arith.addi %add3A_589, %iota3A : vector<16xi32>
    %add3A_591 = arith.constant 1 : i32
    %add3A_592 = vector.broadcast %add3A_591 : i32 to vector<16xi32>
    %add3A_593 = arith.addi %add3A_590, %add3A_592 : vector<16xi32>
    %mul3A_594 = arith.constant 8000 : i32
    %mul3A_595 = vector.broadcast %mul3A_594 : i32 to vector<16xi32>
    %mul3A_596 = arith.muli %add3A_593, %mul3A_595 : vector<16xi32>
    %sub3A_597 = arith.constant 1 : i32
    %sub3A_598 = vector.broadcast %sub3A_597 : i32 to vector<16xi32>
    %sub3A_599 = arith.subi %mul3A_596, %sub3A_598 : vector<16xi32>
    %min3A_600 = arith.constant 6399999 : i32
    %min3A_601 = vector.broadcast %min3A_600 : i32 to vector<16xi32>
    %min3A_602 = arith.minsi %sub3A_599, %min3A_601 : vector<16xi32>
    %swap3A_603 = arith.constant 3 : i32
    %swap3A_604 = arith.index_cast %swap3A_603 : i32 to index
    %swap3A_605 = arith.constant 112 : index
    %swap3A_606 = tpu.vector_load %arg21[%swap3A_604, %swap3A_605] {strides = array<i32>} : memref<7x128xi32, #tpu.memory_space<vmem>>, vector<16xi32>,
    tpu.vector_store %arg21[%swap3A_604, %swap3A_605], %min3A_602 {strides = array<i32>} : memref<7x128xi32, #tpu.memory_space<vmem>>, vector<16xi32>,
    %add3A_607 = arith.constant 512 : i32
    %add3A_608 = vector.broadcast %add3A_607 : i32 to vector<16xi32>
    %add3A_609 = arith.addi %add3A_608, %iota3A : vector<16xi32>
    %add3A_610 = arith.constant 1 : i32
    %add3A_611 = vector.broadcast %add3A_610 : i32 to vector<16xi32>
    %add3A_612 = arith.addi %add3A_609, %add3A_611 : vector<16xi32>
    %mul3A_613 = arith.constant 8000 : i32
    %mul3A_614 = vector.broadcast %mul3A_613 : i32 to vector<16xi32>
    %mul3A_615 = arith.muli %add3A_612, %mul3A_614 : vector<16xi32>
    %sub3A_616 = arith.constant 1 : i32
    %sub3A_617 = vector.broadcast %sub3A_616 : i32 to vector<16xi32>
    %sub3A_618 = arith.subi %mul3A_615, %sub3A_617 : vector<16xi32>
    %min3A_619 = arith.constant 6399999 : i32
    %min3A_620 = vector.broadcast %min3A_619 : i32 to vector<16xi32>
    %min3A_621 = arith.minsi %sub3A_618, %min3A_620 : vector<16xi32>
    %swap3A_622 = arith.constant 4 : i32
    %swap3A_623 = arith.index_cast %swap3A_622 : i32 to index
    %swap3A_624 = arith.constant 0 : index
    %swap3A_625 = tpu.vector_load %arg21[%swap3A_623, %swap3A_624] {strides = array<i32>} : memref<7x128xi32, #tpu.memory_space<vmem>>, vector<16xi32>,
    tpu.vector_store %arg21[%swap3A_623, %swap3A_624], %min3A_621 {strides = array<i32>} : memref<7x128xi32, #tpu.memory_space<vmem>>, vector<16xi32>,
    %add3A_626 = arith.constant 528 : i32
    %add3A_627 = vector.broadcast %add3A_626 : i32 to vector<16xi32>
    %add3A_628 = arith.addi %add3A_627, %iota3A : vector<16xi32>
    %add3A_629 = arith.constant 1 : i32
    %add3A_630 = vector.broadcast %add3A_629 : i32 to vector<16xi32>
    %add3A_631 = arith.addi %add3A_628, %add3A_630 : vector<16xi32>
    %mul3A_632 = arith.constant 8000 : i32
    %mul3A_633 = vector.broadcast %mul3A_632 : i32 to vector<16xi32>
    %mul3A_634 = arith.muli %add3A_631, %mul3A_633 : vector<16xi32>
    %sub3A_635 = arith.constant 1 : i32
    %sub3A_636 = vector.broadcast %sub3A_635 : i32 to vector<16xi32>
    %sub3A_637 = arith.subi %mul3A_634, %sub3A_636 : vector<16xi32>
    %min3A_638 = arith.constant 6399999 : i32
    %min3A_639 = vector.broadcast %min3A_638 : i32 to vector<16xi32>
    %min3A_640 = arith.minsi %sub3A_637, %min3A_639 : vector<16xi32>
    %swap3A_641 = arith.constant 4 : i32
    %swap3A_642 = arith.index_cast %swap3A_641 : i32 to index
    %swap3A_643 = arith.constant 16 : index
    %swap3A_644 = tpu.vector_load %arg21[%swap3A_642, %swap3A_643] {strides = array<i32>} : memref<7x128xi32, #tpu.memory_space<vmem>>, vector<16xi32>,
    tpu.vector_store %arg21[%swap3A_642, %swap3A_643], %min3A_640 {strides = array<i32>} : memref<7x128xi32, #tpu.memory_space<vmem>>, vector<16xi32>,
    %add3A_645 = arith.constant 544 : i32
    %add3A_646 = vector.broadcast %add3A_645 : i32 to vector<16xi32>
    %add3A_647 = arith.addi %add3A_646, %iota3A : vector<16xi32>
    %add3A_648 = arith.constant 1 : i32
    %add3A_649 = vector.broadcast %add3A_648 : i32 to vector<16xi32>
    %add3A_650 = arith.addi %add3A_647, %add3A_649 : vector<16xi32>
    %mul3A_651 = arith.constant 8000 : i32
    %mul3A_652 = vector.broadcast %mul3A_651 : i32 to vector<16xi32>
    %mul3A_653 = arith.muli %add3A_650, %mul3A_652 : vector<16xi32>
    %sub3A_654 = arith.constant 1 : i32
    %sub3A_655 = vector.broadcast %sub3A_654 : i32 to vector<16xi32>
    %sub3A_656 = arith.subi %mul3A_653, %sub3A_655 : vector<16xi32>
    %min3A_657 = arith.constant 6399999 : i32
    %min3A_658 = vector.broadcast %min3A_657 : i32 to vector<16xi32>
    %min3A_659 = arith.minsi %sub3A_656, %min3A_658 : vector<16xi32>
    %swap3A_660 = arith.constant 4 : i32
    %swap3A_661 = arith.index_cast %swap3A_660 : i32 to index
    %swap3A_662 = arith.constant 32 : index
    %swap3A_663 = tpu.vector_load %arg21[%swap3A_661, %swap3A_662] {strides = array<i32>} : memref<7x128xi32, #tpu.memory_space<vmem>>, vector<16xi32>,
    tpu.vector_store %arg21[%swap3A_661, %swap3A_662], %min3A_659 {strides = array<i32>} : memref<7x128xi32, #tpu.memory_space<vmem>>, vector<16xi32>,
    %add3A_664 = arith.constant 560 : i32
    %add3A_665 = vector.broadcast %add3A_664 : i32 to vector<16xi32>
    %add3A_666 = arith.addi %add3A_665, %iota3A : vector<16xi32>
    %add3A_667 = arith.constant 1 : i32
    %add3A_668 = vector.broadcast %add3A_667 : i32 to vector<16xi32>
    %add3A_669 = arith.addi %add3A_666, %add3A_668 : vector<16xi32>
    %mul3A_670 = arith.constant 8000 : i32
    %mul3A_671 = vector.broadcast %mul3A_670 : i32 to vector<16xi32>
    %mul3A_672 = arith.muli %add3A_669, %mul3A_671 : vector<16xi32>
    %sub3A_673 = arith.constant 1 : i32
    %sub3A_674 = vector.broadcast %sub3A_673 : i32 to vector<16xi32>
    %sub3A_675 = arith.subi %mul3A_672, %sub3A_674 : vector<16xi32>
    %min3A_676 = arith.constant 6399999 : i32
    %min3A_677 = vector.broadcast %min3A_676 : i32 to vector<16xi32>
    %min3A_678 = arith.minsi %sub3A_675, %min3A_677 : vector<16xi32>
    %swap3A_679 = arith.constant 4 : i32
    %swap3A_680 = arith.index_cast %swap3A_679 : i32 to index
    %swap3A_681 = arith.constant 48 : index
    %swap3A_682 = tpu.vector_load %arg21[%swap3A_680, %swap3A_681] {strides = array<i32>} : memref<7x128xi32, #tpu.memory_space<vmem>>, vector<16xi32>,
    tpu.vector_store %arg21[%swap3A_680, %swap3A_681], %min3A_678 {strides = array<i32>} : memref<7x128xi32, #tpu.memory_space<vmem>>, vector<16xi32>,
    %add3A_683 = arith.constant 576 : i32
    %add3A_684 = vector.broadcast %add3A_683 : i32 to vector<16xi32>
    %add3A_685 = arith.addi %add3A_684, %iota3A : vector<16xi32>
    %add3A_686 = arith.constant 1 : i32
    %add3A_687 = vector.broadcast %add3A_686 : i32 to vector<16xi32>
    %add3A_688 = arith.addi %add3A_685, %add3A_687 : vector<16xi32>
    %mul3A_689 = arith.constant 8000 : i32
    %mul3A_690 = vector.broadcast %mul3A_689 : i32 to vector<16xi32>
    %mul3A_691 = arith.muli %add3A_688, %mul3A_690 : vector<16xi32>
    %sub3A_692 = arith.constant 1 : i32
    %sub3A_693 = vector.broadcast %sub3A_692 : i32 to vector<16xi32>
    %sub3A_694 = arith.subi %mul3A_691, %sub3A_693 : vector<16xi32>
    %min3A_695 = arith.constant 6399999 : i32
    %min3A_696 = vector.broadcast %min3A_695 : i32 to vector<16xi32>
    %min3A_697 = arith.minsi %sub3A_694, %min3A_696 : vector<16xi32>
    %swap3A_698 = arith.constant 4 : i32
    %swap3A_699 = arith.index_cast %swap3A_698 : i32 to index
    %swap3A_700 = arith.constant 64 : index
    %swap3A_701 = tpu.vector_load %arg21[%swap3A_699, %swap3A_700] {strides = array<i32>} : memref<7x128xi32, #tpu.memory_space<vmem>>, vector<16xi32>,
    tpu.vector_store %arg21[%swap3A_699, %swap3A_700], %min3A_697 {strides = array<i32>} : memref<7x128xi32, #tpu.memory_space<vmem>>, vector<16xi32>,
    %add3A_702 = arith.constant 592 : i32
    %add3A_703 = vector.broadcast %add3A_702 : i32 to vector<16xi32>
    %add3A_704 = arith.addi %add3A_703, %iota3A : vector<16xi32>
    %add3A_705 = arith.constant 1 : i32
    %add3A_706 = vector.broadcast %add3A_705 : i32 to vector<16xi32>
    %add3A_707 = arith.addi %add3A_704, %add3A_706 : vector<16xi32>
    %mul3A_708 = arith.constant 8000 : i32
    %mul3A_709 = vector.broadcast %mul3A_708 : i32 to vector<16xi32>
    %mul3A_710 = arith.muli %add3A_707, %mul3A_709 : vector<16xi32>
    %sub3A_711 = arith.constant 1 : i32
    %sub3A_712 = vector.broadcast %sub3A_711 : i32 to vector<16xi32>
    %sub3A_713 = arith.subi %mul3A_710, %sub3A_712 : vector<16xi32>
    %min3A_714 = arith.constant 6399999 : i32
    %min3A_715 = vector.broadcast %min3A_714 : i32 to vector<16xi32>
    %min3A_716 = arith.minsi %sub3A_713, %min3A_715 : vector<16xi32>
    %swap3A_717 = arith.constant 4 : i32
    %swap3A_718 = arith.index_cast %swap3A_717 : i32 to index
    %swap3A_719 = arith.constant 80 : index
    %swap3A_720 = tpu.vector_load %arg21[%swap3A_718, %swap3A_719] {strides = array<i32>} : memref<7x128xi32, #tpu.memory_space<vmem>>, vector<16xi32>,
    tpu.vector_store %arg21[%swap3A_718, %swap3A_719], %min3A_716 {strides = array<i32>} : memref<7x128xi32, #tpu.memory_space<vmem>>, vector<16xi32>,
    %add3A_721 = arith.constant 608 : i32
    %add3A_722 = vector.broadcast %add3A_721 : i32 to vector<16xi32>
    %add3A_723 = arith.addi %add3A_722, %iota3A : vector<16xi32>
    %add3A_724 = arith.constant 1 : i32
    %add3A_725 = vector.broadcast %add3A_724 : i32 to vector<16xi32>
    %add3A_726 = arith.addi %add3A_723, %add3A_725 : vector<16xi32>
    %mul3A_727 = arith.constant 8000 : i32
    %mul3A_728 = vector.broadcast %mul3A_727 : i32 to vector<16xi32>
    %mul3A_729 = arith.muli %add3A_726, %mul3A_728 : vector<16xi32>
    %sub3A_730 = arith.constant 1 : i32
    %sub3A_731 = vector.broadcast %sub3A_730 : i32 to vector<16xi32>
    %sub3A_732 = arith.subi %mul3A_729, %sub3A_731 : vector<16xi32>
    %min3A_733 = arith.constant 6399999 : i32
    %min3A_734 = vector.broadcast %min3A_733 : i32 to vector<16xi32>
    %min3A_735 = arith.minsi %sub3A_732, %min3A_734 : vector<16xi32>
    %swap3A_736 = arith.constant 4 : i32
    %swap3A_737 = arith.index_cast %swap3A_736 : i32 to index
    %swap3A_738 = arith.constant 96 : index
    %swap3A_739 = tpu.vector_load %arg21[%swap3A_737, %swap3A_738] {strides = array<i32>} : memref<7x128xi32, #tpu.memory_space<vmem>>, vector<16xi32>,
    tpu.vector_store %arg21[%swap3A_737, %swap3A_738], %min3A_735 {strides = array<i32>} : memref<7x128xi32, #tpu.memory_space<vmem>>, vector<16xi32>,
    %add3A_740 = arith.constant 624 : i32
    %add3A_741 = vector.broadcast %add3A_740 : i32 to vector<16xi32>
    %add3A_742 = arith.addi %add3A_741, %iota3A : vector<16xi32>
    %add3A_743 = arith.constant 1 : i32
    %add3A_744 = vector.broadcast %add3A_743 : i32 to vector<16xi32>
    %add3A_745 = arith.addi %add3A_742, %add3A_744 : vector<16xi32>
    %mul3A_746 = arith.constant 8000 : i32
    %mul3A_747 = vector.broadcast %mul3A_746 : i32 to vector<16xi32>
    %mul3A_748 = arith.muli %add3A_745, %mul3A_747 : vector<16xi32>
    %sub3A_749 = arith.constant 1 : i32
    %sub3A_750 = vector.broadcast %sub3A_749 : i32 to vector<16xi32>
    %sub3A_751 = arith.subi %mul3A_748, %sub3A_750 : vector<16xi32>
    %min3A_752 = arith.constant 6399999 : i32
    %min3A_753 = vector.broadcast %min3A_752 : i32 to vector<16xi32>
    %min3A_754 = arith.minsi %sub3A_751, %min3A_753 : vector<16xi32>
    %swap3A_755 = arith.constant 4 : i32
    %swap3A_756 = arith.index_cast %swap3A_755 : i32 to index
    %swap3A_757 = arith.constant 112 : index
    %swap3A_758 = tpu.vector_load %arg21[%swap3A_756, %swap3A_757] {strides = array<i32>} : memref<7x128xi32, #tpu.memory_space<vmem>>, vector<16xi32>,
    tpu.vector_store %arg21[%swap3A_756, %swap3A_757], %min3A_754 {strides = array<i32>} : memref<7x128xi32, #tpu.memory_space<vmem>>, vector<16xi32>,
    %add3A_759 = arith.constant 640 : i32
    %add3A_760 = vector.broadcast %add3A_759 : i32 to vector<16xi32>
    %add3A_761 = arith.addi %add3A_760, %iota3A : vector<16xi32>
    %add3A_762 = arith.constant 1 : i32
    %add3A_763 = vector.broadcast %add3A_762 : i32 to vector<16xi32>
    %add3A_764 = arith.addi %add3A_761, %add3A_763 : vector<16xi32>
    %mul3A_765 = arith.constant 8000 : i32
    %mul3A_766 = vector.broadcast %mul3A_765 : i32 to vector<16xi32>
    %mul3A_767 = arith.muli %add3A_764, %mul3A_766 : vector<16xi32>
    %sub3A_768 = arith.constant 1 : i32
    %sub3A_769 = vector.broadcast %sub3A_768 : i32 to vector<16xi32>
    %sub3A_770 = arith.subi %mul3A_767, %sub3A_769 : vector<16xi32>
    %min3A_771 = arith.constant 6399999 : i32
    %min3A_772 = vector.broadcast %min3A_771 : i32 to vector<16xi32>
    %min3A_773 = arith.minsi %sub3A_770, %min3A_772 : vector<16xi32>
    %swap3A_774 = arith.constant 5 : i32
    %swap3A_775 = arith.index_cast %swap3A_774 : i32 to index
    %swap3A_776 = arith.constant 0 : index
    %swap3A_777 = tpu.vector_load %arg21[%swap3A_775, %swap3A_776] {strides = array<i32>} : memref<7x128xi32, #tpu.memory_space<vmem>>, vector<16xi32>,
    tpu.vector_store %arg21[%swap3A_775, %swap3A_776], %min3A_773 {strides = array<i32>} : memref<7x128xi32, #tpu.memory_space<vmem>>, vector<16xi32>,
    %add3A_778 = arith.constant 656 : i32
    %add3A_779 = vector.broadcast %add3A_778 : i32 to vector<16xi32>
    %add3A_780 = arith.addi %add3A_779, %iota3A : vector<16xi32>
    %add3A_781 = arith.constant 1 : i32
    %add3A_782 = vector.broadcast %add3A_781 : i32 to vector<16xi32>
    %add3A_783 = arith.addi %add3A_780, %add3A_782 : vector<16xi32>
    %mul3A_784 = arith.constant 8000 : i32
    %mul3A_785 = vector.broadcast %mul3A_784 : i32 to vector<16xi32>
    %mul3A_786 = arith.muli %add3A_783, %mul3A_785 : vector<16xi32>
    %sub3A_787 = arith.constant 1 : i32
    %sub3A_788 = vector.broadcast %sub3A_787 : i32 to vector<16xi32>
    %sub3A_789 = arith.subi %mul3A_786, %sub3A_788 : vector<16xi32>
    %min3A_790 = arith.constant 6399999 : i32
    %min3A_791 = vector.broadcast %min3A_790 : i32 to vector<16xi32>
    %min3A_792 = arith.minsi %sub3A_789, %min3A_791 : vector<16xi32>
    %swap3A_793 = arith.constant 5 : i32
    %swap3A_794 = arith.index_cast %swap3A_793 : i32 to index
    %swap3A_795 = arith.constant 16 : index
    %swap3A_796 = tpu.vector_load %arg21[%swap3A_794, %swap3A_795] {strides = array<i32>} : memref<7x128xi32, #tpu.memory_space<vmem>>, vector<16xi32>,
    tpu.vector_store %arg21[%swap3A_794, %swap3A_795], %min3A_792 {strides = array<i32>} : memref<7x128xi32, #tpu.memory_space<vmem>>, vector<16xi32>,
    %add3A_797 = arith.constant 672 : i32
    %add3A_798 = vector.broadcast %add3A_797 : i32 to vector<16xi32>
    %add3A_799 = arith.addi %add3A_798, %iota3A : vector<16xi32>
    %add3A_800 = arith.constant 1 : i32
    %add3A_801 = vector.broadcast %add3A_800 : i32 to vector<16xi32>
    %add3A_802 = arith.addi %add3A_799, %add3A_801 : vector<16xi32>
    %mul3A_803 = arith.constant 8000 : i32
    %mul3A_804 = vector.broadcast %mul3A_803 : i32 to vector<16xi32>
    %mul3A_805 = arith.muli %add3A_802, %mul3A_804 : vector<16xi32>
    %sub3A_806 = arith.constant 1 : i32
    %sub3A_807 = vector.broadcast %sub3A_806 : i32 to vector<16xi32>
    %sub3A_808 = arith.subi %mul3A_805, %sub3A_807 : vector<16xi32>
    %min3A_809 = arith.constant 6399999 : i32
    %min3A_810 = vector.broadcast %min3A_809 : i32 to vector<16xi32>
    %min3A_811 = arith.minsi %sub3A_808, %min3A_810 : vector<16xi32>
    %swap3A_812 = arith.constant 5 : i32
    %swap3A_813 = arith.index_cast %swap3A_812 : i32 to index
    %swap3A_814 = arith.constant 32 : index
    %swap3A_815 = tpu.vector_load %arg21[%swap3A_813, %swap3A_814] {strides = array<i32>} : memref<7x128xi32, #tpu.memory_space<vmem>>, vector<16xi32>,
    tpu.vector_store %arg21[%swap3A_813, %swap3A_814], %min3A_811 {strides = array<i32>} : memref<7x128xi32, #tpu.memory_space<vmem>>, vector<16xi32>,
    %add3A_816 = arith.constant 688 : i32
    %add3A_817 = vector.broadcast %add3A_816 : i32 to vector<16xi32>
    %add3A_818 = arith.addi %add3A_817, %iota3A : vector<16xi32>
    %add3A_819 = arith.constant 1 : i32
    %add3A_820 = vector.broadcast %add3A_819 : i32 to vector<16xi32>
    %add3A_821 = arith.addi %add3A_818, %add3A_820 : vector<16xi32>
    %mul3A_822 = arith.constant 8000 : i32
    %mul3A_823 = vector.broadcast %mul3A_822 : i32 to vector<16xi32>
    %mul3A_824 = arith.muli %add3A_821, %mul3A_823 : vector<16xi32>
    %sub3A_825 = arith.constant 1 : i32
    %sub3A_826 = vector.broadcast %sub3A_825 : i32 to vector<16xi32>
    %sub3A_827 = arith.subi %mul3A_824, %sub3A_826 : vector<16xi32>
    %min3A_828 = arith.constant 6399999 : i32
    %min3A_829 = vector.broadcast %min3A_828 : i32 to vector<16xi32>
    %min3A_830 = arith.minsi %sub3A_827, %min3A_829 : vector<16xi32>
    %swap3A_831 = arith.constant 5 : i32
    %swap3A_832 = arith.index_cast %swap3A_831 : i32 to index
    %swap3A_833 = arith.constant 48 : index
    %swap3A_834 = tpu.vector_load %arg21[%swap3A_832, %swap3A_833] {strides = array<i32>} : memref<7x128xi32, #tpu.memory_space<vmem>>, vector<16xi32>,
    tpu.vector_store %arg21[%swap3A_832, %swap3A_833], %min3A_830 {strides = array<i32>} : memref<7x128xi32, #tpu.memory_space<vmem>>, vector<16xi32>,
    %add3A_835 = arith.constant 704 : i32
    %add3A_836 = vector.broadcast %add3A_835 : i32 to vector<16xi32>
    %add3A_837 = arith.addi %add3A_836, %iota3A : vector<16xi32>
    %add3A_838 = arith.constant 1 : i32
    %add3A_839 = vector.broadcast %add3A_838 : i32 to vector<16xi32>
    %add3A_840 = arith.addi %add3A_837, %add3A_839 : vector<16xi32>
    %mul3A_841 = arith.constant 8000 : i32
    %mul3A_842 = vector.broadcast %mul3A_841 : i32 to vector<16xi32>
    %mul3A_843 = arith.muli %add3A_840, %mul3A_842 : vector<16xi32>
    %sub3A_844 = arith.constant 1 : i32
    %sub3A_845 = vector.broadcast %sub3A_844 : i32 to vector<16xi32>
    %sub3A_846 = arith.subi %mul3A_843, %sub3A_845 : vector<16xi32>
    %min3A_847 = arith.constant 6399999 : i32
    %min3A_848 = vector.broadcast %min3A_847 : i32 to vector<16xi32>
    %min3A_849 = arith.minsi %sub3A_846, %min3A_848 : vector<16xi32>
    %swap3A_850 = arith.constant 5 : i32
    %swap3A_851 = arith.index_cast %swap3A_850 : i32 to index
    %swap3A_852 = arith.constant 64 : index
    %swap3A_853 = tpu.vector_load %arg21[%swap3A_851, %swap3A_852] {strides = array<i32>} : memref<7x128xi32, #tpu.memory_space<vmem>>, vector<16xi32>,
    tpu.vector_store %arg21[%swap3A_851, %swap3A_852], %min3A_849 {strides = array<i32>} : memref<7x128xi32, #tpu.memory_space<vmem>>, vector<16xi32>,
    %add3A_854 = arith.constant 720 : i32
    %add3A_855 = vector.broadcast %add3A_854 : i32 to vector<16xi32>
    %add3A_856 = arith.addi %add3A_855, %iota3A : vector<16xi32>
    %add3A_857 = arith.constant 1 : i32
    %add3A_858 = vector.broadcast %add3A_857 : i32 to vector<16xi32>
    %add3A_859 = arith.addi %add3A_856, %add3A_858 : vector<16xi32>
    %mul3A_860 = arith.constant 8000 : i32
    %mul3A_861 = vector.broadcast %mul3A_860 : i32 to vector<16xi32>
    %mul3A_862 = arith.muli %add3A_859, %mul3A_861 : vector<16xi32>
    %sub3A_863 = arith.constant 1 : i32
    %sub3A_864 = vector.broadcast %sub3A_863 : i32 to vector<16xi32>
    %sub3A_865 = arith.subi %mul3A_862, %sub3A_864 : vector<16xi32>
    %min3A_866 = arith.constant 6399999 : i32
    %min3A_867 = vector.broadcast %min3A_866 : i32 to vector<16xi32>
    %min3A_868 = arith.minsi %sub3A_865, %min3A_867 : vector<16xi32>
    %swap3A_869 = arith.constant 5 : i32
    %swap3A_870 = arith.index_cast %swap3A_869 : i32 to index
    %swap3A_871 = arith.constant 80 : index
    %swap3A_872 = tpu.vector_load %arg21[%swap3A_870, %swap3A_871] {strides = array<i32>} : memref<7x128xi32, #tpu.memory_space<vmem>>, vector<16xi32>,
    tpu.vector_store %arg21[%swap3A_870, %swap3A_871], %min3A_868 {strides = array<i32>} : memref<7x128xi32, #tpu.memory_space<vmem>>, vector<16xi32>,
    %add3A_873 = arith.constant 736 : i32
    %add3A_874 = vector.broadcast %add3A_873 : i32 to vector<16xi32>
    %add3A_875 = arith.addi %add3A_874, %iota3A : vector<16xi32>
    %add3A_876 = arith.constant 1 : i32
    %add3A_877 = vector.broadcast %add3A_876 : i32 to vector<16xi32>
    %add3A_878 = arith.addi %add3A_875, %add3A_877 : vector<16xi32>
    %mul3A_879 = arith.constant 8000 : i32
    %mul3A_880 = vector.broadcast %mul3A_879 : i32 to vector<16xi32>
    %mul3A_881 = arith.muli %add3A_878, %mul3A_880 : vector<16xi32>
    %sub3A_882 = arith.constant 1 : i32
    %sub3A_883 = vector.broadcast %sub3A_882 : i32 to vector<16xi32>
    %sub3A_884 = arith.subi %mul3A_881, %sub3A_883 : vector<16xi32>
    %min3A_885 = arith.constant 6399999 : i32
    %min3A_886 = vector.broadcast %min3A_885 : i32 to vector<16xi32>
    %min3A_887 = arith.minsi %sub3A_884, %min3A_886 : vector<16xi32>
    %swap3A_888 = arith.constant 5 : i32
    %swap3A_889 = arith.index_cast %swap3A_888 : i32 to index
    %swap3A_890 = arith.constant 96 : index
    %swap3A_891 = tpu.vector_load %arg21[%swap3A_889, %swap3A_890] {strides = array<i32>} : memref<7x128xi32, #tpu.memory_space<vmem>>, vector<16xi32>,
    tpu.vector_store %arg21[%swap3A_889, %swap3A_890], %min3A_887 {strides = array<i32>} : memref<7x128xi32, #tpu.memory_space<vmem>>, vector<16xi32>,
    %add3A_892 = arith.constant 752 : i32
    %add3A_893 = vector.broadcast %add3A_892 : i32 to vector<16xi32>
    %add3A_894 = arith.addi %add3A_893, %iota3A : vector<16xi32>
    %add3A_895 = arith.constant 1 : i32
    %add3A_896 = vector.broadcast %add3A_895 : i32 to vector<16xi32>
    %add3A_897 = arith.addi %add3A_894, %add3A_896 : vector<16xi32>
    %mul3A_898 = arith.constant 8000 : i32
    %mul3A_899 = vector.broadcast %mul3A_898 : i32 to vector<16xi32>
    %mul3A_900 = arith.muli %add3A_897, %mul3A_899 : vector<16xi32>
    %sub3A_901 = arith.constant 1 : i32
    %sub3A_902 = vector.broadcast %sub3A_901 : i32 to vector<16xi32>
    %sub3A_903 = arith.subi %mul3A_900, %sub3A_902 : vector<16xi32>
    %min3A_904 = arith.constant 6399999 : i32
    %min3A_905 = vector.broadcast %min3A_904 : i32 to vector<16xi32>
    %min3A_906 = arith.minsi %sub3A_903, %min3A_905 : vector<16xi32>
    %swap3A_907 = arith.constant 5 : i32
    %swap3A_908 = arith.index_cast %swap3A_907 : i32 to index
    %swap3A_909 = arith.constant 112 : index
    %swap3A_910 = tpu.vector_load %arg21[%swap3A_908, %swap3A_909] {strides = array<i32>} : memref<7x128xi32, #tpu.memory_space<vmem>>, vector<16xi32>,
    tpu.vector_store %arg21[%swap3A_908, %swap3A_909], %min3A_906 {strides = array<i32>} : memref<7x128xi32, #tpu.memory_space<vmem>>, vector<16xi32>,
    %add3A_911 = arith.constant 768 : i32
    %add3A_912 = vector.broadcast %add3A_911 : i32 to vector<16xi32>
    %add3A_913 = arith.addi %add3A_912, %iota3A : vector<16xi32>
    %add3A_914 = arith.constant 1 : i32
    %add3A_915 = vector.broadcast %add3A_914 : i32 to vector<16xi32>
    %add3A_916 = arith.addi %add3A_913, %add3A_915 : vector<16xi32>
    %mul3A_917 = arith.constant 8000 : i32
    %mul3A_918 = vector.broadcast %mul3A_917 : i32 to vector<16xi32>
    %mul3A_919 = arith.muli %add3A_916, %mul3A_918 : vector<16xi32>
    %sub3A_920 = arith.constant 1 : i32
    %sub3A_921 = vector.broadcast %sub3A_920 : i32 to vector<16xi32>
    %sub3A_922 = arith.subi %mul3A_919, %sub3A_921 : vector<16xi32>
    %min3A_923 = arith.constant 6399999 : i32
    %min3A_924 = vector.broadcast %min3A_923 : i32 to vector<16xi32>
    %min3A_925 = arith.minsi %sub3A_922, %min3A_924 : vector<16xi32>
    %swap3A_926 = arith.constant 6 : i32
    %swap3A_927 = arith.index_cast %swap3A_926 : i32 to index
    %swap3A_928 = arith.constant 0 : index
    %swap3A_929 = tpu.vector_load %arg21[%swap3A_927, %swap3A_928] {strides = array<i32>} : memref<7x128xi32, #tpu.memory_space<vmem>>, vector<16xi32>,
    tpu.vector_store %arg21[%swap3A_927, %swap3A_928], %min3A_925 {strides = array<i32>} : memref<7x128xi32, #tpu.memory_space<vmem>>, vector<16xi32>,
    %add3A_930 = arith.constant 784 : i32
    %add3A_931 = vector.broadcast %add3A_930 : i32 to vector<16xi32>
    %add3A_932 = arith.addi %add3A_931, %iota3A : vector<16xi32>
    %add3A_933 = arith.constant 1 : i32
    %add3A_934 = vector.broadcast %add3A_933 : i32 to vector<16xi32>
    %add3A_935 = arith.addi %add3A_932, %add3A_934 : vector<16xi32>
    %mul3A_936 = arith.constant 8000 : i32
    %mul3A_937 = vector.broadcast %mul3A_936 : i32 to vector<16xi32>
    %mul3A_938 = arith.muli %add3A_935, %mul3A_937 : vector<16xi32>
    %sub3A_939 = arith.constant 1 : i32
    %sub3A_940 = vector.broadcast %sub3A_939 : i32 to vector<16xi32>
    %sub3A_941 = arith.subi %mul3A_938, %sub3A_940 : vector<16xi32>
    %min3A_942 = arith.constant 6399999 : i32
    %min3A_943 = vector.broadcast %min3A_942 : i32 to vector<16xi32>
    %min3A_944 = arith.minsi %sub3A_941, %min3A_943 : vector<16xi32>
    %swap3A_945 = arith.constant 6 : i32
    %swap3A_946 = arith.index_cast %swap3A_945 : i32 to index
    %swap3A_947 = arith.constant 16 : index
    %swap3A_948 = tpu.vector_load %arg21[%swap3A_946, %swap3A_947] {strides = array<i32>} : memref<7x128xi32, #tpu.memory_space<vmem>>, vector<16xi32>,
    tpu.vector_store %arg21[%swap3A_946, %swap3A_947], %min3A_944 {strides = array<i32>} : memref<7x128xi32, #tpu.memory_space<vmem>>, vector<16xi32>,
    %add3A_949 = arith.constant 800 : i32
    %add3A_950 = vector.broadcast %add3A_949 : i32 to vector<16xi32>
    %add3A_951 = arith.addi %add3A_950, %iota3A : vector<16xi32>
    %add3A_952 = arith.constant 1 : i32
    %add3A_953 = vector.broadcast %add3A_952 : i32 to vector<16xi32>
    %add3A_954 = arith.addi %add3A_951, %add3A_953 : vector<16xi32>
    %mul3A_955 = arith.constant 8000 : i32
    %mul3A_956 = vector.broadcast %mul3A_955 : i32 to vector<16xi32>
    %mul3A_957 = arith.muli %add3A_954, %mul3A_956 : vector<16xi32>
    %sub3A_958 = arith.constant 1 : i32
    %sub3A_959 = vector.broadcast %sub3A_958 : i32 to vector<16xi32>
    %sub3A_960 = arith.subi %mul3A_957, %sub3A_959 : vector<16xi32>
    %min3A_961 = arith.constant 6399999 : i32
    %min3A_962 = vector.broadcast %min3A_961 : i32 to vector<16xi32>
    %min3A_963 = arith.minsi %sub3A_960, %min3A_962 : vector<16xi32>
    %swap3A_964 = arith.constant 6 : i32
    %swap3A_965 = arith.index_cast %swap3A_964 : i32 to index
    %swap3A_966 = arith.constant 32 : index
    %swap3A_967 = tpu.vector_load %arg21[%swap3A_965, %swap3A_966] {strides = array<i32>} : memref<7x128xi32, #tpu.memory_space<vmem>>, vector<16xi32>,
    tpu.vector_store %arg21[%swap3A_965, %swap3A_966], %min3A_963 {strides = array<i32>} : memref<7x128xi32, #tpu.memory_space<vmem>>, vector<16xi32>,
    %add3A_968 = arith.constant 816 : i32
    %add3A_969 = vector.broadcast %add3A_968 : i32 to vector<16xi32>
    %add3A_970 = arith.addi %add3A_969, %iota3A : vector<16xi32>
    %add3A_971 = arith.constant 1 : i32
    %add3A_972 = vector.broadcast %add3A_971 : i32 to vector<16xi32>
    %add3A_973 = arith.addi %add3A_970, %add3A_972 : vector<16xi32>
    %mul3A_974 = arith.constant 8000 : i32
    %mul3A_975 = vector.broadcast %mul3A_974 : i32 to vector<16xi32>
    %mul3A_976 = arith.muli %add3A_973, %mul3A_975 : vector<16xi32>
    %sub3A_977 = arith.constant 1 : i32
    %sub3A_978 = vector.broadcast %sub3A_977 : i32 to vector<16xi32>
    %sub3A_979 = arith.subi %mul3A_976, %sub3A_978 : vector<16xi32>
    %min3A_980 = arith.constant 6399999 : i32
    %min3A_981 = vector.broadcast %min3A_980 : i32 to vector<16xi32>
    %min3A_982 = arith.minsi %sub3A_979, %min3A_981 : vector<16xi32>
    %swap3A_983 = arith.constant 6 : i32
    %swap3A_984 = arith.index_cast %swap3A_983 : i32 to index
    %swap3A_985 = arith.constant 48 : index
    %swap3A_986 = tpu.vector_load %arg21[%swap3A_984, %swap3A_985] {strides = array<i32>} : memref<7x128xi32, #tpu.memory_space<vmem>>, vector<16xi32>,
    tpu.vector_store %arg21[%swap3A_984, %swap3A_985], %min3A_982 {strides = array<i32>} : memref<7x128xi32, #tpu.memory_space<vmem>>, vector<16xi32>,
    %add3A_987 = arith.constant 832 : i32
    %add3A_988 = vector.broadcast %add3A_987 : i32 to vector<16xi32>
    %add3A_989 = arith.addi %add3A_988, %iota3A : vector<16xi32>
    %add3A_990 = arith.constant 1 : i32
    %add3A_991 = vector.broadcast %add3A_990 : i32 to vector<16xi32>
    %add3A_992 = arith.addi %add3A_989, %add3A_991 : vector<16xi32>
    %mul3A_993 = arith.constant 8000 : i32
    %mul3A_994 = vector.broadcast %mul3A_993 : i32 to vector<16xi32>
    %mul3A_995 = arith.muli %add3A_992, %mul3A_994 : vector<16xi32>
    %sub3A_996 = arith.constant 1 : i32
    %sub3A_997 = vector.broadcast %sub3A_996 : i32 to vector<16xi32>
    %sub3A_998 = arith.subi %mul3A_995, %sub3A_997 : vector<16xi32>
    %min3A_999 = arith.constant 6399999 : i32
    %min3A_1000 = vector.broadcast %min3A_999 : i32 to vector<16xi32>
    %min3A_1001 = arith.minsi %sub3A_998, %min3A_1000 : vector<16xi32>
    %swap3A_1002 = arith.constant 6 : i32
    %swap3A_1003 = arith.index_cast %swap3A_1002 : i32 to index
    %swap3A_1004 = arith.constant 64 : index
    %swap3A_1005 = tpu.vector_load %arg21[%swap3A_1003, %swap3A_1004] {strides = array<i32>} : memref<7x128xi32, #tpu.memory_space<vmem>>, vector<16xi32>,
    tpu.vector_store %arg21[%swap3A_1003, %swap3A_1004], %min3A_1001 {strides = array<i32>} : memref<7x128xi32, #tpu.memory_space<vmem>>, vector<16xi32>,
    %add3A_1006 = arith.constant 848 : i32
    %add3A_1007 = vector.broadcast %add3A_1006 : i32 to vector<16xi32>
    %add3A_1008 = arith.addi %add3A_1007, %iota3A : vector<16xi32>
    %add3A_1009 = arith.constant 1 : i32
    %add3A_1010 = vector.broadcast %add3A_1009 : i32 to vector<16xi32>
    %add3A_1011 = arith.addi %add3A_1008, %add3A_1010 : vector<16xi32>
    %mul3A_1012 = arith.constant 8000 : i32
    %mul3A_1013 = vector.broadcast %mul3A_1012 : i32 to vector<16xi32>
    %mul3A_1014 = arith.muli %add3A_1011, %mul3A_1013 : vector<16xi32>
    %sub3A_1015 = arith.constant 1 : i32
    %sub3A_1016 = vector.broadcast %sub3A_1015 : i32 to vector<16xi32>
    %sub3A_1017 = arith.subi %mul3A_1014, %sub3A_1016 : vector<16xi32>
    %min3A_1018 = arith.constant 6399999 : i32
    %min3A_1019 = vector.broadcast %min3A_1018 : i32 to vector<16xi32>
    %min3A_1020 = arith.minsi %sub3A_1017, %min3A_1019 : vector<16xi32>
    %swap3A_1021 = arith.constant 6 : i32
    %swap3A_1022 = arith.index_cast %swap3A_1021 : i32 to index
    %swap3A_1023 = arith.constant 80 : index
    %swap3A_1024 = tpu.vector_load %arg21[%swap3A_1022, %swap3A_1023] {strides = array<i32>} : memref<7x128xi32, #tpu.memory_space<vmem>>, vector<16xi32>,
    tpu.vector_store %arg21[%swap3A_1022, %swap3A_1023], %min3A_1020 {strides = array<i32>} : memref<7x128xi32, #tpu.memory_space<vmem>>, vector<16xi32>,
    %add3A_1025 = arith.constant 864 : i32
    %add3A_1026 = vector.broadcast %add3A_1025 : i32 to vector<16xi32>
    %add3A_1027 = arith.addi %add3A_1026, %iota3A : vector<16xi32>
    %add3A_1028 = arith.constant 1 : i32
    %add3A_1029 = vector.broadcast %add3A_1028 : i32 to vector<16xi32>
    %add3A_1030 = arith.addi %add3A_1027, %add3A_1029 : vector<16xi32>
    %mul3A_1031 = arith.constant 8000 : i32
    %mul3A_1032 = vector.broadcast %mul3A_1031 : i32 to vector<16xi32>
    %mul3A_1033 = arith.muli %add3A_1030, %mul3A_1032 : vector<16xi32>
    %sub3A_1034 = arith.constant 1 : i32
    %sub3A_1035 = vector.broadcast %sub3A_1034 : i32 to vector<16xi32>
    %sub3A_1036 = arith.subi %mul3A_1033, %sub3A_1035 : vector<16xi32>
    %min3A_1037 = arith.constant 6399999 : i32
    %min3A_1038 = vector.broadcast %min3A_1037 : i32 to vector<16xi32>
    %min3A_1039 = arith.minsi %sub3A_1036, %min3A_1038 : vector<16xi32>
    %swap3A_1040 = arith.constant 6 : i32
    %swap3A_1041 = arith.index_cast %swap3A_1040 : i32 to index
    %swap3A_1042 = arith.constant 96 : index
    %swap3A_1043 = tpu.vector_load %arg21[%swap3A_1041, %swap3A_1042] {strides = array<i32>} : memref<7x128xi32, #tpu.memory_space<vmem>>, vector<16xi32>,
    tpu.vector_store %arg21[%swap3A_1041, %swap3A_1042], %min3A_1039 {strides = array<i32>} : memref<7x128xi32, #tpu.memory_space<vmem>>, vector<16xi32>,
    %add3A_1044 = arith.constant 880 : i32
    %add3A_1045 = vector.broadcast %add3A_1044 : i32 to vector<16xi32>
    %add3A_1046 = arith.addi %add3A_1045, %iota3A : vector<16xi32>
    %add3A_1047 = arith.constant 1 : i32
    %add3A_1048 = vector.broadcast %add3A_1047 : i32 to vector<16xi32>
    %add3A_1049 = arith.addi %add3A_1046, %add3A_1048 : vector<16xi32>
    %mul3A_1050 = arith.constant 8000 : i32
    %mul3A_1051 = vector.broadcast %mul3A_1050 : i32 to vector<16xi32>
    %mul3A_1052 = arith.muli %add3A_1049, %mul3A_1051 : vector<16xi32>
    %sub3A_1053 = arith.constant 1 : i32
    %sub3A_1054 = vector.broadcast %sub3A_1053 : i32 to vector<16xi32>
    %sub3A_1055 = arith.subi %mul3A_1052, %sub3A_1054 : vector<16xi32>
    %min3A_1056 = arith.constant 6399999 : i32
    %min3A_1057 = vector.broadcast %min3A_1056 : i32 to vector<16xi32>
    %min3A_1058 = arith.minsi %sub3A_1055, %min3A_1057 : vector<16xi32>
    %swap3A_1059 = arith.constant 6 : i32
    %swap3A_1060 = arith.index_cast %swap3A_1059 : i32 to index
    %swap3A_1061 = arith.constant 112 : index
    %swap3A_1062 = tpu.vector_load %arg21[%swap3A_1060, %swap3A_1061] {strides = array<i32>} : memref<7x128xi32, #tpu.memory_space<vmem>>, vector<16xi32>,
    tpu.vector_store %arg21[%swap3A_1060, %swap3A_1061], %min3A_1058 {strides = array<i32>} : memref<7x128xi32, #tpu.memory_space<vmem>>, vector<16xi32>,
    %dma_start3A = arith.constant 0 : i32
    %dma_start3A_1063 = arith.constant 0 : i32
    %dma_start3A_1064 = tpu.memref_slice %arg20[%dma_start3A_1063] : memref<896xi32, #tpu.memory_space<vmem>> -> memref<128xi32, #tpu.memory_space<vmem>>
    %dma_start3A_1065 = arith.constant 0 : i32
    %dma_start3A_1066 = tpu.memref_slice %arg21[%dma_start3A, %dma_start3A_1065] : memref<7x128xi32, #tpu.memory_space<vmem>> -> memref<1x128xi32, #tpu.memory_space<vmem>>
    %dma_start3A_1067 = tpu.memref_squeeze %dma_start3A_1066 : memref<1x128xi32, #tpu.memory_space<vmem>> -> memref<128xi32, #tpu.memory_space<vmem>>
    %dma_start3A_1068 = arith.constant 0 : i32
    %dma_start3A_1069 = tpu.memref_slice %arg4[%dma_start3A_1068] : memref<6400000xi32, #tpu.memory_space<hbm>> -> memref<6400000xi32, #tpu.memory_space<hbm>>
    tpu.enqueue_indirect_dma source(%dma_start3A_1069 : memref<6400000xi32, #tpu.memory_space<hbm>>) target(%dma_start3A_1064 : memref<128xi32, #tpu.memory_space<vmem>>) offsets(%dma_start3A_1067 : memref<128xi32, #tpu.memory_space<vmem>>) semaphore(%arg22 : memref<!tpu.dma_semaphore, #tpu.memory_space<semaphore_mem>>)
    %dma_wait3A = arith.constant 0 : i32
    %dma_wait3A_1070 = arith.constant 0 : i32
    %dma_wait3A_1071 = tpu.memref_slice %arg20[%dma_wait3A_1070] : memref<896xi32, #tpu.memory_space<vmem>> -> memref<128xi32, #tpu.memory_space<vmem>>
    %dma_wait3A_1072 = arith.constant 0 : i32
    %dma_wait3A_1073 = tpu.memref_slice %arg21[%dma_wait3A, %dma_wait3A_1072] : memref<7x128xi32, #tpu.memory_space<vmem>> -> memref<1x128xi32, #tpu.memory_space<vmem>>
    %dma_wait3A_1074 = tpu.memref_squeeze %dma_wait3A_1073 : memref<1x128xi32, #tpu.memory_space<vmem>> -> memref<128xi32, #tpu.memory_space<vmem>>
    %dma_wait3A_1075 = arith.constant 0 : i32
    %dma_wait3A_1076 = tpu.memref_slice %arg4[%dma_wait3A_1075] : memref<6400000xi32, #tpu.memory_space<hbm>> -> memref<6400000xi32, #tpu.memory_space<hbm>>
    tpu.wait_indirect_dma semaphore(%arg22 : memref<!tpu.dma_semaphore, #tpu.memory_space<semaphore_mem>>) src(%dma_wait3A_1076 : memref<6400000xi32, #tpu.memory_space<hbm>>) dst(%dma_wait3A_1071 : memref<128xi32, #tpu.memory_space<vmem>>)
    %dma_start3A_1077 = arith.constant 1 : i32
    %dma_start3A_1078 = arith.constant 128 : i32
    %dma_start3A_1079 = tpu.memref_slice %arg20[%dma_start3A_1078] : memref<896xi32, #tpu.memory_space<vmem>> -> memref<128xi32, #tpu.memory_space<vmem>>
    %dma_start3A_1080 = arith.constant 0 : i32
    %dma_start3A_1081 = tpu.memref_slice %arg21[%dma_start3A_1077, %dma_start3A_1080] : memref<7x128xi32, #tpu.memory_space<vmem>> -> memref<1x128xi32, #tpu.memory_space<vmem>>
    %dma_start3A_1082 = tpu.memref_squeeze %dma_start3A_1081 : memref<1x128xi32, #tpu.memory_space<vmem>> -> memref<128xi32, #tpu.memory_space<vmem>>
    %dma_start3A_1083 = arith.constant 0 : i32
    %dma_start3A_1084 = tpu.memref_slice %arg4[%dma_start3A_1083] : memref<6400000xi32, #tpu.memory_space<hbm>> -> memref<6400000xi32, #tpu.memory_space<hbm>>
    tpu.enqueue_indirect_dma source(%dma_start3A_1084 : memref<6400000xi32, #tpu.memory_space<hbm>>) target(%dma_start3A_1079 : memref<128xi32, #tpu.memory_space<vmem>>) offsets(%dma_start3A_1082 : memref<128xi32, #tpu.memory_space<vmem>>) semaphore(%arg22 : memref<!tpu.dma_semaphore, #tpu.memory_space<semaphore_mem>>)
    %dma_wait3A_1085 = arith.constant 1 : i32
    %dma_wait3A_1086 = arith.constant 128 : i32
    %dma_wait3A_1087 = tpu.memref_slice %arg20[%dma_wait3A_1086] : memref<896xi32, #tpu.memory_space<vmem>> -> memref<128xi32, #tpu.memory_space<vmem>>
    %dma_wait3A_1088 = arith.constant 0 : i32
    %dma_wait3A_1089 = tpu.memref_slice %arg21[%dma_wait3A_1085, %dma_wait3A_1088] : memref<7x128xi32, #tpu.memory_space<vmem>> -> memref<1x128xi32, #tpu.memory_space<vmem>>
    %dma_wait3A_1090 = tpu.memref_squeeze %dma_wait3A_1089 : memref<1x128xi32, #tpu.memory_space<vmem>> -> memref<128xi32, #tpu.memory_space<vmem>>
    %dma_wait3A_1091 = arith.constant 0 : i32
    %dma_wait3A_1092 = tpu.memref_slice %arg4[%dma_wait3A_1091] : memref<6400000xi32, #tpu.memory_space<hbm>> -> memref<6400000xi32, #tpu.memory_space<hbm>>
    tpu.wait_indirect_dma semaphore(%arg22 : memref<!tpu.dma_semaphore, #tpu.memory_space<semaphore_mem>>) src(%dma_wait3A_1092 : memref<6400000xi32, #tpu.memory_space<hbm>>) dst(%dma_wait3A_1087 : memref<128xi32, #tpu.memory_space<vmem>>)
    %dma_start3A_1093 = arith.constant 2 : i32
    %dma_start3A_1094 = arith.constant 256 : i32
    %dma_start3A_1095 = tpu.memref_slice %arg20[%dma_start3A_1094] : memref<896xi32, #tpu.memory_space<vmem>> -> memref<128xi32, #tpu.memory_space<vmem>>
    %dma_start3A_1096 = arith.constant 0 : i32
    %dma_start3A_1097 = tpu.memref_slice %arg21[%dma_start3A_1093, %dma_start3A_1096] : memref<7x128xi32, #tpu.memory_space<vmem>> -> memref<1x128xi32, #tpu.memory_space<vmem>>
    %dma_start3A_1098 = tpu.memref_squeeze %dma_start3A_1097 : memref<1x128xi32, #tpu.memory_space<vmem>> -> memref<128xi32, #tpu.memory_space<vmem>>
    %dma_start3A_1099 = arith.constant 0 : i32
    %dma_start3A_1100 = tpu.memref_slice %arg4[%dma_start3A_1099] : memref<6400000xi32, #tpu.memory_space<hbm>> -> memref<6400000xi32, #tpu.memory_space<hbm>>
    tpu.enqueue_indirect_dma source(%dma_start3A_1100 : memref<6400000xi32, #tpu.memory_space<hbm>>) target(%dma_start3A_1095 : memref<128xi32, #tpu.memory_space<vmem>>) offsets(%dma_start3A_1098 : memref<128xi32, #tpu.memory_space<vmem>>) semaphore(%arg22 : memref<!tpu.dma_semaphore, #tpu.memory_space<semaphore_mem>>)
    %dma_wait3A_1101 = arith.constant 2 : i32
    %dma_wait3A_1102 = arith.constant 256 : i32
    %dma_wait3A_1103 = tpu.memref_slice %arg20[%dma_wait3A_1102] : memref<896xi32, #tpu.memory_space<vmem>> -> memref<128xi32, #tpu.memory_space<vmem>>
    %dma_wait3A_1104 = arith.constant 0 : i32
    %dma_wait3A_1105 = tpu.memref_slice %arg21[%dma_wait3A_1101, %dma_wait3A_1104] : memref<7x128xi32, #tpu.memory_space<vmem>> -> memref<1x128xi32, #tpu.memory_space<vmem>>
    %dma_wait3A_1106 = tpu.memref_squeeze %dma_wait3A_1105 : memref<1x128xi32, #tpu.memory_space<vmem>> -> memref<128xi32, #tpu.memory_space<vmem>>
    %dma_wait3A_1107 = arith.constant 0 : i32
    %dma_wait3A_1108 = tpu.memref_slice %arg4[%dma_wait3A_1107] : memref<6400000xi32, #tpu.memory_space<hbm>> -> memref<6400000xi32, #tpu.memory_space<hbm>>
    tpu.wait_indirect_dma semaphore(%arg22 : memref<!tpu.dma_semaphore, #tpu.memory_space<semaphore_mem>>) src(%dma_wait3A_1108 : memref<6400000xi32, #tpu.memory_space<hbm>>) dst(%dma_wait3A_1103 : memref<128xi32, #tpu.memory_space<vmem>>)
    %dma_start3A_1109 = arith.constant 3 : i32
    %dma_start3A_1110 = arith.constant 384 : i32
    %dma_start3A_1111 = tpu.memref_slice %arg20[%dma_start3A_1110] : memref<896xi32, #tpu.memory_space<vmem>> -> memref<128xi32, #tpu.memory_space<vmem>>
    %dma_start3A_1112 = arith.constant 0 : i32
    %dma_start3A_1113 = tpu.memref_slice %arg21[%dma_start3A_1109, %dma_start3A_1112] : memref<7x128xi32, #tpu.memory_space<vmem>> -> memref<1x128xi32, #tpu.memory_space<vmem>>
    %dma_start3A_1114 = tpu.memref_squeeze %dma_start3A_1113 : memref<1x128xi32, #tpu.memory_space<vmem>> -> memref<128xi32, #tpu.memory_space<vmem>>
    %dma_start3A_1115 = arith.constant 0 : i32
    %dma_start3A_1116 = tpu.memref_slice %arg4[%dma_start3A_1115] : memref<6400000xi32, #tpu.memory_space<hbm>> -> memref<6400000xi32, #tpu.memory_space<hbm>>
    tpu.enqueue_indirect_dma source(%dma_start3A_1116 : memref<6400000xi32, #tpu.memory_space<hbm>>) target(%dma_start3A_1111 : memref<128xi32, #tpu.memory_space<vmem>>) offsets(%dma_start3A_1114 : memref<128xi32, #tpu.memory_space<vmem>>) semaphore(%arg22 : memref<!tpu.dma_semaphore, #tpu.memory_space<semaphore_mem>>)
    %dma_wait3A_1117 = arith.constant 3 : i32
    %dma_wait3A_1118 = arith.constant 384 : i32
    %dma_wait3A_1119 = tpu.memref_slice %arg20[%dma_wait3A_1118] : memref<896xi32, #tpu.memory_space<vmem>> -> memref<128xi32, #tpu.memory_space<vmem>>
    %dma_wait3A_1120 = arith.constant 0 : i32
    %dma_wait3A_1121 = tpu.memref_slice %arg21[%dma_wait3A_1117, %dma_wait3A_1120] : memref<7x128xi32, #tpu.memory_space<vmem>> -> memref<1x128xi32, #tpu.memory_space<vmem>>
    %dma_wait3A_1122 = tpu.memref_squeeze %dma_wait3A_1121 : memref<1x128xi32, #tpu.memory_space<vmem>> -> memref<128xi32, #tpu.memory_space<vmem>>
    %dma_wait3A_1123 = arith.constant 0 : i32
    %dma_wait3A_1124 = tpu.memref_slice %arg4[%dma_wait3A_1123] : memref<6400000xi32, #tpu.memory_space<hbm>> -> memref<6400000xi32, #tpu.memory_space<hbm>>
    tpu.wait_indirect_dma semaphore(%arg22 : memref<!tpu.dma_semaphore, #tpu.memory_space<semaphore_mem>>) src(%dma_wait3A_1124 : memref<6400000xi32, #tpu.memory_space<hbm>>) dst(%dma_wait3A_1119 : memref<128xi32, #tpu.memory_space<vmem>>)
    %dma_start3A_1125 = arith.constant 4 : i32
    %dma_start3A_1126 = arith.constant 512 : i32
    %dma_start3A_1127 = tpu.memref_slice %arg20[%dma_start3A_1126] : memref<896xi32, #tpu.memory_space<vmem>> -> memref<128xi32, #tpu.memory_space<vmem>>
    %dma_start3A_1128 = arith.constant 0 : i32
    %dma_start3A_1129 = tpu.memref_slice %arg21[%dma_start3A_1125, %dma_start3A_1128] : memref<7x128xi32, #tpu.memory_space<vmem>> -> memref<1x128xi32, #tpu.memory_space<vmem>>
    %dma_start3A_1130 = tpu.memref_squeeze %dma_start3A_1129 : memref<1x128xi32, #tpu.memory_space<vmem>> -> memref<128xi32, #tpu.memory_space<vmem>>
    %dma_start3A_1131 = arith.constant 0 : i32
    %dma_start3A_1132 = tpu.memref_slice %arg4[%dma_start3A_1131] : memref<6400000xi32, #tpu.memory_space<hbm>> -> memref<6400000xi32, #tpu.memory_space<hbm>>
    tpu.enqueue_indirect_dma source(%dma_start3A_1132 : memref<6400000xi32, #tpu.memory_space<hbm>>) target(%dma_start3A_1127 : memref<128xi32, #tpu.memory_space<vmem>>) offsets(%dma_start3A_1130 : memref<128xi32, #tpu.memory_space<vmem>>) semaphore(%arg22 : memref<!tpu.dma_semaphore, #tpu.memory_space<semaphore_mem>>)
    %dma_wait3A_1133 = arith.constant 4 : i32
    %dma_wait3A_1134 = arith.constant 512 : i32
    %dma_wait3A_1135 = tpu.memref_slice %arg20[%dma_wait3A_1134] : memref<896xi32, #tpu.memory_space<vmem>> -> memref<128xi32, #tpu.memory_space<vmem>>
    %dma_wait3A_1136 = arith.constant 0 : i32
    %dma_wait3A_1137 = tpu.memref_slice %arg21[%dma_wait3A_1133, %dma_wait3A_1136] : memref<7x128xi32, #tpu.memory_space<vmem>> -> memref<1x128xi32, #tpu.memory_space<vmem>>
    %dma_wait3A_1138 = tpu.memref_squeeze %dma_wait3A_1137 : memref<1x128xi32, #tpu.memory_space<vmem>> -> memref<128xi32, #tpu.memory_space<vmem>>
    %dma_wait3A_1139 = arith.constant 0 : i32
    %dma_wait3A_1140 = tpu.memref_slice %arg4[%dma_wait3A_1139] : memref<6400000xi32, #tpu.memory_space<hbm>> -> memref<6400000xi32, #tpu.memory_space<hbm>>
    tpu.wait_indirect_dma semaphore(%arg22 : memref<!tpu.dma_semaphore, #tpu.memory_space<semaphore_mem>>) src(%dma_wait3A_1140 : memref<6400000xi32, #tpu.memory_space<hbm>>) dst(%dma_wait3A_1135 : memref<128xi32, #tpu.memory_space<vmem>>)
    %dma_start3A_1141 = arith.constant 5 : i32
    %dma_start3A_1142 = arith.constant 640 : i32
    %dma_start3A_1143 = tpu.memref_slice %arg20[%dma_start3A_1142] : memref<896xi32, #tpu.memory_space<vmem>> -> memref<128xi32, #tpu.memory_space<vmem>>
    %dma_start3A_1144 = arith.constant 0 : i32
    %dma_start3A_1145 = tpu.memref_slice %arg21[%dma_start3A_1141, %dma_start3A_1144] : memref<7x128xi32, #tpu.memory_space<vmem>> -> memref<1x128xi32, #tpu.memory_space<vmem>>
    %dma_start3A_1146 = tpu.memref_squeeze %dma_start3A_1145 : memref<1x128xi32, #tpu.memory_space<vmem>> -> memref<128xi32, #tpu.memory_space<vmem>>
    %dma_start3A_1147 = arith.constant 0 : i32
    %dma_start3A_1148 = tpu.memref_slice %arg4[%dma_start3A_1147] : memref<6400000xi32, #tpu.memory_space<hbm>> -> memref<6400000xi32, #tpu.memory_space<hbm>>
    tpu.enqueue_indirect_dma source(%dma_start3A_1148 : memref<6400000xi32, #tpu.memory_space<hbm>>) target(%dma_start3A_1143 : memref<128xi32, #tpu.memory_space<vmem>>) offsets(%dma_start3A_1146 : memref<128xi32, #tpu.memory_space<vmem>>) semaphore(%arg22 : memref<!tpu.dma_semaphore, #tpu.memory_space<semaphore_mem>>)
    %dma_wait3A_1149 = arith.constant 5 : i32
    %dma_wait3A_1150 = arith.constant 640 : i32
    %dma_wait3A_1151 = tpu.memref_slice %arg20[%dma_wait3A_1150] : memref<896xi32, #tpu.memory_space<vmem>> -> memref<128xi32, #tpu.memory_space<vmem>>
    %dma_wait3A_1152 = arith.constant 0 : i32
    %dma_wait3A_1153 = tpu.memref_slice %arg21[%dma_wait3A_1149, %dma_wait3A_1152] : memref<7x128xi32, #tpu.memory_space<vmem>> -> memref<1x128xi32, #tpu.memory_space<vmem>>
    %dma_wait3A_1154 = tpu.memref_squeeze %dma_wait3A_1153 : memref<1x128xi32, #tpu.memory_space<vmem>> -> memref<128xi32, #tpu.memory_space<vmem>>
    %dma_wait3A_1155 = arith.constant 0 : i32
    %dma_wait3A_1156 = tpu.memref_slice %arg4[%dma_wait3A_1155] : memref<6400000xi32, #tpu.memory_space<hbm>> -> memref<6400000xi32, #tpu.memory_space<hbm>>
    tpu.wait_indirect_dma semaphore(%arg22 : memref<!tpu.dma_semaphore, #tpu.memory_space<semaphore_mem>>) src(%dma_wait3A_1156 : memref<6400000xi32, #tpu.memory_space<hbm>>) dst(%dma_wait3A_1151 : memref<128xi32, #tpu.memory_space<vmem>>)
    %dma_start3A_1157 = arith.constant 6 : i32
    %dma_start3A_1158 = arith.constant 768 : i32
    %dma_start3A_1159 = tpu.memref_slice %arg20[%dma_start3A_1158] : memref<896xi32, #tpu.memory_space<vmem>> -> memref<128xi32, #tpu.memory_space<vmem>>
    %dma_start3A_1160 = arith.constant 0 : i32
    %dma_start3A_1161 = tpu.memref_slice %arg21[%dma_start3A_1157, %dma_start3A_1160] : memref<7x128xi32, #tpu.memory_space<vmem>> -> memref<1x128xi32, #tpu.memory_space<vmem>>
    %dma_start3A_1162 = tpu.memref_squeeze %dma_start3A_1161 : memref<1x128xi32, #tpu.memory_space<vmem>> -> memref<128xi32, #tpu.memory_space<vmem>>
    %dma_start3A_1163 = arith.constant 0 : i32
    %dma_start3A_1164 = tpu.memref_slice %arg4[%dma_start3A_1163] : memref<6400000xi32, #tpu.memory_space<hbm>> -> memref<6400000xi32, #tpu.memory_space<hbm>>
    tpu.enqueue_indirect_dma source(%dma_start3A_1164 : memref<6400000xi32, #tpu.memory_space<hbm>>) target(%dma_start3A_1159 : memref<128xi32, #tpu.memory_space<vmem>>) offsets(%dma_start3A_1162 : memref<128xi32, #tpu.memory_space<vmem>>) semaphore(%arg22 : memref<!tpu.dma_semaphore, #tpu.memory_space<semaphore_mem>>)
    %dma_wait3A_1165 = arith.constant 6 : i32
    %dma_wait3A_1166 = arith.constant 768 : i32
    %dma_wait3A_1167 = tpu.memref_slice %arg20[%dma_wait3A_1166] : memref<896xi32, #tpu.memory_space<vmem>> -> memref<128xi32, #tpu.memory_space<vmem>>
    %dma_wait3A_1168 = arith.constant 0 : i32
    %dma_wait3A_1169 = tpu.memref_slice %arg21[%dma_wait3A_1165, %dma_wait3A_1168] : memref<7x128xi32, #tpu.memory_space<vmem>> -> memref<1x128xi32, #tpu.memory_space<vmem>>
    %dma_wait3A_1170 = tpu.memref_squeeze %dma_wait3A_1169 : memref<1x128xi32, #tpu.memory_space<vmem>> -> memref<128xi32, #tpu.memory_space<vmem>>
    %dma_wait3A_1171 = arith.constant 0 : i32
    %dma_wait3A_1172 = tpu.memref_slice %arg4[%dma_wait3A_1171] : memref<6400000xi32, #tpu.memory_space<hbm>> -> memref<6400000xi32, #tpu.memory_space<hbm>>
    tpu.wait_indirect_dma semaphore(%arg22 : memref<!tpu.dma_semaphore, #tpu.memory_space<semaphore_mem>>) src(%dma_wait3A_1172 : memref<6400000xi32, #tpu.memory_space<hbm>>) dst(%dma_wait3A_1167 : memref<128xi32, #tpu.memory_space<vmem>>)
    %mul3A_1173 = arith.constant 3136 : i32
    %mul3A_1174 = arith.muli %add3A, %mul3A_1173 : i32
    %add3A_1175 = arith.constant 3136 : i32
    %add3A_1176 = arith.addi %mul3A_1174, %add3A_1175 : i32
    %scan3A = arith.constant 0 : i32
    %scan3A_1177 = arith.constant 800 : i32
    %scan3A_1178 = arith.constant 0 : i32
    %scan3A_1179 = arith.constant 10 : i32
    %scan3A_1180 = arith.addi %scan3A_1178, %scan3A_1179 : i32
    %scan3A_1181 = arith.constant 1 : i32
    %scan3A_1182:2 = scf.for %scan3A_1265 = %scan3A_1178 to %scan3A_1180 step %scan3A_1181 iter_args(%scan3A_1266 = %scan3A, %scan3A_1267 = %scan3A_1177) -> (i32, i32)  : i32 {
      %add3A_1268 = arith.addi %scan3A_1266, %scan3A_1267 : i32
      %jit3A_1269 = arith.constant 2 : i32
      %div3A_1270 = arith.divsi %add3A_1268, %jit3A_1269 : i32
      %sign3A_1271 = arith.constant 0 : i32
      %sign3A_1272 = arith.cmpi sgt, %add3A_1268, %sign3A_1271 : i32
      %sign3A_1273 = arith.extui %sign3A_1272 : i1 to i32
      %sign3A_1274 = arith.constant 0 : i32
      %sign3A_1275 = arith.cmpi slt, %add3A_1268, %sign3A_1274 : i32
      %sign3A_1276 = arith.extui %sign3A_1275 : i1 to i32
      %sign3A_1277 = arith.subi %sign3A_1273, %sign3A_1276 : i32
      %sign3A_1278 = arith.constant 0 : i32
      %sign3A_1279 = arith.cmpi sgt, %jit3A_1269, %sign3A_1278 : i32
      %sign3A_1280 = arith.extui %sign3A_1279 : i1 to i32
      %sign3A_1281 = arith.constant 0 : i32
      %sign3A_1282 = arith.cmpi slt, %jit3A_1269, %sign3A_1281 : i32
      %sign3A_1283 = arith.extui %sign3A_1282 : i1 to i32
      %sign3A_1284 = arith.subi %sign3A_1280, %sign3A_1283 : i32
      %ne3A_1285 = arith.cmpi ne, %sign3A_1277, %sign3A_1284 : i32
      %rem3A_1286 = arith.remsi %add3A_1268, %jit3A_1269 : i32
      %ne3A_1287 = arith.constant 0 : i32
      %ne3A_1288 = arith.cmpi ne, %rem3A_1286, %ne3A_1287 : i32
      %and3A_1289 = arith.andi %ne3A_1285, %ne3A_1288 : i1
      %sub3A_1290 = arith.constant 1 : i32
      %sub3A_1291 = arith.subi %div3A_1270, %sub3A_1290 : i32
      %select_n3A_1292 = arith.select %and3A_1289, %sub3A_1291, %div3A_1270 : i32
      %get3A = arith.index_cast %select_n3A_1292 : i32 to index
      %get3A_1293 = tpu.vector_load %arg20[%get3A] {strides = array<i32>} : memref<896xi32, #tpu.memory_space<vmem>>, vector<16xi32>,
      %slice3A = vector.extract_strided_slice %get3A_1293 {offsets = [0], sizes = [1], strides = [1]} : vector<16xi32> to vector<1xi32>
      %squeeze3A = vector.extract %slice3A[0] : i32 from vector<1xi32>
      %lt3A = arith.cmpi slt, %squeeze3A, %mul3A_1174 : i32
      %add3A_1294 = arith.constant 1 : i32
      %add3A_1295 = arith.addi %select_n3A_1292, %add3A_1294 : i32
      %select_n3A_1296 = arith.select %lt3A, %add3A_1295, %scan3A_1266 : i32
      %select_n3A_1297 = arith.select %lt3A, %scan3A_1267, %select_n3A_1292 : i32
      %ge3A = arith.cmpi sge, %scan3A_1266, %scan3A_1267 : i32
      %select_n3A_1298 = arith.select %ge3A, %scan3A_1266, %select_n3A_1296 : i32
      %select_n3A_1299 = arith.select %ge3A, %scan3A_1267, %select_n3A_1297 : i32
      scf.yield %select_n3A_1298, %select_n3A_1299 : i32, i32
    }
    %scan3A_1183 = arith.constant 10 : i32
    %scan3A_1184 = arith.constant 0 : i32
    %scan3A_1185 = arith.constant 800 : i32
    %scan3A_1186 = arith.constant 0 : i32
    %scan3A_1187 = arith.constant 10 : i32
    %scan3A_1188 = arith.addi %scan3A_1186, %scan3A_1187 : i32
    %scan3A_1189 = arith.constant 1 : i32
    %scan3A_1190:2 = scf.for %scan3A_1265 = %scan3A_1186 to %scan3A_1188 step %scan3A_1189 iter_args(%scan3A_1266 = %scan3A_1184, %scan3A_1267 = %scan3A_1185) -> (i32, i32)  : i32 {
      %add3A_1268 = arith.addi %scan3A_1266, %scan3A_1267 : i32
      %jit3A_1269 = arith.constant 2 : i32
      %div3A_1270 = arith.divsi %add3A_1268, %jit3A_1269 : i32
      %sign3A_1271 = arith.constant 0 : i32
      %sign3A_1272 = arith.cmpi sgt, %add3A_1268, %sign3A_1271 : i32
      %sign3A_1273 = arith.extui %sign3A_1272 : i1 to i32
      %sign3A_1274 = arith.constant 0 : i32
      %sign3A_1275 = arith.cmpi slt, %add3A_1268, %sign3A_1274 : i32
      %sign3A_1276 = arith.extui %sign3A_1275 : i1 to i32
      %sign3A_1277 = arith.subi %sign3A_1273, %sign3A_1276 : i32
      %sign3A_1278 = arith.constant 0 : i32
      %sign3A_1279 = arith.cmpi sgt, %jit3A_1269, %sign3A_1278 : i32
      %sign3A_1280 = arith.extui %sign3A_1279 : i1 to i32
      %sign3A_1281 = arith.constant 0 : i32
      %sign3A_1282 = arith.cmpi slt, %jit3A_1269, %sign3A_1281 : i32
      %sign3A_1283 = arith.extui %sign3A_1282 : i1 to i32
      %sign3A_1284 = arith.subi %sign3A_1280, %sign3A_1283 : i32
      %ne3A_1285 = arith.cmpi ne, %sign3A_1277, %sign3A_1284 : i32
      %rem3A_1286 = arith.remsi %add3A_1268, %jit3A_1269 : i32
      %ne3A_1287 = arith.constant 0 : i32
      %ne3A_1288 = arith.cmpi ne, %rem3A_1286, %ne3A_1287 : i32
      %and3A_1289 = arith.andi %ne3A_1285, %ne3A_1288 : i1
      %sub3A_1290 = arith.constant 1 : i32
      %sub3A_1291 = arith.subi %div3A_1270, %sub3A_1290 : i32
      %select_n3A_1292 = arith.select %and3A_1289, %sub3A_1291, %div3A_1270 : i32
      %get3A = arith.index_cast %select_n3A_1292 : i32 to index
      %get3A_1293 = tpu.vector_load %arg20[%get3A] {strides = array<i32>} : memref<896xi32, #tpu.memory_space<vmem>>, vector<16xi32>,
      %slice3A = vector.extract_strided_slice %get3A_1293 {offsets = [0], sizes = [1], strides = [1]} : vector<16xi32> to vector<1xi32>
      %squeeze3A = vector.extract %slice3A[0] : i32 from vector<1xi32>
      %lt3A = arith.cmpi slt, %squeeze3A, %add3A_1176 : i32
      %add3A_1294 = arith.constant 1 : i32
      %add3A_1295 = arith.addi %select_n3A_1292, %add3A_1294 : i32
      %select_n3A_1296 = arith.select %lt3A, %add3A_1295, %scan3A_1266 : i32
      %select_n3A_1297 = arith.select %lt3A, %scan3A_1267, %select_n3A_1292 : i32
      %ge3A = arith.cmpi sge, %scan3A_1266, %scan3A_1267 : i32
      %select_n3A_1298 = arith.select %ge3A, %scan3A_1266, %select_n3A_1296 : i32
      %select_n3A_1299 = arith.select %ge3A, %scan3A_1267, %select_n3A_1297 : i32
      scf.yield %select_n3A_1298, %select_n3A_1299 : i32, i32
    }
    %scan3A_1191 = arith.constant 10 : i32
    %add3A_1192 = arith.constant 1 : i32
    %add3A_1193 = arith.addi %scan3A_1190#0, %add3A_1192 : i32
    %min3A_1194 = arith.constant 800 : i32
    %min3A_1195 = arith.minsi %add3A_1193, %min3A_1194 : i32
    %sub3A_1196 = arith.subi %min3A_1195, %scan3A_1182#0 : i32
    %max3A = arith.constant 0 : i32
    %max3A_1197 = arith.maxsi %sub3A_1196, %max3A : i32
    %scan3A_1198 = arith.constant 0 : i32
    %scan3A_1199 = arith.constant 0 : i32
    %scan3A_1200 = arith.constant 196 : i32
    %scan3A_1201 = arith.addi %scan3A_1199, %scan3A_1200 : i32
    %scan3A_1202 = arith.constant 1 : i32
    %scan3A_1203 = scf.for %scan3A_1265 = %scan3A_1199 to %scan3A_1201 step %scan3A_1202 iter_args(%scan3A_1266 = %scan3A_1198) -> (i32)  : i32 {
      %mul3A_1267 = arith.constant 16 : i32
      %mul3A_1268 = arith.muli %scan3A_1265, %mul3A_1267 : i32
      %swap3A_1269 = arith.index_cast %mul3A_1268 : i32 to index
      %swap3A_1270 = tpu.vector_load %arg17[%swap3A_1269] {strides = array<i32>} : memref<3136xf32, #tpu.memory_space<vmem>>, vector<16xf32>,
      tpu.vector_store %arg17[%swap3A_1269], %broadcast_in_dim3A_1 {strides = array<i32>} : memref<3136xf32, #tpu.memory_space<vmem>>, vector<16xf32>,
      %mul3A_1271 = arith.constant 16 : i32
      %mul3A_1272 = arith.muli %scan3A_1265, %mul3A_1271 : i32
      %swap3A_1273 = arith.index_cast %mul3A_1272 : i32 to index
      %swap3A_1274 = tpu.vector_load %arg18[%swap3A_1273] {strides = array<i32>} : memref<3136xf32, #tpu.memory_space<vmem>>, vector<16xf32>,
      tpu.vector_store %arg18[%swap3A_1273], %broadcast_in_dim3A_1 {strides = array<i32>} : memref<3136xf32, #tpu.memory_space<vmem>>, vector<16xf32>,
      %mul3A_1275 = arith.constant 16 : i32
      %mul3A_1276 = arith.muli %scan3A_1265, %mul3A_1275 : i32
      %swap3A_1277 = arith.index_cast %mul3A_1276 : i32 to index
      %swap3A_1278 = tpu.vector_load %arg19[%swap3A_1277] {strides = array<i32>} : memref<3136xf32, #tpu.memory_space<vmem>>, vector<16xf32>,
      tpu.vector_store %arg19[%swap3A_1277], %broadcast_in_dim3A_1 {strides = array<i32>} : memref<3136xf32, #tpu.memory_space<vmem>>, vector<16xf32>,
      %scan3A_1279 = arith.constant 0 : i32
      scf.yield %scan3A_1279 : i32
    }
    %scan3A_1204 = arith.constant 196 : i32
    %swap3A_1205 = arith.constant 8000 : index
    %swap3A_1206 = tpu.vector_load %arg14[%swap3A_1205] {strides = array<i32>} : memref<8208xf32, #tpu.memory_space<vmem>>, vector<16xf32>,
    tpu.vector_store %arg14[%swap3A_1205], %broadcast_in_dim3A_1 {strides = array<i32>} : memref<8208xf32, #tpu.memory_space<vmem>>, vector<16xf32>,
    %swap3A_1207 = arith.constant 8016 : index
    %swap3A_1208 = tpu.vector_load %arg14[%swap3A_1207] {strides = array<i32>} : memref<8208xf32, #tpu.memory_space<vmem>>, vector<16xf32>,
    tpu.vector_store %arg14[%swap3A_1207], %broadcast_in_dim3A_1 {strides = array<i32>} : memref<8208xf32, #tpu.memory_space<vmem>>, vector<16xf32>,
    %swap3A_1209 = arith.constant 8032 : index
    %swap3A_1210 = tpu.vector_load %arg14[%swap3A_1209] {strides = array<i32>} : memref<8208xf32, #tpu.memory_space<vmem>>, vector<16xf32>,
    tpu.vector_store %arg14[%swap3A_1209], %broadcast_in_dim3A_1 {strides = array<i32>} : memref<8208xf32, #tpu.memory_space<vmem>>, vector<16xf32>,
    %swap3A_1211 = arith.constant 8048 : index
    %swap3A_1212 = tpu.vector_load %arg14[%swap3A_1211] {strides = array<i32>} : memref<8208xf32, #tpu.memory_space<vmem>>, vector<16xf32>,
    tpu.vector_store %arg14[%swap3A_1211], %broadcast_in_dim3A_1 {strides = array<i32>} : memref<8208xf32, #tpu.memory_space<vmem>>, vector<16xf32>,
    %swap3A_1213 = arith.constant 8064 : index
    %swap3A_1214 = tpu.vector_load %arg14[%swap3A_1213] {strides = array<i32>} : memref<8208xf32, #tpu.memory_space<vmem>>, vector<16xf32>,
    tpu.vector_store %arg14[%swap3A_1213], %broadcast_in_dim3A_1 {strides = array<i32>} : memref<8208xf32, #tpu.memory_space<vmem>>, vector<16xf32>,
    %swap3A_1215 = arith.constant 8080 : index
    %swap3A_1216 = tpu.vector_load %arg14[%swap3A_1215] {strides = array<i32>} : memref<8208xf32, #tpu.memory_space<vmem>>, vector<16xf32>,
    tpu.vector_store %arg14[%swap3A_1215], %broadcast_in_dim3A_1 {strides = array<i32>} : memref<8208xf32, #tpu.memory_space<vmem>>, vector<16xf32>,
    %swap3A_1217 = arith.constant 8096 : index
    %swap3A_1218 = tpu.vector_load %arg14[%swap3A_1217] {strides = array<i32>} : memref<8208xf32, #tpu.memory_space<vmem>>, vector<16xf32>,
    tpu.vector_store %arg14[%swap3A_1217], %broadcast_in_dim3A_1 {strides = array<i32>} : memref<8208xf32, #tpu.memory_space<vmem>>, vector<16xf32>,
    %swap3A_1219 = arith.constant 8112 : index
    %swap3A_1220 = tpu.vector_load %arg14[%swap3A_1219] {strides = array<i32>} : memref<8208xf32, #tpu.memory_space<vmem>>, vector<16xf32>,
    tpu.vector_store %arg14[%swap3A_1219], %broadcast_in_dim3A_1 {strides = array<i32>} : memref<8208xf32, #tpu.memory_space<vmem>>, vector<16xf32>,
    %swap3A_1221 = arith.constant 8128 : index
    %swap3A_1222 = tpu.vector_load %arg14[%swap3A_1221] {strides = array<i32>} : memref<8208xf32, #tpu.memory_space<vmem>>, vector<16xf32>,
    tpu.vector_store %arg14[%swap3A_1221], %broadcast_in_dim3A_1 {strides = array<i32>} : memref<8208xf32, #tpu.memory_space<vmem>>, vector<16xf32>,
    %swap3A_1223 = arith.constant 8144 : index
    %swap3A_1224 = tpu.vector_load %arg14[%swap3A_1223] {strides = array<i32>} : memref<8208xf32, #tpu.memory_space<vmem>>, vector<16xf32>,
    tpu.vector_store %arg14[%swap3A_1223], %broadcast_in_dim3A_1 {strides = array<i32>} : memref<8208xf32, #tpu.memory_space<vmem>>, vector<16xf32>,
    %swap3A_1225 = arith.constant 8160 : index
    %swap3A_1226 = tpu.vector_load %arg14[%swap3A_1225] {strides = array<i32>} : memref<8208xf32, #tpu.memory_space<vmem>>, vector<16xf32>,
    tpu.vector_store %arg14[%swap3A_1225], %broadcast_in_dim3A_1 {strides = array<i32>} : memref<8208xf32, #tpu.memory_space<vmem>>, vector<16xf32>,
    %swap3A_1227 = arith.constant 8176 : index
    %swap3A_1228 = tpu.vector_load %arg14[%swap3A_1227] {strides = array<i32>} : memref<8208xf32, #tpu.memory_space<vmem>>, vector<16xf32>,
    tpu.vector_store %arg14[%swap3A_1227], %broadcast_in_dim3A_1 {strides = array<i32>} : memref<8208xf32, #tpu.memory_space<vmem>>, vector<16xf32>,
    %swap3A_1229 = arith.constant 8192 : index
    %swap3A_1230 = tpu.vector_load %arg14[%swap3A_1229] {strides = array<i32>} : memref<8208xf32, #tpu.memory_space<vmem>>, vector<16xf32>,
    tpu.vector_store %arg14[%swap3A_1229], %broadcast_in_dim3A_1 {strides = array<i32>} : memref<8208xf32, #tpu.memory_space<vmem>>, vector<16xf32>,
    %gt3A = arith.constant 0 : i32
    %gt3A_1231 = arith.cmpi sgt, %max3A_1197, %gt3A : i32
    %convert_element_type3A = arith.extui %gt3A_1231 : i1 to i32
    %cond3A = arith.constant 0 : i32
    %cond3A_1232 = arith.cmpi ne, %convert_element_type3A, %cond3A : i32
    scf.if %cond3A_1232 {
      %add3A_1265 = arith.constant 0 : i32
      %add3A_1266 = arith.addi %scan3A_1182#0, %add3A_1265 : i32
      %mul3A_1267 = arith.constant 8000 : i32
      %mul3A_1268 = arith.muli %add3A_1266, %mul3A_1267 : i32
      %dma_start3A_1269 = arith.constant 16 : i32
      %dma_start3A_1270 = tpu.memref_slice %arg8[%dma_start3A_1269] : memref<8016xi32, #tpu.memory_space<vmem>> -> memref<8000xi32, #tpu.memory_space<vmem>>
      %dma_start3A_1271 = tpu.memref_slice %arg4[%mul3A_1268] : memref<6400000xi32, #tpu.memory_space<hbm>> -> memref<8000xi32, #tpu.memory_space<hbm>>
      %dma_start3A_1272 = arith.constant 16 : i32
      %dma_start3A_1273 = tpu.memref_slice %arg8[%dma_start3A_1272] : memref<8016xi32, #tpu.memory_space<vmem>> -> memref<8000xi32, #tpu.memory_space<vmem>>
      %dma_start3A_1274 = tpu.memref_slice %arg4[%mul3A_1268] : memref<6400000xi32, #tpu.memory_space<hbm>> -> memref<8000xi32, #tpu.memory_space<hbm>>
      tpu.enqueue_dma source(%dma_start3A_1274 : memref<8000xi32, #tpu.memory_space<hbm>>) target(%dma_start3A_1273 : memref<8000xi32, #tpu.memory_space<vmem>>) target_semaphore(%arg22 : memref<!tpu.dma_semaphore, #tpu.memory_space<semaphore_mem>>)
      %dma_start3A_1275 = tpu.memref_slice %arg2[%mul3A_1268] : memref<6400000xf32, #tpu.memory_space<hbm>> -> memref<8000xf32, #tpu.memory_space<hbm>>
      %dma_start3A_1276 = tpu.memref_slice %arg2[%mul3A_1268] : memref<6400000xf32, #tpu.memory_space<hbm>> -> memref<8000xf32, #tpu.memory_space<hbm>>
      tpu.enqueue_dma source(%dma_start3A_1276 : memref<8000xf32, #tpu.memory_space<hbm>>) target(%arg10 : memref<8000xf32, #tpu.memory_space<vmem>>) target_semaphore(%arg22 : memref<!tpu.dma_semaphore, #tpu.memory_space<semaphore_mem>>)
      %dma_start3A_1277 = tpu.memref_slice %arg3[%mul3A_1268] : memref<6400000xf32, #tpu.memory_space<hbm>> -> memref<8000xf32, #tpu.memory_space<hbm>>
      %dma_start3A_1278 = tpu.memref_slice %arg3[%mul3A_1268] : memref<6400000xf32, #tpu.memory_space<hbm>> -> memref<8000xf32, #tpu.memory_space<hbm>>
      tpu.enqueue_dma source(%dma_start3A_1278 : memref<8000xf32, #tpu.memory_space<hbm>>) target(%arg12 : memref<8000xf32, #tpu.memory_space<vmem>>) target_semaphore(%arg22 : memref<!tpu.dma_semaphore, #tpu.memory_space<semaphore_mem>>)
    } else {
    }
    %add3A_1233 = arith.constant 1 : i32
    %add3A_1234 = arith.addi %max3A_1197, %add3A_1233 : i32
    %jit3A = arith.constant 2 : i32
    %div3A = arith.divsi %add3A_1234, %jit3A : i32
    %sign3A = arith.constant 0 : i32
    %sign3A_1235 = arith.cmpi sgt, %add3A_1234, %sign3A : i32
    %sign3A_1236 = arith.extui %sign3A_1235 : i1 to i32
    %sign3A_1237 = arith.constant 0 : i32
    %sign3A_1238 = arith.cmpi slt, %add3A_1234, %sign3A_1237 : i32
    %sign3A_1239 = arith.extui %sign3A_1238 : i1 to i32
    %sign3A_1240 = arith.subi %sign3A_1236, %sign3A_1239 : i32
    %sign3A_1241 = arith.constant 0 : i32
    %sign3A_1242 = arith.cmpi sgt, %jit3A, %sign3A_1241 : i32
    %sign3A_1243 = arith.extui %sign3A_1242 : i1 to i32
    %sign3A_1244 = arith.constant 0 : i32
    %sign3A_1245 = arith.cmpi slt, %jit3A, %sign3A_1244 : i32
    %sign3A_1246 = arith.extui %sign3A_1245 : i1 to i32
    %sign3A_1247 = arith.subi %sign3A_1243, %sign3A_1246 : i32
    %ne3A = arith.cmpi ne, %sign3A_1240, %sign3A_1247 : i32
    %rem3A = arith.remsi %add3A_1234, %jit3A : i32
    %ne3A_1248 = arith.constant 0 : i32
    %ne3A_1249 = arith.cmpi ne, %rem3A, %ne3A_1248 : i32
    %and3A = arith.andi %ne3A, %ne3A_1249 : i1
    %sub3A_1250 = arith.constant 1 : i32
    %sub3A_1251 = arith.subi %div3A, %sub3A_1250 : i32
    %select_n3A = arith.select %and3A, %sub3A_1251, %div3A : i32
    %while3A = arith.constant 0 : i32
    %while3A_1252 = arith.constant 0 : i32
    %while3A_1253 = arith.subi %select_n3A, %while3A : i32
    %while3A_1254 = arith.addi %while3A, %while3A_1253 : i32
    %while3A_1255 = arith.constant 1 : i32
    %while3A_1256 = arith.divsi %while3A_1253, %while3A_1255 : i32
    %while3A_1257 = arith.muli %while3A_1256, %while3A_1255 : i32
    %while3A_1258 = arith.addi %while3A, %while3A_1257 : i32
    %while3A_1259 = arith.constant 1 : i32
    %while3A_1260 = scf.for %while3A_1265 = %while3A to %while3A_1258 step %while3A_1259 iter_args(%while3A_1266 = %while3A_1252) -> (i32)  : i32 {
      %mul3A_1267 = arith.constant 2 : i32
      %mul3A_1268 = arith.muli %mul3A_1267, %while3A_1265 : i32
      %add3A_1269 = arith.addi %scan3A_1182#0, %mul3A_1268 : i32
      %mul3A_1270 = arith.constant 8000 : i32
      %mul3A_1271 = arith.muli %add3A_1269, %mul3A_1270 : i32
      %dma_wait3A_1272 = arith.constant 16 : i32
      %dma_wait3A_1273 = tpu.memref_slice %arg8[%dma_wait3A_1272] : memref<8016xi32, #tpu.memory_space<vmem>> -> memref<8000xi32, #tpu.memory_space<vmem>>
      %dma_wait3A_1274 = tpu.memref_slice %arg4[%mul3A_1271] : memref<6400000xi32, #tpu.memory_space<hbm>> -> memref<8000xi32, #tpu.memory_space<hbm>>
      %dma_wait3A_1275 = arith.constant 16 : i32
      %dma_wait3A_1276 = tpu.memref_slice %arg8[%dma_wait3A_1275] : memref<8016xi32, #tpu.memory_space<vmem>> -> memref<8000xi32, #tpu.memory_space<vmem>>
      %dma_wait3A_1277 = tpu.memref_slice %arg4[%mul3A_1271] : memref<6400000xi32, #tpu.memory_space<hbm>> -> memref<8000xi32, #tpu.memory_space<hbm>>
      tpu.wait_dma2 semaphore(%arg22 : memref<!tpu.dma_semaphore, #tpu.memory_space<semaphore_mem>>) src(%dma_wait3A_1277 : memref<8000xi32, #tpu.memory_space<hbm>>) dst(%dma_wait3A_1276 : memref<8000xi32, #tpu.memory_space<vmem>>)
      %dma_wait3A_1278 = tpu.memref_slice %arg2[%mul3A_1271] : memref<6400000xf32, #tpu.memory_space<hbm>> -> memref<8000xf32, #tpu.memory_space<hbm>>
      %dma_wait3A_1279 = tpu.memref_slice %arg2[%mul3A_1271] : memref<6400000xf32, #tpu.memory_space<hbm>> -> memref<8000xf32, #tpu.memory_space<hbm>>
      tpu.wait_dma2 semaphore(%arg22 : memref<!tpu.dma_semaphore, #tpu.memory_space<semaphore_mem>>) src(%dma_wait3A_1279 : memref<8000xf32, #tpu.memory_space<hbm>>) dst(%arg10 : memref<8000xf32, #tpu.memory_space<vmem>>)
      %dma_wait3A_1280 = tpu.memref_slice %arg3[%mul3A_1271] : memref<6400000xf32, #tpu.memory_space<hbm>> -> memref<8000xf32, #tpu.memory_space<hbm>>
      %dma_wait3A_1281 = tpu.memref_slice %arg3[%mul3A_1271] : memref<6400000xf32, #tpu.memory_space<hbm>> -> memref<8000xf32, #tpu.memory_space<hbm>>
      tpu.wait_dma2 semaphore(%arg22 : memref<!tpu.dma_semaphore, #tpu.memory_space<semaphore_mem>>) src(%dma_wait3A_1281 : memref<8000xf32, #tpu.memory_space<hbm>>) dst(%arg12 : memref<8000xf32, #tpu.memory_space<vmem>>)
      %add3A_1282 = arith.constant 1 : i32
      %add3A_1283 = arith.addi %mul3A_1268, %add3A_1282 : i32
      %lt3A = arith.cmpi slt, %add3A_1283, %max3A_1197 : i32
      %convert_element_type3A_1284 = arith.extui %lt3A : i1 to i32
      %cond3A_1285 = arith.constant 0 : i32
      %cond3A_1286 = arith.cmpi ne, %convert_element_type3A_1284, %cond3A_1285 : i32
      scf.if %cond3A_1286 {
        %add3A_1356 = arith.constant 1 : i32
        %add3A_1357 = arith.addi %mul3A_1268, %add3A_1356 : i32
        %add3A_1358 = arith.addi %scan3A_1182#0, %add3A_1357 : i32
        %mul3A_1359 = arith.constant 8000 : i32
        %mul3A_1360 = arith.muli %add3A_1358, %mul3A_1359 : i32
        %dma_start3A_1361 = arith.constant 16 : i32
        %dma_start3A_1362 = tpu.memref_slice %arg9[%dma_start3A_1361] : memref<8016xi32, #tpu.memory_space<vmem>> -> memref<8000xi32, #tpu.memory_space<vmem>>
        %dma_start3A_1363 = tpu.memref_slice %arg4[%mul3A_1360] : memref<6400000xi32, #tpu.memory_space<hbm>> -> memref<8000xi32, #tpu.memory_space<hbm>>
        %dma_start3A_1364 = arith.constant 16 : i32
        %dma_start3A_1365 = tpu.memref_slice %arg9[%dma_start3A_1364] : memref<8016xi32, #tpu.memory_space<vmem>> -> memref<8000xi32, #tpu.memory_space<vmem>>
        %dma_start3A_1366 = tpu.memref_slice %arg4[%mul3A_1360] : memref<6400000xi32, #tpu.memory_space<hbm>> -> memref<8000xi32, #tpu.memory_space<hbm>>
        tpu.enqueue_dma source(%dma_start3A_1366 : memref<8000xi32, #tpu.memory_space<hbm>>) target(%dma_start3A_1365 : memref<8000xi32, #tpu.memory_space<vmem>>) target_semaphore(%arg22 : memref<!tpu.dma_semaphore, #tpu.memory_space<semaphore_mem>>)
        %dma_start3A_1367 = tpu.memref_slice %arg2[%mul3A_1360] : memref<6400000xf32, #tpu.memory_space<hbm>> -> memref<8000xf32, #tpu.memory_space<hbm>>
        %dma_start3A_1368 = tpu.memref_slice %arg2[%mul3A_1360] : memref<6400000xf32, #tpu.memory_space<hbm>> -> memref<8000xf32, #tpu.memory_space<hbm>>
        tpu.enqueue_dma source(%dma_start3A_1368 : memref<8000xf32, #tpu.memory_space<hbm>>) target(%arg11 : memref<8000xf32, #tpu.memory_space<vmem>>) target_semaphore(%arg22 : memref<!tpu.dma_semaphore, #tpu.memory_space<semaphore_mem>>)
        %dma_start3A_1369 = tpu.memref_slice %arg3[%mul3A_1360] : memref<6400000xf32, #tpu.memory_space<hbm>> -> memref<8000xf32, #tpu.memory_space<hbm>>
        %dma_start3A_1370 = tpu.memref_slice %arg3[%mul3A_1360] : memref<6400000xf32, #tpu.memory_space<hbm>> -> memref<8000xf32, #tpu.memory_space<hbm>>
        tpu.enqueue_dma source(%dma_start3A_1370 : memref<8000xf32, #tpu.memory_space<hbm>>) target(%arg13 : memref<8000xf32, #tpu.memory_space<vmem>>) target_semaphore(%arg22 : memref<!tpu.dma_semaphore, #tpu.memory_space<semaphore_mem>>)
      } else {
      }
      %add3A_1287 = arith.addi %scan3A_1182#0, %mul3A_1268 : i32
      %gt3A_1288 = arith.constant 0 : i32
      %gt3A_1289 = arith.cmpi sgt, %add3A_1287, %gt3A_1288 : i32
      %sub3A_1290 = arith.constant 1 : i32
      %sub3A_1291 = arith.subi %add3A_1287, %sub3A_1290 : i32
      %max3A_1292 = arith.constant 0 : i32
      %max3A_1293 = arith.maxsi %sub3A_1291, %max3A_1292 : i32
      %get3A = arith.index_cast %max3A_1293 : i32 to index
      %get3A_1294 = tpu.vector_load %arg20[%get3A] {strides = array<i32>} : memref<896xi32, #tpu.memory_space<vmem>>, vector<16xi32>,
      %slice3A = vector.extract_strided_slice %get3A_1294 {offsets = [0], sizes = [1], strides = [1]} : vector<16xi32> to vector<1xi32>
      %squeeze3A = vector.extract %slice3A[0] : i32 from vector<1xi32>
      %jit3A_1295 = arith.constant -1 : i32
      %select_n3A_1296 = arith.select %gt3A_1289, %squeeze3A, %jit3A_1295 : i32
      %get3A_1297 = arith.constant 16 : index
      %get3A_1298 = tpu.vector_load %arg8[%get3A_1297] {strides = array<i32>} : memref<8016xi32, #tpu.memory_space<vmem>>, vector<16xi32>,
      %slice3A_1299 = vector.extract_strided_slice %get3A_1298 {offsets = [0], sizes = [1], strides = [1]} : vector<16xi32> to vector<1xi32>
      %squeeze3A_1300 = vector.extract %slice3A_1299[0] : i32 from vector<1xi32>
      %ne3A_1301 = arith.cmpi ne, %squeeze3A_1300, %select_n3A_1296 : i32
      %broadcast_in_dim3A_1302 = arith.constant -1 : i32
      %broadcast_in_dim3A_1303 = vector.broadcast %broadcast_in_dim3A_1302 : i32 to vector<16xi32>
      %swap3A_1304 = arith.constant 0 : index
      %swap3A_1305 = tpu.vector_load %arg8[%swap3A_1304] {strides = array<i32>} : memref<8016xi32, #tpu.memory_space<vmem>>, vector<16xi32>,
      tpu.vector_store %arg8[%swap3A_1304], %broadcast_in_dim3A_1303 {strides = array<i32>} : memref<8016xi32, #tpu.memory_space<vmem>>, vector<16xi32>,
      %parallel_loop3A = arith.constant 0 : i32
      %parallel_loop3A_1306 = arith.constant 8000 : i32
      %parallel_loop3A_1307 = arith.constant 16 : i32
      %parallel_loop3A_1308 = arith.constant 0 : i32
      %parallel_loop3A_1309 = scf.for %parallel_loop3A_1356 = %parallel_loop3A to %parallel_loop3A_1306 step %parallel_loop3A_1307 iter_args(%parallel_loop3A_1357 = %parallel_loop3A_1308) -> (i32)  : i32 {
        %parallel_loop3A_1358 = arith.index_cast %parallel_loop3A_1356 : i32 to index
        %parallel_loop3A_1359 = tpu.vector_load %arg10[%parallel_loop3A_1358] {strides = array<i32>} : memref<8000xf32, #tpu.memory_space<vmem>>, vector<16xf32>,
        %parallel_loop3A_1360 = arith.constant true
        %parallel_loop3A_1361 = vector.broadcast %parallel_loop3A_1360 : i1 to vector<16xi1>
        %parallel_loop3A_1362 = tpu.scan <sum>, %parallel_loop3A_1359 masked %parallel_loop3A_1361 : vector<16xf32>, vector<16xi1> -> vector<16xf32>
        %parallel_loop3A_1363 = arith.index_cast %parallel_loop3A_1356 : i32 to index
        %parallel_loop3A_1364 = tpu.vector_load %arg14[%parallel_loop3A_1363] {strides = array<i32>} : memref<8208xf32, #tpu.memory_space<vmem>>, vector<16xf32>,
        tpu.vector_store %arg14[%parallel_loop3A_1363], %parallel_loop3A_1362 {strides = array<i32>} : memref<8208xf32, #tpu.memory_space<vmem>>, vector<16xf32>,
        %parallel_loop3A_1365 = arith.constant 16 : i32
        %parallel_loop3A_1366 = arith.addi %parallel_loop3A_1356, %parallel_loop3A_1365 : i32
        %parallel_loop3A_1367 = arith.index_cast %parallel_loop3A_1366 : i32 to index
        %parallel_loop3A_1368 = tpu.vector_load %arg8[%parallel_loop3A_1367] {strides = array<i32>} : memref<8016xi32, #tpu.memory_space<vmem>>, vector<16xi32>,
        %parallel_loop3A_1369 = arith.constant 15 : i32
        %parallel_loop3A_1370 = arith.addi %parallel_loop3A_1356, %parallel_loop3A_1369 : i32
        %parallel_loop3A_1371 = arith.index_cast %parallel_loop3A_1370 : i32 to index
        %parallel_loop3A_1372 = tpu.vector_load %arg8[%parallel_loop3A_1371] {strides = array<i32>} : memref<8016xi32, #tpu.memory_space<vmem>>, vector<16xi32>,
        %parallel_loop3A_1373 = arith.cmpi ne, %parallel_loop3A_1368, %parallel_loop3A_1372 : vector<16xi32>
        %parallel_loop3A_1374 = vector.broadcast %parallel_loop3A_1356 : i32 to vector<16xi32>
        %parallel_loop3A_1375 = arith.addi %parallel_loop3A_1374, %iota3A : vector<16xi32>
        %parallel_loop3A_1376 = arith.index_cast %parallel_loop3A_1357 : i32 to index
        %parallel_loop3A_1377 = tpu.vector_load %arg16[%parallel_loop3A_1376] masked %parallel_loop3A_1373 {strides = array<i32>} : memref<8032xi32, #tpu.memory_space<vmem>>, vector<16xi32>, vector<16xi1>
        tpu.vector_store %arg16[%parallel_loop3A_1376], %parallel_loop3A_1375 masked %parallel_loop3A_1373 {strides = array<i32>} : memref<8032xi32, #tpu.memory_space<vmem>>, vector<16xi32>, vector<16xi1>
        %parallel_loop3A_1378 = tpu.all_reduce %parallel_loop3A_1373 {dim = 0 : i64, kind = #tpu.reduction_kind<sum>} : vector<16xi1> -> vector<16xi32>
        %parallel_loop3A_1379 = vector.extract_strided_slice %parallel_loop3A_1378 {offsets = [0], sizes = [1], strides = [1]} : vector<16xi32> to vector<1xi32>
        %parallel_loop3A_1380 = vector.extract %parallel_loop3A_1379[0] : i32 from vector<1xi32>
        %parallel_loop3A_1381 = arith.addi %parallel_loop3A_1357, %parallel_loop3A_1380 : i32
        scf.yield %parallel_loop3A_1381 : i32
      } {sc.loop_unroll_factor = 8 : i64, sc.parallel_access}
      %broadcast_in_dim3A_1310 = arith.constant 8000 : i32
      %broadcast_in_dim3A_1311 = vector.broadcast %broadcast_in_dim3A_1310 : i32 to vector<16xi32>
      %swap3A_1312 = arith.index_cast %parallel_loop3A_1309 : i32 to index
      %swap3A_1313 = tpu.vector_load %arg16[%swap3A_1312] {strides = array<i32>} : memref<8032xi32, #tpu.memory_space<vmem>>, vector<16xi32>,
      tpu.vector_store %arg16[%swap3A_1312], %broadcast_in_dim3A_1311 {strides = array<i32>} : memref<8032xi32, #tpu.memory_space<vmem>>, vector<16xi32>,
      %parallel_loop3A_1314 = arith.constant 0 : i32
      %parallel_loop3A_1315 = arith.constant 512 : i32
      %parallel_loop3A_1316 = arith.constant 16 : i32
      %parallel_loop3A_1317 = arith.constant 0.000000e+00 : f32
      %parallel_loop3A_1318 = scf.for %parallel_loop3A_1356 = %parallel_loop3A_1314 to %parallel_loop3A_1315 step %parallel_loop3A_1316 iter_args(%parallel_loop3A_1357 = %parallel_loop3A_1317) -> (f32)  : i32 {
        %parallel_loop3A_1358 = vector.broadcast %parallel_loop3A_1356 : i32 to vector<16xi32>
        %parallel_loop3A_1359 = arith.addi %parallel_loop3A_1358, %iota3A : vector<16xi32>
        %parallel_loop3A_1360 = arith.constant 16 : i32
        %parallel_loop3A_1361 = vector.broadcast %parallel_loop3A_1360 : i32 to vector<16xi32>
        %parallel_loop3A_1362 = arith.muli %parallel_loop3A_1359, %parallel_loop3A_1361 : vector<16xi32>
        %parallel_loop3A_1363 = arith.constant 15 : i32
        %parallel_loop3A_1364 = vector.broadcast %parallel_loop3A_1363 : i32 to vector<16xi32>
        %parallel_loop3A_1365 = arith.addi %parallel_loop3A_1362, %parallel_loop3A_1364 : vector<16xi32>
        %parallel_loop3A_1366 = tpu.vector_load_idx %arg14[%parallel_loop3A_1365] : memref<8208xf32, #tpu.memory_space<vmem>>[vector<16xi32>], vector<16xf32>,
        %parallel_loop3A_1367 = arith.constant true
        %parallel_loop3A_1368 = vector.broadcast %parallel_loop3A_1367 : i1 to vector<16xi1>
        %parallel_loop3A_1369 = tpu.scan <sum>, %parallel_loop3A_1366 masked %parallel_loop3A_1368 : vector<16xf32>, vector<16xi1> -> vector<16xf32>
        %parallel_loop3A_1370 = arith.subf %parallel_loop3A_1369, %parallel_loop3A_1366 : vector<16xf32>
        %parallel_loop3A_1371 = vector.broadcast %parallel_loop3A_1357 : f32 to vector<16xf32>
        %parallel_loop3A_1372 = arith.addf %parallel_loop3A_1370, %parallel_loop3A_1371 : vector<16xf32>
        %parallel_loop3A_1373 = arith.index_cast %parallel_loop3A_1356 : i32 to index
        %parallel_loop3A_1374 = tpu.vector_load %arg15[%parallel_loop3A_1373] {strides = array<i32>} : memref<512xf32, #tpu.memory_space<vmem>>, vector<16xf32>,
        tpu.vector_store %arg15[%parallel_loop3A_1373], %parallel_loop3A_1372 {strides = array<i32>} : memref<512xf32, #tpu.memory_space<vmem>>, vector<16xf32>,
        %parallel_loop3A_1375 = vector.extract_strided_slice %parallel_loop3A_1369 {offsets = [15], sizes = [1], strides = [1]} : vector<16xf32> to vector<1xf32>
        %parallel_loop3A_1376 = vector.extract %parallel_loop3A_1375[0] : f32 from vector<1xf32>
        %parallel_loop3A_1377 = arith.addf %parallel_loop3A_1357, %parallel_loop3A_1376 : f32
        scf.yield %parallel_loop3A_1377 : f32
      } {sc.loop_unroll_factor = 1 : i64, sc.parallel_access}
      %add3A_1319 = arith.constant 15 : i32
      %add3A_1320 = arith.addi %parallel_loop3A_1309, %add3A_1319 : i32
      %jit3A_1321 = arith.constant 16 : i32
      %div3A_1322 = arith.divsi %add3A_1320, %jit3A_1321 : i32
      %sign3A_1323 = arith.constant 0 : i32
      %sign3A_1324 = arith.cmpi sgt, %add3A_1320, %sign3A_1323 : i32
      %sign3A_1325 = arith.extui %sign3A_1324 : i1 to i32
      %sign3A_1326 = arith.constant 0 : i32
      %sign3A_1327 = arith.cmpi slt, %add3A_1320, %sign3A_1326 : i32
      %sign3A_1328 = arith.extui %sign3A_1327 : i1 to i32
      %sign3A_1329 = arith.subi %sign3A_1325, %sign3A_1328 : i32
      %sign3A_1330 = arith.constant 0 : i32
      %sign3A_1331 = arith.cmpi sgt, %jit3A_1321, %sign3A_1330 : i32
      %sign3A_1332 = arith.extui %sign3A_1331 : i1 to i32
      %sign3A_1333 = arith.constant 0 : i32
      %sign3A_1334 = arith.cmpi slt, %jit3A_1321, %sign3A_1333 : i32
      %sign3A_1335 = arith.extui %sign3A_1334 : i1 to i32
      %sign3A_1336 = arith.subi %sign3A_1332, %sign3A_1335 : i32
      %ne3A_1337 = arith.cmpi ne, %sign3A_1329, %sign3A_1336 : i32
      %rem3A_1338 = arith.remsi %add3A_1320, %jit3A_1321 : i32
      %ne3A_1339 = arith.constant 0 : i32
      %ne3A_1340 = arith.cmpi ne, %rem3A_1338, %ne3A_1339 : i32
      %and3A_1341 = arith.andi %ne3A_1337, %ne3A_1340 : i1
      %sub3A_1342 = arith.constant 1 : i32
      %sub3A_1343 = arith.subi %div3A_1322, %sub3A_1342 : i32
      %select_n3A_1344 = arith.select %and3A_1341, %sub3A_1343, %div3A_1322 : i32
      %mul3A_1345 = arith.constant 16 : i32
      %mul3A_1346 = arith.muli %select_n3A_1344, %mul3A_1345 : i32
      %parallel_loop3A_1347 = arith.constant 0 : i32
      %parallel_loop3A_1348 = arith.constant 16 : i32
      scf.for %parallel_loop3A_1356 = %parallel_loop3A_1347 to %mul3A_1346 step %parallel_loop3A_1348  : i32 {
        %parallel_loop3A_1357 = arith.index_cast %parallel_loop3A_1356 : i32 to index
        %parallel_loop3A_1358 = tpu.vector_load %arg16[%parallel_loop3A_1357] {strides = array<i32>} : memref<8032xi32, #tpu.memory_space<vmem>>, vector<16xi32>,
        %parallel_loop3A_1359 = arith.constant 1 : i32
        %parallel_loop3A_1360 = arith.addi %parallel_loop3A_1356, %parallel_loop3A_1359 : i32
        %parallel_loop3A_1361 = arith.index_cast %parallel_loop3A_1360 : i32 to index
        %parallel_loop3A_1362 = tpu.vector_load %arg16[%parallel_loop3A_1361] {strides = array<i32>} : memref<8032xi32, #tpu.memory_space<vmem>>, vector<16xi32>,
        %parallel_loop3A_1363 = arith.constant 4 : i32
        %parallel_loop3A_1364 = vector.broadcast %parallel_loop3A_1363 : i32 to vector<16xi32>
        %parallel_loop3A_1365 = arith.shrui %parallel_loop3A_1362, %parallel_loop3A_1364 : vector<16xi32>
        %parallel_loop3A_1366 = tpu.vector_load_idx %arg15[%parallel_loop3A_1365] : memref<512xf32, #tpu.memory_space<vmem>>[vector<16xi32>], vector<16xf32>,
        %parallel_loop3A_1367 = arith.constant 1 : i32
        %parallel_loop3A_1368 = vector.broadcast %parallel_loop3A_1367 : i32 to vector<16xi32>
        %parallel_loop3A_1369 = arith.subi %parallel_loop3A_1362, %parallel_loop3A_1368 : vector<16xi32>
        %parallel_loop3A_1370 = arith.constant 0 : i32
        %parallel_loop3A_1371 = vector.broadcast %parallel_loop3A_1370 : i32 to vector<16xi32>
        %parallel_loop3A_1372 = arith.maxsi %parallel_loop3A_1369, %parallel_loop3A_1371 : vector<16xi32>
        %parallel_loop3A_1373 = tpu.vector_load_idx %arg14[%parallel_loop3A_1372] : memref<8208xf32, #tpu.memory_space<vmem>>[vector<16xi32>], vector<16xf32>,
        %parallel_loop3A_1374 = arith.constant 15 : i32
        %parallel_loop3A_1375 = vector.broadcast %parallel_loop3A_1374 : i32 to vector<16xi32>
        %parallel_loop3A_1376 = arith.andi %parallel_loop3A_1362, %parallel_loop3A_1375 : vector<16xi32>
        %parallel_loop3A_1377 = arith.constant 0 : i32
        %parallel_loop3A_1378 = vector.broadcast %parallel_loop3A_1377 : i32 to vector<16xi32>
        %parallel_loop3A_1379 = arith.cmpi eq, %parallel_loop3A_1376, %parallel_loop3A_1378 : vector<16xi32>
        %parallel_loop3A_1380 = arith.constant 0.000000e+00 : f32
        %parallel_loop3A_1381 = vector.broadcast %parallel_loop3A_1380 : f32 to vector<16xf32>
        %parallel_loop3A_1382 = arith.select %parallel_loop3A_1379, %parallel_loop3A_1381, %parallel_loop3A_1373 : vector<16xi1>, vector<16xf32>
        %parallel_loop3A_1383 = arith.addf %parallel_loop3A_1366, %parallel_loop3A_1382 : vector<16xf32>
        %parallel_loop3A_1384 = arith.constant 4 : i32
        %parallel_loop3A_1385 = vector.broadcast %parallel_loop3A_1384 : i32 to vector<16xi32>
        %parallel_loop3A_1386 = arith.shrui %parallel_loop3A_1358, %parallel_loop3A_1385 : vector<16xi32>
        %parallel_loop3A_1387 = tpu.vector_load_idx %arg15[%parallel_loop3A_1386] : memref<512xf32, #tpu.memory_space<vmem>>[vector<16xi32>], vector<16xf32>,
        %parallel_loop3A_1388 = arith.constant 1 : i32
        %parallel_loop3A_1389 = vector.broadcast %parallel_loop3A_1388 : i32 to vector<16xi32>
        %parallel_loop3A_1390 = arith.subi %parallel_loop3A_1358, %parallel_loop3A_1389 : vector<16xi32>
        %parallel_loop3A_1391 = arith.constant 0 : i32
        %parallel_loop3A_1392 = vector.broadcast %parallel_loop3A_1391 : i32 to vector<16xi32>
        %parallel_loop3A_1393 = arith.maxsi %parallel_loop3A_1390, %parallel_loop3A_1392 : vector<16xi32>
        %parallel_loop3A_1394 = tpu.vector_load_idx %arg14[%parallel_loop3A_1393] : memref<8208xf32, #tpu.memory_space<vmem>>[vector<16xi32>], vector<16xf32>,
        %parallel_loop3A_1395 = arith.constant 15 : i32
        %parallel_loop3A_1396 = vector.broadcast %parallel_loop3A_1395 : i32 to vector<16xi32>
        %parallel_loop3A_1397 = arith.andi %parallel_loop3A_1358, %parallel_loop3A_1396 : vector<16xi32>
        %parallel_loop3A_1398 = arith.constant 0 : i32
        %parallel_loop3A_1399 = vector.broadcast %parallel_loop3A_1398 : i32 to vector<16xi32>
        %parallel_loop3A_1400 = arith.cmpi eq, %parallel_loop3A_1397, %parallel_loop3A_1399 : vector<16xi32>
        %parallel_loop3A_1401 = arith.constant 0.000000e+00 : f32
        %parallel_loop3A_1402 = vector.broadcast %parallel_loop3A_1401 : f32 to vector<16xf32>
        %parallel_loop3A_1403 = arith.select %parallel_loop3A_1400, %parallel_loop3A_1402, %parallel_loop3A_1394 : vector<16xi1>, vector<16xf32>
        %parallel_loop3A_1404 = arith.addf %parallel_loop3A_1387, %parallel_loop3A_1403 : vector<16xf32>
        %parallel_loop3A_1405 = arith.subf %parallel_loop3A_1383, %parallel_loop3A_1404 : vector<16xf32>
        %parallel_loop3A_1406 = arith.subi %parallel_loop3A_1362, %parallel_loop3A_1358 : vector<16xi32>
        %parallel_loop3A_1407 = arith.sitofp %parallel_loop3A_1406 : vector<16xi32> to vector<16xf32>
        %parallel_loop3A_1408 = arith.constant 16 : i32
        %parallel_loop3A_1409 = vector.broadcast %parallel_loop3A_1408 : i32 to vector<16xi32>
        %parallel_loop3A_1410 = arith.addi %parallel_loop3A_1358, %parallel_loop3A_1409 : vector<16xi32>
        %parallel_loop3A_1411 = arith.constant 8015 : i32
        %parallel_loop3A_1412 = vector.broadcast %parallel_loop3A_1411 : i32 to vector<16xi32>
        %parallel_loop3A_1413 = arith.minsi %parallel_loop3A_1410, %parallel_loop3A_1412 : vector<16xi32>
        %parallel_loop3A_1414 = tpu.vector_load_idx %arg8[%parallel_loop3A_1413] : memref<8016xi32, #tpu.memory_space<vmem>>[vector<16xi32>], vector<16xi32>,
        %parallel_loop3A_1415 = arith.constant 7999 : i32
        %parallel_loop3A_1416 = vector.broadcast %parallel_loop3A_1415 : i32 to vector<16xi32>
        %parallel_loop3A_1417 = arith.minsi %parallel_loop3A_1358, %parallel_loop3A_1416 : vector<16xi32>
        %parallel_loop3A_1418 = tpu.vector_load_idx %arg12[%parallel_loop3A_1417] : memref<8000xf32, #tpu.memory_space<vmem>>[vector<16xi32>], vector<16xf32>,
        %parallel_loop3A_1419 = vector.broadcast %parallel_loop3A_1356 : i32 to vector<16xi32>
        %parallel_loop3A_1420 = arith.addi %parallel_loop3A_1419, %iota3A : vector<16xi32>
        %parallel_loop3A_1421 = vector.broadcast %mul3A_1174 : i32 to vector<16xi32>
        %parallel_loop3A_1422 = arith.cmpi sge, %parallel_loop3A_1414, %parallel_loop3A_1421 : vector<16xi32>
        %parallel_loop3A_1423 = vector.broadcast %add3A_1176 : i32 to vector<16xi32>
        %parallel_loop3A_1424 = arith.cmpi slt, %parallel_loop3A_1414, %parallel_loop3A_1423 : vector<16xi32>
        %parallel_loop3A_1425 = arith.andi %parallel_loop3A_1422, %parallel_loop3A_1424 : vector<16xi1>
        %parallel_loop3A_1426 = vector.broadcast %parallel_loop3A_1309 : i32 to vector<16xi32>
        %parallel_loop3A_1427 = arith.cmpi slt, %parallel_loop3A_1420, %parallel_loop3A_1426 : vector<16xi32>
        %parallel_loop3A_1428 = arith.andi %parallel_loop3A_1425, %parallel_loop3A_1427 : vector<16xi1>
        %parallel_loop3A_1429 = vector.broadcast %mul3A_1174 : i32 to vector<16xi32>
        %parallel_loop3A_1430 = arith.subi %parallel_loop3A_1414, %parallel_loop3A_1429 : vector<16xi32>
        %parallel_loop3A_1431 = arith.constant 0 : i32
        %parallel_loop3A_1432 = arith.constant 3135 : i32
        %parallel_loop3A_1433 = vector.broadcast %parallel_loop3A_1431 : i32 to vector<16xi32>
        %parallel_loop3A_1434 = arith.maxsi %parallel_loop3A_1433, %parallel_loop3A_1430 : vector<16xi32>
        %parallel_loop3A_1435 = vector.broadcast %parallel_loop3A_1432 : i32 to vector<16xi32>
        %parallel_loop3A_1436 = arith.minsi %parallel_loop3A_1435, %parallel_loop3A_1434 : vector<16xi32>
        tpu.vector_store_idx %arg17[%parallel_loop3A_1436], %parallel_loop3A_1405 masked %parallel_loop3A_1428 {add = true} : memref<3136xf32, #tpu.memory_space<vmem>>[vector<16xi32>], vector<16xf32>, vector<16xi1>
        tpu.vector_store_idx %arg18[%parallel_loop3A_1436], %parallel_loop3A_1407 masked %parallel_loop3A_1428 {add = true} : memref<3136xf32, #tpu.memory_space<vmem>>[vector<16xi32>], vector<16xf32>, vector<16xi1>
        %parallel_loop3A_1437 = arith.constant 0 : i32
        %parallel_loop3A_1438 = vector.broadcast %parallel_loop3A_1437 : i32 to vector<16xi32>
        %parallel_loop3A_1439 = arith.cmpi ne, %parallel_loop3A_1420, %parallel_loop3A_1438 : vector<16xi32>
        %parallel_loop3A_1440 = vector.broadcast %ne3A_1301 : i1 to vector<16xi1>
        %parallel_loop3A_1441 = arith.ori %parallel_loop3A_1439, %parallel_loop3A_1440 : vector<16xi1>
        %parallel_loop3A_1442 = arith.andi %parallel_loop3A_1428, %parallel_loop3A_1441 : vector<16xi1>
        tpu.vector_store_idx %arg19[%parallel_loop3A_1436], %parallel_loop3A_1418 masked %parallel_loop3A_1442 {add = true} : memref<3136xf32, #tpu.memory_space<vmem>>[vector<16xi32>], vector<16xf32>, vector<16xi1>
      } {sc.loop_unroll_factor = 1 : i64, sc.parallel_access}
      %add3A_1349 = arith.constant 1 : i32
      %add3A_1350 = arith.addi %mul3A_1268, %add3A_1349 : i32
      %lt3A_1351 = arith.cmpi slt, %add3A_1350, %max3A_1197 : i32
      %convert_element_type3A_1352 = arith.extui %lt3A_1351 : i1 to i32
      %cond3A_1353 = arith.constant 0 : i32
      %cond3A_1354 = arith.cmpi ne, %convert_element_type3A_1352, %cond3A_1353 : i32
      scf.if %cond3A_1354 {
        %add3A_1356 = arith.constant 1 : i32
        %add3A_1357 = arith.addi %mul3A_1268, %add3A_1356 : i32
        %add3A_1358 = arith.addi %scan3A_1182#0, %add3A_1357 : i32
        %mul3A_1359 = arith.constant 8000 : i32
        %mul3A_1360 = arith.muli %add3A_1358, %mul3A_1359 : i32
        %dma_wait3A_1361 = arith.constant 16 : i32
        %dma_wait3A_1362 = tpu.memref_slice %arg9[%dma_wait3A_1361] : memref<8016xi32, #tpu.memory_space<vmem>> -> memref<8000xi32, #tpu.memory_space<vmem>>
        %dma_wait3A_1363 = tpu.memref_slice %arg4[%mul3A_1360] : memref<6400000xi32, #tpu.memory_space<hbm>> -> memref<8000xi32, #tpu.memory_space<hbm>>
        %dma_wait3A_1364 = arith.constant 16 : i32
        %dma_wait3A_1365 = tpu.memref_slice %arg9[%dma_wait3A_1364] : memref<8016xi32, #tpu.memory_space<vmem>> -> memref<8000xi32, #tpu.memory_space<vmem>>
        %dma_wait3A_1366 = tpu.memref_slice %arg4[%mul3A_1360] : memref<6400000xi32, #tpu.memory_space<hbm>> -> memref<8000xi32, #tpu.memory_space<hbm>>
        tpu.wait_dma2 semaphore(%arg22 : memref<!tpu.dma_semaphore, #tpu.memory_space<semaphore_mem>>) src(%dma_wait3A_1366 : memref<8000xi32, #tpu.memory_space<hbm>>) dst(%dma_wait3A_1365 : memref<8000xi32, #tpu.memory_space<vmem>>)
        %dma_wait3A_1367 = tpu.memref_slice %arg2[%mul3A_1360] : memref<6400000xf32, #tpu.memory_space<hbm>> -> memref<8000xf32, #tpu.memory_space<hbm>>
        %dma_wait3A_1368 = tpu.memref_slice %arg2[%mul3A_1360] : memref<6400000xf32, #tpu.memory_space<hbm>> -> memref<8000xf32, #tpu.memory_space<hbm>>
        tpu.wait_dma2 semaphore(%arg22 : memref<!tpu.dma_semaphore, #tpu.memory_space<semaphore_mem>>) src(%dma_wait3A_1368 : memref<8000xf32, #tpu.memory_space<hbm>>) dst(%arg11 : memref<8000xf32, #tpu.memory_space<vmem>>)
        %dma_wait3A_1369 = tpu.memref_slice %arg3[%mul3A_1360] : memref<6400000xf32, #tpu.memory_space<hbm>> -> memref<8000xf32, #tpu.memory_space<hbm>>
        %dma_wait3A_1370 = tpu.memref_slice %arg3[%mul3A_1360] : memref<6400000xf32, #tpu.memory_space<hbm>> -> memref<8000xf32, #tpu.memory_space<hbm>>
        tpu.wait_dma2 semaphore(%arg22 : memref<!tpu.dma_semaphore, #tpu.memory_space<semaphore_mem>>) src(%dma_wait3A_1370 : memref<8000xf32, #tpu.memory_space<hbm>>) dst(%arg13 : memref<8000xf32, #tpu.memory_space<vmem>>)
        %add3A_1371 = arith.constant 1 : i32
        %add3A_1372 = arith.addi %add3A_1357, %add3A_1371 : i32
        %lt3A_1373 = arith.cmpi slt, %add3A_1372, %max3A_1197 : i32
        %convert_element_type3A_1374 = arith.extui %lt3A_1373 : i1 to i32
        %cond3A_1375 = arith.constant 0 : i32
        %cond3A_1376 = arith.cmpi ne, %convert_element_type3A_1374, %cond3A_1375 : i32
        scf.if %cond3A_1376 {
          %add3A_1443 = arith.constant 1 : i32
          %add3A_1444 = arith.addi %add3A_1357, %add3A_1443 : i32
          %add3A_1445 = arith.addi %scan3A_1182#0, %add3A_1444 : i32
          %mul3A_1446 = arith.constant 8000 : i32
          %mul3A_1447 = arith.muli %add3A_1445, %mul3A_1446 : i32
          %dma_start3A_1448 = arith.constant 16 : i32
          %dma_start3A_1449 = tpu.memref_slice %arg8[%dma_start3A_1448] : memref<8016xi32, #tpu.memory_space<vmem>> -> memref<8000xi32, #tpu.memory_space<vmem>>
          %dma_start3A_1450 = tpu.memref_slice %arg4[%mul3A_1447] : memref<6400000xi32, #tpu.memory_space<hbm>> -> memref<8000xi32, #tpu.memory_space<hbm>>
          %dma_start3A_1451 = arith.constant 16 : i32
          %dma_start3A_1452 = tpu.memref_slice %arg8[%dma_start3A_1451] : memref<8016xi32, #tpu.memory_space<vmem>> -> memref<8000xi32, #tpu.memory_space<vmem>>
          %dma_start3A_1453 = tpu.memref_slice %arg4[%mul3A_1447] : memref<6400000xi32, #tpu.memory_space<hbm>> -> memref<8000xi32, #tpu.memory_space<hbm>>
          tpu.enqueue_dma source(%dma_start3A_1453 : memref<8000xi32, #tpu.memory_space<hbm>>) target(%dma_start3A_1452 : memref<8000xi32, #tpu.memory_space<vmem>>) target_semaphore(%arg22 : memref<!tpu.dma_semaphore, #tpu.memory_space<semaphore_mem>>)
          %dma_start3A_1454 = tpu.memref_slice %arg2[%mul3A_1447] : memref<6400000xf32, #tpu.memory_space<hbm>> -> memref<8000xf32, #tpu.memory_space<hbm>>
          %dma_start3A_1455 = tpu.memref_slice %arg2[%mul3A_1447] : memref<6400000xf32, #tpu.memory_space<hbm>> -> memref<8000xf32, #tpu.memory_space<hbm>>
          tpu.enqueue_dma source(%dma_start3A_1455 : memref<8000xf32, #tpu.memory_space<hbm>>) target(%arg10 : memref<8000xf32, #tpu.memory_space<vmem>>) target_semaphore(%arg22 : memref<!tpu.dma_semaphore, #tpu.memory_space<semaphore_mem>>)
          %dma_start3A_1456 = tpu.memref_slice %arg3[%mul3A_1447] : memref<6400000xf32, #tpu.memory_space<hbm>> -> memref<8000xf32, #tpu.memory_space<hbm>>
          %dma_start3A_1457 = tpu.memref_slice %arg3[%mul3A_1447] : memref<6400000xf32, #tpu.memory_space<hbm>> -> memref<8000xf32, #tpu.memory_space<hbm>>
          tpu.enqueue_dma source(%dma_start3A_1457 : memref<8000xf32, #tpu.memory_space<hbm>>) target(%arg12 : memref<8000xf32, #tpu.memory_space<vmem>>) target_semaphore(%arg22 : memref<!tpu.dma_semaphore, #tpu.memory_space<semaphore_mem>>)
        } else {
        }
        %add3A_1377 = arith.addi %scan3A_1182#0, %add3A_1357 : i32
        %gt3A_1378 = arith.constant 0 : i32
        %gt3A_1379 = arith.cmpi sgt, %add3A_1377, %gt3A_1378 : i32
        %sub3A_1380 = arith.constant 1 : i32
        %sub3A_1381 = arith.subi %add3A_1377, %sub3A_1380 : i32
        %max3A_1382 = arith.constant 0 : i32
        %max3A_1383 = arith.maxsi %sub3A_1381, %max3A_1382 : i32
        %get3A_1384 = arith.index_cast %max3A_1383 : i32 to index
        %get3A_1385 = tpu.vector_load %arg20[%get3A_1384] {strides = array<i32>} : memref<896xi32, #tpu.memory_space<vmem>>, vector<16xi32>,
        %slice3A_1386 = vector.extract_strided_slice %get3A_1385 {offsets = [0], sizes = [1], strides = [1]} : vector<16xi32> to vector<1xi32>
        %squeeze3A_1387 = vector.extract %slice3A_1386[0] : i32 from vector<1xi32>
        %jit3A_1388 = arith.constant -1 : i32
        %select_n3A_1389 = arith.select %gt3A_1379, %squeeze3A_1387, %jit3A_1388 : i32
        %get3A_1390 = arith.constant 16 : index
        %get3A_1391 = tpu.vector_load %arg9[%get3A_1390] {strides = array<i32>} : memref<8016xi32, #tpu.memory_space<vmem>>, vector<16xi32>,
        %slice3A_1392 = vector.extract_strided_slice %get3A_1391 {offsets = [0], sizes = [1], strides = [1]} : vector<16xi32> to vector<1xi32>
        %squeeze3A_1393 = vector.extract %slice3A_1392[0] : i32 from vector<1xi32>
        %ne3A_1394 = arith.cmpi ne, %squeeze3A_1393, %select_n3A_1389 : i32
        %broadcast_in_dim3A_1395 = arith.constant -1 : i32
        %broadcast_in_dim3A_1396 = vector.broadcast %broadcast_in_dim3A_1395 : i32 to vector<16xi32>
        %swap3A_1397 = arith.constant 0 : index
        %swap3A_1398 = tpu.vector_load %arg9[%swap3A_1397] {strides = array<i32>} : memref<8016xi32, #tpu.memory_space<vmem>>, vector<16xi32>,
        tpu.vector_store %arg9[%swap3A_1397], %broadcast_in_dim3A_1396 {strides = array<i32>} : memref<8016xi32, #tpu.memory_space<vmem>>, vector<16xi32>,
        %parallel_loop3A_1399 = arith.constant 0 : i32
        %parallel_loop3A_1400 = arith.constant 8000 : i32
        %parallel_loop3A_1401 = arith.constant 16 : i32
        %parallel_loop3A_1402 = arith.constant 0 : i32
        %parallel_loop3A_1403 = scf.for %parallel_loop3A_1443 = %parallel_loop3A_1399 to %parallel_loop3A_1400 step %parallel_loop3A_1401 iter_args(%parallel_loop3A_1444 = %parallel_loop3A_1402) -> (i32)  : i32 {
          %parallel_loop3A_1445 = arith.index_cast %parallel_loop3A_1443 : i32 to index
          %parallel_loop3A_1446 = tpu.vector_load %arg11[%parallel_loop3A_1445] {strides = array<i32>} : memref<8000xf32, #tpu.memory_space<vmem>>, vector<16xf32>,
          %parallel_loop3A_1447 = arith.constant true
          %parallel_loop3A_1448 = vector.broadcast %parallel_loop3A_1447 : i1 to vector<16xi1>
          %parallel_loop3A_1449 = tpu.scan <sum>, %parallel_loop3A_1446 masked %parallel_loop3A_1448 : vector<16xf32>, vector<16xi1> -> vector<16xf32>
          %parallel_loop3A_1450 = arith.index_cast %parallel_loop3A_1443 : i32 to index
          %parallel_loop3A_1451 = tpu.vector_load %arg14[%parallel_loop3A_1450] {strides = array<i32>} : memref<8208xf32, #tpu.memory_space<vmem>>, vector<16xf32>,
          tpu.vector_store %arg14[%parallel_loop3A_1450], %parallel_loop3A_1449 {strides = array<i32>} : memref<8208xf32, #tpu.memory_space<vmem>>, vector<16xf32>,
          %parallel_loop3A_1452 = arith.constant 16 : i32
          %parallel_loop3A_1453 = arith.addi %parallel_loop3A_1443, %parallel_loop3A_1452 : i32
          %parallel_loop3A_1454 = arith.index_cast %parallel_loop3A_1453 : i32 to index
          %parallel_loop3A_1455 = tpu.vector_load %arg9[%parallel_loop3A_1454] {strides = array<i32>} : memref<8016xi32, #tpu.memory_space<vmem>>, vector<16xi32>,
          %parallel_loop3A_1456 = arith.constant 15 : i32
          %parallel_loop3A_1457 = arith.addi %parallel_loop3A_1443, %parallel_loop3A_1456 : i32
          %parallel_loop3A_1458 = arith.index_cast %parallel_loop3A_1457 : i32 to index
          %parallel_loop3A_1459 = tpu.vector_load %arg9[%parallel_loop3A_1458] {strides = array<i32>} : memref<8016xi32, #tpu.memory_space<vmem>>, vector<16xi32>,
          %parallel_loop3A_1460 = arith.cmpi ne, %parallel_loop3A_1455, %parallel_loop3A_1459 : vector<16xi32>
          %parallel_loop3A_1461 = vector.broadcast %parallel_loop3A_1443 : i32 to vector<16xi32>
          %parallel_loop3A_1462 = arith.addi %parallel_loop3A_1461, %iota3A : vector<16xi32>
          %parallel_loop3A_1463 = arith.index_cast %parallel_loop3A_1444 : i32 to index
          %parallel_loop3A_1464 = tpu.vector_load %arg16[%parallel_loop3A_1463] masked %parallel_loop3A_1460 {strides = array<i32>} : memref<8032xi32, #tpu.memory_space<vmem>>, vector<16xi32>, vector<16xi1>
          tpu.vector_store %arg16[%parallel_loop3A_1463], %parallel_loop3A_1462 masked %parallel_loop3A_1460 {strides = array<i32>} : memref<8032xi32, #tpu.memory_space<vmem>>, vector<16xi32>, vector<16xi1>
          %parallel_loop3A_1465 = tpu.all_reduce %parallel_loop3A_1460 {dim = 0 : i64, kind = #tpu.reduction_kind<sum>} : vector<16xi1> -> vector<16xi32>
          %parallel_loop3A_1466 = vector.extract_strided_slice %parallel_loop3A_1465 {offsets = [0], sizes = [1], strides = [1]} : vector<16xi32> to vector<1xi32>
          %parallel_loop3A_1467 = vector.extract %parallel_loop3A_1466[0] : i32 from vector<1xi32>
          %parallel_loop3A_1468 = arith.addi %parallel_loop3A_1444, %parallel_loop3A_1467 : i32
          scf.yield %parallel_loop3A_1468 : i32
        } {sc.loop_unroll_factor = 8 : i64, sc.parallel_access}
        %broadcast_in_dim3A_1404 = arith.constant 8000 : i32
        %broadcast_in_dim3A_1405 = vector.broadcast %broadcast_in_dim3A_1404 : i32 to vector<16xi32>
        %swap3A_1406 = arith.index_cast %parallel_loop3A_1403 : i32 to index
        %swap3A_1407 = tpu.vector_load %arg16[%swap3A_1406] {strides = array<i32>} : memref<8032xi32, #tpu.memory_space<vmem>>, vector<16xi32>,
        tpu.vector_store %arg16[%swap3A_1406], %broadcast_in_dim3A_1405 {strides = array<i32>} : memref<8032xi32, #tpu.memory_space<vmem>>, vector<16xi32>,
        %parallel_loop3A_1408 = arith.constant 0 : i32
        %parallel_loop3A_1409 = arith.constant 512 : i32
        %parallel_loop3A_1410 = arith.constant 16 : i32
        %parallel_loop3A_1411 = arith.constant 0.000000e+00 : f32
        %parallel_loop3A_1412 = scf.for %parallel_loop3A_1443 = %parallel_loop3A_1408 to %parallel_loop3A_1409 step %parallel_loop3A_1410 iter_args(%parallel_loop3A_1444 = %parallel_loop3A_1411) -> (f32)  : i32 {
          %parallel_loop3A_1445 = vector.broadcast %parallel_loop3A_1443 : i32 to vector<16xi32>
          %parallel_loop3A_1446 = arith.addi %parallel_loop3A_1445, %iota3A : vector<16xi32>
          %parallel_loop3A_1447 = arith.constant 16 : i32
          %parallel_loop3A_1448 = vector.broadcast %parallel_loop3A_1447 : i32 to vector<16xi32>
          %parallel_loop3A_1449 = arith.muli %parallel_loop3A_1446, %parallel_loop3A_1448 : vector<16xi32>
          %parallel_loop3A_1450 = arith.constant 15 : i32
          %parallel_loop3A_1451 = vector.broadcast %parallel_loop3A_1450 : i32 to vector<16xi32>
          %parallel_loop3A_1452 = arith.addi %parallel_loop3A_1449, %parallel_loop3A_1451 : vector<16xi32>
          %parallel_loop3A_1453 = tpu.vector_load_idx %arg14[%parallel_loop3A_1452] : memref<8208xf32, #tpu.memory_space<vmem>>[vector<16xi32>], vector<16xf32>,
          %parallel_loop3A_1454 = arith.constant true
          %parallel_loop3A_1455 = vector.broadcast %parallel_loop3A_1454 : i1 to vector<16xi1>
          %parallel_loop3A_1456 = tpu.scan <sum>, %parallel_loop3A_1453 masked %parallel_loop3A_1455 : vector<16xf32>, vector<16xi1> -> vector<16xf32>
          %parallel_loop3A_1457 = arith.subf %parallel_loop3A_1456, %parallel_loop3A_1453 : vector<16xf32>
          %parallel_loop3A_1458 = vector.broadcast %parallel_loop3A_1444 : f32 to vector<16xf32>
          %parallel_loop3A_1459 = arith.addf %parallel_loop3A_1457, %parallel_loop3A_1458 : vector<16xf32>
          %parallel_loop3A_1460 = arith.index_cast %parallel_loop3A_1443 : i32 to index
          %parallel_loop3A_1461 = tpu.vector_load %arg15[%parallel_loop3A_1460] {strides = array<i32>} : memref<512xf32, #tpu.memory_space<vmem>>, vector<16xf32>,
          tpu.vector_store %arg15[%parallel_loop3A_1460], %parallel_loop3A_1459 {strides = array<i32>} : memref<512xf32, #tpu.memory_space<vmem>>, vector<16xf32>,
          %parallel_loop3A_1462 = vector.extract_strided_slice %parallel_loop3A_1456 {offsets = [15], sizes = [1], strides = [1]} : vector<16xf32> to vector<1xf32>
          %parallel_loop3A_1463 = vector.extract %parallel_loop3A_1462[0] : f32 from vector<1xf32>
          %parallel_loop3A_1464 = arith.addf %parallel_loop3A_1444, %parallel_loop3A_1463 : f32
          scf.yield %parallel_loop3A_1464 : f32
        } {sc.loop_unroll_factor = 1 : i64, sc.parallel_access}
        %add3A_1413 = arith.constant 15 : i32
        %add3A_1414 = arith.addi %parallel_loop3A_1403, %add3A_1413 : i32
        %jit3A_1415 = arith.constant 16 : i32
        %div3A_1416 = arith.divsi %add3A_1414, %jit3A_1415 : i32
        %sign3A_1417 = arith.constant 0 : i32
        %sign3A_1418 = arith.cmpi sgt, %add3A_1414, %sign3A_1417 : i32
        %sign3A_1419 = arith.extui %sign3A_1418 : i1 to i32
        %sign3A_1420 = arith.constant 0 : i32
        %sign3A_1421 = arith.cmpi slt, %add3A_1414, %sign3A_1420 : i32
        %sign3A_1422 = arith.extui %sign3A_1421 : i1 to i32
        %sign3A_1423 = arith.subi %sign3A_1419, %sign3A_1422 : i32
        %sign3A_1424 = arith.constant 0 : i32
        %sign3A_1425 = arith.cmpi sgt, %jit3A_1415, %sign3A_1424 : i32
        %sign3A_1426 = arith.extui %sign3A_1425 : i1 to i32
        %sign3A_1427 = arith.constant 0 : i32
        %sign3A_1428 = arith.cmpi slt, %jit3A_1415, %sign3A_1427 : i32
        %sign3A_1429 = arith.extui %sign3A_1428 : i1 to i32
        %sign3A_1430 = arith.subi %sign3A_1426, %sign3A_1429 : i32
        %ne3A_1431 = arith.cmpi ne, %sign3A_1423, %sign3A_1430 : i32
        %rem3A_1432 = arith.remsi %add3A_1414, %jit3A_1415 : i32
        %ne3A_1433 = arith.constant 0 : i32
        %ne3A_1434 = arith.cmpi ne, %rem3A_1432, %ne3A_1433 : i32
        %and3A_1435 = arith.andi %ne3A_1431, %ne3A_1434 : i1
        %sub3A_1436 = arith.constant 1 : i32
        %sub3A_1437 = arith.subi %div3A_1416, %sub3A_1436 : i32
        %select_n3A_1438 = arith.select %and3A_1435, %sub3A_1437, %div3A_1416 : i32
        %mul3A_1439 = arith.constant 16 : i32
        %mul3A_1440 = arith.muli %select_n3A_1438, %mul3A_1439 : i32
        %parallel_loop3A_1441 = arith.constant 0 : i32
        %parallel_loop3A_1442 = arith.constant 16 : i32
        scf.for %parallel_loop3A_1443 = %parallel_loop3A_1441 to %mul3A_1440 step %parallel_loop3A_1442  : i32 {
          %parallel_loop3A_1444 = arith.index_cast %parallel_loop3A_1443 : i32 to index
          %parallel_loop3A_1445 = tpu.vector_load %arg16[%parallel_loop3A_1444] {strides = array<i32>} : memref<8032xi32, #tpu.memory_space<vmem>>, vector<16xi32>,
          %parallel_loop3A_1446 = arith.constant 1 : i32
          %parallel_loop3A_1447 = arith.addi %parallel_loop3A_1443, %parallel_loop3A_1446 : i32
          %parallel_loop3A_1448 = arith.index_cast %parallel_loop3A_1447 : i32 to index
          %parallel_loop3A_1449 = tpu.vector_load %arg16[%parallel_loop3A_1448] {strides = array<i32>} : memref<8032xi32, #tpu.memory_space<vmem>>, vector<16xi32>,
          %parallel_loop3A_1450 = arith.constant 4 : i32
          %parallel_loop3A_1451 = vector.broadcast %parallel_loop3A_1450 : i32 to vector<16xi32>
          %parallel_loop3A_1452 = arith.shrui %parallel_loop3A_1449, %parallel_loop3A_1451 : vector<16xi32>
          %parallel_loop3A_1453 = tpu.vector_load_idx %arg15[%parallel_loop3A_1452] : memref<512xf32, #tpu.memory_space<vmem>>[vector<16xi32>], vector<16xf32>,
          %parallel_loop3A_1454 = arith.constant 1 : i32
          %parallel_loop3A_1455 = vector.broadcast %parallel_loop3A_1454 : i32 to vector<16xi32>
          %parallel_loop3A_1456 = arith.subi %parallel_loop3A_1449, %parallel_loop3A_1455 : vector<16xi32>
          %parallel_loop3A_1457 = arith.constant 0 : i32
          %parallel_loop3A_1458 = vector.broadcast %parallel_loop3A_1457 : i32 to vector<16xi32>
          %parallel_loop3A_1459 = arith.maxsi %parallel_loop3A_1456, %parallel_loop3A_1458 : vector<16xi32>
          %parallel_loop3A_1460 = tpu.vector_load_idx %arg14[%parallel_loop3A_1459] : memref<8208xf32, #tpu.memory_space<vmem>>[vector<16xi32>], vector<16xf32>,
          %parallel_loop3A_1461 = arith.constant 15 : i32
          %parallel_loop3A_1462 = vector.broadcast %parallel_loop3A_1461 : i32 to vector<16xi32>
          %parallel_loop3A_1463 = arith.andi %parallel_loop3A_1449, %parallel_loop3A_1462 : vector<16xi32>
          %parallel_loop3A_1464 = arith.constant 0 : i32
          %parallel_loop3A_1465 = vector.broadcast %parallel_loop3A_1464 : i32 to vector<16xi32>
          %parallel_loop3A_1466 = arith.cmpi eq, %parallel_loop3A_1463, %parallel_loop3A_1465 : vector<16xi32>
          %parallel_loop3A_1467 = arith.constant 0.000000e+00 : f32
          %parallel_loop3A_1468 = vector.broadcast %parallel_loop3A_1467 : f32 to vector<16xf32>
          %parallel_loop3A_1469 = arith.select %parallel_loop3A_1466, %parallel_loop3A_1468, %parallel_loop3A_1460 : vector<16xi1>, vector<16xf32>
          %parallel_loop3A_1470 = arith.addf %parallel_loop3A_1453, %parallel_loop3A_1469 : vector<16xf32>
          %parallel_loop3A_1471 = arith.constant 4 : i32
          %parallel_loop3A_1472 = vector.broadcast %parallel_loop3A_1471 : i32 to vector<16xi32>
          %parallel_loop3A_1473 = arith.shrui %parallel_loop3A_1445, %parallel_loop3A_1472 : vector<16xi32>
          %parallel_loop3A_1474 = tpu.vector_load_idx %arg15[%parallel_loop3A_1473] : memref<512xf32, #tpu.memory_space<vmem>>[vector<16xi32>], vector<16xf32>,
          %parallel_loop3A_1475 = arith.constant 1 : i32
          %parallel_loop3A_1476 = vector.broadcast %parallel_loop3A_1475 : i32 to vector<16xi32>
          %parallel_loop3A_1477 = arith.subi %parallel_loop3A_1445, %parallel_loop3A_1476 : vector<16xi32>
          %parallel_loop3A_1478 = arith.constant 0 : i32
          %parallel_loop3A_1479 = vector.broadcast %parallel_loop3A_1478 : i32 to vector<16xi32>
          %parallel_loop3A_1480 = arith.maxsi %parallel_loop3A_1477, %parallel_loop3A_1479 : vector<16xi32>
          %parallel_loop3A_1481 = tpu.vector_load_idx %arg14[%parallel_loop3A_1480] : memref<8208xf32, #tpu.memory_space<vmem>>[vector<16xi32>], vector<16xf32>,
          %parallel_loop3A_1482 = arith.constant 15 : i32
          %parallel_loop3A_1483 = vector.broadcast %parallel_loop3A_1482 : i32 to vector<16xi32>
          %parallel_loop3A_1484 = arith.andi %parallel_loop3A_1445, %parallel_loop3A_1483 : vector<16xi32>
          %parallel_loop3A_1485 = arith.constant 0 : i32
          %parallel_loop3A_1486 = vector.broadcast %parallel_loop3A_1485 : i32 to vector<16xi32>
          %parallel_loop3A_1487 = arith.cmpi eq, %parallel_loop3A_1484, %parallel_loop3A_1486 : vector<16xi32>
          %parallel_loop3A_1488 = arith.constant 0.000000e+00 : f32
          %parallel_loop3A_1489 = vector.broadcast %parallel_loop3A_1488 : f32 to vector<16xf32>
          %parallel_loop3A_1490 = arith.select %parallel_loop3A_1487, %parallel_loop3A_1489, %parallel_loop3A_1481 : vector<16xi1>, vector<16xf32>
          %parallel_loop3A_1491 = arith.addf %parallel_loop3A_1474, %parallel_loop3A_1490 : vector<16xf32>
          %parallel_loop3A_1492 = arith.subf %parallel_loop3A_1470, %parallel_loop3A_1491 : vector<16xf32>
          %parallel_loop3A_1493 = arith.subi %parallel_loop3A_1449, %parallel_loop3A_1445 : vector<16xi32>
          %parallel_loop3A_1494 = arith.sitofp %parallel_loop3A_1493 : vector<16xi32> to vector<16xf32>
          %parallel_loop3A_1495 = arith.constant 16 : i32
          %parallel_loop3A_1496 = vector.broadcast %parallel_loop3A_1495 : i32 to vector<16xi32>
          %parallel_loop3A_1497 = arith.addi %parallel_loop3A_1445, %parallel_loop3A_1496 : vector<16xi32>
          %parallel_loop3A_1498 = arith.constant 8015 : i32
          %parallel_loop3A_1499 = vector.broadcast %parallel_loop3A_1498 : i32 to vector<16xi32>
          %parallel_loop3A_1500 = arith.minsi %parallel_loop3A_1497, %parallel_loop3A_1499 : vector<16xi32>
          %parallel_loop3A_1501 = tpu.vector_load_idx %arg9[%parallel_loop3A_1500] : memref<8016xi32, #tpu.memory_space<vmem>>[vector<16xi32>], vector<16xi32>,
          %parallel_loop3A_1502 = arith.constant 7999 : i32
          %parallel_loop3A_1503 = vector.broadcast %parallel_loop3A_1502 : i32 to vector<16xi32>
          %parallel_loop3A_1504 = arith.minsi %parallel_loop3A_1445, %parallel_loop3A_1503 : vector<16xi32>
          %parallel_loop3A_1505 = tpu.vector_load_idx %arg13[%parallel_loop3A_1504] : memref<8000xf32, #tpu.memory_space<vmem>>[vector<16xi32>], vector<16xf32>,
          %parallel_loop3A_1506 = vector.broadcast %parallel_loop3A_1443 : i32 to vector<16xi32>
          %parallel_loop3A_1507 = arith.addi %parallel_loop3A_1506, %iota3A : vector<16xi32>
          %parallel_loop3A_1508 = vector.broadcast %mul3A_1174 : i32 to vector<16xi32>
          %parallel_loop3A_1509 = arith.cmpi sge, %parallel_loop3A_1501, %parallel_loop3A_1508 : vector<16xi32>
          %parallel_loop3A_1510 = vector.broadcast %add3A_1176 : i32 to vector<16xi32>
          %parallel_loop3A_1511 = arith.cmpi slt, %parallel_loop3A_1501, %parallel_loop3A_1510 : vector<16xi32>
          %parallel_loop3A_1512 = arith.andi %parallel_loop3A_1509, %parallel_loop3A_1511 : vector<16xi1>
          %parallel_loop3A_1513 = vector.broadcast %parallel_loop3A_1403 : i32 to vector<16xi32>
          %parallel_loop3A_1514 = arith.cmpi slt, %parallel_loop3A_1507, %parallel_loop3A_1513 : vector<16xi32>
          %parallel_loop3A_1515 = arith.andi %parallel_loop3A_1512, %parallel_loop3A_1514 : vector<16xi1>
          %parallel_loop3A_1516 = vector.broadcast %mul3A_1174 : i32 to vector<16xi32>
          %parallel_loop3A_1517 = arith.subi %parallel_loop3A_1501, %parallel_loop3A_1516 : vector<16xi32>
          %parallel_loop3A_1518 = arith.constant 0 : i32
          %parallel_loop3A_1519 = arith.constant 3135 : i32
          %parallel_loop3A_1520 = vector.broadcast %parallel_loop3A_1518 : i32 to vector<16xi32>
          %parallel_loop3A_1521 = arith.maxsi %parallel_loop3A_1520, %parallel_loop3A_1517 : vector<16xi32>
          %parallel_loop3A_1522 = vector.broadcast %parallel_loop3A_1519 : i32 to vector<16xi32>
          %parallel_loop3A_1523 = arith.minsi %parallel_loop3A_1522, %parallel_loop3A_1521 : vector<16xi32>
          tpu.vector_store_idx %arg17[%parallel_loop3A_1523], %parallel_loop3A_1492 masked %parallel_loop3A_1515 {add = true} : memref<3136xf32, #tpu.memory_space<vmem>>[vector<16xi32>], vector<16xf32>, vector<16xi1>
          tpu.vector_store_idx %arg18[%parallel_loop3A_1523], %parallel_loop3A_1494 masked %parallel_loop3A_1515 {add = true} : memref<3136xf32, #tpu.memory_space<vmem>>[vector<16xi32>], vector<16xf32>, vector<16xi1>
          %parallel_loop3A_1524 = arith.constant 0 : i32
          %parallel_loop3A_1525 = vector.broadcast %parallel_loop3A_1524 : i32 to vector<16xi32>
          %parallel_loop3A_1526 = arith.cmpi ne, %parallel_loop3A_1507, %parallel_loop3A_1525 : vector<16xi32>
          %parallel_loop3A_1527 = vector.broadcast %ne3A_1394 : i1 to vector<16xi1>
          %parallel_loop3A_1528 = arith.ori %parallel_loop3A_1526, %parallel_loop3A_1527 : vector<16xi1>
          %parallel_loop3A_1529 = arith.andi %parallel_loop3A_1515, %parallel_loop3A_1528 : vector<16xi1>
          tpu.vector_store_idx %arg19[%parallel_loop3A_1523], %parallel_loop3A_1505 masked %parallel_loop3A_1529 {add = true} : memref<3136xf32, #tpu.memory_space<vmem>>[vector<16xi32>], vector<16xf32>, vector<16xi1>
        } {sc.loop_unroll_factor = 1 : i64, sc.parallel_access}
      } else {
      }
      %while3A_1355 = arith.constant 0 : i32
      scf.yield %while3A_1355 : i32
    }
    %while3A_1261 = arith.constant 1 : i32
    %while3A_1262 = scf.for %while3A_1265 = %while3A_1258 to %while3A_1254 step %while3A_1261 iter_args(%while3A_1266 = %while3A_1260) -> (i32)  : i32 {
      %mul3A_1267 = arith.constant 2 : i32
      %mul3A_1268 = arith.muli %mul3A_1267, %while3A_1265 : i32
      %add3A_1269 = arith.addi %scan3A_1182#0, %mul3A_1268 : i32
      %mul3A_1270 = arith.constant 8000 : i32
      %mul3A_1271 = arith.muli %add3A_1269, %mul3A_1270 : i32
      %dma_wait3A_1272 = arith.constant 16 : i32
      %dma_wait3A_1273 = tpu.memref_slice %arg8[%dma_wait3A_1272] : memref<8016xi32, #tpu.memory_space<vmem>> -> memref<8000xi32, #tpu.memory_space<vmem>>
      %dma_wait3A_1274 = tpu.memref_slice %arg4[%mul3A_1271] : memref<6400000xi32, #tpu.memory_space<hbm>> -> memref<8000xi32, #tpu.memory_space<hbm>>
      %dma_wait3A_1275 = arith.constant 16 : i32
      %dma_wait3A_1276 = tpu.memref_slice %arg8[%dma_wait3A_1275] : memref<8016xi32, #tpu.memory_space<vmem>> -> memref<8000xi32, #tpu.memory_space<vmem>>
      %dma_wait3A_1277 = tpu.memref_slice %arg4[%mul3A_1271] : memref<6400000xi32, #tpu.memory_space<hbm>> -> memref<8000xi32, #tpu.memory_space<hbm>>
      tpu.wait_dma2 semaphore(%arg22 : memref<!tpu.dma_semaphore, #tpu.memory_space<semaphore_mem>>) src(%dma_wait3A_1277 : memref<8000xi32, #tpu.memory_space<hbm>>) dst(%dma_wait3A_1276 : memref<8000xi32, #tpu.memory_space<vmem>>)
      %dma_wait3A_1278 = tpu.memref_slice %arg2[%mul3A_1271] : memref<6400000xf32, #tpu.memory_space<hbm>> -> memref<8000xf32, #tpu.memory_space<hbm>>
      %dma_wait3A_1279 = tpu.memref_slice %arg2[%mul3A_1271] : memref<6400000xf32, #tpu.memory_space<hbm>> -> memref<8000xf32, #tpu.memory_space<hbm>>
      tpu.wait_dma2 semaphore(%arg22 : memref<!tpu.dma_semaphore, #tpu.memory_space<semaphore_mem>>) src(%dma_wait3A_1279 : memref<8000xf32, #tpu.memory_space<hbm>>) dst(%arg10 : memref<8000xf32, #tpu.memory_space<vmem>>)
      %dma_wait3A_1280 = tpu.memref_slice %arg3[%mul3A_1271] : memref<6400000xf32, #tpu.memory_space<hbm>> -> memref<8000xf32, #tpu.memory_space<hbm>>
      %dma_wait3A_1281 = tpu.memref_slice %arg3[%mul3A_1271] : memref<6400000xf32, #tpu.memory_space<hbm>> -> memref<8000xf32, #tpu.memory_space<hbm>>
      tpu.wait_dma2 semaphore(%arg22 : memref<!tpu.dma_semaphore, #tpu.memory_space<semaphore_mem>>) src(%dma_wait3A_1281 : memref<8000xf32, #tpu.memory_space<hbm>>) dst(%arg12 : memref<8000xf32, #tpu.memory_space<vmem>>)
      %add3A_1282 = arith.constant 1 : i32
      %add3A_1283 = arith.addi %mul3A_1268, %add3A_1282 : i32
      %lt3A = arith.cmpi slt, %add3A_1283, %max3A_1197 : i32
      %convert_element_type3A_1284 = arith.extui %lt3A : i1 to i32
      %cond3A_1285 = arith.constant 0 : i32
      %cond3A_1286 = arith.cmpi ne, %convert_element_type3A_1284, %cond3A_1285 : i32
      scf.if %cond3A_1286 {
        %add3A_1356 = arith.constant 1 : i32
        %add3A_1357 = arith.addi %mul3A_1268, %add3A_1356 : i32
        %add3A_1358 = arith.addi %scan3A_1182#0, %add3A_1357 : i32
        %mul3A_1359 = arith.constant 8000 : i32
        %mul3A_1360 = arith.muli %add3A_1358, %mul3A_1359 : i32
        %dma_start3A_1361 = arith.constant 16 : i32
        %dma_start3A_1362 = tpu.memref_slice %arg9[%dma_start3A_1361] : memref<8016xi32, #tpu.memory_space<vmem>> -> memref<8000xi32, #tpu.memory_space<vmem>>
        %dma_start3A_1363 = tpu.memref_slice %arg4[%mul3A_1360] : memref<6400000xi32, #tpu.memory_space<hbm>> -> memref<8000xi32, #tpu.memory_space<hbm>>
        %dma_start3A_1364 = arith.constant 16 : i32
        %dma_start3A_1365 = tpu.memref_slice %arg9[%dma_start3A_1364] : memref<8016xi32, #tpu.memory_space<vmem>> -> memref<8000xi32, #tpu.memory_space<vmem>>
        %dma_start3A_1366 = tpu.memref_slice %arg4[%mul3A_1360] : memref<6400000xi32, #tpu.memory_space<hbm>> -> memref<8000xi32, #tpu.memory_space<hbm>>
        tpu.enqueue_dma source(%dma_start3A_1366 : memref<8000xi32, #tpu.memory_space<hbm>>) target(%dma_start3A_1365 : memref<8000xi32, #tpu.memory_space<vmem>>) target_semaphore(%arg22 : memref<!tpu.dma_semaphore, #tpu.memory_space<semaphore_mem>>)
        %dma_start3A_1367 = tpu.memref_slice %arg2[%mul3A_1360] : memref<6400000xf32, #tpu.memory_space<hbm>> -> memref<8000xf32, #tpu.memory_space<hbm>>
        %dma_start3A_1368 = tpu.memref_slice %arg2[%mul3A_1360] : memref<6400000xf32, #tpu.memory_space<hbm>> -> memref<8000xf32, #tpu.memory_space<hbm>>
        tpu.enqueue_dma source(%dma_start3A_1368 : memref<8000xf32, #tpu.memory_space<hbm>>) target(%arg11 : memref<8000xf32, #tpu.memory_space<vmem>>) target_semaphore(%arg22 : memref<!tpu.dma_semaphore, #tpu.memory_space<semaphore_mem>>)
        %dma_start3A_1369 = tpu.memref_slice %arg3[%mul3A_1360] : memref<6400000xf32, #tpu.memory_space<hbm>> -> memref<8000xf32, #tpu.memory_space<hbm>>
        %dma_start3A_1370 = tpu.memref_slice %arg3[%mul3A_1360] : memref<6400000xf32, #tpu.memory_space<hbm>> -> memref<8000xf32, #tpu.memory_space<hbm>>
        tpu.enqueue_dma source(%dma_start3A_1370 : memref<8000xf32, #tpu.memory_space<hbm>>) target(%arg13 : memref<8000xf32, #tpu.memory_space<vmem>>) target_semaphore(%arg22 : memref<!tpu.dma_semaphore, #tpu.memory_space<semaphore_mem>>)
      } else {
      }
      %add3A_1287 = arith.addi %scan3A_1182#0, %mul3A_1268 : i32
      %gt3A_1288 = arith.constant 0 : i32
      %gt3A_1289 = arith.cmpi sgt, %add3A_1287, %gt3A_1288 : i32
      %sub3A_1290 = arith.constant 1 : i32
      %sub3A_1291 = arith.subi %add3A_1287, %sub3A_1290 : i32
      %max3A_1292 = arith.constant 0 : i32
      %max3A_1293 = arith.maxsi %sub3A_1291, %max3A_1292 : i32
      %get3A = arith.index_cast %max3A_1293 : i32 to index
      %get3A_1294 = tpu.vector_load %arg20[%get3A] {strides = array<i32>} : memref<896xi32, #tpu.memory_space<vmem>>, vector<16xi32>,
      %slice3A = vector.extract_strided_slice %get3A_1294 {offsets = [0], sizes = [1], strides = [1]} : vector<16xi32> to vector<1xi32>
      %squeeze3A = vector.extract %slice3A[0] : i32 from vector<1xi32>
      %jit3A_1295 = arith.constant -1 : i32
      %select_n3A_1296 = arith.select %gt3A_1289, %squeeze3A, %jit3A_1295 : i32
      %get3A_1297 = arith.constant 16 : index
      %get3A_1298 = tpu.vector_load %arg8[%get3A_1297] {strides = array<i32>} : memref<8016xi32, #tpu.memory_space<vmem>>, vector<16xi32>,
      %slice3A_1299 = vector.extract_strided_slice %get3A_1298 {offsets = [0], sizes = [1], strides = [1]} : vector<16xi32> to vector<1xi32>
      %squeeze3A_1300 = vector.extract %slice3A_1299[0] : i32 from vector<1xi32>
      %ne3A_1301 = arith.cmpi ne, %squeeze3A_1300, %select_n3A_1296 : i32
      %broadcast_in_dim3A_1302 = arith.constant -1 : i32
      %broadcast_in_dim3A_1303 = vector.broadcast %broadcast_in_dim3A_1302 : i32 to vector<16xi32>
      %swap3A_1304 = arith.constant 0 : index
      %swap3A_1305 = tpu.vector_load %arg8[%swap3A_1304] {strides = array<i32>} : memref<8016xi32, #tpu.memory_space<vmem>>, vector<16xi32>,
      tpu.vector_store %arg8[%swap3A_1304], %broadcast_in_dim3A_1303 {strides = array<i32>} : memref<8016xi32, #tpu.memory_space<vmem>>, vector<16xi32>,
      %parallel_loop3A = arith.constant 0 : i32
      %parallel_loop3A_1306 = arith.constant 8000 : i32
      %parallel_loop3A_1307 = arith.constant 16 : i32
      %parallel_loop3A_1308 = arith.constant 0 : i32
      %parallel_loop3A_1309 = scf.for %parallel_loop3A_1356 = %parallel_loop3A to %parallel_loop3A_1306 step %parallel_loop3A_1307 iter_args(%parallel_loop3A_1357 = %parallel_loop3A_1308) -> (i32)  : i32 {
        %parallel_loop3A_1358 = arith.index_cast %parallel_loop3A_1356 : i32 to index
        %parallel_loop3A_1359 = tpu.vector_load %arg10[%parallel_loop3A_1358] {strides = array<i32>} : memref<8000xf32, #tpu.memory_space<vmem>>, vector<16xf32>,
        %parallel_loop3A_1360 = arith.constant true
        %parallel_loop3A_1361 = vector.broadcast %parallel_loop3A_1360 : i1 to vector<16xi1>
        %parallel_loop3A_1362 = tpu.scan <sum>, %parallel_loop3A_1359 masked %parallel_loop3A_1361 : vector<16xf32>, vector<16xi1> -> vector<16xf32>
        %parallel_loop3A_1363 = arith.index_cast %parallel_loop3A_1356 : i32 to index
        %parallel_loop3A_1364 = tpu.vector_load %arg14[%parallel_loop3A_1363] {strides = array<i32>} : memref<8208xf32, #tpu.memory_space<vmem>>, vector<16xf32>,
        tpu.vector_store %arg14[%parallel_loop3A_1363], %parallel_loop3A_1362 {strides = array<i32>} : memref<8208xf32, #tpu.memory_space<vmem>>, vector<16xf32>,
        %parallel_loop3A_1365 = arith.constant 16 : i32
        %parallel_loop3A_1366 = arith.addi %parallel_loop3A_1356, %parallel_loop3A_1365 : i32
        %parallel_loop3A_1367 = arith.index_cast %parallel_loop3A_1366 : i32 to index
        %parallel_loop3A_1368 = tpu.vector_load %arg8[%parallel_loop3A_1367] {strides = array<i32>} : memref<8016xi32, #tpu.memory_space<vmem>>, vector<16xi32>,
        %parallel_loop3A_1369 = arith.constant 15 : i32
        %parallel_loop3A_1370 = arith.addi %parallel_loop3A_1356, %parallel_loop3A_1369 : i32
        %parallel_loop3A_1371 = arith.index_cast %parallel_loop3A_1370 : i32 to index
        %parallel_loop3A_1372 = tpu.vector_load %arg8[%parallel_loop3A_1371] {strides = array<i32>} : memref<8016xi32, #tpu.memory_space<vmem>>, vector<16xi32>,
        %parallel_loop3A_1373 = arith.cmpi ne, %parallel_loop3A_1368, %parallel_loop3A_1372 : vector<16xi32>
        %parallel_loop3A_1374 = vector.broadcast %parallel_loop3A_1356 : i32 to vector<16xi32>
        %parallel_loop3A_1375 = arith.addi %parallel_loop3A_1374, %iota3A : vector<16xi32>
        %parallel_loop3A_1376 = arith.index_cast %parallel_loop3A_1357 : i32 to index
        %parallel_loop3A_1377 = tpu.vector_load %arg16[%parallel_loop3A_1376] masked %parallel_loop3A_1373 {strides = array<i32>} : memref<8032xi32, #tpu.memory_space<vmem>>, vector<16xi32>, vector<16xi1>
        tpu.vector_store %arg16[%parallel_loop3A_1376], %parallel_loop3A_1375 masked %parallel_loop3A_1373 {strides = array<i32>} : memref<8032xi32, #tpu.memory_space<vmem>>, vector<16xi32>, vector<16xi1>
        %parallel_loop3A_1378 = tpu.all_reduce %parallel_loop3A_1373 {dim = 0 : i64, kind = #tpu.reduction_kind<sum>} : vector<16xi1> -> vector<16xi32>
        %parallel_loop3A_1379 = vector.extract_strided_slice %parallel_loop3A_1378 {offsets = [0], sizes = [1], strides = [1]} : vector<16xi32> to vector<1xi32>
        %parallel_loop3A_1380 = vector.extract %parallel_loop3A_1379[0] : i32 from vector<1xi32>
        %parallel_loop3A_1381 = arith.addi %parallel_loop3A_1357, %parallel_loop3A_1380 : i32
        scf.yield %parallel_loop3A_1381 : i32
      } {sc.loop_unroll_factor = 8 : i64, sc.parallel_access}
      %broadcast_in_dim3A_1310 = arith.constant 8000 : i32
      %broadcast_in_dim3A_1311 = vector.broadcast %broadcast_in_dim3A_1310 : i32 to vector<16xi32>
      %swap3A_1312 = arith.index_cast %parallel_loop3A_1309 : i32 to index
      %swap3A_1313 = tpu.vector_load %arg16[%swap3A_1312] {strides = array<i32>} : memref<8032xi32, #tpu.memory_space<vmem>>, vector<16xi32>,
      tpu.vector_store %arg16[%swap3A_1312], %broadcast_in_dim3A_1311 {strides = array<i32>} : memref<8032xi32, #tpu.memory_space<vmem>>, vector<16xi32>,
      %parallel_loop3A_1314 = arith.constant 0 : i32
      %parallel_loop3A_1315 = arith.constant 512 : i32
      %parallel_loop3A_1316 = arith.constant 16 : i32
      %parallel_loop3A_1317 = arith.constant 0.000000e+00 : f32
      %parallel_loop3A_1318 = scf.for %parallel_loop3A_1356 = %parallel_loop3A_1314 to %parallel_loop3A_1315 step %parallel_loop3A_1316 iter_args(%parallel_loop3A_1357 = %parallel_loop3A_1317) -> (f32)  : i32 {
        %parallel_loop3A_1358 = vector.broadcast %parallel_loop3A_1356 : i32 to vector<16xi32>
        %parallel_loop3A_1359 = arith.addi %parallel_loop3A_1358, %iota3A : vector<16xi32>
        %parallel_loop3A_1360 = arith.constant 16 : i32
        %parallel_loop3A_1361 = vector.broadcast %parallel_loop3A_1360 : i32 to vector<16xi32>
        %parallel_loop3A_1362 = arith.muli %parallel_loop3A_1359, %parallel_loop3A_1361 : vector<16xi32>
        %parallel_loop3A_1363 = arith.constant 15 : i32
        %parallel_loop3A_1364 = vector.broadcast %parallel_loop3A_1363 : i32 to vector<16xi32>
        %parallel_loop3A_1365 = arith.addi %parallel_loop3A_1362, %parallel_loop3A_1364 : vector<16xi32>
        %parallel_loop3A_1366 = tpu.vector_load_idx %arg14[%parallel_loop3A_1365] : memref<8208xf32, #tpu.memory_space<vmem>>[vector<16xi32>], vector<16xf32>,
        %parallel_loop3A_1367 = arith.constant true
        %parallel_loop3A_1368 = vector.broadcast %parallel_loop3A_1367 : i1 to vector<16xi1>
        %parallel_loop3A_1369 = tpu.scan <sum>, %parallel_loop3A_1366 masked %parallel_loop3A_1368 : vector<16xf32>, vector<16xi1> -> vector<16xf32>
        %parallel_loop3A_1370 = arith.subf %parallel_loop3A_1369, %parallel_loop3A_1366 : vector<16xf32>
        %parallel_loop3A_1371 = vector.broadcast %parallel_loop3A_1357 : f32 to vector<16xf32>
        %parallel_loop3A_1372 = arith.addf %parallel_loop3A_1370, %parallel_loop3A_1371 : vector<16xf32>
        %parallel_loop3A_1373 = arith.index_cast %parallel_loop3A_1356 : i32 to index
        %parallel_loop3A_1374 = tpu.vector_load %arg15[%parallel_loop3A_1373] {strides = array<i32>} : memref<512xf32, #tpu.memory_space<vmem>>, vector<16xf32>,
        tpu.vector_store %arg15[%parallel_loop3A_1373], %parallel_loop3A_1372 {strides = array<i32>} : memref<512xf32, #tpu.memory_space<vmem>>, vector<16xf32>,
        %parallel_loop3A_1375 = vector.extract_strided_slice %parallel_loop3A_1369 {offsets = [15], sizes = [1], strides = [1]} : vector<16xf32> to vector<1xf32>
        %parallel_loop3A_1376 = vector.extract %parallel_loop3A_1375[0] : f32 from vector<1xf32>
        %parallel_loop3A_1377 = arith.addf %parallel_loop3A_1357, %parallel_loop3A_1376 : f32
        scf.yield %parallel_loop3A_1377 : f32
      } {sc.loop_unroll_factor = 1 : i64, sc.parallel_access}
      %add3A_1319 = arith.constant 15 : i32
      %add3A_1320 = arith.addi %parallel_loop3A_1309, %add3A_1319 : i32
      %jit3A_1321 = arith.constant 16 : i32
      %div3A_1322 = arith.divsi %add3A_1320, %jit3A_1321 : i32
      %sign3A_1323 = arith.constant 0 : i32
      %sign3A_1324 = arith.cmpi sgt, %add3A_1320, %sign3A_1323 : i32
      %sign3A_1325 = arith.extui %sign3A_1324 : i1 to i32
      %sign3A_1326 = arith.constant 0 : i32
      %sign3A_1327 = arith.cmpi slt, %add3A_1320, %sign3A_1326 : i32
      %sign3A_1328 = arith.extui %sign3A_1327 : i1 to i32
      %sign3A_1329 = arith.subi %sign3A_1325, %sign3A_1328 : i32
      %sign3A_1330 = arith.constant 0 : i32
      %sign3A_1331 = arith.cmpi sgt, %jit3A_1321, %sign3A_1330 : i32
      %sign3A_1332 = arith.extui %sign3A_1331 : i1 to i32
      %sign3A_1333 = arith.constant 0 : i32
      %sign3A_1334 = arith.cmpi slt, %jit3A_1321, %sign3A_1333 : i32
      %sign3A_1335 = arith.extui %sign3A_1334 : i1 to i32
      %sign3A_1336 = arith.subi %sign3A_1332, %sign3A_1335 : i32
      %ne3A_1337 = arith.cmpi ne, %sign3A_1329, %sign3A_1336 : i32
      %rem3A_1338 = arith.remsi %add3A_1320, %jit3A_1321 : i32
      %ne3A_1339 = arith.constant 0 : i32
      %ne3A_1340 = arith.cmpi ne, %rem3A_1338, %ne3A_1339 : i32
      %and3A_1341 = arith.andi %ne3A_1337, %ne3A_1340 : i1
      %sub3A_1342 = arith.constant 1 : i32
      %sub3A_1343 = arith.subi %div3A_1322, %sub3A_1342 : i32
      %select_n3A_1344 = arith.select %and3A_1341, %sub3A_1343, %div3A_1322 : i32
      %mul3A_1345 = arith.constant 16 : i32
      %mul3A_1346 = arith.muli %select_n3A_1344, %mul3A_1345 : i32
      %parallel_loop3A_1347 = arith.constant 0 : i32
      %parallel_loop3A_1348 = arith.constant 16 : i32
      scf.for %parallel_loop3A_1356 = %parallel_loop3A_1347 to %mul3A_1346 step %parallel_loop3A_1348  : i32 {
        %parallel_loop3A_1357 = arith.index_cast %parallel_loop3A_1356 : i32 to index
        %parallel_loop3A_1358 = tpu.vector_load %arg16[%parallel_loop3A_1357] {strides = array<i32>} : memref<8032xi32, #tpu.memory_space<vmem>>, vector<16xi32>,
        %parallel_loop3A_1359 = arith.constant 1 : i32
        %parallel_loop3A_1360 = arith.addi %parallel_loop3A_1356, %parallel_loop3A_1359 : i32
        %parallel_loop3A_1361 = arith.index_cast %parallel_loop3A_1360 : i32 to index
        %parallel_loop3A_1362 = tpu.vector_load %arg16[%parallel_loop3A_1361] {strides = array<i32>} : memref<8032xi32, #tpu.memory_space<vmem>>, vector<16xi32>,
        %parallel_loop3A_1363 = arith.constant 4 : i32
        %parallel_loop3A_1364 = vector.broadcast %parallel_loop3A_1363 : i32 to vector<16xi32>
        %parallel_loop3A_1365 = arith.shrui %parallel_loop3A_1362, %parallel_loop3A_1364 : vector<16xi32>
        %parallel_loop3A_1366 = tpu.vector_load_idx %arg15[%parallel_loop3A_1365] : memref<512xf32, #tpu.memory_space<vmem>>[vector<16xi32>], vector<16xf32>,
        %parallel_loop3A_1367 = arith.constant 1 : i32
        %parallel_loop3A_1368 = vector.broadcast %parallel_loop3A_1367 : i32 to vector<16xi32>
        %parallel_loop3A_1369 = arith.subi %parallel_loop3A_1362, %parallel_loop3A_1368 : vector<16xi32>
        %parallel_loop3A_1370 = arith.constant 0 : i32
        %parallel_loop3A_1371 = vector.broadcast %parallel_loop3A_1370 : i32 to vector<16xi32>
        %parallel_loop3A_1372 = arith.maxsi %parallel_loop3A_1369, %parallel_loop3A_1371 : vector<16xi32>
        %parallel_loop3A_1373 = tpu.vector_load_idx %arg14[%parallel_loop3A_1372] : memref<8208xf32, #tpu.memory_space<vmem>>[vector<16xi32>], vector<16xf32>,
        %parallel_loop3A_1374 = arith.constant 15 : i32
        %parallel_loop3A_1375 = vector.broadcast %parallel_loop3A_1374 : i32 to vector<16xi32>
        %parallel_loop3A_1376 = arith.andi %parallel_loop3A_1362, %parallel_loop3A_1375 : vector<16xi32>
        %parallel_loop3A_1377 = arith.constant 0 : i32
        %parallel_loop3A_1378 = vector.broadcast %parallel_loop3A_1377 : i32 to vector<16xi32>
        %parallel_loop3A_1379 = arith.cmpi eq, %parallel_loop3A_1376, %parallel_loop3A_1378 : vector<16xi32>
        %parallel_loop3A_1380 = arith.constant 0.000000e+00 : f32
        %parallel_loop3A_1381 = vector.broadcast %parallel_loop3A_1380 : f32 to vector<16xf32>
        %parallel_loop3A_1382 = arith.select %parallel_loop3A_1379, %parallel_loop3A_1381, %parallel_loop3A_1373 : vector<16xi1>, vector<16xf32>
        %parallel_loop3A_1383 = arith.addf %parallel_loop3A_1366, %parallel_loop3A_1382 : vector<16xf32>
        %parallel_loop3A_1384 = arith.constant 4 : i32
        %parallel_loop3A_1385 = vector.broadcast %parallel_loop3A_1384 : i32 to vector<16xi32>
        %parallel_loop3A_1386 = arith.shrui %parallel_loop3A_1358, %parallel_loop3A_1385 : vector<16xi32>
        %parallel_loop3A_1387 = tpu.vector_load_idx %arg15[%parallel_loop3A_1386] : memref<512xf32, #tpu.memory_space<vmem>>[vector<16xi32>], vector<16xf32>,
        %parallel_loop3A_1388 = arith.constant 1 : i32
        %parallel_loop3A_1389 = vector.broadcast %parallel_loop3A_1388 : i32 to vector<16xi32>
        %parallel_loop3A_1390 = arith.subi %parallel_loop3A_1358, %parallel_loop3A_1389 : vector<16xi32>
        %parallel_loop3A_1391 = arith.constant 0 : i32
        %parallel_loop3A_1392 = vector.broadcast %parallel_loop3A_1391 : i32 to vector<16xi32>
        %parallel_loop3A_1393 = arith.maxsi %parallel_loop3A_1390, %parallel_loop3A_1392 : vector<16xi32>
        %parallel_loop3A_1394 = tpu.vector_load_idx %arg14[%parallel_loop3A_1393] : memref<8208xf32, #tpu.memory_space<vmem>>[vector<16xi32>], vector<16xf32>,
        %parallel_loop3A_1395 = arith.constant 15 : i32
        %parallel_loop3A_1396 = vector.broadcast %parallel_loop3A_1395 : i32 to vector<16xi32>
        %parallel_loop3A_1397 = arith.andi %parallel_loop3A_1358, %parallel_loop3A_1396 : vector<16xi32>
        %parallel_loop3A_1398 = arith.constant 0 : i32
        %parallel_loop3A_1399 = vector.broadcast %parallel_loop3A_1398 : i32 to vector<16xi32>
        %parallel_loop3A_1400 = arith.cmpi eq, %parallel_loop3A_1397, %parallel_loop3A_1399 : vector<16xi32>
        %parallel_loop3A_1401 = arith.constant 0.000000e+00 : f32
        %parallel_loop3A_1402 = vector.broadcast %parallel_loop3A_1401 : f32 to vector<16xf32>
        %parallel_loop3A_1403 = arith.select %parallel_loop3A_1400, %parallel_loop3A_1402, %parallel_loop3A_1394 : vector<16xi1>, vector<16xf32>
        %parallel_loop3A_1404 = arith.addf %parallel_loop3A_1387, %parallel_loop3A_1403 : vector<16xf32>
        %parallel_loop3A_1405 = arith.subf %parallel_loop3A_1383, %parallel_loop3A_1404 : vector<16xf32>
        %parallel_loop3A_1406 = arith.subi %parallel_loop3A_1362, %parallel_loop3A_1358 : vector<16xi32>
        %parallel_loop3A_1407 = arith.sitofp %parallel_loop3A_1406 : vector<16xi32> to vector<16xf32>
        %parallel_loop3A_1408 = arith.constant 16 : i32
        %parallel_loop3A_1409 = vector.broadcast %parallel_loop3A_1408 : i32 to vector<16xi32>
        %parallel_loop3A_1410 = arith.addi %parallel_loop3A_1358, %parallel_loop3A_1409 : vector<16xi32>
        %parallel_loop3A_1411 = arith.constant 8015 : i32
        %parallel_loop3A_1412 = vector.broadcast %parallel_loop3A_1411 : i32 to vector<16xi32>
        %parallel_loop3A_1413 = arith.minsi %parallel_loop3A_1410, %parallel_loop3A_1412 : vector<16xi32>
        %parallel_loop3A_1414 = tpu.vector_load_idx %arg8[%parallel_loop3A_1413] : memref<8016xi32, #tpu.memory_space<vmem>>[vector<16xi32>], vector<16xi32>,
        %parallel_loop3A_1415 = arith.constant 7999 : i32
        %parallel_loop3A_1416 = vector.broadcast %parallel_loop3A_1415 : i32 to vector<16xi32>
        %parallel_loop3A_1417 = arith.minsi %parallel_loop3A_1358, %parallel_loop3A_1416 : vector<16xi32>
        %parallel_loop3A_1418 = tpu.vector_load_idx %arg12[%parallel_loop3A_1417] : memref<8000xf32, #tpu.memory_space<vmem>>[vector<16xi32>], vector<16xf32>,
        %parallel_loop3A_1419 = vector.broadcast %parallel_loop3A_1356 : i32 to vector<16xi32>
        %parallel_loop3A_1420 = arith.addi %parallel_loop3A_1419, %iota3A : vector<16xi32>
        %parallel_loop3A_1421 = vector.broadcast %mul3A_1174 : i32 to vector<16xi32>
        %parallel_loop3A_1422 = arith.cmpi sge, %parallel_loop3A_1414, %parallel_loop3A_1421 : vector<16xi32>
        %parallel_loop3A_1423 = vector.broadcast %add3A_1176 : i32 to vector<16xi32>
        %parallel_loop3A_1424 = arith.cmpi slt, %parallel_loop3A_1414, %parallel_loop3A_1423 : vector<16xi32>
        %parallel_loop3A_1425 = arith.andi %parallel_loop3A_1422, %parallel_loop3A_1424 : vector<16xi1>
        %parallel_loop3A_1426 = vector.broadcast %parallel_loop3A_1309 : i32 to vector<16xi32>
        %parallel_loop3A_1427 = arith.cmpi slt, %parallel_loop3A_1420, %parallel_loop3A_1426 : vector<16xi32>
        %parallel_loop3A_1428 = arith.andi %parallel_loop3A_1425, %parallel_loop3A_1427 : vector<16xi1>
        %parallel_loop3A_1429 = vector.broadcast %mul3A_1174 : i32 to vector<16xi32>
        %parallel_loop3A_1430 = arith.subi %parallel_loop3A_1414, %parallel_loop3A_1429 : vector<16xi32>
        %parallel_loop3A_1431 = arith.constant 0 : i32
        %parallel_loop3A_1432 = arith.constant 3135 : i32
        %parallel_loop3A_1433 = vector.broadcast %parallel_loop3A_1431 : i32 to vector<16xi32>
        %parallel_loop3A_1434 = arith.maxsi %parallel_loop3A_1433, %parallel_loop3A_1430 : vector<16xi32>
        %parallel_loop3A_1435 = vector.broadcast %parallel_loop3A_1432 : i32 to vector<16xi32>
        %parallel_loop3A_1436 = arith.minsi %parallel_loop3A_1435, %parallel_loop3A_1434 : vector<16xi32>
        tpu.vector_store_idx %arg17[%parallel_loop3A_1436], %parallel_loop3A_1405 masked %parallel_loop3A_1428 {add = true} : memref<3136xf32, #tpu.memory_space<vmem>>[vector<16xi32>], vector<16xf32>, vector<16xi1>
        tpu.vector_store_idx %arg18[%parallel_loop3A_1436], %parallel_loop3A_1407 masked %parallel_loop3A_1428 {add = true} : memref<3136xf32, #tpu.memory_space<vmem>>[vector<16xi32>], vector<16xf32>, vector<16xi1>
        %parallel_loop3A_1437 = arith.constant 0 : i32
        %parallel_loop3A_1438 = vector.broadcast %parallel_loop3A_1437 : i32 to vector<16xi32>
        %parallel_loop3A_1439 = arith.cmpi ne, %parallel_loop3A_1420, %parallel_loop3A_1438 : vector<16xi32>
        %parallel_loop3A_1440 = vector.broadcast %ne3A_1301 : i1 to vector<16xi1>
        %parallel_loop3A_1441 = arith.ori %parallel_loop3A_1439, %parallel_loop3A_1440 : vector<16xi1>
        %parallel_loop3A_1442 = arith.andi %parallel_loop3A_1428, %parallel_loop3A_1441 : vector<16xi1>
        tpu.vector_store_idx %arg19[%parallel_loop3A_1436], %parallel_loop3A_1418 masked %parallel_loop3A_1442 {add = true} : memref<3136xf32, #tpu.memory_space<vmem>>[vector<16xi32>], vector<16xf32>, vector<16xi1>
      } {sc.loop_unroll_factor = 1 : i64, sc.parallel_access}
      %add3A_1349 = arith.constant 1 : i32
      %add3A_1350 = arith.addi %mul3A_1268, %add3A_1349 : i32
      %lt3A_1351 = arith.cmpi slt, %add3A_1350, %max3A_1197 : i32
      %convert_element_type3A_1352 = arith.extui %lt3A_1351 : i1 to i32
      %cond3A_1353 = arith.constant 0 : i32
      %cond3A_1354 = arith.cmpi ne, %convert_element_type3A_1352, %cond3A_1353 : i32
      scf.if %cond3A_1354 {
        %add3A_1356 = arith.constant 1 : i32
        %add3A_1357 = arith.addi %mul3A_1268, %add3A_1356 : i32
        %add3A_1358 = arith.addi %scan3A_1182#0, %add3A_1357 : i32
        %mul3A_1359 = arith.constant 8000 : i32
        %mul3A_1360 = arith.muli %add3A_1358, %mul3A_1359 : i32
        %dma_wait3A_1361 = arith.constant 16 : i32
        %dma_wait3A_1362 = tpu.memref_slice %arg9[%dma_wait3A_1361] : memref<8016xi32, #tpu.memory_space<vmem>> -> memref<8000xi32, #tpu.memory_space<vmem>>
        %dma_wait3A_1363 = tpu.memref_slice %arg4[%mul3A_1360] : memref<6400000xi32, #tpu.memory_space<hbm>> -> memref<8000xi32, #tpu.memory_space<hbm>>
        %dma_wait3A_1364 = arith.constant 16 : i32
        %dma_wait3A_1365 = tpu.memref_slice %arg9[%dma_wait3A_1364] : memref<8016xi32, #tpu.memory_space<vmem>> -> memref<8000xi32, #tpu.memory_space<vmem>>
        %dma_wait3A_1366 = tpu.memref_slice %arg4[%mul3A_1360] : memref<6400000xi32, #tpu.memory_space<hbm>> -> memref<8000xi32, #tpu.memory_space<hbm>>
        tpu.wait_dma2 semaphore(%arg22 : memref<!tpu.dma_semaphore, #tpu.memory_space<semaphore_mem>>) src(%dma_wait3A_1366 : memref<8000xi32, #tpu.memory_space<hbm>>) dst(%dma_wait3A_1365 : memref<8000xi32, #tpu.memory_space<vmem>>)
        %dma_wait3A_1367 = tpu.memref_slice %arg2[%mul3A_1360] : memref<6400000xf32, #tpu.memory_space<hbm>> -> memref<8000xf32, #tpu.memory_space<hbm>>
        %dma_wait3A_1368 = tpu.memref_slice %arg2[%mul3A_1360] : memref<6400000xf32, #tpu.memory_space<hbm>> -> memref<8000xf32, #tpu.memory_space<hbm>>
        tpu.wait_dma2 semaphore(%arg22 : memref<!tpu.dma_semaphore, #tpu.memory_space<semaphore_mem>>) src(%dma_wait3A_1368 : memref<8000xf32, #tpu.memory_space<hbm>>) dst(%arg11 : memref<8000xf32, #tpu.memory_space<vmem>>)
        %dma_wait3A_1369 = tpu.memref_slice %arg3[%mul3A_1360] : memref<6400000xf32, #tpu.memory_space<hbm>> -> memref<8000xf32, #tpu.memory_space<hbm>>
        %dma_wait3A_1370 = tpu.memref_slice %arg3[%mul3A_1360] : memref<6400000xf32, #tpu.memory_space<hbm>> -> memref<8000xf32, #tpu.memory_space<hbm>>
        tpu.wait_dma2 semaphore(%arg22 : memref<!tpu.dma_semaphore, #tpu.memory_space<semaphore_mem>>) src(%dma_wait3A_1370 : memref<8000xf32, #tpu.memory_space<hbm>>) dst(%arg13 : memref<8000xf32, #tpu.memory_space<vmem>>)
        %add3A_1371 = arith.constant 1 : i32
        %add3A_1372 = arith.addi %add3A_1357, %add3A_1371 : i32
        %lt3A_1373 = arith.cmpi slt, %add3A_1372, %max3A_1197 : i32
        %convert_element_type3A_1374 = arith.extui %lt3A_1373 : i1 to i32
        %cond3A_1375 = arith.constant 0 : i32
        %cond3A_1376 = arith.cmpi ne, %convert_element_type3A_1374, %cond3A_1375 : i32
        scf.if %cond3A_1376 {
          %add3A_1443 = arith.constant 1 : i32
          %add3A_1444 = arith.addi %add3A_1357, %add3A_1443 : i32
          %add3A_1445 = arith.addi %scan3A_1182#0, %add3A_1444 : i32
          %mul3A_1446 = arith.constant 8000 : i32
          %mul3A_1447 = arith.muli %add3A_1445, %mul3A_1446 : i32
          %dma_start3A_1448 = arith.constant 16 : i32
          %dma_start3A_1449 = tpu.memref_slice %arg8[%dma_start3A_1448] : memref<8016xi32, #tpu.memory_space<vmem>> -> memref<8000xi32, #tpu.memory_space<vmem>>
          %dma_start3A_1450 = tpu.memref_slice %arg4[%mul3A_1447] : memref<6400000xi32, #tpu.memory_space<hbm>> -> memref<8000xi32, #tpu.memory_space<hbm>>
          %dma_start3A_1451 = arith.constant 16 : i32
          %dma_start3A_1452 = tpu.memref_slice %arg8[%dma_start3A_1451] : memref<8016xi32, #tpu.memory_space<vmem>> -> memref<8000xi32, #tpu.memory_space<vmem>>
          %dma_start3A_1453 = tpu.memref_slice %arg4[%mul3A_1447] : memref<6400000xi32, #tpu.memory_space<hbm>> -> memref<8000xi32, #tpu.memory_space<hbm>>
          tpu.enqueue_dma source(%dma_start3A_1453 : memref<8000xi32, #tpu.memory_space<hbm>>) target(%dma_start3A_1452 : memref<8000xi32, #tpu.memory_space<vmem>>) target_semaphore(%arg22 : memref<!tpu.dma_semaphore, #tpu.memory_space<semaphore_mem>>)
          %dma_start3A_1454 = tpu.memref_slice %arg2[%mul3A_1447] : memref<6400000xf32, #tpu.memory_space<hbm>> -> memref<8000xf32, #tpu.memory_space<hbm>>
          %dma_start3A_1455 = tpu.memref_slice %arg2[%mul3A_1447] : memref<6400000xf32, #tpu.memory_space<hbm>> -> memref<8000xf32, #tpu.memory_space<hbm>>
          tpu.enqueue_dma source(%dma_start3A_1455 : memref<8000xf32, #tpu.memory_space<hbm>>) target(%arg10 : memref<8000xf32, #tpu.memory_space<vmem>>) target_semaphore(%arg22 : memref<!tpu.dma_semaphore, #tpu.memory_space<semaphore_mem>>)
          %dma_start3A_1456 = tpu.memref_slice %arg3[%mul3A_1447] : memref<6400000xf32, #tpu.memory_space<hbm>> -> memref<8000xf32, #tpu.memory_space<hbm>>
          %dma_start3A_1457 = tpu.memref_slice %arg3[%mul3A_1447] : memref<6400000xf32, #tpu.memory_space<hbm>> -> memref<8000xf32, #tpu.memory_space<hbm>>
          tpu.enqueue_dma source(%dma_start3A_1457 : memref<8000xf32, #tpu.memory_space<hbm>>) target(%arg12 : memref<8000xf32, #tpu.memory_space<vmem>>) target_semaphore(%arg22 : memref<!tpu.dma_semaphore, #tpu.memory_space<semaphore_mem>>)
        } else {
        }
        %add3A_1377 = arith.addi %scan3A_1182#0, %add3A_1357 : i32
        %gt3A_1378 = arith.constant 0 : i32
        %gt3A_1379 = arith.cmpi sgt, %add3A_1377, %gt3A_1378 : i32
        %sub3A_1380 = arith.constant 1 : i32
        %sub3A_1381 = arith.subi %add3A_1377, %sub3A_1380 : i32
        %max3A_1382 = arith.constant 0 : i32
        %max3A_1383 = arith.maxsi %sub3A_1381, %max3A_1382 : i32
        %get3A_1384 = arith.index_cast %max3A_1383 : i32 to index
        %get3A_1385 = tpu.vector_load %arg20[%get3A_1384] {strides = array<i32>} : memref<896xi32, #tpu.memory_space<vmem>>, vector<16xi32>,
        %slice3A_1386 = vector.extract_strided_slice %get3A_1385 {offsets = [0], sizes = [1], strides = [1]} : vector<16xi32> to vector<1xi32>
        %squeeze3A_1387 = vector.extract %slice3A_1386[0] : i32 from vector<1xi32>
        %jit3A_1388 = arith.constant -1 : i32
        %select_n3A_1389 = arith.select %gt3A_1379, %squeeze3A_1387, %jit3A_1388 : i32
        %get3A_1390 = arith.constant 16 : index
        %get3A_1391 = tpu.vector_load %arg9[%get3A_1390] {strides = array<i32>} : memref<8016xi32, #tpu.memory_space<vmem>>, vector<16xi32>,
        %slice3A_1392 = vector.extract_strided_slice %get3A_1391 {offsets = [0], sizes = [1], strides = [1]} : vector<16xi32> to vector<1xi32>
        %squeeze3A_1393 = vector.extract %slice3A_1392[0] : i32 from vector<1xi32>
        %ne3A_1394 = arith.cmpi ne, %squeeze3A_1393, %select_n3A_1389 : i32
        %broadcast_in_dim3A_1395 = arith.constant -1 : i32
        %broadcast_in_dim3A_1396 = vector.broadcast %broadcast_in_dim3A_1395 : i32 to vector<16xi32>
        %swap3A_1397 = arith.constant 0 : index
        %swap3A_1398 = tpu.vector_load %arg9[%swap3A_1397] {strides = array<i32>} : memref<8016xi32, #tpu.memory_space<vmem>>, vector<16xi32>,
        tpu.vector_store %arg9[%swap3A_1397], %broadcast_in_dim3A_1396 {strides = array<i32>} : memref<8016xi32, #tpu.memory_space<vmem>>, vector<16xi32>,
        %parallel_loop3A_1399 = arith.constant 0 : i32
        %parallel_loop3A_1400 = arith.constant 8000 : i32
        %parallel_loop3A_1401 = arith.constant 16 : i32
        %parallel_loop3A_1402 = arith.constant 0 : i32
        %parallel_loop3A_1403 = scf.for %parallel_loop3A_1443 = %parallel_loop3A_1399 to %parallel_loop3A_1400 step %parallel_loop3A_1401 iter_args(%parallel_loop3A_1444 = %parallel_loop3A_1402) -> (i32)  : i32 {
          %parallel_loop3A_1445 = arith.index_cast %parallel_loop3A_1443 : i32 to index
          %parallel_loop3A_1446 = tpu.vector_load %arg11[%parallel_loop3A_1445] {strides = array<i32>} : memref<8000xf32, #tpu.memory_space<vmem>>, vector<16xf32>,
          %parallel_loop3A_1447 = arith.constant true
          %parallel_loop3A_1448 = vector.broadcast %parallel_loop3A_1447 : i1 to vector<16xi1>
          %parallel_loop3A_1449 = tpu.scan <sum>, %parallel_loop3A_1446 masked %parallel_loop3A_1448 : vector<16xf32>, vector<16xi1> -> vector<16xf32>
          %parallel_loop3A_1450 = arith.index_cast %parallel_loop3A_1443 : i32 to index
          %parallel_loop3A_1451 = tpu.vector_load %arg14[%parallel_loop3A_1450] {strides = array<i32>} : memref<8208xf32, #tpu.memory_space<vmem>>, vector<16xf32>,
          tpu.vector_store %arg14[%parallel_loop3A_1450], %parallel_loop3A_1449 {strides = array<i32>} : memref<8208xf32, #tpu.memory_space<vmem>>, vector<16xf32>,
          %parallel_loop3A_1452 = arith.constant 16 : i32
          %parallel_loop3A_1453 = arith.addi %parallel_loop3A_1443, %parallel_loop3A_1452 : i32
          %parallel_loop3A_1454 = arith.index_cast %parallel_loop3A_1453 : i32 to index
          %parallel_loop3A_1455 = tpu.vector_load %arg9[%parallel_loop3A_1454] {strides = array<i32>} : memref<8016xi32, #tpu.memory_space<vmem>>, vector<16xi32>,
          %parallel_loop3A_1456 = arith.constant 15 : i32
          %parallel_loop3A_1457 = arith.addi %parallel_loop3A_1443, %parallel_loop3A_1456 : i32
          %parallel_loop3A_1458 = arith.index_cast %parallel_loop3A_1457 : i32 to index
          %parallel_loop3A_1459 = tpu.vector_load %arg9[%parallel_loop3A_1458] {strides = array<i32>} : memref<8016xi32, #tpu.memory_space<vmem>>, vector<16xi32>,
          %parallel_loop3A_1460 = arith.cmpi ne, %parallel_loop3A_1455, %parallel_loop3A_1459 : vector<16xi32>
          %parallel_loop3A_1461 = vector.broadcast %parallel_loop3A_1443 : i32 to vector<16xi32>
          %parallel_loop3A_1462 = arith.addi %parallel_loop3A_1461, %iota3A : vector<16xi32>
          %parallel_loop3A_1463 = arith.index_cast %parallel_loop3A_1444 : i32 to index
          %parallel_loop3A_1464 = tpu.vector_load %arg16[%parallel_loop3A_1463] masked %parallel_loop3A_1460 {strides = array<i32>} : memref<8032xi32, #tpu.memory_space<vmem>>, vector<16xi32>, vector<16xi1>
          tpu.vector_store %arg16[%parallel_loop3A_1463], %parallel_loop3A_1462 masked %parallel_loop3A_1460 {strides = array<i32>} : memref<8032xi32, #tpu.memory_space<vmem>>, vector<16xi32>, vector<16xi1>
          %parallel_loop3A_1465 = tpu.all_reduce %parallel_loop3A_1460 {dim = 0 : i64, kind = #tpu.reduction_kind<sum>} : vector<16xi1> -> vector<16xi32>
          %parallel_loop3A_1466 = vector.extract_strided_slice %parallel_loop3A_1465 {offsets = [0], sizes = [1], strides = [1]} : vector<16xi32> to vector<1xi32>
          %parallel_loop3A_1467 = vector.extract %parallel_loop3A_1466[0] : i32 from vector<1xi32>
          %parallel_loop3A_1468 = arith.addi %parallel_loop3A_1444, %parallel_loop3A_1467 : i32
          scf.yield %parallel_loop3A_1468 : i32
        } {sc.loop_unroll_factor = 8 : i64, sc.parallel_access}
        %broadcast_in_dim3A_1404 = arith.constant 8000 : i32
        %broadcast_in_dim3A_1405 = vector.broadcast %broadcast_in_dim3A_1404 : i32 to vector<16xi32>
        %swap3A_1406 = arith.index_cast %parallel_loop3A_1403 : i32 to index
        %swap3A_1407 = tpu.vector_load %arg16[%swap3A_1406] {strides = array<i32>} : memref<8032xi32, #tpu.memory_space<vmem>>, vector<16xi32>,
        tpu.vector_store %arg16[%swap3A_1406], %broadcast_in_dim3A_1405 {strides = array<i32>} : memref<8032xi32, #tpu.memory_space<vmem>>, vector<16xi32>,
        %parallel_loop3A_1408 = arith.constant 0 : i32
        %parallel_loop3A_1409 = arith.constant 512 : i32
        %parallel_loop3A_1410 = arith.constant 16 : i32
        %parallel_loop3A_1411 = arith.constant 0.000000e+00 : f32
        %parallel_loop3A_1412 = scf.for %parallel_loop3A_1443 = %parallel_loop3A_1408 to %parallel_loop3A_1409 step %parallel_loop3A_1410 iter_args(%parallel_loop3A_1444 = %parallel_loop3A_1411) -> (f32)  : i32 {
          %parallel_loop3A_1445 = vector.broadcast %parallel_loop3A_1443 : i32 to vector<16xi32>
          %parallel_loop3A_1446 = arith.addi %parallel_loop3A_1445, %iota3A : vector<16xi32>
          %parallel_loop3A_1447 = arith.constant 16 : i32
          %parallel_loop3A_1448 = vector.broadcast %parallel_loop3A_1447 : i32 to vector<16xi32>
          %parallel_loop3A_1449 = arith.muli %parallel_loop3A_1446, %parallel_loop3A_1448 : vector<16xi32>
          %parallel_loop3A_1450 = arith.constant 15 : i32
          %parallel_loop3A_1451 = vector.broadcast %parallel_loop3A_1450 : i32 to vector<16xi32>
          %parallel_loop3A_1452 = arith.addi %parallel_loop3A_1449, %parallel_loop3A_1451 : vector<16xi32>
          %parallel_loop3A_1453 = tpu.vector_load_idx %arg14[%parallel_loop3A_1452] : memref<8208xf32, #tpu.memory_space<vmem>>[vector<16xi32>], vector<16xf32>,
          %parallel_loop3A_1454 = arith.constant true
          %parallel_loop3A_1455 = vector.broadcast %parallel_loop3A_1454 : i1 to vector<16xi1>
          %parallel_loop3A_1456 = tpu.scan <sum>, %parallel_loop3A_1453 masked %parallel_loop3A_1455 : vector<16xf32>, vector<16xi1> -> vector<16xf32>
          %parallel_loop3A_1457 = arith.subf %parallel_loop3A_1456, %parallel_loop3A_1453 : vector<16xf32>
          %parallel_loop3A_1458 = vector.broadcast %parallel_loop3A_1444 : f32 to vector<16xf32>
          %parallel_loop3A_1459 = arith.addf %parallel_loop3A_1457, %parallel_loop3A_1458 : vector<16xf32>
          %parallel_loop3A_1460 = arith.index_cast %parallel_loop3A_1443 : i32 to index
          %parallel_loop3A_1461 = tpu.vector_load %arg15[%parallel_loop3A_1460] {strides = array<i32>} : memref<512xf32, #tpu.memory_space<vmem>>, vector<16xf32>,
          tpu.vector_store %arg15[%parallel_loop3A_1460], %parallel_loop3A_1459 {strides = array<i32>} : memref<512xf32, #tpu.memory_space<vmem>>, vector<16xf32>,
          %parallel_loop3A_1462 = vector.extract_strided_slice %parallel_loop3A_1456 {offsets = [15], sizes = [1], strides = [1]} : vector<16xf32> to vector<1xf32>
          %parallel_loop3A_1463 = vector.extract %parallel_loop3A_1462[0] : f32 from vector<1xf32>
          %parallel_loop3A_1464 = arith.addf %parallel_loop3A_1444, %parallel_loop3A_1463 : f32
          scf.yield %parallel_loop3A_1464 : f32
        } {sc.loop_unroll_factor = 1 : i64, sc.parallel_access}
        %add3A_1413 = arith.constant 15 : i32
        %add3A_1414 = arith.addi %parallel_loop3A_1403, %add3A_1413 : i32
        %jit3A_1415 = arith.constant 16 : i32
        %div3A_1416 = arith.divsi %add3A_1414, %jit3A_1415 : i32
        %sign3A_1417 = arith.constant 0 : i32
        %sign3A_1418 = arith.cmpi sgt, %add3A_1414, %sign3A_1417 : i32
        %sign3A_1419 = arith.extui %sign3A_1418 : i1 to i32
        %sign3A_1420 = arith.constant 0 : i32
        %sign3A_1421 = arith.cmpi slt, %add3A_1414, %sign3A_1420 : i32
        %sign3A_1422 = arith.extui %sign3A_1421 : i1 to i32
        %sign3A_1423 = arith.subi %sign3A_1419, %sign3A_1422 : i32
        %sign3A_1424 = arith.constant 0 : i32
        %sign3A_1425 = arith.cmpi sgt, %jit3A_1415, %sign3A_1424 : i32
        %sign3A_1426 = arith.extui %sign3A_1425 : i1 to i32
        %sign3A_1427 = arith.constant 0 : i32
        %sign3A_1428 = arith.cmpi slt, %jit3A_1415, %sign3A_1427 : i32
        %sign3A_1429 = arith.extui %sign3A_1428 : i1 to i32
        %sign3A_1430 = arith.subi %sign3A_1426, %sign3A_1429 : i32
        %ne3A_1431 = arith.cmpi ne, %sign3A_1423, %sign3A_1430 : i32
        %rem3A_1432 = arith.remsi %add3A_1414, %jit3A_1415 : i32
        %ne3A_1433 = arith.constant 0 : i32
        %ne3A_1434 = arith.cmpi ne, %rem3A_1432, %ne3A_1433 : i32
        %and3A_1435 = arith.andi %ne3A_1431, %ne3A_1434 : i1
        %sub3A_1436 = arith.constant 1 : i32
        %sub3A_1437 = arith.subi %div3A_1416, %sub3A_1436 : i32
        %select_n3A_1438 = arith.select %and3A_1435, %sub3A_1437, %div3A_1416 : i32
        %mul3A_1439 = arith.constant 16 : i32
        %mul3A_1440 = arith.muli %select_n3A_1438, %mul3A_1439 : i32
        %parallel_loop3A_1441 = arith.constant 0 : i32
        %parallel_loop3A_1442 = arith.constant 16 : i32
        scf.for %parallel_loop3A_1443 = %parallel_loop3A_1441 to %mul3A_1440 step %parallel_loop3A_1442  : i32 {
          %parallel_loop3A_1444 = arith.index_cast %parallel_loop3A_1443 : i32 to index
          %parallel_loop3A_1445 = tpu.vector_load %arg16[%parallel_loop3A_1444] {strides = array<i32>} : memref<8032xi32, #tpu.memory_space<vmem>>, vector<16xi32>,
          %parallel_loop3A_1446 = arith.constant 1 : i32
          %parallel_loop3A_1447 = arith.addi %parallel_loop3A_1443, %parallel_loop3A_1446 : i32
          %parallel_loop3A_1448 = arith.index_cast %parallel_loop3A_1447 : i32 to index
          %parallel_loop3A_1449 = tpu.vector_load %arg16[%parallel_loop3A_1448] {strides = array<i32>} : memref<8032xi32, #tpu.memory_space<vmem>>, vector<16xi32>,
          %parallel_loop3A_1450 = arith.constant 4 : i32
          %parallel_loop3A_1451 = vector.broadcast %parallel_loop3A_1450 : i32 to vector<16xi32>
          %parallel_loop3A_1452 = arith.shrui %parallel_loop3A_1449, %parallel_loop3A_1451 : vector<16xi32>
          %parallel_loop3A_1453 = tpu.vector_load_idx %arg15[%parallel_loop3A_1452] : memref<512xf32, #tpu.memory_space<vmem>>[vector<16xi32>], vector<16xf32>,
          %parallel_loop3A_1454 = arith.constant 1 : i32
          %parallel_loop3A_1455 = vector.broadcast %parallel_loop3A_1454 : i32 to vector<16xi32>
          %parallel_loop3A_1456 = arith.subi %parallel_loop3A_1449, %parallel_loop3A_1455 : vector<16xi32>
          %parallel_loop3A_1457 = arith.constant 0 : i32
          %parallel_loop3A_1458 = vector.broadcast %parallel_loop3A_1457 : i32 to vector<16xi32>
          %parallel_loop3A_1459 = arith.maxsi %parallel_loop3A_1456, %parallel_loop3A_1458 : vector<16xi32>
          %parallel_loop3A_1460 = tpu.vector_load_idx %arg14[%parallel_loop3A_1459] : memref<8208xf32, #tpu.memory_space<vmem>>[vector<16xi32>], vector<16xf32>,
          %parallel_loop3A_1461 = arith.constant 15 : i32
          %parallel_loop3A_1462 = vector.broadcast %parallel_loop3A_1461 : i32 to vector<16xi32>
          %parallel_loop3A_1463 = arith.andi %parallel_loop3A_1449, %parallel_loop3A_1462 : vector<16xi32>
          %parallel_loop3A_1464 = arith.constant 0 : i32
          %parallel_loop3A_1465 = vector.broadcast %parallel_loop3A_1464 : i32 to vector<16xi32>
          %parallel_loop3A_1466 = arith.cmpi eq, %parallel_loop3A_1463, %parallel_loop3A_1465 : vector<16xi32>
          %parallel_loop3A_1467 = arith.constant 0.000000e+00 : f32
          %parallel_loop3A_1468 = vector.broadcast %parallel_loop3A_1467 : f32 to vector<16xf32>
          %parallel_loop3A_1469 = arith.select %parallel_loop3A_1466, %parallel_loop3A_1468, %parallel_loop3A_1460 : vector<16xi1>, vector<16xf32>
          %parallel_loop3A_1470 = arith.addf %parallel_loop3A_1453, %parallel_loop3A_1469 : vector<16xf32>
          %parallel_loop3A_1471 = arith.constant 4 : i32
          %parallel_loop3A_1472 = vector.broadcast %parallel_loop3A_1471 : i32 to vector<16xi32>
          %parallel_loop3A_1473 = arith.shrui %parallel_loop3A_1445, %parallel_loop3A_1472 : vector<16xi32>
          %parallel_loop3A_1474 = tpu.vector_load_idx %arg15[%parallel_loop3A_1473] : memref<512xf32, #tpu.memory_space<vmem>>[vector<16xi32>], vector<16xf32>,
          %parallel_loop3A_1475 = arith.constant 1 : i32
          %parallel_loop3A_1476 = vector.broadcast %parallel_loop3A_1475 : i32 to vector<16xi32>
          %parallel_loop3A_1477 = arith.subi %parallel_loop3A_1445, %parallel_loop3A_1476 : vector<16xi32>
          %parallel_loop3A_1478 = arith.constant 0 : i32
          %parallel_loop3A_1479 = vector.broadcast %parallel_loop3A_1478 : i32 to vector<16xi32>
          %parallel_loop3A_1480 = arith.maxsi %parallel_loop3A_1477, %parallel_loop3A_1479 : vector<16xi32>
          %parallel_loop3A_1481 = tpu.vector_load_idx %arg14[%parallel_loop3A_1480] : memref<8208xf32, #tpu.memory_space<vmem>>[vector<16xi32>], vector<16xf32>,
          %parallel_loop3A_1482 = arith.constant 15 : i32
          %parallel_loop3A_1483 = vector.broadcast %parallel_loop3A_1482 : i32 to vector<16xi32>
          %parallel_loop3A_1484 = arith.andi %parallel_loop3A_1445, %parallel_loop3A_1483 : vector<16xi32>
          %parallel_loop3A_1485 = arith.constant 0 : i32
          %parallel_loop3A_1486 = vector.broadcast %parallel_loop3A_1485 : i32 to vector<16xi32>
          %parallel_loop3A_1487 = arith.cmpi eq, %parallel_loop3A_1484, %parallel_loop3A_1486 : vector<16xi32>
          %parallel_loop3A_1488 = arith.constant 0.000000e+00 : f32
          %parallel_loop3A_1489 = vector.broadcast %parallel_loop3A_1488 : f32 to vector<16xf32>
          %parallel_loop3A_1490 = arith.select %parallel_loop3A_1487, %parallel_loop3A_1489, %parallel_loop3A_1481 : vector<16xi1>, vector<16xf32>
          %parallel_loop3A_1491 = arith.addf %parallel_loop3A_1474, %parallel_loop3A_1490 : vector<16xf32>
          %parallel_loop3A_1492 = arith.subf %parallel_loop3A_1470, %parallel_loop3A_1491 : vector<16xf32>
          %parallel_loop3A_1493 = arith.subi %parallel_loop3A_1449, %parallel_loop3A_1445 : vector<16xi32>
          %parallel_loop3A_1494 = arith.sitofp %parallel_loop3A_1493 : vector<16xi32> to vector<16xf32>
          %parallel_loop3A_1495 = arith.constant 16 : i32
          %parallel_loop3A_1496 = vector.broadcast %parallel_loop3A_1495 : i32 to vector<16xi32>
          %parallel_loop3A_1497 = arith.addi %parallel_loop3A_1445, %parallel_loop3A_1496 : vector<16xi32>
          %parallel_loop3A_1498 = arith.constant 8015 : i32
          %parallel_loop3A_1499 = vector.broadcast %parallel_loop3A_1498 : i32 to vector<16xi32>
          %parallel_loop3A_1500 = arith.minsi %parallel_loop3A_1497, %parallel_loop3A_1499 : vector<16xi32>
          %parallel_loop3A_1501 = tpu.vector_load_idx %arg9[%parallel_loop3A_1500] : memref<8016xi32, #tpu.memory_space<vmem>>[vector<16xi32>], vector<16xi32>,
          %parallel_loop3A_1502 = arith.constant 7999 : i32
          %parallel_loop3A_1503 = vector.broadcast %parallel_loop3A_1502 : i32 to vector<16xi32>
          %parallel_loop3A_1504 = arith.minsi %parallel_loop3A_1445, %parallel_loop3A_1503 : vector<16xi32>
          %parallel_loop3A_1505 = tpu.vector_load_idx %arg13[%parallel_loop3A_1504] : memref<8000xf32, #tpu.memory_space<vmem>>[vector<16xi32>], vector<16xf32>,
          %parallel_loop3A_1506 = vector.broadcast %parallel_loop3A_1443 : i32 to vector<16xi32>
          %parallel_loop3A_1507 = arith.addi %parallel_loop3A_1506, %iota3A : vector<16xi32>
          %parallel_loop3A_1508 = vector.broadcast %mul3A_1174 : i32 to vector<16xi32>
          %parallel_loop3A_1509 = arith.cmpi sge, %parallel_loop3A_1501, %parallel_loop3A_1508 : vector<16xi32>
          %parallel_loop3A_1510 = vector.broadcast %add3A_1176 : i32 to vector<16xi32>
          %parallel_loop3A_1511 = arith.cmpi slt, %parallel_loop3A_1501, %parallel_loop3A_1510 : vector<16xi32>
          %parallel_loop3A_1512 = arith.andi %parallel_loop3A_1509, %parallel_loop3A_1511 : vector<16xi1>
          %parallel_loop3A_1513 = vector.broadcast %parallel_loop3A_1403 : i32 to vector<16xi32>
          %parallel_loop3A_1514 = arith.cmpi slt, %parallel_loop3A_1507, %parallel_loop3A_1513 : vector<16xi32>
          %parallel_loop3A_1515 = arith.andi %parallel_loop3A_1512, %parallel_loop3A_1514 : vector<16xi1>
          %parallel_loop3A_1516 = vector.broadcast %mul3A_1174 : i32 to vector<16xi32>
          %parallel_loop3A_1517 = arith.subi %parallel_loop3A_1501, %parallel_loop3A_1516 : vector<16xi32>
          %parallel_loop3A_1518 = arith.constant 0 : i32
          %parallel_loop3A_1519 = arith.constant 3135 : i32
          %parallel_loop3A_1520 = vector.broadcast %parallel_loop3A_1518 : i32 to vector<16xi32>
          %parallel_loop3A_1521 = arith.maxsi %parallel_loop3A_1520, %parallel_loop3A_1517 : vector<16xi32>
          %parallel_loop3A_1522 = vector.broadcast %parallel_loop3A_1519 : i32 to vector<16xi32>
          %parallel_loop3A_1523 = arith.minsi %parallel_loop3A_1522, %parallel_loop3A_1521 : vector<16xi32>
          tpu.vector_store_idx %arg17[%parallel_loop3A_1523], %parallel_loop3A_1492 masked %parallel_loop3A_1515 {add = true} : memref<3136xf32, #tpu.memory_space<vmem>>[vector<16xi32>], vector<16xf32>, vector<16xi1>
          tpu.vector_store_idx %arg18[%parallel_loop3A_1523], %parallel_loop3A_1494 masked %parallel_loop3A_1515 {add = true} : memref<3136xf32, #tpu.memory_space<vmem>>[vector<16xi32>], vector<16xf32>, vector<16xi1>
          %parallel_loop3A_1524 = arith.constant 0 : i32
          %parallel_loop3A_1525 = vector.broadcast %parallel_loop3A_1524 : i32 to vector<16xi32>
          %parallel_loop3A_1526 = arith.cmpi ne, %parallel_loop3A_1507, %parallel_loop3A_1525 : vector<16xi32>
          %parallel_loop3A_1527 = vector.broadcast %ne3A_1394 : i1 to vector<16xi1>
          %parallel_loop3A_1528 = arith.ori %parallel_loop3A_1526, %parallel_loop3A_1527 : vector<16xi1>
          %parallel_loop3A_1529 = arith.andi %parallel_loop3A_1515, %parallel_loop3A_1528 : vector<16xi1>
          tpu.vector_store_idx %arg19[%parallel_loop3A_1523], %parallel_loop3A_1505 masked %parallel_loop3A_1529 {add = true} : memref<3136xf32, #tpu.memory_space<vmem>>[vector<16xi32>], vector<16xf32>, vector<16xi1>
        } {sc.loop_unroll_factor = 1 : i64, sc.parallel_access}
      } else {
      }
      %while3A_1355 = arith.constant 0 : i32
      scf.yield %while3A_1355 : i32
    }
    %mul3A_1263 = arith.constant 3136 : i32
    %mul3A_1264 = arith.muli %add3A, %mul3A_1263 : i32
    "tpu.region"() ({
      %run_scoped3A = tpu.sem_alloc : memref<!tpu.dma_semaphore, #tpu.memory_space<semaphore_mem>>
      %dma_start3A_1265 = tpu.memref_slice %arg5[%mul3A_1264] : memref<100352xf32, #tpu.memory_space<hbm>> -> memref<3136xf32, #tpu.memory_space<hbm>>
      %dma_start3A_1266 = tpu.memref_slice %arg5[%mul3A_1264] : memref<100352xf32, #tpu.memory_space<hbm>> -> memref<3136xf32, #tpu.memory_space<hbm>>
      tpu.enqueue_dma source(%arg17 : memref<3136xf32, #tpu.memory_space<vmem>>) target(%dma_start3A_1266 : memref<3136xf32, #tpu.memory_space<hbm>>) target_semaphore(%run_scoped3A : memref<!tpu.dma_semaphore, #tpu.memory_space<semaphore_mem>>)
      %dma_wait3A_1267 = tpu.memref_slice %arg5[%mul3A_1264] : memref<100352xf32, #tpu.memory_space<hbm>> -> memref<3136xf32, #tpu.memory_space<hbm>>
      %dma_wait3A_1268 = tpu.memref_slice %arg5[%mul3A_1264] : memref<100352xf32, #tpu.memory_space<hbm>> -> memref<3136xf32, #tpu.memory_space<hbm>>
      tpu.wait_dma2 semaphore(%run_scoped3A : memref<!tpu.dma_semaphore, #tpu.memory_space<semaphore_mem>>) src(%arg17 : memref<3136xf32, #tpu.memory_space<vmem>>) dst(%dma_wait3A_1268 : memref<3136xf32, #tpu.memory_space<hbm>>)
      tpu.yield
    }) : () -> ()
    "tpu.region"() ({
      %run_scoped3A = tpu.sem_alloc : memref<!tpu.dma_semaphore, #tpu.memory_space<semaphore_mem>>
      %dma_start3A_1265 = tpu.memref_slice %arg6[%mul3A_1264] : memref<100352xf32, #tpu.memory_space<hbm>> -> memref<3136xf32, #tpu.memory_space<hbm>>
      %dma_start3A_1266 = tpu.memref_slice %arg6[%mul3A_1264] : memref<100352xf32, #tpu.memory_space<hbm>> -> memref<3136xf32, #tpu.memory_space<hbm>>
      tpu.enqueue_dma source(%arg18 : memref<3136xf32, #tpu.memory_space<vmem>>) target(%dma_start3A_1266 : memref<3136xf32, #tpu.memory_space<hbm>>) target_semaphore(%run_scoped3A : memref<!tpu.dma_semaphore, #tpu.memory_space<semaphore_mem>>)
      %dma_wait3A_1267 = tpu.memref_slice %arg6[%mul3A_1264] : memref<100352xf32, #tpu.memory_space<hbm>> -> memref<3136xf32, #tpu.memory_space<hbm>>
      %dma_wait3A_1268 = tpu.memref_slice %arg6[%mul3A_1264] : memref<100352xf32, #tpu.memory_space<hbm>> -> memref<3136xf32, #tpu.memory_space<hbm>>
      tpu.wait_dma2 semaphore(%run_scoped3A : memref<!tpu.dma_semaphore, #tpu.memory_space<semaphore_mem>>) src(%arg18 : memref<3136xf32, #tpu.memory_space<vmem>>) dst(%dma_wait3A_1268 : memref<3136xf32, #tpu.memory_space<hbm>>)
      tpu.yield
    }) : () -> ()
    "tpu.region"() ({
      %run_scoped3A = tpu.sem_alloc : memref<!tpu.dma_semaphore, #tpu.memory_space<semaphore_mem>>
      %dma_start3A_1265 = tpu.memref_slice %arg7[%mul3A_1264] : memref<100352xf32, #tpu.memory_space<hbm>> -> memref<3136xf32, #tpu.memory_space<hbm>>
      %dma_start3A_1266 = tpu.memref_slice %arg7[%mul3A_1264] : memref<100352xf32, #tpu.memory_space<hbm>> -> memref<3136xf32, #tpu.memory_space<hbm>>
      tpu.enqueue_dma source(%arg19 : memref<3136xf32, #tpu.memory_space<vmem>>) target(%dma_start3A_1266 : memref<3136xf32, #tpu.memory_space<hbm>>) target_semaphore(%run_scoped3A : memref<!tpu.dma_semaphore, #tpu.memory_space<semaphore_mem>>)
      %dma_wait3A_1267 = tpu.memref_slice %arg7[%mul3A_1264] : memref<100352xf32, #tpu.memory_space<hbm>> -> memref<3136xf32, #tpu.memory_space<hbm>>
      %dma_wait3A_1268 = tpu.memref_slice %arg7[%mul3A_1264] : memref<100352xf32, #tpu.memory_space<hbm>> -> memref<3136xf32, #tpu.memory_space<hbm>>
      tpu.wait_dma2 semaphore(%run_scoped3A : memref<!tpu.dma_semaphore, #tpu.memory_space<semaphore_mem>>) src(%arg19 : memref<3136xf32, #tpu.memory_space<vmem>>) dst(%dma_wait3A_1268 : memref<3136xf32, #tpu.memory_space<hbm>>)
      tpu.yield
    }) : () -> ()
    return
  }
}

module attributes {stable_mosaic.version = 14 : i64} {
  func.func @_sig_body(%arg0: i32, %arg1: memref<5000x128xf32, #tpu.memory_space<vmem>>, %arg2: memref<5000x128xf32, #tpu.memory_space<vmem>>) attributes {dimension_semantics = [#tpu.dimension_semantics<arbitrary>], iteration_bounds = array<i64: 10>, scalar_prefetch = 0 : i64, scratch_operands = 0 : i64, tpu.core_type = #tpu.core_type<tc>, window_params = [{transform_indices = @transform_0, window_bounds = array<i64: 5000, 128>}, {transform_indices = @transform_1, window_bounds = array<i64: 5000, 128>}]} {
    %get3A = arith.constant 0 : index
    %get3A_0 = arith.constant 0 : index
    %get3A_1 = vector.load %arg1[%get3A, %get3A_0] : memref<5000x128xf32, #tpu.memory_space<vmem>>, vector<5000x128xf32>
    %neg3A = arith.constant 0.000000e+00 : f32
    %neg3A_2 = vector.broadcast %neg3A : f32 to vector<5000x128xf32>
    %neg3A_3 = arith.subf %neg3A_2, %get3A_1 : vector<5000x128xf32>
    %exp3A = math.exp %neg3A_3 : vector<5000x128xf32>
    %add3A = arith.constant 1.000000e+00 : f32
    %add3A_4 = vector.broadcast %add3A : f32 to vector<5000x128xf32>
    %add3A_5 = arith.addf %add3A_4, %exp3A : vector<5000x128xf32>
    %div3A = arith.constant 1.000000e+00 : f32
    %div3A_6 = vector.broadcast %div3A : f32 to vector<5000x128xf32>
    %div3A_7 = arith.divf %div3A_6, %add3A_5 : vector<5000x128xf32>
    %swap3A = arith.constant 0 : index
    %swap3A_8 = arith.constant 0 : index
    %swap3A_9 = vector.load %arg2[%swap3A, %swap3A_8] : memref<5000x128xf32, #tpu.memory_space<vmem>>, vector<5000x128xf32>
    tpu.vector_store %arg2[%swap3A, %swap3A_8], %div3A_7 {strides = array<i32>} : memref<5000x128xf32, #tpu.memory_space<vmem>>, vector<5000x128xf32>,
    return
  }
  func.func @transform_0(%arg0: i32) -> (i32, i32) {
    %c0_i32 = arith.constant 0 : i32
    %c0_i32_0 = arith.constant 0 : i32
    return %arg0, %c0_i32 : i32, i32
  }
  func.func @transform_1(%arg0: i32) -> (i32, i32) {
    %c0_i32 = arith.constant 0 : i32
    %c0_i32_0 = arith.constant 0 : i32
    return %arg0, %c0_i32 : i32, i32
  }
}

module attributes {stable_mosaic.version = 14 : i64} {
  func.func @_fin_body(%arg0: memref<784x128xf32, #tpu.memory_space<vmem>>, %arg1: memref<784x128xf32, #tpu.memory_space<vmem>>, %arg2: memref<784x128xf32, #tpu.memory_space<vmem>>, %arg3: memref<1x1xf32, #tpu.memory_space<vmem>>) attributes {dimension_semantics = [], scalar_prefetch = 0 : i64, scratch_operands = 0 : i64, tpu.core_type = #tpu.core_type<tc>} {
    %get3A = arith.constant 0 : index
    %get3A_0 = arith.constant 0 : index
    %get3A_1 = vector.load %arg0[%get3A, %get3A_0] : memref<784x128xf32, #tpu.memory_space<vmem>>, vector<784x128xf32>
    %get3A_2 = arith.constant 0 : index
    %get3A_3 = arith.constant 0 : index
    %get3A_4 = vector.load %arg1[%get3A_2, %get3A_3] : memref<784x128xf32, #tpu.memory_space<vmem>>, vector<784x128xf32>
    %get3A_5 = arith.constant 0 : index
    %get3A_6 = arith.constant 0 : index
    %get3A_7 = vector.load %arg2[%get3A_5, %get3A_6] : memref<784x128xf32, #tpu.memory_space<vmem>>, vector<784x128xf32>
    %gt3A = arith.constant 0.000000e+00 : f32
    %gt3A_8 = vector.broadcast %gt3A : f32 to vector<784x128xf32>
    %gt3A_9 = arith.cmpf ogt, %get3A_4, %gt3A_8 : vector<784x128xf32>
    %max3A = arith.constant 1.000000e+00 : f32
    %max3A_10 = vector.broadcast %max3A : f32 to vector<784x128xf32>
    %max3A_11 = arith.maximumf %get3A_4, %max3A_10 : vector<784x128xf32>
    %div3A = arith.divf %get3A_1, %max3A_11 : vector<784x128xf32>
    %log3A = math.log %div3A : vector<784x128xf32>
    %max3A_12 = arith.constant -1.000000e+02 : f32
    %max3A_13 = vector.broadcast %max3A_12 : f32 to vector<784x128xf32>
    %max3A_14 = arith.maximumf %log3A, %max3A_13 : vector<784x128xf32>
    %sub3A = arith.constant 1.000000e+00 : f32
    %sub3A_15 = vector.broadcast %sub3A : f32 to vector<784x128xf32>
    %sub3A_16 = arith.subf %sub3A_15, %div3A : vector<784x128xf32>
    %log3A_17 = math.log %sub3A_16 : vector<784x128xf32>
    %max3A_18 = arith.constant -1.000000e+02 : f32
    %max3A_19 = vector.broadcast %max3A_18 : f32 to vector<784x128xf32>
    %max3A_20 = arith.maximumf %log3A_17, %max3A_19 : vector<784x128xf32>
    %mul3A = arith.mulf %get3A_7, %max3A_14 : vector<784x128xf32>
    %sub3A_21 = arith.constant 1.000000e+00 : f32
    %sub3A_22 = vector.broadcast %sub3A_21 : f32 to vector<784x128xf32>
    %sub3A_23 = arith.subf %sub3A_22, %get3A_7 : vector<784x128xf32>
    %mul3A_24 = arith.mulf %sub3A_23, %max3A_20 : vector<784x128xf32>
    %add3A = arith.addf %mul3A, %mul3A_24 : vector<784x128xf32>
    %neg3A = arith.constant 0.000000e+00 : f32
    %neg3A_25 = vector.broadcast %neg3A : f32 to vector<784x128xf32>
    %neg3A_26 = arith.subf %neg3A_25, %add3A : vector<784x128xf32>
    %jit3A = arith.constant 0.000000e+00 : f32
    %broadcast_in_dim3A = vector.broadcast %jit3A : f32 to vector<784x128xf32>
    %select_n3A = arith.select %gt3A_9, %neg3A_26, %broadcast_in_dim3A : vector<784x128xi1>, vector<784x128xf32>
    %reduce_sum3A = vector.shape_cast %select_n3A : vector<784x128xf32> to vector<1x784x128xf32>
    %reduce_sum3A_27 = arith.constant dense<0.000000e+00> : vector<1xf32>
    %reduce_sum3A_28 = vector.multi_reduction <add>, %reduce_sum3A, %reduce_sum3A_27 [1, 2] : vector<1x784x128xf32> to vector<1xf32>
    %reduce_sum3A_29 = vector.shape_cast %reduce_sum3A_28 : vector<1xf32> to vector<1x1x1xf32>
    %reduce_sum3A_30 = vector.extract %reduce_sum3A_29[0, 0, 0] : f32 from vector<1x1x1xf32>
    %convert_element_type3A = arith.extui %gt3A_9 : vector<784x128xi1> to vector<784x128xi32>
    %convert_element_type3A_31 = arith.sitofp %convert_element_type3A : vector<784x128xi32> to vector<784x128xf32>
    %reduce_sum3A_32 = vector.shape_cast %convert_element_type3A_31 : vector<784x128xf32> to vector<1x784x128xf32>
    %reduce_sum3A_33 = arith.constant dense<0.000000e+00> : vector<1xf32>
    %reduce_sum3A_34 = vector.multi_reduction <add>, %reduce_sum3A_32, %reduce_sum3A_33 [1, 2] : vector<1x784x128xf32> to vector<1xf32>
    %reduce_sum3A_35 = vector.shape_cast %reduce_sum3A_34 : vector<1xf32> to vector<1x1x1xf32>
    %reduce_sum3A_36 = vector.extract %reduce_sum3A_35[0, 0, 0] : f32 from vector<1x1x1xf32>
    %max3A_37 = arith.constant 1.000000e+00 : f32
    %max3A_38 = arith.maximumf %reduce_sum3A_36, %max3A_37 : f32
    %div3A_39 = arith.divf %reduce_sum3A_30, %max3A_38 : f32
    %reshape3A = vector.broadcast %div3A_39 : f32 to vector<1x1xf32>
    %swap3A = arith.constant 0 : index
    %swap3A_40 = arith.constant 0 : index
    %swap3A_41 = vector.load %arg3[%swap3A, %swap3A_40] : memref<1x1xf32, #tpu.memory_space<vmem>>, vector<1x1xf32>
    tpu.vector_store %arg3[%swap3A, %swap3A_40], %reshape3A {strides = array<i32>} : memref<1x1xf32, #tpu.memory_space<vmem>>, vector<1x1xf32>,
    return
  }
}

</mosaic_0001>

<sc_bundles>
// kernel: kernel.5.cloned.1.call-start
scs
__scs_entry_jumppad:
0x0: {  	(pc) =	sbr.rel $0x88, $3  }
0x1: {  	(tag) =	ssettag $0x0;
	lr =	simm.s32 $0x1  }
0x2: {  	[smem:$0x3F9E] =	sst lr;
	_ =	strace $0xD0000000  }
0x3: {  	_ = 	snop  }
0x4: {  	_ = 	snop  }
0x5: {  	_ = 	snop  }
0x6: {  	_ = 	snop  }
0x7: {  	_ = 	snop  }
__scs_overlays_trampoline_lowered:
0x8: {  	[smem:$0x3FAD] =	sst s0  }
0x9: {  	[smem:$0x3FAE] =	sst s1  }
0xa: {  	[smem:$0x3FAF] =	sst s2  }
0xb: {  	[smem:$0x3FB0] =	sst s3  }
0xc: {  	[smem:$0x3FB1] =	sst s4  }
0xd: {  	[smem:$0x3FB2] =	sst s5  }
0xe: {  	[smem:$0x3FB3] =	sst s6  }
0xf: {  	[smem:$0x3FB4] =	sst s7  }
0x10: {  	[smem:$0x3FB5] =	sst s8  }
0x11: {  	[smem:$0x3FB6] =	sst s9;
	s0 =	simm.s32 @!p0 $0x0  }
0x12: {  	s1 =	sld [smem:$0x3F9C];
	s0 =	simm.s32 @p0 $0x1  }
0x13: {  	[smem:$0x3FB7] =	sst s0;
	s0 =	simm.s32 @!p1 $0x0  }
0x14: {  	s2 =	sld [smem:$0x3F9B];
	s0 =	simm.s32 @p1 $0x1  }
0x15: {  	[smem:$0x3FB8] =	sst s0;
	s0 =	simm.s32 @!p2 $0x0  }
0x16: {  	s3 =	sld [smem:$0x3FDB];
	s0 =	simm.s32 @p2 $0x1  }
0x17: {  	s4 =	simm.s32 $0x1BF5;
	[smem:$0x3FBA] =	sst s0  }
0x18: {  	s0 =	sld [smem:$0x3F9D];
	_ =	swait.ge [sflag:s4], $0x0  }
0x19: {  	s7 =	sld [smem:$0x3F9E]  }
0x1a: {  	s8 =	sadd.s32 $0xFFFFE003, lr  }
0x1b: {  	s9 =	sadd.s32 $0xFFFFFEF7, lr;
	s5 =	simm.s32 $0xFFFFFFFF;
	p2 =	slt.u32 s8, $0xFFFFF086  }
0x1c: {  	p1 =	slt.u32 s9, $0xF7A;
	s5 =	simm.s32 @!p2 $0x0  }
0x1d: {  	s5 =	simm.s32 @p1 $0x1;
	p0 =	seq.s32 s7, s2  }
0x1e: {  	s7 =	smul.u32 @!p0 $0xF7A, s2;
	p2 =	seq.s32 @!p0 s5, $0x0  }
0x1f: {  	s9 =	smul.u32 $0xF7A, s1;
	s8 =	simm.s32 @!p0 $0x1BF5;
	p2 =	por !p2, p0  }
0x20: {  	[sflag:s8] =	ssyncset.s32 @!p0 $0xFFFFF086;
	s6 =	sadd.s32 @!p0 s3, s7;
	s7 =	simm.s32 @!p0 $0x108  }
0x21: {  	s3 =	sadd.s32 s3, s9;
	s6 =	sadd.s32 @!p0 $0x88, s6;
	s7 =	simm.s32 @p2 $0x1082  }
0x22: {  	[simem:s7], [sflag:s8] =	dma.local @!p0 [hbm:s6], $0xF7A  }
0x23: {  	s9 =	sor.u32 $0xD0000000, s2;
	s6 =	simm.s32 $0x108;
	_ =	swait.ge @!p0 [sflag:s8], $0x0  }
0x24: {  	s3 =	sadd.s32 $0x88, s3;
	s6 =	simm.s32 @!p1 $0x1082;
	[sflag:s4] =	ssyncset.s32 $0xFFFFF086  }
0x25: {  	[simem:s6], [sflag:s4] =	dma.local [hbm:s3], $0xF7A  }
0x26: {  	[smem:$0x3F9E] =	sst s1;
	(tag) =	ssettag s2;
	_ =	strace s9  }
0x27: {  	s1 =	sld [smem:$0x3FAE]  }
0x28: {  	s2 =	sld [smem:$0x3FAF]  }
0x29: {  	s4 =	sld [smem:$0x3FB1]  }
0x2a: {  	p0 =	seq.s32 s5, $0x0;
	s5 =	sld [smem:$0x3FB2]  }
0x2b: {  	s6 =	sld [smem:$0x3FB3]  }
0x2c: {  	s7 =	sld [smem:$0x3FB4]  }
0x2d: {  	s3 =	simm.s32 $0x108;
	s8 =	sld [smem:$0x3FB5]  }
0x2e: {  	s3 =	simm.s32 @!p0 $0x1082;
	s9 =	sld [smem:$0x3FB6]  }
0x2f: {  	lr =	sadd.s32 s0, s3;
	s0 =	sld [smem:$0x3FAD]  }
0x30: {  	s3 =	sld [smem:$0x3FB0]  }
0x31: {  	[smem:$0x3FB9] =	sst s10  }
0x32: {  	s10 =	sld [smem:$0x3FB7];
	_ =	sdelay $0x3  }
0x33: {  	p0 =	seq.s32 s10, $0x1;
	s10 =	sld [smem:$0x3FB9];
	_ =	sdelay $0x3  }
0x34: {  	[smem:$0x3FB9] =	sst s10  }
0x35: {  	s10 =	sld [smem:$0x3FB8];
	_ =	sdelay $0x3  }
0x36: {  	p1 =	seq.s32 s10, $0x1;
	s10 =	sld [smem:$0x3FB9];
	_ =	sdelay $0x3  }
0x37: {  	[smem:$0x3FB9] =	sst s10  }
0x38: {  	s10 =	sld [smem:$0x3FBA]  }
0x39: {  	_ = 	snop;
	(pc) =	sbr.ind lr, $3  }
0x3a: {  	_ = 	snop  }
0x3b: {  	_ = 	snop  }
0x3c: {  	p2 =	seq.s32 s10, $0x1;
	s10 =	sld [smem:$0x3FB9]  }
0x3d: {  	_ =	shalt  }
0x3e: {  	_ =	shalt  }
0x3f: {  	_ =	shalt  }
0x40: {  	_ =	shalt  }
0x41: {  	_ =	shalt  }
0x42: {  	_ =	shalt  }
0x43: {  	_ =	shalt  }
0x44: {  	_ =	shalt  }
0x45: {  	_ =	shalt  }
0x46: {  	_ =	shalt  }
0x47: {  	_ =	shalt  }
0x48: {  	_ =	shalt  }
0x49: {  	_ =	shalt  }
0x4a: {  	_ =	shalt  }
0x4b: {  	_ =	shalt  }
0x4c: {  	_ =	shalt  }
0x4d: {  	_ =	shalt  }
0x4e: {  	_ =	shalt  }
0x4f: {  	_ =	shalt  }
0x50: {  	_ =	shalt  }
0x51: {  	_ =	shalt  }
0x52: {  	_ =	shalt  }
0x53: {  	_ =	shalt  }
0x54: {  	_ =	shalt  }
0x55: {  	_ =	shalt  }
0x56: {  	_ =	shalt  }
0x57: {  	_ =	shalt  }
0x58: {  	_ =	shalt  }
0x59: {  	_ =	shalt  }
0x5a: {  	_ =	shalt  }
0x5b: {  	_ =	shalt  }
0x5c: {  	_ =	shalt  }
0x5d: {  	_ =	shalt  }
0x5e: {  	_ =	shalt  }
0x5f: {  	_ =	shalt  }
0x60: {  	_ =	shalt  }
0x61: {  	_ =	shalt  }
0x62: {  	_ =	shalt  }
0x63: {  	_ =	shalt  }
0x64: {  	_ =	shalt  }
0x65: {  	_ =	shalt  }
0x66: {  	_ =	shalt  }
0x67: {  	_ =	shalt  }
0x68: {  	_ =	shalt  }
0x69: {  	_ =	shalt  }
0x6a: {  	_ =	shalt  }
0x6b: {  	_ =	shalt  }
0x6c: {  	_ =	shalt  }
0x6d: {  	_ =	shalt  }
0x6e: {  	_ =	shalt  }
0x6f: {  	_ =	shalt  }
0x70: {  	_ =	shalt  }
0x71: {  	_ =	shalt  }
0x72: {  	_ =	shalt  }
0x73: {  	_ =	shalt  }
0x74: {  	_ =	shalt  }
0x75: {  	_ =	shalt  }
0x76: {  	_ =	shalt  }
0x77: {  	_ =	shalt  }
0x78: {  	_ =	shalt  }
0x79: {  	_ =	shalt  }
0x7a: {  	_ =	shalt  }
0x7b: {  	_ =	shalt  }
0x7c: {  	_ =	shalt  }
0x7d: {  	_ =	shalt  }
0x7e: {  	_ =	shalt  }
0x7f: {  	_ =	shalt  }
0x80: {  	_ =	shalt  }
0x81: {  	_ =	shalt  }
0x82: {  	_ =	shalt  }
0x83: {  	_ =	shalt  }
0x84: {  	_ =	shalt  }
0x85: {  	_ =	shalt  }
0x86: {  	_ =	shalt  }
0x87: {  	_ =	shalt  }
.Lfunc_end0:
.L_simem_size_0:
called_computation_lowered:
.L_overlay_start_0:
0x88: {  	s2 =	sld [smem:$0x3FD9]  }
0x89: {  	s3 =	sld [smem:$0x3FFE];
	_ =	sdelay $0x1  }
0x8a: {  	s1 =	srdreg.scid  }
0x8b: {  	s0 =	sand.u32 $0x1, s1  }
0x8c: {  	s17 =	sshll.u32 s0, $0xA;
	s2 =	sadd.s32 s3, s2  }
0x8d: {  	s2 =	sadd.s32 s2, s17  }
0x8e: {  	[smem:$0x3FC5] =	sst s2  }
0x8f: {  	_ = 	snop  }
0x90: {  	s2 =	sld [smem:$0x3FC8]  }
0x91: {  	s18 =	sld [smem:$0x3FC7];
	(tm) =	ssettm $0x1  }
0x92: {  	s4 =	sld [smem:$0x3FFB];
	_ =	sdelay $0x3  }
0x93: {  	_ =	strace s4  }
0x94: {  	s4 =	sld [smem:$0x3FFC];
	_ =	sdelay $0x3  }
0x95: {  	_ =	strace s4  }
0x96: {  	s4 =	sld [smem:$0x3FFD];
	_ =	sdelay $0x3  }
0x97: {  	_ =	strace s4  }
0x98: {  	_ =	strace $0x8FFFFFFF  }
0x99: {  	s19 =	sld [smem:$0x3FDB];
	_ =	sdelay $0x1  }
0x9a: {  	s5 =	simm.s32 $_scs_section_size  }
0x9b: {  	s6 =	simm.s32 $_size__tile_overlayer_lowered;
	s7 =	simm.s32 $_tile_overlayer_lowered  }
0x9c: {  	s22 =	simm.s32 $0x1BFF;
	s21 =	sshll.u32 s7, $0x1;
	s4 =	sadd.s32 s5, s19  }
0x9d: {  	s8 =	simm.s32 $0x0;
	s20 =	sshll.u32 s6, $0x1;
	s6 =	sadd.s32 s21, s4  }
0x9e: {  	[timem:s8], [sflag:s22] =	dma.local [hbm:s6], s20  }
0x9f: {  	_ =	swait.ge [sflag:s22], s20  }
0xa0: {  	s5 =	ssub.s32 $0x0, s20;
	[sflag:s22] =	ssyncset.done $0x0  }
0xa1: {  	[sflag:s22] =	ssyncadd.s32 s5;
	_ =	sdelay $0x1  }
0xa2: {  	s23 =	simm.s32 $0x1B8B  }
0xa3: {  	_ =	swait.ge [sflag:s23], $0x1  }
0xa4: {  	[sflag:s23] =	ssyncset.done $0x0  }
0xa5: {  	s25 =	simm.s32 $0x1B8E;
	s24 =	sld [smem:$0x3FFE];
	[sflag:s23] =	ssyncadd.s32 $0xFFFFFFFF  }
0xa6: {  	s26 =	simm.s32 $execute0_lowered;
	[smem:$0x3FD2] =	sst s25  }
0xa7: {  	s6 =	sshll.u32 s26, $0x1;
	_ =	strace $0x80000046;
	[dreg:$0x1] =	wrdreg $0xFFFFFFFF  }
0xa8: {  	s28 =	simm.s32 $_size_execute0_lowered;
	s4 =	sadd.s32 s4, s6;
	[dreg:$0x0] =	wrdreg $0x0  }
0xa9: {  	s6 =	sshll.u32 s28, $0x1;
	[dreg:$0x2] =	wrdreg s4  }
0xaa: {  	[dreg:$0x3] =	wrdreg s6  }
0xab: {  	[dreg:$0x4] =	wrdreg $0xC0  }
0xac: {  	_ =	task [dreg:s8], $0x5FFFF  }
0xad: {  	[dreg:$0x1] =	wrdreg $0xFFFFFFFF  }
0xae: {  	[dreg:$0x0] =	wrdreg $0x60  }
0xaf: {  	[dreg:$0x2] =	wrdreg s24  }
0xb0: {  	[dreg:$0x3] =	wrdreg s2  }
0xb1: {  	[dreg:$0x4] =	wrdreg s18  }
0xb2: {  	[dreg:$0x5] =	wrdreg $0x9  }
0xb3: {  	_ =	task.clear_ibuf [dreg:s8], $0x6FFFF;
	_ =	strace $0x90000046  }
0xb4: {  	s29 =	simm.s32 $0x9;
	_ =	strace $0x80000048  }
0xb5: {  	_ =	swait.ge [sflag:s29], $0x1  }
0xb6: {  	[sflag:s29] =	ssyncadd.s32 $0xFFFFFFFF  }
0xb7: {  	_ =	strace $0x90000048  }
0xb8: {  	_ =	sfence  }
0xb9: {  	s30 =	sld [smem:$0x0];
	_ =	sdelay $0x2  }
0xba: {  	s31 =	sshll.u32 s1, $0xD;
	s1 =	sshrl.u32 s1, $0x2  }
0xbb: {  	s3 =	sand.u32 $0x4000, s31;
	s1 =	sadd.s32 s1, s30  }
0xbc: {  	s0 =	sor.u32 s3, s0;
	s1 =	sshll.u32 s1, $0x11  }
0xbd: {  	s0 =	sor.u32 s1, s0  }
0xbe: {  	s0 =	sadd.s32 $0x8F2B, s0  }
0xbf: {  	[sflag:s0] =	ssyncadd.remote.s32 $0x1  }
0xc0: {  	_ =	sfence.sel $0xFFFF  }
0xc1: {  	[dreg:$0x0] =	wrdreg $0xFFFFFFFF;
	(pc) =	sbr.abs _section_cstart, $3  }
0xc2: {  	[dreg:$0x1] =	wrdreg $0xFFFFFFFF  }
0xc3: {  	_ =	task.clear_ibuf [dreg:s8], $0x2FFFF;
	_ =	strace $0x9FFFFFFF  }
0xc4: {  	(tm) =	ssettm $0x7FFFFFFF  }
0xc5: {  	_ =	shalt  }
tec
execute0_lowered:
.L_overlay_start_1:
0x0: {  	(tag) =	ssettag $0x1  }
0x1: {  	v0 =	vlaneseq.u32  }
0x2: {  	s5 =	simm.s32 $0x0;
	v1 =	vmul.u32 $0x1F40, v0  }
0x3: {  	s29 =	simm.s32 $0xFF00;
	s31 =	simm.s32 $0x10B80;
	v53 =	vimm.s32 $0x61A7FF;
	[smem:$0x7FF] =	sst s5  }
0x4: {  	s1 =	rddreg [dreg:$0x0];
	s13 =	simm.s32 $0xDD80;
	_ =	strace $0x80000047;
	v2 =	vadd.s32 $0x1F3F, v1;
	v18 =	vadd.s32 $0x2B173F, v1  }
0x5: {  	v19 =	vadd.s32 $0x2D0B3F, v1;
	v20 =	vadd.s32 $0x2EFF3F, v1;
	v21 =	vadd.s32 $0x30F33F, v1  }
0x6: {  	v22 =	vadd.s32 $0x32E73F, v1;
	v23 =	vadd.s32 $0x34DB3F, v1;
	v24 =	vadd.s32 $0x36CF3F, v1  }
0x7: {  	v25 =	vadd.s32 $0x38C33F, v1;
	v26 =	vadd.s32 $0x3AB73F, v1;
	v27 =	vadd.s32 $0x3CAB3F, v1  }
0x8: {  	v28 =	vadd.s32 $0x3E9F3F, v1;
	v29 =	vadd.s32 $0x40933F, v1;
	[tilespmem:$0x1FEF0] =	vst v2;
	v2 =	vadd.s32 $0x2133F, v1  }
0x9: {  	v30 =	vadd.s32 $0x42873F, v1;
	v31 =	vadd.s32 $0x447B3F, v1;
	[tilespmem:$0x1FF00] =	vst v2;
	v2 =	vadd.s32 $0x4073F, v1  }
0xa: {  	v32 =	vadd.s32 $0x466F3F, v1;
	v33 =	vadd.s32 $0x48633F, v1;
	[tilespmem:$0x1FF10] =	vst v2;
	v2 =	vadd.s32 $0x5FB3F, v1  }
0xb: {  	s14 =	simm.s32 $0x7E00;
	v34 =	vadd.s32 $0x4A573F, v1;
	[tilespmem:$0x1FF20] =	vst v2;
	v2 =	vadd.s32 $0x11B33F, v1  }
0xc: {  	v56 =	vimm.s32 $0x1F40;
	v35 =	vadd.s32 $0x4C4B3F, v1;
	[tilespmem:$0x1FF30] =	vst v2;
	v2 =	vadd.s32 $0x13A73F, v1  }
0xd: {  	s0 =	srdreg.scid;
	s16 =	simm.s32 $0x1F80;
	v37 =	vadd.s32 $0x4E3F3F, v1;
	[tilespmem:$0x1FF40] =	vst v2;
	v2 =	vadd.s32 $0x159B3F, v1  }
0xe: {  	s17 =	simm.s32 $0x9D80;
	s0 =	sand.u32 $0x1, s0;
	v38 =	vadd.s32 $0x50333F, v1;
	[tilespmem:$0x1FF50] =	vst v2;
	v2 =	vadd.s32 $0x178F3F, v1  }
0xf: {  	s3 =	stileid.u32;
	v57 =	vmul.u32 $0x10, v0;
	s2 =	sshll.u32 s0, $0x4;
	s0 =	ssub.s32 $0x2, s0;
	v39 =	vadd.s32 $0x52273F, v1;
	[tilespmem:$0x1FF60] =	vst v2;
	v2 =	vadd.s32 $0x19833F, v1  }
0x10: {  	s2 =	sor.u32 s3, s2;
	s30 =	sshrl.u32 s0, $0x1;
	v36 =	vadd.s32 $0x7EF3F, v1;
	v40 =	vadd.s32 $0x541B3F, v1;
	[tilespmem:$0x1FF70] =	vst v2;
	v2 =	vadd.s32 $0x1B773F, v1  }
0x11: {  	v42 =	vadd.s32 $0x560F3F, v1;
	s4 =	smul.u32 $0xC40, s2;
	s0 =	ssub.s32 s0, s30;
	[tilespmem:$0x1FF80] =	vst v2;
	v2 =	vadd.s32 $0x1D6B3F, v1  }
0x12: {  	v41 =	vadd.s32 $0x9E33F, v1;
	v44 =	vadd.s32 $0x58033F, v1;
	s0 =	smax.u32 s0, $0x1;
	[tilespmem:$0x1FF90] =	vst v2;
	v2 =	vadd.s32 $0x1F5F3F, v1  }
0x13: {  	v43 =	vadd.s32 $0xBD73F, v1;
	v46 =	vadd.s32 $0x59F73F, v1;
	s2 =	sshrl.u32 s4, $0x3;
	[dreg:$0x8] =	wrdreg s0;
	[tilespmem:$0x1FFA0] =	vst v2;
	v2 =	vadd.s32 $0x21533F, v1  }
.Ltmp0:
0x14: {  	v45 =	vadd.s32 $0xDCB3F, v1;
	s2 =	sadd.s32 s2, s1;
	s1 =	sadd.s32 $0xE00, s1;
	[tilespmem:$0x1FFB0] =	vst v2;
	v2 =	vadd.s32 $0x23473F, v1;
	(pc) =	sbr.rel .LBB2_1-.Ltmp0, $4  }
0x15: {  	s15 =	simm.s32 $0x1;
	v49 =	vadd.s32 $0x5BEB3F, v1;
	[dreg:$0x4] =	wrdreg s1;
	s25 =	sadd.s32 $0xC4400, s2;
	[tilespmem:$0x1FFC0] =	vst v2;
	v2 =	vadd.s32 $0x253B3F, v1  }
0x16: {  	v54 =	vimm.f32 $0.0e+00;
	s6 =	simm.s32 $0x0;
	v51 =	vadd.s32 $0x5DDF3F, v1;
	s26 =	sadd.s32 $0xC7600, s2;
	[dreg:$0x5] =	wrdreg s25;
	[tilespmem:$0x1FFD0] =	vst v2;
	v2 =	vadd.s32 $0x272F3F, v1  }
0x17: {  	v55 =	vimm.s32 $0xFFFFFFFF;
	v48 =	vadd.s32 $0xFBF3F, v1;
	s7 =	sadd.s32 $0xC40, s4;
	s28 =	sadd.s32 $0xCA800, s2;
	[dreg:$0x6] =	wrdreg s26;
	[tilespmem:$0x1FFE0] =	vst v2;
	v2 =	vadd.s32 $0x29233F, v1  }
0x18: {  	v52 =	vadd.s32 $0x5FD33F, v1;
	v47 =	vmov s4;
	s0 =	simm.s32 $0xBD00;
	v50 =	vmov s7;
	s1 =	simm.s32 $0x11800;
	[dreg:$0x7] =	wrdreg s28;
	[tilespmem:$0x1FFF0] =	vst v2  }
.LBB2_39:
0x19: {  	s2 =	rddreg [dreg:$0x5];
	s3 =	simm.s32 $0x2  }
0x1a: {  	[hbm4b:s2+s5] =	stream.linear.scatter [tilespmem:s29], [sflag:$0x2], $0xC40, $0x38;
	[tilespmem:$0x12C00] =	vst v63  }
0x1b: {  	_ =	swait.ge [sflag:s3], $0xC40  }
0x1c: {  	[sflag:s3] =	ssyncset.done $0x0  }
0x1d: {  	s26 =	rddreg [dreg:$0x6];
	[sflag:s3] =	ssyncadd.s32 $0xFFFFF3C0  }
0x1e: {  	[hbm4b:s26+s5] =	stream.linear.scatter [tilespmem:s31], [sflag:$0x2], $0xC40, $0x38;
	[tilespmem:$0x12C00] =	vst v63  }
0x1f: {  	_ =	swait.ge [sflag:s3], $0xC40  }
0x20: {  	[sflag:s3] =	ssyncset.done $0x0  }
0x21: {  	s28 =	rddreg [dreg:$0x7];
	[sflag:s3] =	ssyncadd.s32 $0xFFFFF3C0  }
0x22: {  	[hbm4b:s28+s5] =	stream.linear.scatter [tilespmem:s1], [sflag:$0x2], $0xC40, $0x38;
	[tilespmem:$0x12C00] =	vst v63  }
0x23: {  	_ =	swait.ge [sflag:s3], $0xC40  }
0x24: {  	s6 =	rddreg [dreg:$0x9]  }
0x25: {  	s30 =	rddreg [dreg:$0x8];
	s6 =	sadd.s32 $0x1, s6  }
0x26: {  	p0 =	sne.s32 s6, s30  }
.Ltmp1:
0x27: {  	_ = 	snop;
	(pc) =	sbr.rel @!p0 .LBB2_40-.Ltmp1, $3  }
0x28: {  	_ =	sdelay $0x1  }
0x29: {  	[sflag:s3] =	ssyncset.done $0x0  }
0x2a: {  	[sflag:s3] =	ssyncadd.s32 $0xFFFFF3C0  }
.LBB2_1:
0x2b: {  	v1 =	vld [tilespmem:$0x1FEF0];
	_ =	sdelay $0x4  }
0x2c: {  	[tilespmem:$0x12800] =	vst v1;
	v1 =	vld [tilespmem:$0x1FF00];
	_ =	sdelay $0x4  }
0x2d: {  	[tilespmem:$0x12810] =	vst v1;
	v1 =	vld [tilespmem:$0x1FF10];
	_ =	sdelay $0x4  }
0x2e: {  	[tilespmem:$0x12820] =	vst v1;
	v1 =	vld [tilespmem:$0x1FF20];
	_ =	sdelay $0x4  }
0x2f: {  	[tilespmem:$0x12830] =	vst v1;
	v1 =	vld [tilespmem:$0x1FF30];
	_ =	sdelay $0x4  }
0x30: {  	[tilespmem:$0x12890] =	vst v1;
	v1 =	vld [tilespmem:$0x1FF40];
	_ =	sdelay $0x4  }
0x31: {  	[tilespmem:$0x128A0] =	vst v1;
	v1 =	vld [tilespmem:$0x1FF50];
	_ =	sdelay $0x4  }
0x32: {  	[tilespmem:$0x128B0] =	vst v1;
	v1 =	vld [tilespmem:$0x1FF60];
	_ =	sdelay $0x1  }
0x33: {  	[tilespmem:$0x12840] =	vst v36  }
0x34: {  	[tilespmem:$0x12850] =	vst v41  }
0x35: {  	[tilespmem:$0x12860] =	vst v43  }
0x36: {  	[tilespmem:$0x128C0] =	vst v1;
	v1 =	vld [tilespmem:$0x1FF70]  }
0x37: {  	[tilespmem:$0x12870] =	vst v45  }
0x38: {  	[tilespmem:$0x12880] =	vst v48  }
0x39: {  	[tilespmem:$0x12960] =	vst v18  }
0x3a: {  	[tilespmem:$0x12970] =	vst v19  }
0x3b: {  	[tilespmem:$0x128D0] =	vst v1;
	v1 =	vld [tilespmem:$0x1FF80]  }
0x3c: {  	[tilespmem:$0x12980] =	vst v20  }
0x3d: {  	[tilespmem:$0x12990] =	vst v21  }
0x3e: {  	[tilespmem:$0x129A0] =	vst v22  }
0x3f: {  	[tilespmem:$0x129B0] =	vst v23  }
0x40: {  	[tilespmem:$0x128E0] =	vst v1;
	v1 =	vld [tilespmem:$0x1FF90]  }
0x41: {  	[tilespmem:$0x129C0] =	vst v24  }
0x42: {  	[tilespmem:$0x129D0] =	vst v25  }
0x43: {  	[tilespmem:$0x129E0] =	vst v26  }
0x44: {  	[tilespmem:$0x129F0] =	vst v27  }
0x45: {  	[tilespmem:$0x128F0] =	vst v1;
	v1 =	vld [tilespmem:$0x1FFA0]  }
0x46: {  	[tilespmem:$0x12A00] =	vst v28  }
0x47: {  	[tilespmem:$0x12A10] =	vst v29  }
0x48: {  	[tilespmem:$0x12A20] =	vst v30  }
0x49: {  	[tilespmem:$0x12A30] =	vst v31  }
0x4a: {  	[tilespmem:$0x12900] =	vst v1;
	v1 =	vld [tilespmem:$0x1FFB0]  }
0x4b: {  	[tilespmem:$0x12A40] =	vst v32  }
0x4c: {  	[tilespmem:$0x12A50] =	vst v33  }
0x4d: {  	[tilespmem:$0x12A60] =	vst v34  }
0x4e: {  	[tilespmem:$0x12A70] =	vst v35  }
0x4f: {  	[tilespmem:$0x12910] =	vst v1;
	v1 =	vld [tilespmem:$0x1FFC0]  }
0x50: {  	[tilespmem:$0x12A80] =	vst v37  }
0x51: {  	[tilespmem:$0x12A90] =	vst v38  }
0x52: {  	[tilespmem:$0x12AA0] =	vst v39  }
0x53: {  	[tilespmem:$0x12AB0] =	vst v40  }
0x54: {  	[tilespmem:$0x12920] =	vst v1;
	v1 =	vld [tilespmem:$0x1FFD0]  }
0x55: {  	[tilespmem:$0x12AC0] =	vst v42  }
0x56: {  	[tilespmem:$0x12AD0] =	vst v44  }
0x57: {  	[tilespmem:$0x12AE0] =	vst v46  }
0x58: {  	[tilespmem:$0x12AF0] =	vst v49  }
0x59: {  	[tilespmem:$0x12930] =	vst v1;
	v1 =	vld [tilespmem:$0x1FFE0]  }
0x5a: {  	[tilespmem:$0x12B00] =	vst v51  }
0x5b: {  	[tilespmem:$0x12B10] =	vst v52  }
0x5c: {  	[tilespmem:$0x12B20] =	vst v53  }
0x5d: {  	[tilespmem:$0x12B30] =	vst v53  }
0x5e: {  	[tilespmem:$0x12940] =	vst v1;
	v1 =	vld [tilespmem:$0x1FFF0]  }
0x5f: {  	[tilespmem:$0x12B40] =	vst v53  }
0x60: {  	[tilespmem:$0x12B50] =	vst v53  }
0x61: {  	[dreg:$0x9] =	wrdreg s6;
	[tilespmem:$0x12B60] =	vst v53  }
0x62: {  	[tilespmem:$0x12B70] =	vst v53;
	s2 =	rddreg [dreg:$0x2]  }
0x63: {  	s3 =	simm.s32 $0x80;
	s11 =	simm.s32 $0x12800;
	s8 =	simm.s32 $0x12480;
	[tilespmem:$0x12950] =	vst v1  }
0x64: {  	[tilespmem:s8], [sflag:$0x1] =	stream.indirect.gather [hbm4b:s2+s3], $0x1, s11, s3, $0xb8;
	[tilespmem:$0x12C00] =	vst v63  }
0x65: {  	_ =	swait.ge [sflag:s15], $0x80  }
0x66: {  	[sflag:s15] =	ssyncset.done $0x0  }
0x67: {  	s12 =	simm.s32 $0x12880;
	s18 =	simm.s32 $0x12500;
	[sflag:s15] =	ssyncadd.s32 $0xFFFFFF80  }
0x68: {  	[tilespmem:s18], [sflag:$0x1] =	stream.indirect.gather [hbm4b:s2+s3], $0x1, s12, s3, $0xb8;
	[tilespmem:$0x12C00] =	vst v63  }
0x69: {  	_ =	swait.ge [sflag:s15], $0x80  }
0x6a: {  	[sflag:s15] =	ssyncset.done $0x0  }
0x6b: {  	s19 =	simm.s32 $0x12900;
	s20 =	simm.s32 $0x12580;
	[sflag:s15] =	ssyncadd.s32 $0xFFFFFF80  }
0x6c: {  	[tilespmem:s20], [sflag:$0x1] =	stream.indirect.gather [hbm4b:s2+s3], $0x1, s19, s3, $0xb8;
	[tilespmem:$0x12C00] =	vst v63  }
0x6d: {  	_ =	swait.ge [sflag:s15], $0x80  }
0x6e: {  	[sflag:s15] =	ssyncset.done $0x0  }
0x6f: {  	s21 =	simm.s32 $0x12980;
	s22 =	simm.s32 $0x12600;
	[sflag:s15] =	ssyncadd.s32 $0xFFFFFF80  }
0x70: {  	[tilespmem:s22], [sflag:$0x1] =	stream.indirect.gather [hbm4b:s2+s3], $0x1, s21, s3, $0xb8;
	[tilespmem:$0x12C00] =	vst v63  }
0x71: {  	_ =	swait.ge [sflag:s15], $0x80  }
0x72: {  	[sflag:s15] =	ssyncset.done $0x0  }
0x73: {  	s23 =	simm.s32 $0x12A00;
	s24 =	simm.s32 $0x12680;
	[sflag:s15] =	ssyncadd.s32 $0xFFFFFF80  }
0x74: {  	[tilespmem:s24], [sflag:$0x1] =	stream.indirect.gather [hbm4b:s2+s3], $0x1, s23, s3, $0xb8;
	[tilespmem:$0x12C00] =	vst v63  }
0x75: {  	_ =	swait.ge [sflag:s15], $0x80  }
0x76: {  	[sflag:s15] =	ssyncset.done $0x0  }
0x77: {  	s25 =	simm.s32 $0x12A80;
	s26 =	simm.s32 $0x12700;
	[sflag:s15] =	ssyncadd.s32 $0xFFFFFF80  }
0x78: {  	[tilespmem:s26], [sflag:$0x1] =	stream.indirect.gather [hbm4b:s2+s3], $0x1, s25, s3, $0xb8;
	[tilespmem:$0x12C00] =	vst v63  }
0x79: {  	_ =	swait.ge [sflag:s15], $0x80  }
0x7a: {  	[sflag:s15] =	ssyncset.done $0x0  }
0x7b: {  	s28 =	simm.s32 $0x12B00;
	s30 =	simm.s32 $0x12780;
	[sflag:s15] =	ssyncadd.s32 $0xFFFFFF80  }
0x7c: {  	[tilespmem:s30], [sflag:$0x1] =	stream.indirect.gather [hbm4b:s2+s3], $0x1, s28, s3, $0xb8;
	[tilespmem:$0x12C00] =	vst v63  }
0x7d: {  	s9 =	simm.s32 $0x320;
	_ =	swait.ge [sflag:s15], $0x80  }
0x7e: {  	s8 =	simm.s32 $0x9;
	s19 =	simm.s32 $0x0;
	[sflag:s15] =	ssyncset.done $0x0  }
0x7f: {  	s2 =	simm.s32 $0x320;
	s3 =	simm.s32 $0x320;
	[sflag:s15] =	ssyncadd.s32 $0xFFFFFF80  }
.LBB2_2:
0x80: {  	p0 =	sne.s32 s8, $0x1;
	p1 =	slt.s32 s9, $0x1;
	s10 =	sand.u32 $0x1, s9  }
0x81: {  	s11 =	sshrl.u32 s9, $0x1F;
	p2 =	seq.s32 s10, $0x1  }
0x82: {  	s9 =	sadd.s32 s11, s9;
	p1 =	por !p1, !p2  }
0x83: {  	s10 =	simm.s32 $0x1;
	s9 =	sshra.s32 s9, $0x1;
	p1 =	por !p1, !p1  }
0x84: {  	s10 =	simm.s32 @!p1 $0x0  }
0x85: {  	s9 =	ssub.s32 s9, s10  }
0x86: {  	v1 =	vld [tilespmem:s9+$0x12480];
	s10 =	sadd.s32 $0x1, s9;
	_ =	sdelay $0x4  }
0x87: {  	(v2sf) =	vpush v1, $0x0;
	_ =	sdelay $0xe  }
.Ltmp2:
0x88: {  	s11 =	spop (v2sf);
	(pc) =	sbr.rel @p0 .LBB2_2-.Ltmp2, $4  }
0x89: {  	p1 =	slt.s32 s11, s4;
	s11 =	smov.u32 s19  }
0x8a: {  	p2 =	slt.s32 s19, s3;
	s11 =	smov.u32 @p1 s10;
	s9 =	smov.u32 @p1 s3  }
0x8b: {  	s19 =	smov.u32 @p2 s11;
	s3 =	smov.u32 @p2 s9  }
0x8c: {  	s8 =	sadd.s32 $0xFFFFFFFF, s8;
	s9 =	sadd.s32 s19, s3  }
0x8d: {  	s8 =	sand.u32 $0x1, s9  }
0x8e: {  	p0 =	slt.s32 s9, $0x1;
	p1 =	seq.s32 s8, $0x1  }
0x8f: {  	s28 =	sshrl.u32 s9, $0x1F;
	p0 =	por !p0, !p1  }
0x90: {  	s8 =	sadd.s32 s28, s9;
	s9 =	simm.s32 $0x1;
	p0 =	por !p0, !p0  }
0x91: {  	s8 =	sshra.s32 s8, $0x1;
	s9 =	simm.s32 @!p0 $0x0  }
0x92: {  	s8 =	ssub.s32 s8, s9  }
0x93: {  	v1 =	vld [tilespmem:s8+$0x12480];
	_ =	sdelay $0x4  }
0x94: {  	(v2sf) =	vpush v1, $0x0;
	_ =	sdelay $0xe  }
0x95: {  	s30 =	spop (v2sf)  }
0x96: {  	s9 =	smov.u32 s19;
	s8 =	sadd.s32 $0x1, s8;
	p0 =	slt.s32 s30, s4  }
0x97: {  	p1 =	slt.s32 s19, s3;
	s3 =	simm.s32 $0x0;
	s9 =	smov.u32 @p0 s8  }
0x98: {  	s8 =	simm.s32 $0x9;
	s19 =	smov.u32 @p1 s9;
	s9 =	simm.s32 $0x320  }
.LBB2_4:
0x99: {  	p0 =	sne.s32 s8, $0x1;
	p1 =	slt.s32 s9, $0x1;
	s10 =	sand.u32 $0x1, s9  }
0x9a: {  	s11 =	sshrl.u32 s9, $0x1F;
	p2 =	seq.s32 s10, $0x1  }
0x9b: {  	s9 =	sadd.s32 s11, s9;
	p1 =	por !p1, !p2  }
0x9c: {  	s10 =	simm.s32 $0x1;
	s9 =	sshra.s32 s9, $0x1;
	p1 =	por !p1, !p1  }
0x9d: {  	s10 =	simm.s32 @!p1 $0x0  }
0x9e: {  	s9 =	ssub.s32 s9, s10  }
0x9f: {  	v1 =	vld [tilespmem:s9+$0x12480];
	s10 =	sadd.s32 $0x1, s9;
	_ =	sdelay $0x4  }
0xa0: {  	(v2sf) =	vpush v1, $0x0;
	_ =	sdelay $0xe  }
.Ltmp3:
0xa1: {  	s11 =	spop (v2sf);
	(pc) =	sbr.rel @p0 .LBB2_4-.Ltmp3, $4  }
0xa2: {  	p1 =	slt.s32 s11, s7;
	s11 =	smov.u32 s3  }
0xa3: {  	p2 =	slt.s32 s3, s2;
	s11 =	smov.u32 @p1 s10;
	s9 =	smov.u32 @p1 s2  }
0xa4: {  	s3 =	smov.u32 @p2 s11;
	s2 =	smov.u32 @p2 s9  }
0xa5: {  	s8 =	sadd.s32 $0xFFFFFFFF, s8;
	s9 =	sadd.s32 s3, s2  }
0xa6: {  	s8 =	sand.u32 $0x1, s9  }
0xa7: {  	p0 =	slt.s32 s9, $0x1;
	p1 =	seq.s32 s8, $0x1  }
0xa8: {  	s28 =	sshrl.u32 s9, $0x1F;
	p0 =	por !p0, !p1  }
0xa9: {  	s8 =	sadd.s32 s28, s9;
	s9 =	simm.s32 $0x1;
	p0 =	por !p0, !p0  }
0xaa: {  	s8 =	sshra.s32 s8, $0x1;
	s9 =	simm.s32 @!p0 $0x0  }
0xab: {  	s8 =	ssub.s32 s8, s9  }
0xac: {  	v1 =	vld [tilespmem:s8+$0x12480];
	_ =	sdelay $0x4  }
0xad: {  	(v2sf) =	vpush v1, $0x0;
	_ =	sdelay $0xe  }
0xae: {  	s30 =	spop (v2sf)  }
0xaf: {  	s9 =	smov.u32 s3;
	s8 =	sadd.s32 $0x1, s8;
	p0 =	slt.s32 s30, s7  }
0xb0: {  	p1 =	slt.s32 s3, s2;
	s9 =	smov.u32 @p0 s8  }
0xb1: {  	s2 =	simm.s32 $0x40;
	s8 =	simm.s32 $0x0;
	s3 =	smov.u32 @p1 s9  }
.LBB2_6:
0xb2: {  	p0 =	sne.s32 s2, $0x30C0;
	[tilespmem:s8+$0x11800] =	vst v54;
	s9 =	smov.u32 s2;
	s2 =	sadd.s32 $0x40, s2  }
.Ltmp4:
0xb3: {  	[tilespmem:s8+$0xFF00] =	vst v54;
	(pc) =	sbr.rel @p0 .LBB2_6-.Ltmp4, $2  }
0xb4: {  	[tilespmem:s8+$0x10B80] =	vst v54;
	_ =	sdelay $0x2  }
0xb5: {  	s8 =	sshra.s32 s9, $0x2  }
0xb6: {  	[tilespmem:s8+$0x11800] =	vst v54  }
0xb7: {  	[tilespmem:s8+$0xFF00] =	vst v54  }
0xb8: {  	[tilespmem:s8+$0x10B80] =	vst v54  }
0xb9: {  	[tilespmem:$0xDC40] =	vst v54  }
0xba: {  	[tilespmem:$0xDC50] =	vst v54  }
0xbb: {  	[tilespmem:$0xDC60] =	vst v54  }
0xbc: {  	[tilespmem:$0xDC70] =	vst v54  }
0xbd: {  	[tilespmem:$0xDC80] =	vst v54  }
0xbe: {  	p0 =	slt.s32 s3, $0x31F;
	[tilespmem:$0xDC90] =	vst v54  }
0xbf: {  	s3 =	simm.s32 @!p0 $0x31F;
	[tilespmem:$0xDCA0] =	vst v54  }
0xc0: {  	[tilespmem:$0xDCB0] =	vst v54;
	s2 =	ssub.s32 s3, s19  }
0xc1: {  	[tilespmem:$0xDCC0] =	vst v54;
	p0 =	sgt.u32 s2, $0x7FFFFFFE  }
0xc2: {  	[tilespmem:$0xDCD0] =	vst v54;
	s3 =	smul.u32 @!p0 $0x1F40, s19  }
0xc3: {  	s6 =	rddreg [dreg:$0x2];
	[tilespmem:$0xDCE0] =	vst v54;
	s26 =	sshra.s32 s2, $0x1F  }
0xc4: {  	[tilespmem:$0xDCF0] =	vst v54;
	s9 =	simm.s32 @!p0 $0x0;
	s10 =	simm.s32 @!p0 $0x10;
	s3 =	sshrl.u32 @!p0 s3, $0x3  }
0xc5: {  	[tilespmem:$0xDD00] =	vst v54;
	s28 =	sor.u32 s26, s2;
	s8 =	sadd.s32 @!p0 s6, s3;
	s6 =	rddreg [dreg:$0x4]  }
0xc6: {  	[tilespmem:s10], [sflag:$0x1] =	stream.linear.gather @!p0 [hbm4b:s8+s9], $0x1F40, $0x38;
	[tilespmem:$0x12C00] =	vst v63  }
0xc7: {  	s2 =	rddreg [dreg:$0x1];
	s8 =	sadd.s32 @!p0 s6, s3;
	s10 =	simm.s32 @!p0 $0x3F00  }
0xc8: {  	[tilespmem:s10], [sflag:$0x1] =	stream.linear.gather @!p0 [hbm4b:s8+s9], $0x1F40, $0x38;
	[tilespmem:$0x12C00] =	vst v63  }
0xc9: {  	s30 =	sadd.s32 $0x2, s28;
	s2 =	sadd.s32 @!p0 s2, s3;
	s3 =	simm.s32 @!p0 $0x7E00  }
0xca: {  	[tilespmem:s3], [sflag:$0x1] =	stream.linear.gather @!p0 [hbm4b:s2+s9], $0x1F40, $0x38;
	[tilespmem:$0x12C00] =	vst v63  }
0xcb: {  	s2 =	sshrl.u32 s30, $0x1  }
0xcc: {  	p0 =	seq.s32 s2, $0x0  }
.Ltmp5:
0xcd: {  	_ = 	snop;
	(pc) =	sbr.rel @p0 .LBB2_39-.Ltmp5, $3  }
0xce: {  	_ =	sdelay $0x1  }
0xcf: {  	[dreg:$0xa] =	wrdreg s28  }
0xd0: {  	[dreg:$0xb] =	wrdreg s2  }
.Ltmp6:
0xd1: {  	(pc) =	sbr.rel .LBB2_9-.Ltmp6, $3  }
0xd2: {  	_ =	sdelay $0x1  }
0xd3: {  	s2 =	rddreg [dreg:$0xa]  }
0xd4: {  	s24 =	simm.s32 $0x0;
	s22 =	sadd.s32 $0x1, s2  }
.LBB2_32:
0xd5: {  	v59 =	vmov v1  }
.LBB2_37:
0xd6: {  	v5 =	vnsel vm5, $0x1F4F, v10;
	_ =	sdelay $0x1  }
0xd7: {  	vm5 =	vge.s32 @p0 v7, v47;
	vm3 =	vmand @p0 vm6, vm3;
	vm6 =	vgt.s32 @p0 v12, $0x0  }
0xd8: {  	v10 =	vsel @p0 vm4, $0x0, v61;
	v6 =	vsel @p0 vm0, $0x0, v6;
	v62 =	vmov s8  }
0xd9: {  	v63 =	vor.u32 s8, v0;
	v8 =	vadd.f32 @p0 v10, v8;
	v10 =	vshrl.u32 v59, $0x4  }
0xda: {  	v1 =	vsub.s32 @p0 v13, v1;
	v61 =	vand.u32 $0xF, v58;
	vm11 =	vlt.s32 v59, $0x1F3F;
	v5 =	vld.idx.msk [tilespmem:v5+s16+$0x0], $0xffff  }
0xdb: {  	v2 =	vld.idx.msk [tilespmem:v2+s13+$0x0], $0xffff;
	vm3 =	vmand @p0 vm3, vm5;
	v7 =	vnsel @p0 vm6, $0x0, v12;
	v6 =	vadd.f32 @p0 v6, v11  }
0xdc: {  	v4 =	vld.idx.msk [tilespmem:v4+s0+$0x0], $0xffff;
	vm9 =	vlt.s32 v63, v60;
	vm10 =	vne.s32 v62, v0;
	v1 =	vcvt.s32.f32 @p0 v1  }
0xdd: {  	v3 =	vld.idx.msk [tilespmem:v3+s0+$0x0], $0xffff;
	v62 =	vand.u32 $0xF, v59;
	vm12 =	veq.s32 v61, $0x0;
	v60 =	vnsel vm11, $0x1F3F, v59  }
0xde: {  	v7 =	vmin.u32 @p0 v7, $0xC3F;
	vm0 =	vmand @p0 vm2, vm3;
	vm1 =	vmor vm1, vm10;
	v63 =	vld.idx.msk [tilespmem:v10+s13+$0x0], $0xffff  }
0xdf: {  	vm7 =	veq.s32 v62, $0x0;
	vm13 =	vlt.s32 v5, v50;
	v61 =	vsub.s32 v5, v47  }
0xe0: {  	vm14 =	vge.s32 v5, v47;
	vm2 =	vmand vm13, vm9;
	vm15 =	vgt.s32 v61, $0x0  }
0xe1: {  	v6 =	vsub.f32 @p0 v8, v6;
	v5 =	vld.idx.msk @p0 [tilespmem:v9+s17+$0x0], $0xffff;
	vm2 =	vmand vm2, vm14;
	v62 =	vnsel vm15, $0x0, v61  }
0xe2: {  	v4 =	vsel vm12, $0x0, v4;
	v3 =	vsel vm7, $0x0, v3;
	v9 =	vmin.u32 v62, $0xC3F  }
0xe3: {  	v2 =	vadd.f32 v4, v2;
	[tilespmem:v7+s29+$0x0] =	vst.idx.add.f32.msk @p0 vm3, v6;
	v3 =	vadd.f32 v3, v63;
	vm1 =	vmand vm1, vm2  }
0xe4: {  	v63 =	vld.idx.msk [tilespmem:v60+s17+$0x0], $0xffff  }
0xe5: {  	[tilespmem:v7+s31+$0x0] =	vst.idx.add.f32.msk @p0 vm3, v1;
	v1 =	vsub.f32 v2, v3;
	v2 =	vsub.s32 v58, v59  }
0xe6: {  	v2 =	vcvt.s32.f32 v2;
	[tilespmem:v7+s1+$0x0] =	vst.idx.add.f32.msk @p0 vm0, v5  }
0xe7: {  	[tilespmem:v9+s29+$0x0] =	vst.idx.add.f32.msk vm2, v1  }
0xe8: {  	[tilespmem:v9+s31+$0x0] =	vst.idx.add.f32.msk vm2, v2  }
0xe9: {  	[tilespmem:v9+s1+$0x0] =	vst.idx.add.f32.msk vm1, v63  }
.LBB2_38:
0xea: {  	s24 =	sadd.s32 $0x1, s24;
	s2 =	rddreg [dreg:$0xb]  }
0xeb: {  	p0 =	sne.s32 s24, s2  }
.Ltmp7:
0xec: {  	_ = 	snop;
	(pc) =	sbr.rel @!p0 .LBB2_39-.Ltmp7, $1  }
0xed: {  	_ =	sdelay $0x3  }
.LBB2_9:
0xee: {  	_ =	swait.ge [sflag:s15], $0x1F40  }
0xef: {  	[sflag:s15] =	ssyncset.done $0x0  }
0xf0: {  	[sflag:s15] =	ssyncadd.s32 $0xFFFFE0C0  }
0xf1: {  	_ =	swait.ge [sflag:s15], $0x1F40  }
0xf2: {  	s25 =	sshllo.u32 s24, $0x1;
	[sflag:s15] =	ssyncset.done $0x0  }
0xf3: {  	p0 =	sge.u32 s25, s22;
	[sflag:s15] =	ssyncadd.s32 $0xFFFFE0C0  }
0xf4: {  	s2 =	sadd.s32 @!p0 s19, s25;
	_ =	swait.ge [sflag:s15], $0x1F40  }
0xf5: {  	s2 =	smul.u32 @!p0 $0x1F40, s2;
	[sflag:s15] =	ssyncset.done $0x0  }
0xf6: {  	[sflag:s15] =	ssyncadd.s32 $0xFFFFE0C0  }
0xf7: {  	s2 =	sshrl.u32 @!p0 s2, $0x3;
	s3 =	rddreg [dreg:$0x2]  }
0xf8: {  	s8 =	simm.s32 @!p0 $0x0;
	s9 =	simm.s32 @!p0 $0x1F90;
	s3 =	sadd.s32 @!p0 s3, s2  }
0xf9: {  	[tilespmem:s9], [sflag:$0x1] =	stream.linear.gather @!p0 [hbm4b:s3+s8], $0x1F40, $0x38;
	[tilespmem:$0x12C00] =	vst v63  }
0xfa: {  	s3 =	rddreg [dreg:$0x4]  }
0xfb: {  	s9 =	simm.s32 @!p0 $0x5E80;
	s3 =	sadd.s32 @!p0 s3, s2  }
0xfc: {  	[tilespmem:s9], [sflag:$0x1] =	stream.linear.gather @!p0 [hbm4b:s3+s8], $0x1F40, $0x38;
	[tilespmem:$0x12C00] =	vst v63  }
0xfd: {  	s26 =	sshll.u32 s24, $0x1;
	s3 =	rddreg [dreg:$0x1]  }
0xfe: {  	s28 =	sadd.s32 s19, s26;
	s2 =	sadd.s32 @!p0 s3, s2;
	s3 =	simm.s32 @!p0 $0x9D80  }
0xff: {  	[tilespmem:s3], [sflag:$0x1] =	stream.linear.gather @!p0 [hbm4b:s2+s8], $0x1F40, $0x38;
	[tilespmem:$0x12C00] =	vst v63  }
0x100: {  	s2 =	sadd.s32 $0xFFFFFFFF, s28  }
0x101: {  	p0 =	sgt.s32 s2, $0x0  }
0x102: {  	s2 =	simm.s32 @!p0 $0x0  }
0x103: {  	s20 =	simm.s32 $0x3F40;
	v58 =	vld [tilespmem:s2+$0x12480];
	[tilespmem:$0x0] =	vst v55  }
0x104: {  	v1 =	vld [tilespmem:s20+$0x30]  }
0x105: {  	v2 =	vld [tilespmem:s20+$0x20]  }
0x106: {  	v3 =	vld [tilespmem:s20+$0x10]  }
0x107: {  	v4 =	vld [tilespmem:s20+$0x0]  }
0x108: {  	v5 =	vld [tilespmem:s20+$0xFFFFFFF0]  }
0x109: {  	v6 =	vld [tilespmem:s20+$0xFFFFFFE0];
	(xrf2) =	vadd.scan.msk.f32 $0xffff, v1  }
0x10a: {  	v1 =	vld [tilespmem:s20+$0xFFFFFFD0];
	(xrf2) =	vadd.scan.msk.f32 $0xffff, v2  }
0x10b: {  	v2 =	vld [tilespmem:s20+$0xFFFFFFC0];
	(xrf2) =	vadd.scan.msk.f32 $0xffff, v3  }
0x10c: {  	s21 =	simm.s32 $0x3FC0;
	v59 =	vld [tilespmem:$0x10];
	(xrf2) =	vadd.scan.msk.f32 $0xffff, v4  }
0x10d: {  	v10 =	vld [tilespmem:s21+$0xFFFFFFF0];
	(xrf2) =	vadd.scan.msk.f32 $0xffff, v5  }
0x10e: {  	v11 =	vld [tilespmem:s21+$0xFFFFFFE0];
	(xrf2) =	vadd.scan.msk.f32 $0xffff, v6  }
0x10f: {  	v63 =	vld [tilespmem:s21+$0xFFFFFFC0];
	(xrf2) =	vadd.scan.msk.f32 $0xffff, v1  }
0x110: {  	v3 =	vld [tilespmem:s21+$0x30];
	(xrf2) =	vadd.scan.msk.f32 $0xffff, v2  }
0x111: {  	v4 =	vld [tilespmem:s21+$0x20]  }
0x112: {  	v5 =	vld [tilespmem:s21+$0x10]  }
0x113: {  	s30 =	simm.s32 $0xBD40;
	v6 =	vld [tilespmem:s21+$0x0];
	v2, _, _ =	vpop (xrf2)  }
0x114: {  	s18 =	simm.s32 $0x40;
	v1 =	vld [tilespmem:s21+$0xFFFFFFD0];
	v7, _, _ =	vpop (xrf2);
	[tilespmem:s30+$0x30] =	vst v2  }
0x115: {  	(xrf2) =	vadd.scan.msk.f32 $0xffff, v3;
	v2, _, _ =	vpop (xrf2);
	[tilespmem:s30+$0x20] =	vst v7;
	v60 =	vld [tilespmem:s18+$0x40]  }
0x116: {  	v7, _, _ =	vpop (xrf2);
	[tilespmem:s30+$0x10] =	vst v2;
	v61 =	vld [tilespmem:s18+$0x30]  }
0x117: {  	v2, _, _ =	vpop (xrf2);
	[tilespmem:s30+$0x0] =	vst v7;
	v62 =	vld [tilespmem:s18+$0x20]  }
0x118: {  	(xrf2) =	vadd.scan.msk.f32 $0xffff, v4;
	v3, _, _ =	vpop (xrf2);
	[tilespmem:s30+$0xFFFFFFF0] =	vst v2;
	v2 =	vld [tilespmem:s18+$0x10]  }
0x119: {  	v4, _, _ =	vpop (xrf2);
	[tilespmem:s30+$0xFFFFFFE0] =	vst v3;
	v3 =	vld [tilespmem:s18+$0x0]  }
0x11a: {  	(xrf2) =	vadd.scan.msk.f32 $0xffff, v5;
	[tilespmem:s30+$0xFFFFFFD0] =	vst v4;
	v12 =	vld [tilespmem:s18+$0xFFFFFFF0];
	v4, _, _ =	vpop (xrf2)  }
0x11b: {  	[tilespmem:s30+$0xFFFFFFC0] =	vst v4;
	v14 =	vld [tilespmem:s18+$0xFFFFFFE0]  }
0x11c: {  	(xrf2) =	vadd.scan.msk.f32 $0xffff, v6;
	v5 =	vld [tilespmem:s18+$0xFFFFFFD0]  }
0x11d: {  	v8 =	vld [tilespmem:s18+$0xFFFFFFCF]  }
0x11e: {  	v15 =	vld [tilespmem:s18+$0xFFFFFFDF]  }
0x11f: {  	v16 =	vld [tilespmem:s18+$0xFFFFFFEF];
	v4, _, _ =	vpop (xrf2);
	(xrf2) =	vadd.scan.msk.f32 $0xffff, v10  }
0x120: {  	v9 =	vld [tilespmem:s18+$0xFFFFFFFF]  }
0x121: {  	v7 =	vld [tilespmem:s18+$0xF]  }
0x122: {  	vm3 =	vne.s32 v5, v8;
	v8 =	vld [tilespmem:s18+$0x1F];
	v5, _, _ =	vpop (xrf2);
	(xrf2) =	vadd.scan.msk.f32 $0xffff, v11  }
0x123: {  	s23 =	simm.s32 $0x0;
	s9 =	simm.s32 $0x0;
	s8 =	simm.s32 $0x80;
	v10 =	vld [tilespmem:s18+$0x2F];
	vm1 =	vne.s32 v14, v15;
	v13 =	vmpcnt.ones.xlane vm3  }
0x124: {  	s3 =	simm.s32 $0x100;
	s2 =	simm.s32 $0x0;
	s20 =	simm.s32 $0x4040;
	v6 =	vor.u32 s23, v0;
	vm2 =	vne.s32 v12, v16;
	v12 =	vld [tilespmem:s18+$0x3F];
	v14 =	vmpcnt.ones.xlane vm1;
	v11, _, _ =	vpop (xrf2)  }
.LBB2_10:
0x125: {  	v15 =	vld [tilespmem:s20+$0x30];
	p0 =	slt.u32 s3, $0x1E80;
	(xrf2) =	vadd.scan.msk.f32 $0xffff, v1;
	v1 =	vmpcnt.ones.xlane vm2;
	vm7 =	vne.s32 v3, v9;
	(v2sf) =	vpush v13, $0x0;
	s23 =	smov.u32 s9;
	s9 =	smov.u32 s8  }
0x126: {  	s8 =	smov.u32 s3;
	v3 =	vld [tilespmem:s20+$0x20];
	v9, _, _ =	vpop (xrf2);
	[tilespmem:s2+$0xDF80] =	vst.msk vm3, v6;
	v6 =	vmpcnt.ones.xlane vm7;
	vm3 =	vne.s32 v2, v7;
	(v2sf) =	vpush v14, $0x0  }
0x127: {  	v7 =	vld [tilespmem:s20+$0x10];
	v2 =	vmpcnt.ones.xlane vm3;
	vm6 =	vne.s32 v62, v8;
	(v2sf) =	vpush v1, $0x0  }
0x128: {  	v8 =	vld [tilespmem:s20+$0x0];
	(xrf2) =	vadd.scan.msk.f32 $0xffff, v63;
	v1 =	vmpcnt.ones.xlane vm6;
	vm5 =	vne.s32 v61, v10;
	(v2sf) =	vpush v6, $0x0  }
0x129: {  	v6 =	vld [tilespmem:s20+$0xFFFFFFF0];
	v10, _, _ =	vpop (xrf2);
	v13 =	vmpcnt.ones.xlane vm5;
	vm4 =	vne.s32 v60, v12;
	(v2sf) =	vpush v2, $0x0  }
0x12a: {  	v12 =	vld [tilespmem:s20+$0xFFFFFFE0];
	v2 =	vmpcnt.ones.xlane vm4;
	(v2sf) =	vpush v1, $0x0  }
0x12b: {  	s30 =	sadd.s32 $0x80, s30;
	v1 =	vld [tilespmem:s20+$0xFFFFFFD0];
	(xrf2) =	vadd.scan.msk.f32 $0xffff, v15;
	(v2sf) =	vpush v13, $0x0  }
0x12c: {  	s18 =	sadd.s32 $0x80, s18;
	v63 =	vld [tilespmem:s20+$0xFFFFFFC0];
	[tilespmem:s30+$0x30] =	vst v4;
	v4, _, _ =	vpop (xrf2);
	(v2sf) =	vpush v2, $0x0  }
0x12d: {  	[tilespmem:s30+$0x20] =	vst v5;
	v60 =	vld [tilespmem:s18+$0x40]  }
0x12e: {  	(xrf2) =	vadd.scan.msk.f32 $0xffff, v3;
	[tilespmem:s30+$0x10] =	vst v11;
	v61 =	vld [tilespmem:s18+$0x30]  }
0x12f: {  	[tilespmem:s30+$0x0] =	vst v9;
	v62 =	vld [tilespmem:s18+$0x20];
	v5, _, _ =	vpop (xrf2)  }
0x130: {  	[tilespmem:s30+$0xFFFFFFF0] =	vst v10;
	v2 =	vld [tilespmem:s18+$0x10]  }
0x131: {  	(xrf2) =	vadd.scan.msk.f32 $0xffff, v7;
	[tilespmem:s30+$0xFFFFFFE0] =	vst v4;
	v3 =	vld [tilespmem:s18+$0x0]  }
0x132: {  	[tilespmem:s30+$0xFFFFFFD0] =	vst v5;
	v15 =	vld [tilespmem:s18+$0xFFFFFFF0];
	v4, _, _ =	vpop (xrf2)  }
0x133: {  	s10 =	simm.s32 $0xDC00;
	s11 =	simm.s32 $0x5E00;
	[tilespmem:s30+$0xFFFFFFC0] =	vst v4;
	v10 =	vld [tilespmem:s18+$0xFFFFFFE0]  }
0x134: {  	s12 =	simm.s32 $0x1F10;
	s21 =	sadd.s32 $0x10, s23;
	(xrf2) =	vadd.scan.msk.f32 $0xffff, v8;
	v8 =	vld [tilespmem:s18+$0xFFFFFFD0];
	s6 =	spop (v2sf)  }
0x135: {  	v5 =	vor.u32 s21, v0;
	v4, _, _ =	vpop (xrf2);
	v11 =	vld [tilespmem:s18+$0xFFFFFFCF];
	s2 =	sadd.s32 s2, s6;
	s6 =	sadd.s32 $0x20, s23;
	s21 =	spop (v2sf)  }
0x136: {  	v14 =	vld [tilespmem:s18+$0xFFFFFFDF];
	[tilespmem:s2+$0xDF80] =	vst.msk vm1, v5;
	s2 =	sadd.s32 s2, s21;
	v7 =	vor.u32 s6, v0;
	s6 =	sadd.s32 $0x30, s23;
	s21 =	spop (v2sf)  }
0x137: {  	(xrf2) =	vadd.scan.msk.f32 $0xffff, v6;
	v16 =	vld [tilespmem:s18+$0xFFFFFFEF];
	[tilespmem:s2+$0xDF80] =	vst.msk vm2, v7;
	s2 =	sadd.s32 s2, s21;
	v6 =	vor.u32 s6, v0;
	s6 =	sadd.s32 $0x40, s23;
	s21 =	spop (v2sf)  }
0x138: {  	v9 =	vld [tilespmem:s18+$0xFFFFFFFF];
	[tilespmem:s2+$0xDF80] =	vst.msk vm7, v6;
	s2 =	sadd.s32 s2, s21  }
.Ltmp8:
0x139: {  	v5, _, _ =	vpop (xrf2);
	v6 =	vor.u32 s6, v0;
	s6 =	sadd.s32 $0x50, s23;
	s21 =	spop (v2sf);
	(pc) =	sbr.rel @p0 .LBB2_10-.Ltmp8, $4  }
0x13a: {  	v7 =	vld [tilespmem:s18+$0xF];
	[tilespmem:s2+$0xDF80] =	vst.msk vm3, v6;
	s2 =	sadd.s32 s2, s21;
	v6 =	vor.u32 s6, v0;
	s6 =	sadd.s32 $0x60, s23;
	s21 =	spop (v2sf)  }
0x13b: {  	(xrf2) =	vadd.scan.msk.f32 $0xffff, v12;
	vm3 =	vne.s32 v8, v11;
	v8 =	vld [tilespmem:s18+$0x1F];
	[tilespmem:s2+$0xDF80] =	vst.msk vm6, v6;
	s2 =	sadd.s32 s2, s21;
	v6 =	vor.u32 s6, v0;
	s6 =	sadd.s32 $0x70, s23;
	s21 =	spop (v2sf)  }
0x13c: {  	s23 =	simm.s32 $0x1EF0;
	v11, _, _ =	vpop (xrf2);
	v13 =	vmpcnt.ones.xlane vm3;
	vm1 =	vne.s32 v10, v14;
	v10 =	vld [tilespmem:s18+$0x2F];
	[tilespmem:s2+$0xDF80] =	vst.msk vm5, v6;
	s2 =	sadd.s32 s2, s21;
	v17 =	vor.u32 s6, v0;
	s6 =	spop (v2sf)  }
0x13d: {  	s3 =	sadd.s32 $0x80, s3;
	s20 =	sadd.s32 $0x80, s20;
	v6 =	vor.u32 s9, v0;
	v14 =	vmpcnt.ones.xlane vm1;
	vm2 =	vne.s32 v15, v16;
	v12 =	vld [tilespmem:s18+$0x3F];
	[tilespmem:s2+$0xDF80] =	vst.msk vm4, v17;
	s2 =	sadd.s32 s2, s6  }
0x13e: {  	(xrf2) =	vadd.scan.msk.f32 $0xffff, v1  }
0x13f: {  	(xrf2) =	vadd.scan.msk.f32 $0xffff, v63;
	_ =	sdelay $0x2  }
0x140: {  	s3 =	sadd.s32 $0x80, s30  }
0x141: {  	s6 =	sadd.s32 $0x80, s18;
	[tilespmem:s3+$0x30] =	vst v4  }
0x142: {  	[tilespmem:s3+$0x20] =	vst v5;
	v1 =	vld [tilespmem:s6+$0x40]  }
0x143: {  	v15, _, _ =	vpop (xrf2);
	vm0 =	vne.s32 v3, v9;
	v3 =	vmpcnt.ones.xlane vm2;
	(v2sf) =	vpush v13, $0x0;
	[tilespmem:s3+$0x10] =	vst v11;
	v5 =	vld [tilespmem:s6+$0x30]  }
0x144: {  	[tilespmem:s3+$0x0] =	vst v15;
	vm15 =	vne.s32 v2, v7;
	v2 =	vmpcnt.ones.xlane vm0;
	(v2sf) =	vpush v14, $0x0;
	v4 =	vld [tilespmem:s6+$0x20];
	v63, _, _ =	vpop (xrf2)  }
0x145: {  	v11 =	vld [tilespmem:s6+$0x10];
	(v2sf) =	vpush v3, $0x0;
	[tilespmem:s3+$0xFFFFFFF0] =	vst v63;
	v15, _, _ =	vpop (xrf2)  }
0x146: {  	(v2sf) =	vpush v2, $0x0;
	v2 =	vld [tilespmem:s6+$0xFFFFFFFF];
	[tilespmem:s3+$0xFFFFFFE0] =	vst v15;
	v16, _, _ =	vpop (xrf2)  }
0x147: {  	v3 =	vld [tilespmem:s6+$0xFFFFFFEF];
	[tilespmem:s3+$0xFFFFFFD0] =	vst v16;
	v17, _, _ =	vpop (xrf2)  }
0x148: {  	[tilespmem:s3+$0xFFFFFFC0] =	vst v17;
	v17 =	vld [tilespmem:s6+$0xFFFFFFE0]  }
0x149: {  	v63 =	vld [tilespmem:s6+$0xFFFFFFD0]  }
0x14a: {  	v9 =	vld [tilespmem:s6+$0xFFFFFFCF]  }
0x14b: {  	v7 =	vld [tilespmem:s6+$0xFFFFFFDF]  }
0x14c: {  	vm13 =	vne.s32 v62, v8;
	v8 =	vmpcnt.ones.xlane vm15;
	v16 =	vld [tilespmem:s6+$0xFFFFFFF0]  }
0x14d: {  	vm10 =	vne.s32 v61, v10;
	v62 =	vmpcnt.ones.xlane vm13;
	v15 =	vld [tilespmem:s6+$0x0]  }
0x14e: {  	vm11 =	vne.s32 v60, v12;
	v61 =	vmpcnt.ones.xlane vm10;
	(v2sf) =	vpush v8, $0x0;
	v8 =	vld [tilespmem:s6+$0xF]  }
0x14f: {  	(v2sf) =	vpush v62, $0x0;
	v62 =	vmpcnt.ones.xlane vm11;
	vm14 =	vne.s32 v63, v9;
	v9 =	vld [tilespmem:s6+$0x1F]  }
0x150: {  	(v2sf) =	vpush v61, $0x0;
	v61 =	vld [tilespmem:s6+$0x2F];
	vm12 =	vne.s32 v17, v7;
	v60 =	vmpcnt.ones.xlane vm14  }
0x151: {  	(v2sf) =	vpush v62, $0x0;
	vm9 =	vne.s32 v16, v3;
	v3 =	vld [tilespmem:s6+$0x3F];
	v62 =	vmpcnt.ones.xlane vm12  }
0x152: {  	vm8 =	vne.s32 v15, v2;
	v2 =	vmpcnt.ones.xlane vm9;
	(v2sf) =	vpush v60, $0x0  }
0x153: {  	vm7 =	vne.s32 v11, v8;
	v63 =	vmpcnt.ones.xlane vm8;
	(v2sf) =	vpush v62, $0x0  }
0x154: {  	vm6 =	vne.s32 v4, v9;
	(v2sf) =	vpush v2, $0x0;
	v2 =	vmpcnt.ones.xlane vm7  }
0x155: {  	vm4 =	vne.s32 v5, v61;
	v4 =	vmpcnt.ones.xlane vm6;
	(v2sf) =	vpush v63, $0x0  }
0x156: {  	v5 =	vmpcnt.ones.xlane vm4;
	vm5 =	vne.s32 v1, v3;
	(v2sf) =	vpush v2, $0x0  }
0x157: {  	v1 =	vmpcnt.ones.xlane vm5;
	(v2sf) =	vpush v4, $0x0  }
0x158: {  	(v2sf) =	vpush v5, $0x0  }
0x159: {  	s18 =	sadd.s32 $0x10, s9;
	s20 =	spop (v2sf);
	(v2sf) =	vpush v1, $0x0  }
0x15a: {  	[tilespmem:s2+$0xDF80] =	vst.msk vm3, v6;
	s21 =	spop (v2sf);
	s30 =	sadd.s32 s2, s20;
	s6 =	sadd.s32 $0x20, s9;
	v1 =	vor.u32 s18, v0  }
0x15b: {  	s20 =	spop (v2sf);
	s2 =	sadd.s32 s30, s21;
	s21 =	sadd.s32 $0x30, s9;
	[tilespmem:s30+$0xDF80] =	vst.msk vm1, v1;
	v1 =	vor.u32 s6, v0  }
0x15c: {  	s30 =	spop (v2sf);
	s6 =	sadd.s32 $0x40, s9;
	[tilespmem:s2+$0xDF80] =	vst.msk vm2, v1;
	s2 =	sadd.s32 s2, s20;
	v1 =	vor.u32 s21, v0  }
0x15d: {  	s20 =	spop (v2sf);
	s21 =	sadd.s32 $0x50, s9;
	[tilespmem:s2+$0xDF80] =	vst.msk vm0, v1;
	s2 =	sadd.s32 s2, s30;
	v1 =	vor.u32 s6, v0  }
0x15e: {  	s30 =	spop (v2sf);
	s6 =	sadd.s32 $0x60, s9;
	[tilespmem:s2+$0xDF80] =	vst.msk vm15, v1;
	s2 =	sadd.s32 s2, s20;
	v1 =	vor.u32 s21, v0  }
0x15f: {  	s20 =	spop (v2sf);
	s21 =	sadd.s32 $0x70, s9;
	[tilespmem:s2+$0xDF80] =	vst.msk vm13, v1;
	s2 =	sadd.s32 s2, s30;
	v1 =	vor.u32 s6, v0  }
0x160: {  	s30 =	spop (v2sf);
	[tilespmem:s2+$0xDF80] =	vst.msk vm10, v1;
	s2 =	sadd.s32 s2, s20;
	v1 =	vor.u32 s21, v0  }
0x161: {  	s9 =	sadd.s32 $0x10, s8;
	[tilespmem:s2+$0xDF80] =	vst.msk vm11, v1;
	v1 =	vor.u32 s8, v0;
	s2 =	sadd.s32 s2, s30;
	s18 =	spop (v2sf)  }
0x162: {  	s20 =	sadd.s32 $0x20, s8;
	[tilespmem:s2+$0xDF80] =	vst.msk vm14, v1;
	v1 =	vor.u32 s9, v0;
	s2 =	sadd.s32 s2, s18;
	s21 =	spop (v2sf)  }
0x163: {  	s30 =	sadd.s32 $0x30, s8;
	[tilespmem:s2+$0xDF80] =	vst.msk vm12, v1;
	s2 =	sadd.s32 s2, s21;
	v1 =	vor.u32 s20, v0;
	s9 =	spop (v2sf)  }
0x164: {  	s18 =	sadd.s32 $0x40, s8;
	[tilespmem:s2+$0xDF80] =	vst.msk vm9, v1;
	s2 =	sadd.s32 s2, s9;
	v1 =	vor.u32 s30, v0;
	s20 =	spop (v2sf)  }
0x165: {  	s21 =	sadd.s32 $0x50, s8;
	[tilespmem:s2+$0xDF80] =	vst.msk vm8, v1;
	s2 =	sadd.s32 s2, s20;
	v1 =	vor.u32 s18, v0;
	s30 =	spop (v2sf)  }
0x166: {  	s9 =	sadd.s32 $0x60, s8;
	[tilespmem:s2+$0xDF80] =	vst.msk vm7, v1;
	s2 =	sadd.s32 s2, s30;
	v1 =	vor.u32 s21, v0;
	s18 =	spop (v2sf)  }
0x167: {  	s20 =	sadd.s32 $0x70, s8;
	[tilespmem:s2+$0xDF80] =	vst.msk vm6, v1;
	s2 =	sadd.s32 s2, s18;
	v1 =	vor.u32 s9, v0;
	s21 =	spop (v2sf)  }
0x168: {  	[tilespmem:s2+$0xDF80] =	vst.msk vm4, v1;
	s2 =	sadd.s32 s2, s21;
	v1 =	vor.u32 s20, v0;
	s30 =	spop (v2sf)  }
0x169: {  	[tilespmem:s2+$0xDF80] =	vst.msk vm5, v1;
	s8 =	sadd.s32 s2, s30  }
.LBB2_12:
0x16a: {  	v1 =	vld [tilespmem:s11+$0x0];
	_ =	sdelay $0x4  }
0x16b: {  	(xrf2) =	vadd.scan.msk.f32 $0xffff, v1;
	_ =	sdelay $0x9  }
0x16c: {  	v1, _, _ =	vpop (xrf2)  }
0x16d: {  	[tilespmem:s10+$0x0] =	vst v1  }
0x16e: {  	v1 =	vld [tilespmem:s12+$0x0]  }
0x16f: {  	v2 =	vld [tilespmem:s12+$0xFFFFFFFF];
	_ =	sdelay $0x4  }
0x170: {  	vm0 =	vne.s32 v1, v2  }
0x171: {  	v1 =	vmpcnt.ones.xlane vm0;
	_ =	sdelay $0x1  }
0x172: {  	(v2sf) =	vpush v1, $0x0;
	_ =	sdelay $0x9  }
0x173: {  	s23 =	sadd.s32 $0x10, s23  }
0x174: {  	p0 =	slt.u32 s23, $0x1F30  }
.Ltmp9:
0x175: {  	_ = 	snop;
	(pc) =	sbr.rel @p0 .LBB2_12-.Ltmp9, $3  }
0x176: {  	_ =	sdelay $0x1  }
0x177: {  	s11 =	sadd.s32 $0x10, s11;
	v1 =	vor.u32 s23, v0;
	s2 =	spop (v2sf)  }
0x178: {  	s10 =	sadd.s32 $0x10, s10;
	s12 =	sadd.s32 $0x10, s12;
	[tilespmem:s8+$0xDF80] =	vst.msk vm0, v1;
	s8 =	sadd.s32 s8, s2  }
0x179: {  	s2 =	simm.s32 $0x0  }
0x17a: {  	v1 =	vmov s2  }
0x17b: {  	v1 =	vshll.u32 v1, $0x4  }
0x17c: {  	v1 =	vor.u32 v57, v1  }
0x17d: {  	v1 =	vor.u32 $0xF, v1;
	_ =	sdelay $0x3  }
0x17e: {  	[tilespmem:s8+$0xDF80] =	vst v56  }
0x17f: {  	v2 =	vld.idx.msk [tilespmem:v1+s0+$0x0], $0xffff  }
0x180: {  	s20 =	simm.s32 $0x10  }
0x181: {  	s21 =	simm.s32 $0x20;
	v1 =	vmov s20  }
0x182: {  	v3 =	vmov s21;
	v1 =	vshll.u32 v1, $0x4  }
0x183: {  	v3 =	vshll.u32 v3, $0x4;
	v1 =	vor.u32 v57, v1  }
0x184: {  	v3 =	vor.u32 v57, v3;
	v1 =	vor.u32 $0xF, v1;
	(xrf2) =	vadd.scan.msk.f32 $0xffff, v2  }
0x185: {  	v3 =	vor.u32 $0xF, v3;
	_ =	sdelay $0x3  }
0x186: {  	v4 =	vld.idx.msk [tilespmem:v1+s0+$0x0], $0xffff  }
0x187: {  	v6 =	vld.idx.msk [tilespmem:v3+s0+$0x0], $0xffff;
	_ =	sdelay $0x3  }
0x188: {  	s23 =	simm.s32 $0x30;
	v3, _, _ =	vpop (xrf2);
	(xrf2) =	vadd.scan.msk.f32 $0xffff, v4  }
0x189: {  	v1 =	vmov s23;
	(xrf2) =	vadd.scan.msk.f32 $0xffff, v6  }
0x18a: {  	v1 =	vshll.u32 v1, $0x4  }
0x18b: {  	v1 =	vor.u32 v57, v1  }
0x18c: {  	v1 =	vor.u32 $0xF, v1;
	(v2sf) =	vpush v3, $0xF;
	_ =	sdelay $0x2  }
0x18d: {  	s30 =	simm.s32 $0x40  }
0x18e: {  	v5 =	vmov s30;
	v2 =	vsub.f32 v3, v2  }
0x18f: {  	s2 =	simm.f32 $0.0e+00;
	v5 =	vshll.u32 v5, $0x4;
	v1 =	vld.idx.msk [tilespmem:v1+s0+$0x0], $0xffff  }
0x190: {  	v5 =	vor.u32 v57, v5;
	v8 =	vadd.f32 s2, v2;
	v7, _, _ =	vpop (xrf2)  }
0x191: {  	v5 =	vor.u32 $0xF, v5;
	v2 =	vsub.f32 v7, v4;
	(v2sf) =	vpush v7, $0xF;
	v7, _, _ =	vpop (xrf2)  }
0x192: {  	(v2sf) =	vpush v7, $0xF  }
0x193: {  	s9 =	simm.s32 $0x50  }
0x194: {  	v3 =	vmov s9;
	(xrf2) =	vadd.scan.msk.f32 $0xffff, v1  }
0x195: {  	v3 =	vshll.u32 v3, $0x4  }
0x196: {  	v4 =	vor.u32 v57, v3;
	v3 =	vld.idx.msk [tilespmem:v5+s0+$0x0], $0xffff  }
0x197: {  	v5 =	vor.u32 $0xF, v4  }
0x198: {  	s3 =	simm.s32 $0xDD80  }
0x199: {  	[tilespmem:s3+$0x0] =	vst v8;
	v4 =	vsub.f32 v7, v6;
	s10 =	spop (v2sf)  }
.LBB2_14:
0x19a: {  	s9 =	sadd.s32 $0x10, s9;
	s2 =	sadd.f32 s10, s2  }
0x19b: {  	v7 =	vmov v3;
	v6 =	vmov s9;
	p0 =	slt.u32 s9, $0x1F0;
	(xrf2) =	vadd.scan.msk.f32 $0xffff, v3  }
.Ltmp10:
0x19c: {  	v9 =	vshll.u32 v6, $0x4;
	v3 =	vld.idx.msk [tilespmem:v5+s0+$0x0], $0xffff;
	v8 =	vadd.f32 s2, v2;
	v2 =	vmov v4;
	(pc) =	sbr.rel @p0 .LBB2_14-.Ltmp10, $4  }
0x19d: {  	s3 =	sadd.s32 $0x10, s3;
	v4 =	vor.u32 v57, v9  }
0x19e: {  	v5 =	vor.u32 $0xF, v4;
	v6, _, _ =	vpop (xrf2);
	[tilespmem:s3+$0x0] =	vst v8  }
0x19f: {  	v4 =	vsub.f32 v6, v1;
	(v2sf) =	vpush v6, $0xF;
	v1 =	vmov v7;
	_ =	sdelay $0x1  }
0x1a0: {  	s10 =	spop (v2sf)  }
0x1a1: {  	(xrf2) =	vadd.scan.msk.f32 $0xffff, v3;
	_ =	sdelay $0x3  }
0x1a2: {  	v5 =	vld.idx.msk [tilespmem:v5+s0+$0x0], $0xffff;
	_ =	sdelay $0x3  }
0x1a3: {  	v6, _, _ =	vpop (xrf2)  }
0x1a4: {  	(v2sf) =	vpush v6, $0xF;
	(xrf2) =	vadd.scan.msk.f32 $0xffff, v5  }
0x1a5: {  	v7, _, _ =	vpop (xrf2)  }
0x1a6: {  	(v2sf) =	vpush v7, $0xF;
	_ =	sdelay $0x7  }
0x1a7: {  	s2 =	sadd.f32 s10, s2;
	v8, _, _ =	vpop (xrf2)  }
0x1a8: {  	s6 =	spop (v2sf);
	(v2sf) =	vpush v8, $0xF  }
0x1a9: {  	s3 =	sadd.s32 $0x10, s3;
	s11 =	sadd.s32 $0xF, s8;
	s6 =	sadd.f32 s6, s2  }
0x1aa: {  	s12 =	sadd.s32 $0x10, s3;
	s18 =	sand.u32 $0xF, s11;
	s9 =	spop (v2sf)  }
0x1ab: {  	s23 =	sshra.s32 s11, $0x1F;
	p1 =	slt.s32 s11, $0x1;
	s9 =	sadd.f32 s9, s6  }
0x1ac: {  	p0 =	sne.s32 s18, $0x0;
	s18 =	sshrl.u32 s23, $0x1C;
	s21 =	spop (v2sf)  }
0x1ad: {  	v2 =	vadd.f32 s2, v2;
	p0 =	por !p1, !p0;
	s18 =	sadd.s32 s18, s11;
	v1 =	vsub.f32 v6, v1;
	s10 =	sadd.f32 s21, s9  }
0x1ae: {  	s11 =	simm.s32 $0x1;
	p0 =	por !p0, !p0;
	s30 =	spop (v2sf)  }
0x1af: {  	[tilespmem:s3+$0x0] =	vst v2;
	s20 =	sshrl.u32 s18, $0x4;
	s11 =	simm.s32 @!p0 $0x0;
	v1 =	vadd.f32 s9, v1;
	v2 =	vsub.f32 v8, v5;
	s2 =	sadd.f32 s30, s10  }
0x1b0: {  	s3 =	ssub.s32 s20, s11;
	s21 =	sadd.s32 $0x10, s12  }
0x1b1: {  	[tilespmem:s21+$0x0] =	vst v1;
	v1 =	vadd.f32 s2, v2;
	s2 =	sshll.u32 s3, $0x4  }
0x1b2: {  	v3 =	vsub.f32 v7, v3;
	p0 =	slt.s32 s2, $0x1  }
.Ltmp11:
0x1b3: {  	v4 =	vadd.f32 s6, v4;
	(pc) =	sbr.rel @p0 .LBB2_23-.Ltmp11, $4  }
0x1b4: {  	v3 =	vadd.f32 s10, v3  }
0x1b5: {  	[tilespmem:s12+$0x0] =	vst v4;
	s6 =	sadd.s32 $0x10, s21  }
0x1b6: {  	s23 =	sadd.s32 $0x10, s6;
	[tilespmem:s6+$0x0] =	vst v3  }
0x1b7: {  	[tilespmem:s23+$0x0] =	vst v1;
	s30 =	spop (v2sf)  }
0x1b8: {  	(v2sf) =	vpush v59, $0x0  }
0x1b9: {  	(v2sf) =	vpush v58, $0x0;
	_ =	sdelay $0x8  }
0x1ba: {  	s30 =	simm.s32 $0xDF81  }
0x1bb: {  	v58 =	vld [tilespmem:s30+$0x0]  }
0x1bc: {  	v1 =	vld [tilespmem:s30+$0xFFFFFFFF];
	_ =	sdelay $0x1  }
0x1bd: {  	p1 =	sgt.s32 s2, $0x10  }
.Ltmp12:
0x1be: {  	s3 =	spop (v2sf);
	(pc) =	sbr.rel @!p1 .LBB2_17-.Ltmp12, $4  }
0x1bf: {  	p0 =	sgt.s32 s28, $0x0;
	vm1 =	vmxor vm1, vm1;
	v60 =	vmov s8;
	v2 =	vshrl.u32 v58, $0x4;
	s6 =	spop (v2sf)  }
0x1c0: {  	v3 =	vadd.s32 $0xFFFFFFFF, v58;
	v5 =	vadd.s32 $0xFFFFFFFF, v1;
	v10 =	vadd.s32 $0x10, v1;
	s6 =	simm.s32 @!p0 $0xFFFFFFFF  }
0x1c1: {  	s8 =	simm.s32 $0x0;
	vm0 =	vgt.s32 v3, $0x0;
	vm2 =	vgt.s32 v5, $0x0;
	vm5 =	vlt.s32 v10, $0x1F4F;
	p0 =	sne.s32 s3, s6  }
0x1c2: {  	s9 =	simm.s32 $0xDF91;
	v4 =	vnsel vm0, $0x0, v3;
	v3 =	vnsel vm2, $0x0, v5;
	s3 =	simm.s32 $0x10;
	vm1 =	vmneg @p0 vm1;
	p0 =	por $0x0, $0x0  }
0x1c3: {  	v6 =	vnsel vm5, $0x1F4F, v10  }
0x1c4: {  	v5 =	vld [tilespmem:s9+$0x0]  }
0x1c5: {  	v59 =	vld [tilespmem:s9+$0xFFFFFFFF]  }
0x1c6: {  	v7 =	vmov s8;
	v9 =	vor.u32 s8, v0  }
0x1c7: {  	v11 =	vshrl.u32 v1, $0x4;
	vm5 =	vlt.s32 v1, $0x1F3F;
	vm0 =	vne.s32 v7, v0  }
0x1c8: {  	p1 =	sgt.s32 s2, $0x20;
	vm3 =	vlt.s32 v9, v60;
	v9 =	vand.u32 $0xF, v1;
	vm2 =	vmor vm1, vm0;
	v7 =	vld.idx.msk [tilespmem:v6+s5+$0x0], $0xffff  }
.Ltmp13:
0x1c9: {  	v8 =	vld.idx.msk [tilespmem:v2+s13+$0x0], $0xffff;
	vm0 =	veq.s32 v9, $0x0;
	v9 =	vnsel vm5, $0x1F3F, v1;
	v6 =	vand.u32 $0xF, v58;
	(pc) =	sbr.rel @!p1 .LBB2_19-.Ltmp13, $4  }
0x1ca: {  	v61 =	vld.idx.msk [tilespmem:v4+s0+$0x0], $0xffff;
	v2 =	vshrl.u32 v5, $0x4;
	v12 =	vadd.s32 $0xFFFFFFFF, v5;
	v13 =	vadd.s32 $0xFFFFFFFF, v59  }
0x1cb: {  	v10 =	vadd.s32 $0x10, v59;
	vm4 =	veq.s32 v6, $0x0;
	vm6 =	vgt.s32 v12, $0x0;
	v6 =	vld.idx.msk [tilespmem:v3+s0+$0x0], $0xffff  }
0x1cc: {  	v11 =	vld.idx.msk [tilespmem:v11+s13+$0x0], $0xffff;
	vm5 =	vlt.s32 v10, $0x1F4F;
	v4 =	vnsel vm6, $0x0, v12;
	vm6 =	vgt.s32 v13, $0x0  }
0x1cd: {  	s8 =	simm.s32 $0x20;
	s9 =	simm.s32 $0xDFA1;
	p0 =	por $0x1, $0x1;
	v3 =	vnsel vm6, $0x0, v13;
	vm6 =	vlt.s32 v7, v50;
	v12 =	vsub.s32 v7, v47  }
.LBB2_20:
0x1ce: {  	v13 =	vld [tilespmem:s9+$0x0];
	vm7 =	vge.s32 v7, v47;
	vm3 =	vmand vm6, vm3;
	vm6 =	vgt.s32 v12, $0x0  }
0x1cf: {  	v7 =	vnsel vm5, $0x1F4F, v10;
	v14 =	vld [tilespmem:s9+$0xFFFFFFFF];
	vm5 =	vmand vm3, vm7;
	v10 =	vnsel vm6, $0x0, v12  }
0x1d0: {  	v6 =	vsel vm0, $0x0, v6;
	v12 =	vld.idx.msk [tilespmem:v2+s13+$0x0], $0xffff;
	v2 =	vsel vm4, $0x0, v61;
	v15 =	vmin.u32 v10, $0xC3F  }
0x1d1: {  	vm0 =	vmand vm2, vm5;
	v2 =	vadd.f32 v2, v8;
	v8 =	vadd.f32 v6, v11;
	v9 =	vld.idx.msk [tilespmem:v9+s14+$0x0], $0xffff  }
0x1d2: {  	v10 =	vor.u32 s3, v0;
	v61 =	vld.idx.msk [tilespmem:v4+s0+$0x0], $0xffff;
	v4 =	vmov s3;
	s3 =	smov.u32 s8  }
0x1d3: {  	v11 =	vshrl.u32 v59, $0x4;
	v6 =	vld.idx.msk [tilespmem:v3+s0+$0x0], $0xffff;
	v2 =	vsub.f32 v2, v8;
	v8 =	vsub.s32 v58, v1;
	v58 =	vmovc v5  }
0x1d4: {  	vm3 =	vlt.s32 v10, v60;
	s8 =	sadd.s32 $0x10, s8;
	vm2 =	vne.s32 v4, v0;
	v5 =	vmovc v13;
	v7 =	vld.idx.msk [tilespmem:v7+s5+$0x0], $0xffff;
	v3 =	vcvt.s32.f32 v8  }
0x1d5: {  	v13 =	vand.u32 $0xF, v59;
	v1 =	vmovc v59;
	p1 =	slt.s32 s8, s2;
	v4 =	vand.u32 $0xF, v58;
	vm2 =	vmor vm1, vm2;
	v59 =	vmovc v14;
	[tilespmem:v15+s29+$0x0] =	vst.idx.add.f32.msk vm5, v2  }
.Ltmp14:
0x1d6: {  	v14 =	vadd.s32 $0xFFFFFFFF, v5;
	vm6 =	vlt.s32 v1, $0x1F3F;
	v2 =	vshrl.u32 v5, $0x4;
	[tilespmem:v15+s31+$0x0] =	vst.idx.add.f32.msk vm5, v3;
	v8 =	vmovc v12;
	(pc) =	sbr.rel @p1 .LBB2_20-.Ltmp14, $4  }
0x1d7: {  	v10 =	vadd.s32 $0x10, v59;
	vm4 =	veq.s32 v4, $0x0;
	v3 =	vadd.s32 $0xFFFFFFFF, v59;
	[tilespmem:v15+s1+$0x0] =	vst.idx.add.f32.msk vm0, v9  }
0x1d8: {  	vm5 =	vgt.s32 v14, $0x0;
	vm0 =	veq.s32 v13, $0x0;
	v9 =	vnsel vm6, $0x1F3F, v1;
	v11 =	vld.idx.msk [tilespmem:v11+s13+$0x0], $0xffff  }
0x1d9: {  	v4 =	vnsel vm5, $0x0, v14;
	vm6 =	vgt.s32 v3, $0x0;
	vm5 =	vlt.s32 v10, $0x1F4F  }
0x1da: {  	s9 =	sadd.s32 $0x10, s9;
	v3 =	vnsel vm6, $0x0, v3;
	vm6 =	vlt.s32 v7, v50;
	v12 =	vsub.s32 v7, v47  }
0x1db: {  	v13 =	vmov v58;
	s8 =	smov.u32 s3;
	v58 =	vmov v5  }
.LBB2_22:
0x1dc: {  	v5 =	vnsel vm5, $0x1F4F, v10;
	_ =	sdelay $0x1  }
0x1dd: {  	vm5 =	vge.s32 @p0 v7, v47;
	vm3 =	vmand @p0 vm6, vm3;
	vm6 =	vgt.s32 @p0 v12, $0x0  }
0x1de: {  	v10 =	vsel @p0 vm4, $0x0, v61;
	v6 =	vsel @p0 vm0, $0x0, v6;
	v62 =	vmov s8  }
0x1df: {  	v63 =	vor.u32 s8, v0;
	v8 =	vadd.f32 @p0 v10, v8;
	v10 =	vshrl.u32 v59, $0x4  }
0x1e0: {  	v1 =	vsub.s32 @p0 v13, v1;
	v61 =	vand.u32 $0xF, v58;
	vm11 =	vlt.s32 v59, $0x1F3F;
	v5 =	vld.idx.msk [tilespmem:v5+s5+$0x0], $0xffff  }
0x1e1: {  	v2 =	vld.idx.msk [tilespmem:v2+s13+$0x0], $0xffff;
	vm3 =	vmand @p0 vm3, vm5;
	v7 =	vnsel @p0 vm6, $0x0, v12;
	v6 =	vadd.f32 @p0 v6, v11  }
0x1e2: {  	v4 =	vld.idx.msk [tilespmem:v4+s0+$0x0], $0xffff;
	vm9 =	vlt.s32 v63, v60;
	vm10 =	vne.s32 v62, v0;
	v1 =	vcvt.s32.f32 @p0 v1  }
0x1e3: {  	v3 =	vld.idx.msk [tilespmem:v3+s0+$0x0], $0xffff;
	v62 =	vand.u32 $0xF, v59;
	vm12 =	veq.s32 v61, $0x0;
	v60 =	vnsel vm11, $0x1F3F, v59  }
0x1e4: {  	v7 =	vmin.u32 @p0 v7, $0xC3F;
	vm0 =	vmand @p0 vm2, vm3;
	vm1 =	vmor vm1, vm10;
	v63 =	vld.idx.msk [tilespmem:v10+s13+$0x0], $0xffff  }
0x1e5: {  	vm7 =	veq.s32 v62, $0x0;
	vm13 =	vlt.s32 v5, v50;
	v61 =	vsub.s32 v5, v47  }
0x1e6: {  	vm14 =	vge.s32 v5, v47;
	vm2 =	vmand vm13, vm9;
	vm15 =	vgt.s32 v61, $0x0  }
0x1e7: {  	v6 =	vsub.f32 @p0 v8, v6;
	v5 =	vld.idx.msk @p0 [tilespmem:v9+s14+$0x0], $0xffff;
	vm2 =	vmand vm2, vm14;
	v62 =	vnsel vm15, $0x0, v61  }
0x1e8: {  	v4 =	vsel vm12, $0x0, v4;
	v3 =	vsel vm7, $0x0, v3;
	v9 =	vmin.u32 v62, $0xC3F  }
0x1e9: {  	v2 =	vadd.f32 v4, v2;
	[tilespmem:v7+s29+$0x0] =	vst.idx.add.f32.msk @p0 vm3, v6;
	v3 =	vadd.f32 v3, v63;
	vm1 =	vmand vm1, vm2  }
0x1ea: {  	v63 =	vld.idx.msk [tilespmem:v60+s14+$0x0], $0xffff  }
0x1eb: {  	[tilespmem:v7+s31+$0x0] =	vst.idx.add.f32.msk @p0 vm3, v1;
	v1 =	vsub.f32 v2, v3;
	v2 =	vsub.s32 v58, v59  }
0x1ec: {  	v2 =	vcvt.s32.f32 v2;
	[tilespmem:v7+s1+$0x0] =	vst.idx.add.f32.msk @p0 vm0, v5  }
0x1ed: {  	[tilespmem:v9+s29+$0x0] =	vst.idx.add.f32.msk vm2, v1  }
0x1ee: {  	[tilespmem:v9+s31+$0x0] =	vst.idx.add.f32.msk vm2, v2  }
0x1ef: {  	[tilespmem:v9+s1+$0x0] =	vst.idx.add.f32.msk vm1, v63  }
.LBB2_23:
0x1f0: {  	p0 =	slt.u32 s25, s22  }
.Ltmp15:
0x1f1: {  	_ = 	snop;
	(pc) =	sbr.rel @!p0 .LBB2_38-.Ltmp15, $1  }
0x1f2: {  	_ =	sdelay $0x3  }
0x1f3: {  	_ =	swait.ge [sflag:s15], $0x1F40  }
0x1f4: {  	[sflag:s15] =	ssyncset.done $0x0  }
0x1f5: {  	[sflag:s15] =	ssyncadd.s32 $0xFFFFE0C0  }
0x1f6: {  	_ =	swait.ge [sflag:s15], $0x1F40  }
0x1f7: {  	s2 =	sadd.s32 $0x2, s26;
	[sflag:s15] =	ssyncset.done $0x0;
	s3 =	rddreg [dreg:$0xa]  }
0x1f8: {  	p0 =	sgt.s32 s2, s3;
	[sflag:s15] =	ssyncadd.s32 $0xFFFFE0C0  }
0x1f9: {  	s2 =	sadd.s32 @!p0 s19, s2;
	_ =	swait.ge [sflag:s15], $0x1F40  }
0x1fa: {  	s2 =	smul.u32 @!p0 $0x1F40, s2;
	[sflag:s15] =	ssyncset.done $0x0  }
0x1fb: {  	[sflag:s15] =	ssyncadd.s32 $0xFFFFE0C0  }
0x1fc: {  	s2 =	sshrl.u32 @!p0 s2, $0x3;
	s3 =	rddreg [dreg:$0x2]  }
0x1fd: {  	s6 =	simm.s32 @!p0 $0x0;
	s8 =	simm.s32 @!p0 $0x10;
	s3 =	sadd.s32 @!p0 s3, s2  }
0x1fe: {  	[tilespmem:s8], [sflag:$0x1] =	stream.linear.gather @!p0 [hbm4b:s3+s6], $0x1F40, $0x38;
	[tilespmem:$0x12C00] =	vst v63  }
0x1ff: {  	s3 =	rddreg [dreg:$0x4]  }
0x200: {  	s8 =	simm.s32 @!p0 $0x3F00;
	s3 =	sadd.s32 @!p0 s3, s2  }
0x201: {  	[tilespmem:s8], [sflag:$0x1] =	stream.linear.gather @!p0 [hbm4b:s3+s6], $0x1F40, $0x38;
	[tilespmem:$0x12C00] =	vst v63  }
0x202: {  	s3 =	rddreg [dreg:$0x1]  }
0x203: {  	s25 =	sadd.s32 s19, s25;
	s2 =	sadd.s32 @!p0 s3, s2;
	s3 =	simm.s32 @!p0 $0x7E00  }
0x204: {  	[tilespmem:s3], [sflag:$0x1] =	stream.linear.gather @!p0 [hbm4b:s2+s6], $0x1F40, $0x38;
	[tilespmem:$0x12C00] =	vst v63  }
0x205: {  	s2 =	sadd.s32 $0xFFFFFFFF, s25  }
0x206: {  	p0 =	sgt.s32 s2, $0x0  }
0x207: {  	s2 =	simm.s32 @!p0 $0x0  }
0x208: {  	s28 =	simm.s32 $0x5EC0;
	v58 =	vld [tilespmem:s2+$0x12480];
	[tilespmem:$0x1F80] =	vst v55  }
0x209: {  	v1 =	vld [tilespmem:s28+$0x30]  }
0x20a: {  	v2 =	vld [tilespmem:s28+$0x20]  }
0x20b: {  	v3 =	vld [tilespmem:s28+$0x10]  }
0x20c: {  	v4 =	vld [tilespmem:s28+$0x0]  }
0x20d: {  	v5 =	vld [tilespmem:s28+$0xFFFFFFF0]  }
0x20e: {  	v6 =	vld [tilespmem:s28+$0xFFFFFFE0];
	(xrf2) =	vadd.scan.msk.f32 $0xffff, v1  }
0x20f: {  	v1 =	vld [tilespmem:s28+$0xFFFFFFD0];
	(xrf2) =	vadd.scan.msk.f32 $0xffff, v2  }
0x210: {  	v2 =	vld [tilespmem:s28+$0xFFFFFFC0];
	(xrf2) =	vadd.scan.msk.f32 $0xffff, v3  }
0x211: {  	s30 =	simm.s32 $0x5F40;
	v59 =	vld [tilespmem:$0x1F90];
	(xrf2) =	vadd.scan.msk.f32 $0xffff, v4  }
0x212: {  	v10 =	vld [tilespmem:s30+$0xFFFFFFF0];
	(xrf2) =	vadd.scan.msk.f32 $0xffff, v5  }
0x213: {  	v11 =	vld [tilespmem:s30+$0xFFFFFFE0];
	(xrf2) =	vadd.scan.msk.f32 $0xffff, v6  }
0x214: {  	v63 =	vld [tilespmem:s30+$0xFFFFFFC0];
	(xrf2) =	vadd.scan.msk.f32 $0xffff, v1  }
0x215: {  	v3 =	vld [tilespmem:s30+$0x30];
	(xrf2) =	vadd.scan.msk.f32 $0xffff, v2  }
0x216: {  	v4 =	vld [tilespmem:s30+$0x20]  }
0x217: {  	v5 =	vld [tilespmem:s30+$0x10]  }
0x218: {  	s11 =	simm.s32 $0xBD40;
	v6 =	vld [tilespmem:s30+$0x0];
	v2, _, _ =	vpop (xrf2)  }
0x219: {  	s12 =	simm.s32 $0x1FC0;
	v1 =	vld [tilespmem:s30+$0xFFFFFFD0];
	v7, _, _ =	vpop (xrf2);
	[tilespmem:s11+$0x30] =	vst v2  }
0x21a: {  	(xrf2) =	vadd.scan.msk.f32 $0xffff, v3;
	v2, _, _ =	vpop (xrf2);
	[tilespmem:s11+$0x20] =	vst v7;
	v60 =	vld [tilespmem:s12+$0x40]  }
0x21b: {  	v7, _, _ =	vpop (xrf2);
	[tilespmem:s11+$0x10] =	vst v2;
	v61 =	vld [tilespmem:s12+$0x30]  }
0x21c: {  	v2, _, _ =	vpop (xrf2);
	[tilespmem:s11+$0x0] =	vst v7;
	v62 =	vld [tilespmem:s12+$0x20]  }
0x21d: {  	(xrf2) =	vadd.scan.msk.f32 $0xffff, v4;
	v3, _, _ =	vpop (xrf2);
	[tilespmem:s11+$0xFFFFFFF0] =	vst v2;
	v2 =	vld [tilespmem:s12+$0x10]  }
0x21e: {  	v4, _, _ =	vpop (xrf2);
	[tilespmem:s11+$0xFFFFFFE0] =	vst v3;
	v3 =	vld [tilespmem:s12+$0x0]  }
0x21f: {  	(xrf2) =	vadd.scan.msk.f32 $0xffff, v5;
	[tilespmem:s11+$0xFFFFFFD0] =	vst v4;
	v12 =	vld [tilespmem:s12+$0xFFFFFFF0];
	v4, _, _ =	vpop (xrf2)  }
0x220: {  	[tilespmem:s11+$0xFFFFFFC0] =	vst v4;
	v14 =	vld [tilespmem:s12+$0xFFFFFFE0]  }
0x221: {  	(xrf2) =	vadd.scan.msk.f32 $0xffff, v6;
	v5 =	vld [tilespmem:s12+$0xFFFFFFD0]  }
0x222: {  	v8 =	vld [tilespmem:s12+$0xFFFFFFCF]  }
0x223: {  	v15 =	vld [tilespmem:s12+$0xFFFFFFDF]  }
0x224: {  	v16 =	vld [tilespmem:s12+$0xFFFFFFEF];
	v4, _, _ =	vpop (xrf2);
	(xrf2) =	vadd.scan.msk.f32 $0xffff, v10  }
0x225: {  	v9 =	vld [tilespmem:s12+$0xFFFFFFFF]  }
0x226: {  	v7 =	vld [tilespmem:s12+$0xF]  }
0x227: {  	vm3 =	vne.s32 v5, v8;
	v8 =	vld [tilespmem:s12+$0x1F];
	v5, _, _ =	vpop (xrf2);
	(xrf2) =	vadd.scan.msk.f32 $0xffff, v11  }
0x228: {  	s26 =	simm.s32 $0x0;
	s18 =	simm.s32 $0x100;
	v10 =	vld [tilespmem:s12+$0x2F];
	vm1 =	vne.s32 v14, v15;
	v13 =	vmpcnt.ones.xlane vm3  }
0x229: {  	s8 =	simm.s32 $0x80;
	s3 =	simm.s32 $0x5FC0;
	s2 =	simm.s32 $0x0;
	v6 =	vor.u32 s26, v0;
	vm2 =	vne.s32 v12, v16;
	v12 =	vld [tilespmem:s12+$0x3F];
	v14 =	vmpcnt.ones.xlane vm1;
	v11, _, _ =	vpop (xrf2)  }
.LBB2_25:
0x22a: {  	v15 =	vld [tilespmem:s3+$0x30];
	p0 =	slt.u32 s18, $0x1E80;
	(xrf2) =	vadd.scan.msk.f32 $0xffff, v1;
	v1 =	vmpcnt.ones.xlane vm2;
	vm7 =	vne.s32 v3, v9;
	(v2sf) =	vpush v13, $0x0;
	s20 =	smov.u32 s26;
	s26 =	smov.u32 s8  }
0x22b: {  	s8 =	smov.u32 s18;
	v3 =	vld [tilespmem:s3+$0x20];
	v9, _, _ =	vpop (xrf2);
	[tilespmem:s2+$0xDF80] =	vst.msk vm3, v6;
	v6 =	vmpcnt.ones.xlane vm7;
	vm3 =	vne.s32 v2, v7;
	(v2sf) =	vpush v14, $0x0  }
0x22c: {  	v7 =	vld [tilespmem:s3+$0x10];
	v2 =	vmpcnt.ones.xlane vm3;
	vm6 =	vne.s32 v62, v8;
	(v2sf) =	vpush v1, $0x0  }
0x22d: {  	v8 =	vld [tilespmem:s3+$0x0];
	(xrf2) =	vadd.scan.msk.f32 $0xffff, v63;
	v1 =	vmpcnt.ones.xlane vm6;
	vm5 =	vne.s32 v61, v10;
	(v2sf) =	vpush v6, $0x0  }
0x22e: {  	v6 =	vld [tilespmem:s3+$0xFFFFFFF0];
	v10, _, _ =	vpop (xrf2);
	v13 =	vmpcnt.ones.xlane vm5;
	vm4 =	vne.s32 v60, v12;
	(v2sf) =	vpush v2, $0x0  }
0x22f: {  	v12 =	vld [tilespmem:s3+$0xFFFFFFE0];
	v2 =	vmpcnt.ones.xlane vm4;
	(v2sf) =	vpush v1, $0x0  }
0x230: {  	s11 =	sadd.s32 $0x80, s11;
	v1 =	vld [tilespmem:s3+$0xFFFFFFD0];
	(xrf2) =	vadd.scan.msk.f32 $0xffff, v15;
	(v2sf) =	vpush v13, $0x0  }
0x231: {  	s12 =	sadd.s32 $0x80, s12;
	v63 =	vld [tilespmem:s3+$0xFFFFFFC0];
	[tilespmem:s11+$0x30] =	vst v4;
	v4, _, _ =	vpop (xrf2);
	(v2sf) =	vpush v2, $0x0  }
0x232: {  	[tilespmem:s11+$0x20] =	vst v5;
	v60 =	vld [tilespmem:s12+$0x40]  }
0x233: {  	(xrf2) =	vadd.scan.msk.f32 $0xffff, v3;
	[tilespmem:s11+$0x10] =	vst v11;
	v61 =	vld [tilespmem:s12+$0x30]  }
0x234: {  	[tilespmem:s11+$0x0] =	vst v9;
	v62 =	vld [tilespmem:s12+$0x20];
	v5, _, _ =	vpop (xrf2)  }
0x235: {  	[tilespmem:s11+$0xFFFFFFF0] =	vst v10;
	v2 =	vld [tilespmem:s12+$0x10]  }
0x236: {  	(xrf2) =	vadd.scan.msk.f32 $0xffff, v7;
	[tilespmem:s11+$0xFFFFFFE0] =	vst v4;
	v3 =	vld [tilespmem:s12+$0x0]  }
0x237: {  	[tilespmem:s11+$0xFFFFFFD0] =	vst v5;
	v15 =	vld [tilespmem:s12+$0xFFFFFFF0];
	v4, _, _ =	vpop (xrf2)  }
0x238: {  	s9 =	simm.s32 $0x7D80;
	[tilespmem:s11+$0xFFFFFFC0] =	vst v4;
	v10 =	vld [tilespmem:s12+$0xFFFFFFE0]  }
0x239: {  	s10 =	simm.s32 $0x3E90;
	s6 =	sadd.s32 $0x10, s20;
	(xrf2) =	vadd.scan.msk.f32 $0xffff, v8;
	v8 =	vld [tilespmem:s12+$0xFFFFFFD0];
	s21 =	spop (v2sf)  }
0x23a: {  	v5 =	vor.u32 s6, v0;
	s6 =	sadd.s32 $0x20, s20;
	v4, _, _ =	vpop (xrf2);
	v11 =	vld [tilespmem:s12+$0xFFFFFFCF];
	s2 =	sadd.s32 s2, s21;
	s21 =	spop (v2sf)  }
0x23b: {  	v7 =	vor.u32 s6, v0;
	s6 =	sadd.s32 $0x30, s20;
	v14 =	vld [tilespmem:s12+$0xFFFFFFDF];
	[tilespmem:s2+$0xDF80] =	vst.msk vm1, v5;
	s2 =	sadd.s32 s2, s21;
	s21 =	spop (v2sf)  }
0x23c: {  	(xrf2) =	vadd.scan.msk.f32 $0xffff, v6;
	v16 =	vld [tilespmem:s12+$0xFFFFFFEF];
	[tilespmem:s2+$0xDF80] =	vst.msk vm2, v7;
	s2 =	sadd.s32 s2, s21;
	v6 =	vor.u32 s6, v0;
	s6 =	sadd.s32 $0x40, s20;
	s21 =	spop (v2sf)  }
0x23d: {  	v9 =	vld [tilespmem:s12+$0xFFFFFFFF];
	[tilespmem:s2+$0xDF80] =	vst.msk vm7, v6;
	s2 =	sadd.s32 s2, s21  }
.Ltmp16:
0x23e: {  	v5, _, _ =	vpop (xrf2);
	v6 =	vor.u32 s6, v0;
	s6 =	sadd.s32 $0x50, s20;
	s21 =	spop (v2sf);
	(pc) =	sbr.rel @p0 .LBB2_25-.Ltmp16, $4  }
0x23f: {  	v7 =	vld [tilespmem:s12+$0xF];
	[tilespmem:s2+$0xDF80] =	vst.msk vm3, v6;
	s2 =	sadd.s32 s2, s21;
	v6 =	vor.u32 s6, v0;
	s6 =	sadd.s32 $0x60, s20;
	s21 =	spop (v2sf)  }
0x240: {  	(xrf2) =	vadd.scan.msk.f32 $0xffff, v12;
	vm3 =	vne.s32 v8, v11;
	v8 =	vld [tilespmem:s12+$0x1F];
	[tilespmem:s2+$0xDF80] =	vst.msk vm6, v6;
	s2 =	sadd.s32 s2, s21;
	v6 =	vor.u32 s6, v0;
	s6 =	sadd.s32 $0x70, s20;
	s20 =	spop (v2sf)  }
0x241: {  	v11, _, _ =	vpop (xrf2);
	v13 =	vmpcnt.ones.xlane vm3;
	vm1 =	vne.s32 v10, v14;
	v10 =	vld [tilespmem:s12+$0x2F];
	[tilespmem:s2+$0xDF80] =	vst.msk vm5, v6;
	s2 =	sadd.s32 s2, s20;
	v17 =	vor.u32 s6, v0;
	s6 =	spop (v2sf)  }
0x242: {  	s18 =	sadd.s32 $0x80, s18;
	s3 =	sadd.s32 $0x80, s3;
	v6 =	vor.u32 s26, v0;
	v14 =	vmpcnt.ones.xlane vm1;
	vm2 =	vne.s32 v15, v16;
	v12 =	vld [tilespmem:s12+$0x3F];
	[tilespmem:s2+$0xDF80] =	vst.msk vm4, v17;
	s2 =	sadd.s32 s2, s6  }
0x243: {  	(xrf2) =	vadd.scan.msk.f32 $0xffff, v1  }
0x244: {  	(xrf2) =	vadd.scan.msk.f32 $0xffff, v63;
	_ =	sdelay $0x2  }
0x245: {  	s3 =	sadd.s32 $0x80, s11  }
0x246: {  	s6 =	sadd.s32 $0x80, s12;
	[tilespmem:s3+$0x30] =	vst v4  }
0x247: {  	[tilespmem:s3+$0x20] =	vst v5;
	v1 =	vld [tilespmem:s6+$0x40]  }
0x248: {  	v15, _, _ =	vpop (xrf2);
	vm0 =	vne.s32 v3, v9;
	v3 =	vmpcnt.ones.xlane vm2;
	(v2sf) =	vpush v13, $0x0;
	[tilespmem:s3+$0x10] =	vst v11;
	v5 =	vld [tilespmem:s6+$0x30]  }
0x249: {  	[tilespmem:s3+$0x0] =	vst v15;
	vm15 =	vne.s32 v2, v7;
	v2 =	vmpcnt.ones.xlane vm0;
	(v2sf) =	vpush v14, $0x0;
	v4 =	vld [tilespmem:s6+$0x20];
	v63, _, _ =	vpop (xrf2)  }
0x24a: {  	v11 =	vld [tilespmem:s6+$0x10];
	(v2sf) =	vpush v3, $0x0;
	[tilespmem:s3+$0xFFFFFFF0] =	vst v63;
	v15, _, _ =	vpop (xrf2)  }
0x24b: {  	(v2sf) =	vpush v2, $0x0;
	v2 =	vld [tilespmem:s6+$0xFFFFFFFF];
	[tilespmem:s3+$0xFFFFFFE0] =	vst v15;
	v16, _, _ =	vpop (xrf2)  }
0x24c: {  	v3 =	vld [tilespmem:s6+$0xFFFFFFEF];
	[tilespmem:s3+$0xFFFFFFD0] =	vst v16;
	v17, _, _ =	vpop (xrf2)  }
0x24d: {  	[tilespmem:s3+$0xFFFFFFC0] =	vst v17;
	v17 =	vld [tilespmem:s6+$0xFFFFFFE0]  }
0x24e: {  	v63 =	vld [tilespmem:s6+$0xFFFFFFD0]  }
0x24f: {  	v9 =	vld [tilespmem:s6+$0xFFFFFFCF]  }
0x250: {  	v7 =	vld [tilespmem:s6+$0xFFFFFFDF]  }
0x251: {  	vm13 =	vne.s32 v62, v8;
	v8 =	vmpcnt.ones.xlane vm15;
	v16 =	vld [tilespmem:s6+$0xFFFFFFF0]  }
0x252: {  	vm10 =	vne.s32 v61, v10;
	v62 =	vmpcnt.ones.xlane vm13;
	v15 =	vld [tilespmem:s6+$0x0]  }
0x253: {  	vm11 =	vne.s32 v60, v12;
	v61 =	vmpcnt.ones.xlane vm10;
	(v2sf) =	vpush v8, $0x0;
	v8 =	vld [tilespmem:s6+$0xF]  }
0x254: {  	(v2sf) =	vpush v62, $0x0;
	v62 =	vmpcnt.ones.xlane vm11;
	vm14 =	vne.s32 v63, v9;
	v9 =	vld [tilespmem:s6+$0x1F]  }
0x255: {  	(v2sf) =	vpush v61, $0x0;
	v61 =	vld [tilespmem:s6+$0x2F];
	vm12 =	vne.s32 v17, v7;
	v60 =	vmpcnt.ones.xlane vm14  }
0x256: {  	(v2sf) =	vpush v62, $0x0;
	vm9 =	vne.s32 v16, v3;
	v3 =	vld [tilespmem:s6+$0x3F];
	v62 =	vmpcnt.ones.xlane vm12  }
0x257: {  	vm8 =	vne.s32 v15, v2;
	v2 =	vmpcnt.ones.xlane vm9;
	(v2sf) =	vpush v60, $0x0  }
0x258: {  	vm7 =	vne.s32 v11, v8;
	v63 =	vmpcnt.ones.xlane vm8;
	(v2sf) =	vpush v62, $0x0  }
0x259: {  	vm6 =	vne.s32 v4, v9;
	(v2sf) =	vpush v2, $0x0;
	v2 =	vmpcnt.ones.xlane vm7  }
0x25a: {  	vm5 =	vne.s32 v5, v61;
	v4 =	vmpcnt.ones.xlane vm6;
	(v2sf) =	vpush v63, $0x0  }
0x25b: {  	v5 =	vmpcnt.ones.xlane vm5;
	vm4 =	vne.s32 v1, v3;
	(v2sf) =	vpush v2, $0x0  }
0x25c: {  	v1 =	vmpcnt.ones.xlane vm4;
	(v2sf) =	vpush v4, $0x0  }
0x25d: {  	(v2sf) =	vpush v5, $0x0  }
0x25e: {  	s18 =	sadd.s32 $0x10, s26;
	s20 =	spop (v2sf);
	(v2sf) =	vpush v1, $0x0  }
0x25f: {  	[tilespmem:s2+$0xDF80] =	vst.msk vm3, v6;
	s28 =	sadd.s32 $0x20, s26;
	s21 =	spop (v2sf);
	s23 =	sadd.s32 s2, s20;
	v1 =	vor.u32 s18, v0  }
0x260: {  	s11 =	sadd.s32 $0x30, s26;
	s30 =	spop (v2sf);
	s2 =	sadd.s32 s23, s21;
	[tilespmem:s23+$0xDF80] =	vst.msk vm1, v1;
	v1 =	vor.u32 s28, v0  }
0x261: {  	s12 =	spop (v2sf);
	s18 =	sadd.s32 $0x40, s26;
	[tilespmem:s2+$0xDF80] =	vst.msk vm2, v1;
	s2 =	sadd.s32 s2, s30;
	v1 =	vor.u32 s11, v0  }
0x262: {  	s21 =	sadd.s32 $0x50, s26;
	s20 =	spop (v2sf);
	[tilespmem:s2+$0xDF80] =	vst.msk vm0, v1;
	s2 =	sadd.s32 s2, s12;
	v1 =	vor.u32 s18, v0  }
0x263: {  	s23 =	spop (v2sf);
	s28 =	sadd.s32 $0x60, s26;
	[tilespmem:s2+$0xDF80] =	vst.msk vm15, v1;
	s2 =	sadd.s32 s2, s20;
	v1 =	vor.u32 s21, v0  }
0x264: {  	s30 =	spop (v2sf);
	s12 =	sadd.s32 $0x70, s26;
	[tilespmem:s2+$0xDF80] =	vst.msk vm13, v1;
	s2 =	sadd.s32 s2, s23;
	v1 =	vor.u32 s28, v0  }
0x265: {  	s18 =	spop (v2sf);
	[tilespmem:s2+$0xDF80] =	vst.msk vm10, v1;
	s2 =	sadd.s32 s2, s30;
	v1 =	vor.u32 s12, v0  }
0x266: {  	s20 =	sadd.s32 $0x10, s8;
	[tilespmem:s2+$0xDF80] =	vst.msk vm11, v1;
	v1 =	vor.u32 s8, v0;
	s2 =	sadd.s32 s2, s18;
	s21 =	spop (v2sf)  }
0x267: {  	s23 =	sadd.s32 $0x20, s8;
	[tilespmem:s2+$0xDF80] =	vst.msk vm14, v1;
	v1 =	vor.u32 s20, v0;
	s2 =	sadd.s32 s2, s21;
	s26 =	spop (v2sf)  }
0x268: {  	s28 =	sadd.s32 $0x30, s8;
	[tilespmem:s2+$0xDF80] =	vst.msk vm12, v1;
	s2 =	sadd.s32 s2, s26;
	v1 =	vor.u32 s23, v0;
	s30 =	spop (v2sf)  }
0x269: {  	s11 =	sadd.s32 $0x40, s8;
	[tilespmem:s2+$0xDF80] =	vst.msk vm9, v1;
	s2 =	sadd.s32 s2, s30;
	v1 =	vor.u32 s28, v0;
	s12 =	spop (v2sf)  }
0x26a: {  	s18 =	sadd.s32 $0x50, s8;
	[tilespmem:s2+$0xDF80] =	vst.msk vm8, v1;
	s2 =	sadd.s32 s2, s12;
	v1 =	vor.u32 s11, v0;
	s20 =	spop (v2sf)  }
0x26b: {  	s21 =	sadd.s32 $0x60, s8;
	[tilespmem:s2+$0xDF80] =	vst.msk vm7, v1;
	s2 =	sadd.s32 s2, s20;
	v1 =	vor.u32 s18, v0;
	s23 =	spop (v2sf)  }
0x26c: {  	s26 =	sadd.s32 $0x70, s8;
	[tilespmem:s2+$0xDF80] =	vst.msk vm6, v1;
	s2 =	sadd.s32 s2, s23;
	v1 =	vor.u32 s21, v0;
	s28 =	spop (v2sf)  }
0x26d: {  	[tilespmem:s2+$0xDF80] =	vst.msk vm5, v1;
	s6 =	sadd.s32 s2, s28;
	v1 =	vor.u32 s26, v0;
	s30 =	spop (v2sf)  }
0x26e: {  	s3 =	simm.s32 $0x1EF0;
	s2 =	simm.s32 $0xDC00;
	[tilespmem:s6+$0xDF80] =	vst.msk vm4, v1;
	s8 =	sadd.s32 s6, s30  }
.LBB2_27:
0x26f: {  	v1 =	vld [tilespmem:s9+$0x0];
	_ =	sdelay $0x4  }
0x270: {  	(xrf2) =	vadd.scan.msk.f32 $0xffff, v1;
	_ =	sdelay $0x9  }
0x271: {  	v1, _, _ =	vpop (xrf2)  }
0x272: {  	[tilespmem:s2+$0x0] =	vst v1  }
0x273: {  	v1 =	vld [tilespmem:s10+$0x0]  }
0x274: {  	v2 =	vld [tilespmem:s10+$0xFFFFFFFF];
	_ =	sdelay $0x4  }
0x275: {  	vm0 =	vne.s32 v1, v2  }
0x276: {  	v1 =	vmpcnt.ones.xlane vm0;
	_ =	sdelay $0x1  }
0x277: {  	(v2sf) =	vpush v1, $0x0;
	_ =	sdelay $0x9  }
0x278: {  	s3 =	sadd.s32 $0x10, s3  }
0x279: {  	p0 =	slt.u32 s3, $0x1F30  }
.Ltmp17:
0x27a: {  	_ = 	snop;
	(pc) =	sbr.rel @p0 .LBB2_27-.Ltmp17, $3  }
0x27b: {  	_ =	sdelay $0x1  }
0x27c: {  	s9 =	sadd.s32 $0x10, s9;
	v1 =	vor.u32 s3, v0;
	s6 =	spop (v2sf)  }
0x27d: {  	s2 =	sadd.s32 $0x10, s2;
	s10 =	sadd.s32 $0x10, s10;
	[tilespmem:s8+$0xDF80] =	vst.msk vm0, v1;
	s8 =	sadd.s32 s8, s6  }
0x27e: {  	s2 =	simm.s32 $0x0  }
0x27f: {  	v1 =	vmov s2  }
0x280: {  	v1 =	vshll.u32 v1, $0x4  }
0x281: {  	v1 =	vor.u32 v57, v1  }
0x282: {  	v1 =	vor.u32 $0xF, v1;
	_ =	sdelay $0x3  }
0x283: {  	[tilespmem:s8+$0xDF80] =	vst v56  }
0x284: {  	v2 =	vld.idx.msk [tilespmem:v1+s0+$0x0], $0xffff  }
0x285: {  	s23 =	simm.s32 $0x10  }
0x286: {  	s26 =	simm.s32 $0x20;
	v1 =	vmov s23  }
0x287: {  	v3 =	vmov s26;
	v1 =	vshll.u32 v1, $0x4  }
0x288: {  	v3 =	vshll.u32 v3, $0x4;
	v1 =	vor.u32 v57, v1  }
0x289: {  	v3 =	vor.u32 v57, v3;
	v1 =	vor.u32 $0xF, v1;
	(xrf2) =	vadd.scan.msk.f32 $0xffff, v2  }
0x28a: {  	v3 =	vor.u32 $0xF, v3;
	_ =	sdelay $0x3  }
0x28b: {  	v4 =	vld.idx.msk [tilespmem:v1+s0+$0x0], $0xffff  }
0x28c: {  	v6 =	vld.idx.msk [tilespmem:v3+s0+$0x0], $0xffff;
	_ =	sdelay $0x3  }
0x28d: {  	s28 =	simm.s32 $0x30;
	v3, _, _ =	vpop (xrf2);
	(xrf2) =	vadd.scan.msk.f32 $0xffff, v4  }
0x28e: {  	v1 =	vmov s28;
	(xrf2) =	vadd.scan.msk.f32 $0xffff, v6  }
0x28f: {  	v1 =	vshll.u32 v1, $0x4  }
0x290: {  	v1 =	vor.u32 v57, v1  }
0x291: {  	v1 =	vor.u32 $0xF, v1;
	(v2sf) =	vpush v3, $0xF;
	_ =	sdelay $0x2  }
0x292: {  	s30 =	simm.s32 $0x40  }
0x293: {  	v5 =	vmov s30;
	v2 =	vsub.f32 v3, v2  }
0x294: {  	s2 =	simm.f32 $0.0e+00;
	v5 =	vshll.u32 v5, $0x4;
	v1 =	vld.idx.msk [tilespmem:v1+s0+$0x0], $0xffff  }
0x295: {  	v5 =	vor.u32 v57, v5;
	v8 =	vadd.f32 s2, v2;
	v7, _, _ =	vpop (xrf2)  }
0x296: {  	v5 =	vor.u32 $0xF, v5;
	v2 =	vsub.f32 v7, v4;
	(v2sf) =	vpush v7, $0xF;
	v7, _, _ =	vpop (xrf2)  }
0x297: {  	(v2sf) =	vpush v7, $0xF  }
0x298: {  	s9 =	simm.s32 $0x50  }
0x299: {  	v3 =	vmov s9;
	(xrf2) =	vadd.scan.msk.f32 $0xffff, v1  }
0x29a: {  	v3 =	vshll.u32 v3, $0x4  }
0x29b: {  	v4 =	vor.u32 v57, v3;
	v3 =	vld.idx.msk [tilespmem:v5+s0+$0x0], $0xffff  }
0x29c: {  	v5 =	vor.u32 $0xF, v4  }
0x29d: {  	s3 =	simm.s32 $0xDD80  }
0x29e: {  	[tilespmem:s3+$0x0] =	vst v8;
	v4 =	vsub.f32 v7, v6;
	s10 =	spop (v2sf)  }
.LBB2_29:
0x29f: {  	s9 =	sadd.s32 $0x10, s9;
	s2 =	sadd.f32 s10, s2  }
0x2a0: {  	v7 =	vmov v3;
	v6 =	vmov s9;
	p0 =	slt.u32 s9, $0x1F0;
	(xrf2) =	vadd.scan.msk.f32 $0xffff, v3  }
.Ltmp18:
0x2a1: {  	v9 =	vshll.u32 v6, $0x4;
	v3 =	vld.idx.msk [tilespmem:v5+s0+$0x0], $0xffff;
	v8 =	vadd.f32 s2, v2;
	v2 =	vmov v4;
	(pc) =	sbr.rel @p0 .LBB2_29-.Ltmp18, $4  }
0x2a2: {  	s3 =	sadd.s32 $0x10, s3;
	v4 =	vor.u32 v57, v9  }
0x2a3: {  	v5 =	vor.u32 $0xF, v4;
	v6, _, _ =	vpop (xrf2);
	[tilespmem:s3+$0x0] =	vst v8  }
0x2a4: {  	v4 =	vsub.f32 v6, v1;
	(v2sf) =	vpush v6, $0xF;
	v1 =	vmov v7;
	_ =	sdelay $0x1  }
0x2a5: {  	s10 =	spop (v2sf)  }
0x2a6: {  	(xrf2) =	vadd.scan.msk.f32 $0xffff, v3;
	_ =	sdelay $0x3  }
0x2a7: {  	v5 =	vld.idx.msk [tilespmem:v5+s0+$0x0], $0xffff;
	_ =	sdelay $0x3  }
0x2a8: {  	v6, _, _ =	vpop (xrf2)  }
0x2a9: {  	(v2sf) =	vpush v6, $0xF;
	(xrf2) =	vadd.scan.msk.f32 $0xffff, v5  }
0x2aa: {  	v7, _, _ =	vpop (xrf2)  }
0x2ab: {  	(v2sf) =	vpush v7, $0xF;
	_ =	sdelay $0x7  }
0x2ac: {  	s2 =	sadd.f32 s10, s2;
	v8, _, _ =	vpop (xrf2)  }
0x2ad: {  	s6 =	spop (v2sf);
	(v2sf) =	vpush v8, $0xF  }
0x2ae: {  	s3 =	sadd.s32 $0x10, s3;
	s11 =	sadd.s32 $0xF, s8;
	s6 =	sadd.f32 s6, s2  }
0x2af: {  	s12 =	sadd.s32 $0x10, s3;
	s18 =	sand.u32 $0xF, s11;
	s9 =	spop (v2sf)  }
0x2b0: {  	s30 =	sshra.s32 s11, $0x1F;
	p1 =	slt.s32 s11, $0x1;
	s9 =	sadd.f32 s9, s6  }
0x2b1: {  	p0 =	sne.s32 s18, $0x0;
	s18 =	sshrl.u32 s30, $0x1C;
	s28 =	spop (v2sf)  }
0x2b2: {  	v2 =	vadd.f32 s2, v2;
	p0 =	por !p1, !p0;
	s21 =	sadd.s32 s18, s11;
	v1 =	vsub.f32 v6, v1;
	s10 =	sadd.f32 s28, s9  }
0x2b3: {  	s11 =	simm.s32 $0x1;
	p0 =	por !p0, !p0;
	s20 =	spop (v2sf)  }
0x2b4: {  	[tilespmem:s3+$0x0] =	vst v2;
	s23 =	sshrl.u32 s21, $0x4;
	s11 =	simm.s32 @!p0 $0x0;
	v1 =	vadd.f32 s9, v1;
	v2 =	vsub.f32 v8, v5;
	s2 =	sadd.f32 s20, s10  }
0x2b5: {  	s26 =	sadd.s32 $0x10, s12;
	s3 =	ssub.s32 s23, s11  }
0x2b6: {  	[tilespmem:s26+$0x0] =	vst v1;
	v1 =	vadd.f32 s2, v2;
	s2 =	sshll.u32 s3, $0x4  }
0x2b7: {  	v3 =	vsub.f32 v7, v3;
	p0 =	slt.s32 s2, $0x1  }
.Ltmp19:
0x2b8: {  	v4 =	vadd.f32 s6, v4;
	(pc) =	sbr.rel @p0 .LBB2_38-.Ltmp19, $4  }
0x2b9: {  	v3 =	vadd.f32 s10, v3  }
0x2ba: {  	[tilespmem:s12+$0x0] =	vst v4;
	s6 =	sadd.s32 $0x10, s26  }
0x2bb: {  	s28 =	sadd.s32 $0x10, s6;
	[tilespmem:s6+$0x0] =	vst v3  }
0x2bc: {  	[tilespmem:s28+$0x0] =	vst v1;
	s30 =	spop (v2sf)  }
0x2bd: {  	(v2sf) =	vpush v59, $0x0  }
0x2be: {  	(v2sf) =	vpush v58, $0x0;
	_ =	sdelay $0x8  }
0x2bf: {  	s3 =	simm.s32 $0xDF81  }
0x2c0: {  	v58 =	vld [tilespmem:s3+$0x0]  }
0x2c1: {  	v1 =	vld [tilespmem:s3+$0xFFFFFFFF];
	_ =	sdelay $0x1  }
0x2c2: {  	p1 =	sgt.s32 s2, $0x10  }
.Ltmp20:
0x2c3: {  	s30 =	spop (v2sf);
	(pc) =	sbr.rel @!p1 .LBB2_32-.Ltmp20, $4  }
0x2c4: {  	p0 =	sgt.s32 s25, $0x0;
	vm1 =	vmxor vm1, vm1;
	v60 =	vmov s8;
	v2 =	vshrl.u32 v58, $0x4;
	s6 =	spop (v2sf)  }
0x2c5: {  	v3 =	vadd.s32 $0xFFFFFFFF, v58;
	v5 =	vadd.s32 $0xFFFFFFFF, v1;
	v10 =	vadd.s32 $0x10, v1;
	s6 =	simm.s32 @!p0 $0xFFFFFFFF  }
0x2c6: {  	s8 =	simm.s32 $0x0;
	vm0 =	vgt.s32 v3, $0x0;
	vm2 =	vgt.s32 v5, $0x0;
	vm5 =	vlt.s32 v10, $0x1F4F;
	p0 =	sne.s32 s30, s6  }
0x2c7: {  	s9 =	simm.s32 $0xDF91;
	s3 =	simm.s32 $0x10;
	v4 =	vnsel vm0, $0x0, v3;
	v3 =	vnsel vm2, $0x0, v5;
	vm1 =	vmneg @p0 vm1;
	p0 =	por $0x0, $0x0  }
0x2c8: {  	v6 =	vnsel vm5, $0x1F4F, v10  }
0x2c9: {  	v5 =	vld [tilespmem:s9+$0x0]  }
0x2ca: {  	v59 =	vld [tilespmem:s9+$0xFFFFFFFF]  }
0x2cb: {  	v7 =	vmov s8;
	v9 =	vor.u32 s8, v0  }
0x2cc: {  	v11 =	vshrl.u32 v1, $0x4;
	vm5 =	vlt.s32 v1, $0x1F3F;
	vm0 =	vne.s32 v7, v0  }
0x2cd: {  	p1 =	sgt.s32 s2, $0x20;
	vm3 =	vlt.s32 v9, v60;
	v9 =	vand.u32 $0xF, v1;
	vm2 =	vmor vm1, vm0;
	v7 =	vld.idx.msk [tilespmem:v6+s16+$0x0], $0xffff  }
.Ltmp21:
0x2ce: {  	v8 =	vld.idx.msk [tilespmem:v2+s13+$0x0], $0xffff;
	vm0 =	veq.s32 v9, $0x0;
	v9 =	vnsel vm5, $0x1F3F, v1;
	v6 =	vand.u32 $0xF, v58;
	(pc) =	sbr.rel @!p1 .LBB2_34-.Ltmp21, $4  }
0x2cf: {  	v61 =	vld.idx.msk [tilespmem:v4+s0+$0x0], $0xffff;
	v2 =	vshrl.u32 v5, $0x4;
	v12 =	vadd.s32 $0xFFFFFFFF, v5;
	v13 =	vadd.s32 $0xFFFFFFFF, v59  }
0x2d0: {  	v10 =	vadd.s32 $0x10, v59;
	vm4 =	veq.s32 v6, $0x0;
	vm6 =	vgt.s32 v12, $0x0;
	v6 =	vld.idx.msk [tilespmem:v3+s0+$0x0], $0xffff  }
0x2d1: {  	v11 =	vld.idx.msk [tilespmem:v11+s13+$0x0], $0xffff;
	vm5 =	vlt.s32 v10, $0x1F4F;
	v4 =	vnsel vm6, $0x0, v12;
	vm6 =	vgt.s32 v13, $0x0  }
0x2d2: {  	s8 =	simm.s32 $0x20;
	s9 =	simm.s32 $0xDFA1;
	p0 =	por $0x1, $0x1;
	v3 =	vnsel vm6, $0x0, v13;
	vm6 =	vlt.s32 v7, v50;
	v12 =	vsub.s32 v7, v47  }
.LBB2_35:
0x2d3: {  	v13 =	vld [tilespmem:s9+$0x0];
	vm7 =	vge.s32 v7, v47;
	vm3 =	vmand vm6, vm3;
	vm6 =	vgt.s32 v12, $0x0  }
0x2d4: {  	v7 =	vnsel vm5, $0x1F4F, v10;
	v14 =	vld [tilespmem:s9+$0xFFFFFFFF];
	vm5 =	vmand vm3, vm7;
	v10 =	vnsel vm6, $0x0, v12  }
0x2d5: {  	v6 =	vsel vm0, $0x0, v6;
	v12 =	vld.idx.msk [tilespmem:v2+s13+$0x0], $0xffff;
	v2 =	vsel vm4, $0x0, v61;
	v15 =	vmin.u32 v10, $0xC3F  }
0x2d6: {  	vm0 =	vmand vm2, vm5;
	v2 =	vadd.f32 v2, v8;
	v8 =	vadd.f32 v6, v11;
	v9 =	vld.idx.msk [tilespmem:v9+s17+$0x0], $0xffff  }
0x2d7: {  	v10 =	vor.u32 s3, v0;
	v61 =	vld.idx.msk [tilespmem:v4+s0+$0x0], $0xffff;
	v4 =	vmov s3;
	s3 =	smov.u32 s8  }
0x2d8: {  	v11 =	vshrl.u32 v59, $0x4;
	v6 =	vld.idx.msk [tilespmem:v3+s0+$0x0], $0xffff;
	v2 =	vsub.f32 v2, v8;
	v8 =	vsub.s32 v58, v1;
	v58 =	vmovc v5  }
0x2d9: {  	vm3 =	vlt.s32 v10, v60;
	s8 =	sadd.s32 $0x10, s8;
	vm2 =	vne.s32 v4, v0;
	v5 =	vmovc v13;
	v7 =	vld.idx.msk [tilespmem:v7+s16+$0x0], $0xffff;
	v3 =	vcvt.s32.f32 v8  }
0x2da: {  	v13 =	vand.u32 $0xF, v59;
	v1 =	vmovc v59;
	p1 =	slt.s32 s8, s2;
	v4 =	vand.u32 $0xF, v58;
	vm2 =	vmor vm1, vm2;
	v59 =	vmovc v14;
	[tilespmem:v15+s29+$0x0] =	vst.idx.add.f32.msk vm5, v2  }
.Ltmp22:
0x2db: {  	v14 =	vadd.s32 $0xFFFFFFFF, v5;
	vm6 =	vlt.s32 v1, $0x1F3F;
	v2 =	vshrl.u32 v5, $0x4;
	[tilespmem:v15+s31+$0x0] =	vst.idx.add.f32.msk vm5, v3;
	v8 =	vmovc v12;
	(pc) =	sbr.rel @p1 .LBB2_35-.Ltmp22, $4  }
0x2dc: {  	v10 =	vadd.s32 $0x10, v59;
	vm4 =	veq.s32 v4, $0x0;
	v3 =	vadd.s32 $0xFFFFFFFF, v59;
	[tilespmem:v15+s1+$0x0] =	vst.idx.add.f32.msk vm0, v9  }
0x2dd: {  	vm5 =	vgt.s32 v14, $0x0;
	vm0 =	veq.s32 v13, $0x0;
	v9 =	vnsel vm6, $0x1F3F, v1;
	v11 =	vld.idx.msk [tilespmem:v11+s13+$0x0], $0xffff  }
0x2de: {  	v4 =	vnsel vm5, $0x0, v14;
	vm6 =	vgt.s32 v3, $0x0;
	vm5 =	vlt.s32 v10, $0x1F4F  }
0x2df: {  	s9 =	sadd.s32 $0x10, s9;
	v3 =	vnsel vm6, $0x0, v3;
	vm6 =	vlt.s32 v7, v50;
	v12 =	vsub.s32 v7, v47  }
.Ltmp23:
0x2e0: {  	(pc) =	sbr.rel .LBB2_37-.Ltmp23, $2  }
0x2e1: {  	_ =	sdelay $0x2  }
0x2e2: {  	v13 =	vmov v58;
	s8 =	smov.u32 s3;
	v58 =	vmov v5  }
.LBB2_17:
.Ltmp24:
0x2e3: {  	(pc) =	sbr.rel .LBB2_22-.Ltmp24, $2  }
0x2e4: {  	_ =	sdelay $0x2  }
0x2e5: {  	v59 =	vmov v1  }
.LBB2_19:
.Ltmp25:
0x2e6: {  	(pc) =	sbr.rel .LBB2_22-.Ltmp25, $2  }
0x2e7: {  	_ =	sdelay $0x2  }
0x2e8: {  	v13 =	vmov v58;
	s8 =	simm.s32 $0x10;
	v58 =	vmov v5  }
.LBB2_34:
.Ltmp26:
0x2e9: {  	(pc) =	sbr.rel .LBB2_37-.Ltmp26, $2  }
0x2ea: {  	_ =	sdelay $0x2  }
0x2eb: {  	v13 =	vmov v58;
	s8 =	simm.s32 $0x10;
	v58 =	vmov v5  }
.LBB2_40:
0x2ec: {  	_ =	sfence.sel $0x180000  }
0x2ed: {  	[bflag:$0x0] =	sbarrier.arrive $0xFFFF  }
0x2ee: {  	_ =	strace $0x90000047  }
0x2ef: {  	s0 =	stileid.u32;
	[bflag:$0x2] =	sbarrier.arrive $0xFFFF  }
0x2f0: {  	p0 =	sne.s32 s0, $0x0;
	s0 =	rddreg [dreg:$0x3]  }
0x2f1: {  	s0 =	sadd.s32 @!p0 $0x100000, s0  }
0x2f2: {  	[sflag:s0] =	ssyncadd.tile.s32 @!p0 $0x1;
	_ =	shalt  }
.Lfunc_end2:
_tile_overlayer_lowered:
.L_overlay_start_2:
0x2f3: {  	(tag) =	ssettag $0x2  }
0x2f4: {  	s0 =	rddreg [dreg:$0x0];
	s2 =	stileid.u32  }
0x2f5: {  	s1 =	rddreg [dreg:$0x1];
	p0 =	sne.s32 s2, $0x0  }
0x2f6: {  	s3 =	rddreg [dreg:$0x2];
	[bflag:$0x3] =	sbarrier.arrive $0xFFFF;
	s2 =	simm.s32 @!p0 $0x1C02  }
0x2f7: {  	[timem:s3], [sflag:s2] =	dma.local @!p0 [hbm:s0], s1  }
0x2f8: {  	s0 =	simm.s32 @!p0 $0x2  }
0x2f9: {  	_ =	swait.ge @!p0 [sflag:s0], s1  }
0x2fa: {  	s1 =	ssub.s32 @!p0 $0x0, s1;
	[sflag:s0] =	ssyncset.done @!p0 $0x0  }
0x2fb: {  	[sflag:s0] =	ssyncadd.s32 @!p0 s1  }
0x2fc: {  	[bflag:$0x3] =	sbarrier.arrive $0xFFFF  }
0x2fd: {  	_ =	shalt  }

</sc_bundles>
